<compile_context>
chip_gen: v7x
topology: tpu7x:2x2x1
jax: 0.10.2.dev20260603
libtpu: 0.0.44.dev20260713+nightly
codegen_flags: <defaults>
</compile_context>

<pallas_src>
import functools

import jax
import jax.numpy as jnp
from jax import lax
from jax.experimental import pallas as pl
from jax.experimental.pallas import tpu as pltpu
from jax.experimental.pallas import tpu_sc as plsc

SEQ = 2048
DIM = 768
HEADS = 12
HEAD_DIM = 64
FF = 4 * DIM
LAYERS = 2
SCHEDULE = [1.0 - i / (LAYERS - 1) * 0.8 for i in range(LAYERS)]
SCALE = HEAD_DIM ** (-0.5)
RBLK = 256
QBLK = 256
EPS = 1e-5



def _sc_embed_gather(table, ids):
    info = plsc.get_sparse_core_info()
    nc, ns = info.num_cores, info.num_subcores
    nw = nc * ns
    b_per_w = SEQ // nw
    mesh = plsc.VectorSubcoreMesh(core_axis_name="c", subcore_axis_name="s")

    @functools.partial(
        pl.kernel,
        mesh=mesh,
        out_type=jax.ShapeDtypeStruct((SEQ, DIM), jnp.float32),
        scratch_types=[
            pltpu.VMEM((b_per_w,), jnp.int32),
            pltpu.VMEM((b_per_w, DIM), jnp.float32),
            pltpu.SemaphoreType.DMA,
        ],
    )
    def gather(table_hbm, idx_hbm, out_hbm, idx_v, rows_v, sem):
        wid = lax.axis_index("s") * nc + lax.axis_index("c")
        base = wid * b_per_w
        pltpu.sync_copy(idx_hbm.at[pl.ds(base, b_per_w)], idx_v)
        pltpu.async_copy(table_hbm.at[idx_v], rows_v, sem).wait()
        pltpu.sync_copy(rows_v, out_hbm.at[pl.ds(base, b_per_w)])

    return gather(table, ids)


_embed_gather = _sc_embed_gather

PAD = 512


def _sc_gather_kv(k, v, idxflat):
    mesh = plsc.VectorSubcoreMesh(core_axis_name="c", subcore_axis_name="s")
    b_per_w = PAD // 32

    @functools.partial(
        pl.kernel,
        mesh=mesh,
        out_type=[jax.ShapeDtypeStruct((PAD, DIM), jnp.float32),
                  jax.ShapeDtypeStruct((PAD, DIM), jnp.float32)],
        scratch_types=[
            pltpu.VMEM((b_per_w,), jnp.int32),
            pltpu.VMEM((b_per_w, DIM), jnp.float32),
            pltpu.VMEM((b_per_w, DIM), jnp.float32),
            pltpu.SemaphoreType.DMA,
            pltpu.SemaphoreType.DMA,
        ],
    )
    def gather(k_hbm, v_hbm, idx_hbm, kc_hbm, vc_hbm,
               idx_v, krows, vrows, sem1, sem2):
        wid = lax.axis_index("c") * 16 + lax.axis_index("s")
        base = wid * b_per_w
        pltpu.sync_copy(idx_hbm.at[pl.ds(base, b_per_w)], idx_v)
        c1 = pltpu.async_copy(k_hbm.at[idx_v], krows, sem1)
        c2 = pltpu.async_copy(v_hbm.at[idx_v], vrows, sem2)
        c1.wait()
        c2.wait()
        pltpu.sync_copy(krows, kc_hbm.at[pl.ds(base, b_per_w)])
        pltpu.sync_copy(vrows, vc_hbm.at[pl.ds(base, b_per_w)])

    return gather(k, v, idxflat)


def _slotidx(imp2, keep):

    def body(imp_ref, o_ref):
        bits = lax.bitcast_convert_type(imp_ref[...], jnp.int32)

        def step(j, t):
            cand = t | (1 << (30 - j))
            cnt = jnp.sum((bits >= cand).astype(jnp.int32))
            return jnp.where(cnt >= keep, cand, t)

        t = lax.fori_loop(0, 31, step, jnp.int32(0))
        kf = (bits >= t).astype(jnp.float32)
        i_ = lax.broadcasted_iota(jnp.int32, (128, 128), 0)
        j_ = lax.broadcasted_iota(jnp.int32, (128, 128), 1)
        inrow = _dot(kf, (i_ <= j_).astype(jnp.float32))
        a_ = lax.broadcasted_iota(jnp.int32, (16, 16), 0)
        b_ = lax.broadcasted_iota(jnp.int32, (16, 16), 1)
        prev = _dot((b_ < a_).astype(jnp.float32), inrow[:, 127:128])
        slot = jnp.where(kf > 0.0, inrow + prev - 1.0, 1e6)

        eye = (i_ == j_).astype(jnp.float32)
        onescol = jnp.ones((128, 1), jnp.float32)
        iota_row = lax.broadcasted_iota(jnp.int32, (1, 128), 1).astype(jnp.float32)
        rows = []
        for a in range(PAD // 128):
            acc = jnp.zeros((1, 128), jnp.float32)
            for r in range(16):
                prow = slot[r:r + 1, :]
                pcol = lax.dot_general(
                    eye * prow, onescol, (((1,), (0,)), ((), ())),
                    precision=lax.Precision.HIGHEST,
                    preferred_element_type=jnp.float32)
                onehot = (pcol - (128.0 * a) == iota_row).astype(jnp.float32)
                src_row = (128.0 * r) + iota_row
                acc = acc + lax.dot_general(
                    src_row, onehot, (((1,), (0,)), ((), ())),
                    precision=lax.Precision.HIGHEST,
                    preferred_element_type=jnp.float32)
            rows.append(acc)
        o_ref[...] = jnp.concatenate(rows, axis=0).astype(jnp.int32)

    return pl.pallas_call(
        body,
        in_specs=[pl.BlockSpec((16, 128), lambda: (0, 0))],
        out_specs=pl.BlockSpec((PAD // 128, 128), lambda: (0, 0)),
        out_shape=jax.ShapeDtypeStruct((PAD // 128, 128), jnp.int32),
    )(imp2)


_gather_kv_fn = _sc_gather_kv



def _layernorm(x, g, b):
    m = jnp.mean(x, axis=-1, keepdims=True)
    v = jnp.mean((x - m) * (x - m), axis=-1, keepdims=True)
    return (x - m) * lax.rsqrt(v + EPS) * g + b


def _gelu(x):
    return 0.5 * x * (1.0 + lax.erf(x * (2.0 ** -0.5)))


def _dot(a, b):
    return jnp.dot(a, b, preferred_element_type=jnp.float32)


def _in_proj_qkv(emb, pos, w, b, g, gb, qw, qb, kw, kb, vw, vb):

    def body(emb_ref, pos_ref, w_ref, b_ref, g_ref, gb_ref,
             qw_ref, qb_ref, kw_ref, kb_ref, vw_ref, vb_ref,
             x_ref, q_ref, k_ref, v_ref):
        x = _dot(emb_ref[...] + pos_ref[...], w_ref[...]) + b_ref[...]
        x_ref[...] = x
        h = _layernorm(x, g_ref[...], gb_ref[...])
        q_ref[...] = (_dot(h, qw_ref[...]) + qb_ref[...]) * SCALE
        k_ref[...] = _dot(h, kw_ref[...]) + kb_ref[...]
        v_ref[...] = _dot(h, vw_ref[...]) + vb_ref[...]

    row = pl.BlockSpec((RBLK, DIM), lambda i: (i, 0))
    wsp = pl.BlockSpec((DIM, DIM), lambda i: (0, 0))
    bsp = pl.BlockSpec((1, DIM), lambda i: (0, 0))
    out = jax.ShapeDtypeStruct((SEQ, DIM), jnp.float32)
    return pl.pallas_call(
        body,
        grid=(SEQ // RBLK,),
        in_specs=[row, row, wsp, bsp, bsp, bsp, wsp, bsp, wsp, bsp, wsp, bsp],
        out_specs=[row, row, row, row],
        out_shape=[out, out, out, out],
    )(emb, pos, w, b, g, gb, qw, qb, kw, kb, vw, vb)


def _head_slice(ref, h):
    return ref[:, h * HEAD_DIM:(h + 1) * HEAD_DIM]


def _attention_full(q, k, v):

    def body(q_ref, k_ref, v_ref, o_ref):
        outs = []
        for h in range(HEADS):
            s = lax.dot_general(_head_slice(q_ref, h), _head_slice(k_ref, h),
                                (((1,), (1,)), ((), ())),
                                preferred_element_type=jnp.float32)
            m = jnp.max(s, axis=-1, keepdims=True)
            e = jnp.exp(s - m)
            w = e * (1.0 / jnp.sum(e, axis=-1, keepdims=True))
            outs.append(_dot(w, _head_slice(v_ref, h)))
        o_ref[...] = jnp.concatenate(outs, axis=1)

    return pl.pallas_call(
        body,
        grid=(SEQ // QBLK,),
        in_specs=[
            pl.BlockSpec((QBLK, DIM), lambda i: (i, 0)),
            pl.BlockSpec((SEQ, DIM), lambda i: (0, 0)),
            pl.BlockSpec((SEQ, DIM), lambda i: (0, 0)),
        ],
        out_specs=pl.BlockSpec((QBLK, DIM), lambda i: (i, 0)),
        out_shape=jax.ShapeDtypeStruct((SEQ, DIM), jnp.float32),
    )(q, k, v)


def _importance(q, k):

    nqb = SEQ // QBLK

    def body(q_ref, k_ref, imp_ref):
        i = pl.program_id(0)

        @pl.when(i == 0)
        def _():
            imp_ref[...] = jnp.zeros_like(imp_ref)

        c = jnp.zeros((1, SEQ), jnp.float32)
        for h in range(HEADS):
            s = lax.dot_general(_head_slice(q_ref, h), _head_slice(k_ref, h),
                                (((1,), (1,)), ((), ())),
                                preferred_element_type=jnp.float32)
            c = c + jnp.sum(jnp.abs(s), axis=0, keepdims=True)
        imp_ref[...] += c

    return pl.pallas_call(
        body,
        grid=(nqb,),
        in_specs=[
            pl.BlockSpec((QBLK, DIM), lambda i: (i, 0)),
            pl.BlockSpec((SEQ, DIM), lambda i: (0, 0)),
        ],
        out_specs=pl.BlockSpec((1, SEQ), lambda i: (0, 0)),
        out_shape=jax.ShapeDtypeStruct((1, SEQ), jnp.float32),
    )(q, k)


def _attention_compressed(q, kc, vc, keep):

    def body(q_ref, kc_ref, vc_ref, o_ref):
        col = lax.broadcasted_iota(jnp.int32, (1, PAD), 1)
        live = col < keep
        liverow = lax.broadcasted_iota(jnp.int32, (PAD, 1), 0) < keep
        outs = []
        for h in range(HEADS):
            vh = jnp.where(liverow, _head_slice(vc_ref, h), 0.0)
            s = lax.dot_general(_head_slice(q_ref, h), _head_slice(kc_ref, h),
                                (((1,), (1,)), ((), ())),
                                preferred_element_type=jnp.float32)
            s = jnp.where(live, s, -1e30)
            m = jnp.max(s, axis=-1, keepdims=True)
            e = jnp.exp(s - m)
            w = e * (1.0 / jnp.sum(e, axis=-1, keepdims=True))
            outs.append(_dot(w, vh))
        o_ref[...] = jnp.concatenate(outs, axis=1)

    return pl.pallas_call(
        body,
        grid=(SEQ // QBLK,),
        in_specs=[
            pl.BlockSpec((QBLK, DIM), lambda i: (i, 0)),
            pl.BlockSpec((PAD, DIM), lambda i: (0, 0)),
            pl.BlockSpec((PAD, DIM), lambda i: (0, 0)),
        ],
        out_specs=pl.BlockSpec((QBLK, DIM), lambda i: (i, 0)),
        out_shape=jax.ShapeDtypeStruct((SEQ, DIM), jnp.float32),
    )(q, kc, vc)


def _post_attn(x, attn, ow, ob, g, b, w1, b1, w2, b2):

    def body(x_ref, a_ref, ow_ref, ob_ref, g_ref, b_ref, w1_ref, b1_ref,
             w2_ref, b2_ref, o_ref):
        y = x_ref[...] + _dot(a_ref[...], ow_ref[...]) + ob_ref[...]
        h = _layernorm(y, g_ref[...], b_ref[...])
        f = _gelu(_dot(h, w1_ref[...]) + b1_ref[...])
        o_ref[...] = y + _dot(f, w2_ref[...]) + b2_ref[...]

    return pl.pallas_call(
        body,
        grid=(SEQ // RBLK,),
        in_specs=[
            pl.BlockSpec((RBLK, DIM), lambda i: (i, 0)),
            pl.BlockSpec((RBLK, DIM), lambda i: (i, 0)),
            pl.BlockSpec((DIM, DIM), lambda i: (0, 0)),
            pl.BlockSpec((1, DIM), lambda i: (0, 0)),
            pl.BlockSpec((1, DIM), lambda i: (0, 0)),
            pl.BlockSpec((1, DIM), lambda i: (0, 0)),
            pl.BlockSpec((DIM, FF), lambda i: (0, 0)),
            pl.BlockSpec((1, FF), lambda i: (0, 0)),
            pl.BlockSpec((FF, DIM), lambda i: (0, 0)),
            pl.BlockSpec((1, DIM), lambda i: (0, 0)),
        ],
        out_specs=pl.BlockSpec((RBLK, DIM), lambda i: (i, 0)),
        out_shape=jax.ShapeDtypeStruct((SEQ, DIM), jnp.float32),
    )(x, attn, ow, ob, g, b, w1, b1, w2, b2)


def _post_attn_qkv(x, attn, ow, ob, g2, b2, w1, b1, w2, b2f,
                   g1, gb1, qw, qb, kw, kb, vw, vb):

    def body(x_ref, a_ref, ow_ref, ob_ref, g2_ref, b2_ref, w1_ref, b1_ref,
             w2_ref, b2f_ref, g1_ref, gb1_ref, qw_ref, qb_ref, kw_ref,
             kb_ref, vw_ref, vb_ref, x_out, q_ref, k_ref, v_ref):
        y = x_ref[...] + _dot(a_ref[...], ow_ref[...]) + ob_ref[...]
        h2 = _layernorm(y, g2_ref[...], b2_ref[...])
        f = _gelu(_dot(h2, w1_ref[...]) + b1_ref[...])
        y2 = y + _dot(f, w2_ref[...]) + b2f_ref[...]
        x_out[...] = y2
        h = _layernorm(y2, g1_ref[...], gb1_ref[...])
        q_ref[...] = (_dot(h, qw_ref[...]) + qb_ref[...]) * SCALE
        k_ref[...] = _dot(h, kw_ref[...]) + kb_ref[...]
        v_ref[...] = _dot(h, vw_ref[...]) + vb_ref[...]

    row = pl.BlockSpec((RBLK, DIM), lambda i: (i, 0))
    wsp = pl.BlockSpec((DIM, DIM), lambda i: (0, 0))
    bsp = pl.BlockSpec((1, DIM), lambda i: (0, 0))
    out = jax.ShapeDtypeStruct((SEQ, DIM), jnp.float32)
    return pl.pallas_call(
        body,
        grid=(SEQ // RBLK,),
        in_specs=[row, row, wsp, bsp, bsp, bsp,
                  pl.BlockSpec((DIM, FF), lambda i: (0, 0)),
                  pl.BlockSpec((1, FF), lambda i: (0, 0)),
                  pl.BlockSpec((FF, DIM), lambda i: (0, 0)),
                  bsp, bsp, bsp, wsp, bsp, wsp, bsp, wsp, bsp],
        out_specs=[row, row, row, row],
        out_shape=[out, out, out, out],
    )(x, attn, ow, ob, g2, b2, w1, b1, w2, b2f,
      g1, gb1, qw, qb, kw, kb, vw, vb)



def _row(v):
    return v.reshape(1, -1)


def kernel(params, input_ids):
    ids = input_ids.reshape(-1).astype(jnp.int32)
    emb = _embed_gather(params['tok_emb'], ids)
    pos = params['pos_emb'][:SEQ]

    num_keep = max(1, int(SCHEDULE[1] * SEQ))
    p0 = params['layers'][0]
    p1 = params['layers'][1]

    x, q, k, v = _in_proj_qkv(
        emb, pos, params['in_w'], _row(params['in_b']),
        _row(p0['ln1_g']), _row(p0['ln1_b']),
        p0['q_w'], _row(p0['q_b']), p0['k_w'], _row(p0['k_b']),
        p0['v_w'], _row(p0['v_b']))

    attn = _attention_full(q, k, v)

    x, q, k, v = _post_attn_qkv(
        x, attn, p0['out_w'], _row(p0['out_b']),
        _row(p0['ln2_g']), _row(p0['ln2_b']),
        p0['ff1_w'], _row(p0['ff1_b']), p0['ff2_w'], _row(p0['ff2_b']),
        _row(p1['ln1_g']), _row(p1['ln1_b']),
        p1['q_w'], _row(p1['q_b']), p1['k_w'], _row(p1['k_b']),
        p1['v_w'], _row(p1['v_b']))

    imp = _importance(q, k)
    slotidx = _slotidx(imp.reshape(16, 128), num_keep)
    kc, vc = _gather_kv_fn(k, v, slotidx.reshape(PAD))
    attn = _attention_compressed(q, kc, vc, num_keep)

    x = _post_attn(x, attn, p1['out_w'], _row(p1['out_b']),
                   _row(p1['ln2_g']), _row(p1['ln2_b']),
                   p1['ff1_w'], _row(p1['ff1_b']),
                   p1['ff2_w'], _row(p1['ff2_b']))

    return x.reshape(1, SEQ, DIM)

# --- scband reference (transcript-rebuilt; emitter-appended) ---
"""Pipeline reference for scband-pyramid-kvmodel-40707700031611 (READ-ONLY COPY).

The authoritative reference and input builder live on the scoring server;
editing this copy changes nothing except your own understanding.
"""

import jax, jax.numpy as jnp
import numpy as np

VOCAB = 32000
EMB = 768
HID = 768
HEADS = 12
LAYERS = 2
MAXLEN = 4096
BATCH = 1
SEQ = 2048
SCHEDULE = [1.0 - i / (LAYERS - 1) * 0.8 for i in range(LAYERS)]


def _ln(x, g, b, eps=1e-5):
    m = jnp.mean(x, axis=-1, keepdims=True)
    v = jnp.var(x, axis=-1, keepdims=True)
    return (x - m) / jnp.sqrt(v + eps) * g + b


def _layer(x, p, ratio):
    B, S, D = x.shape
    H = HEADS
    hd = D // H
    scale = hd ** (-0.5)
    h = _ln(x, p['ln1_g'], p['ln1_b'])
    q = h @ p['q_w'] + p['q_b']
    k = h @ p['k_w'] + p['k_b']
    v = h @ p['v_w'] + p['v_b']
    q = q.reshape(B, S, H, hd).transpose(0, 2, 1, 3)
    k = k.reshape(B, S, H, hd).transpose(0, 2, 1, 3)
    v = v.reshape(B, S, H, hd).transpose(0, 2, 1, 3)
    if S > 1 and ratio < 1.0:
        # PyramidKV: score-based importance, top-k KV selection (compression)
        scores = jnp.einsum('bhqd,bhkd->bhqk', q, k) * scale
        importance = jnp.sum(jnp.abs(scores), axis=2)          # [B, H, S]
        avg_importance = jnp.mean(importance, axis=1)           # [B, S]
        num_to_keep = max(1, int(ratio * S))
        _, top_idx = jax.lax.top_k(avg_importance, num_to_keep)  # [B, keep]
        ck = jax.vmap(lambda kk, ii: kk[:, ii, :])(k, top_idx)   # [B, H, keep, hd]
        cv = jax.vmap(lambda vv, ii: vv[:, ii, :])(v, top_idx)
        attn_scores = jnp.einsum('bhqd,bhkd->bhqk', q, ck) * scale
        w = jax.nn.softmax(attn_scores, axis=-1)
        o = jnp.einsum('bhqk,bhkd->bhqd', w, cv)
    else:
        attn_scores = jnp.einsum('bhqd,bhkd->bhqk', q, k) * scale
        w = jax.nn.softmax(attn_scores, axis=-1)
        o = jnp.einsum('bhqk,bhkd->bhqd', w, v)
    o = o.transpose(0, 2, 1, 3).reshape(B, S, D)
    o = o @ p['out_w'] + p['out_b']
    x = x + o
    h2 = _ln(x, p['ln2_g'], p['ln2_b'])
    f = jax.nn.gelu(h2 @ p['ff1_w'] + p['ff1_b'], approximate=False)
    f = f @ p['ff2_w'] + p['ff2_b']
    return x + f


def _forward(params, input_ids):
    tok = params['tok_emb'][input_ids]
    pos = params['pos_emb'][jnp.arange(input_ids.shape[1])]
    x = tok + pos[None, :, :]
    x = x @ params['in_w'] + params['in_b']
    for i in range(LAYERS):
        x = _layer(x, params['layers'][i], SCHEDULE[i])
    return x


def setup_inputs(seed: int = 0) -> dict:
    key = jax.random.key(seed)
    ks = jax.random.split(key, 8)

    def nrm(k, shp):
        return jax.random.normal(k, shp, dtype=jnp.float32) * 0.02

    params = {
        'tok_emb': nrm(ks[0], (VOCAB, EMB)),
        'pos_emb': nrm(ks[1], (MAXLEN, EMB)),
        'in_w': nrm(ks[2], (EMB, HID)),
        'in_b': jnp.zeros((HID,), jnp.float32),
        'layers': [],
    }
    for i in range(LAYERS):
        kk = jax.random.split(jax.random.fold_in(ks[3], i), 6)
        layer = {
            'q_w': nrm(kk[0], (HID, HID)), 'q_b': jnp.zeros((HID,), jnp.float32),
            'k_w': nrm(kk[1], (HID, HID)), 'k_b': jnp.zeros((HID,), jnp.float32),
            'v_w': nrm(kk[2], (HID, HID)), 'v_b': jnp.zeros((HID,), jnp.float32),
            'out_w': nrm(kk[3], (HID, HID)), 'out_b': jnp.zeros((HID,), jnp.float32),
            'ff1_w': nrm(kk[4], (HID, 4 * HID)), 'ff1_b': jnp.zeros((4 * HID,), jnp.float32),
            'ff2_w': nrm(kk[5], (4 * HID, HID)), 'ff2_b': jnp.zeros((HID,), jnp.float32),
            'ln1_g': jnp.ones((HID,), jnp.float32), 'ln1_b': jnp.zeros((HID,), jnp.float32),
            'ln2_g': jnp.ones((HID,), jnp.float32), 'ln2_b': jnp.zeros((HID,), jnp.float32),
        }
        params['layers'].append(layer)
    input_ids = jax.random.randint(ks[4], (BATCH, SEQ), 0, VOCAB, dtype=jnp.int32)
    return {'params': params, 'input_ids': input_ids}


def reference(params, input_ids):
    return _forward(params, input_ids)

if __name__ == "__main__":
    import jax
    _d = setup_inputs()
    print(jax.jit(kernel)(*tuple(_d.values())))

</pallas_src>

<mosaic_0001>
#map = affine_map<(d0, d1) -> (0, 0)>
#map1 = affine_map<(d0, d1) -> (0)>
module attributes {stable_mosaic.version = 14 : i64} {
  func.func @gather(%arg0: i32, %arg1: i32, %arg2: memref<2048x768xf32, #tpu.memory_space<hbm>>, %arg3: memref<2048x768xf32, #tpu.memory_space<hbm>>, %arg4: memref<512xi32, #tpu.memory_space<hbm>>, %arg5: memref<512x768xf32, #tpu.memory_space<hbm>>, %arg6: memref<512x768xf32, #tpu.memory_space<hbm>>, %arg7: memref<16xi32, #tpu.memory_space<vmem>>, %arg8: memref<16x768xf32, #tpu.memory_space<vmem>>, %arg9: memref<16x768xf32, #tpu.memory_space<vmem>>, %arg10: memref<!tpu.dma_semaphore, #tpu.memory_space<semaphore_mem>>, %arg11: memref<!tpu.dma_semaphore, #tpu.memory_space<semaphore_mem>>) attributes {dimension_semantics = [#tpu.dimension_semantics<core_parallel>, #tpu.dimension_semantics<subcore_parallel>], iteration_bounds = array<i64: 2, 16>, scalar_prefetch = 0 : i64, scratch_operands = 5 : i64, tpu.core_type = #tpu.core_type<sc_vector_subcore>, window_params = [{transform_indices = #map}, {transform_indices = #map}, {transform_indices = #map1}, {transform_indices = #map}, {transform_indices = #map}]} {
    %mul3A = arith.constant 16 : i32
    %mul3A_0 = arith.muli %arg0, %mul3A : i32
    %add3A = arith.addi %mul3A_0, %arg1 : i32
    %mul3A_1 = arith.constant 16 : i32
    %mul3A_2 = arith.muli %add3A, %mul3A_1 : i32
    "tpu.region"() ({
      %run_scoped3A = tpu.sem_alloc : memref<!tpu.dma_semaphore, #tpu.memory_space<semaphore_mem>>
      %dma_start3A_13 = tpu.memref_slice %arg4[%mul3A_2] : memref<512xi32, #tpu.memory_space<hbm>> -> memref<16xi32, #tpu.memory_space<hbm>>
      %dma_start3A_14 = tpu.memref_slice %arg4[%mul3A_2] : memref<512xi32, #tpu.memory_space<hbm>> -> memref<16xi32, #tpu.memory_space<hbm>>
      tpu.enqueue_dma source(%dma_start3A_14 : memref<16xi32, #tpu.memory_space<hbm>>) target(%arg7 : memref<16xi32, #tpu.memory_space<vmem>>) target_semaphore(%run_scoped3A : memref<!tpu.dma_semaphore, #tpu.memory_space<semaphore_mem>>)
      %dma_wait3A_15 = tpu.memref_slice %arg4[%mul3A_2] : memref<512xi32, #tpu.memory_space<hbm>> -> memref<16xi32, #tpu.memory_space<hbm>>
      %dma_wait3A_16 = tpu.memref_slice %arg4[%mul3A_2] : memref<512xi32, #tpu.memory_space<hbm>> -> memref<16xi32, #tpu.memory_space<hbm>>
      tpu.wait_dma2 semaphore(%run_scoped3A : memref<!tpu.dma_semaphore, #tpu.memory_space<semaphore_mem>>) src(%dma_wait3A_16 : memref<16xi32, #tpu.memory_space<hbm>>) dst(%arg7 : memref<16xi32, #tpu.memory_space<vmem>>)
      tpu.yield
    }) : () -> ()
    %dma_start3A = arith.constant 0 : i32
    %dma_start3A_3 = arith.constant 0 : i32
    %dma_start3A_4 = tpu.memref_slice %arg2[%dma_start3A, %dma_start3A_3] : memref<2048x768xf32, #tpu.memory_space<hbm>> -> memref<2048x768xf32, #tpu.memory_space<hbm>>
    tpu.enqueue_indirect_dma source(%dma_start3A_4 : memref<2048x768xf32, #tpu.memory_space<hbm>>) target(%arg8 : memref<16x768xf32, #tpu.memory_space<vmem>>) offsets(%arg7 : memref<16xi32, #tpu.memory_space<vmem>>) semaphore(%arg10 : memref<!tpu.dma_semaphore, #tpu.memory_space<semaphore_mem>>)
    %dma_start3A_5 = arith.constant 0 : i32
    %dma_start3A_6 = arith.constant 0 : i32
    %dma_start3A_7 = tpu.memref_slice %arg3[%dma_start3A_5, %dma_start3A_6] : memref<2048x768xf32, #tpu.memory_space<hbm>> -> memref<2048x768xf32, #tpu.memory_space<hbm>>
    tpu.enqueue_indirect_dma source(%dma_start3A_7 : memref<2048x768xf32, #tpu.memory_space<hbm>>) target(%arg9 : memref<16x768xf32, #tpu.memory_space<vmem>>) offsets(%arg7 : memref<16xi32, #tpu.memory_space<vmem>>) semaphore(%arg11 : memref<!tpu.dma_semaphore, #tpu.memory_space<semaphore_mem>>)
    %dma_wait3A = arith.constant 0 : i32
    %dma_wait3A_8 = arith.constant 0 : i32
    %dma_wait3A_9 = tpu.memref_slice %arg2[%dma_wait3A, %dma_wait3A_8] : memref<2048x768xf32, #tpu.memory_space<hbm>> -> memref<2048x768xf32, #tpu.memory_space<hbm>>
    tpu.wait_indirect_dma semaphore(%arg10 : memref<!tpu.dma_semaphore, #tpu.memory_space<semaphore_mem>>) src(%dma_wait3A_9 : memref<2048x768xf32, #tpu.memory_space<hbm>>) dst(%arg8 : memref<16x768xf32, #tpu.memory_space<vmem>>)
    %dma_wait3A_10 = arith.constant 0 : i32
    %dma_wait3A_11 = arith.constant 0 : i32
    %dma_wait3A_12 = tpu.memref_slice %arg3[%dma_wait3A_10, %dma_wait3A_11] : memref<2048x768xf32, #tpu.memory_space<hbm>> -> memref<2048x768xf32, #tpu.memory_space<hbm>>
    tpu.wait_indirect_dma semaphore(%arg11 : memref<!tpu.dma_semaphore, #tpu.memory_space<semaphore_mem>>) src(%dma_wait3A_12 : memref<2048x768xf32, #tpu.memory_space<hbm>>) dst(%arg9 : memref<16x768xf32, #tpu.memory_space<vmem>>)
    "tpu.region"() ({
      %run_scoped3A = tpu.sem_alloc : memref<!tpu.dma_semaphore, #tpu.memory_space<semaphore_mem>>
      %dma_start3A_13 = arith.constant 0 : i32
      %dma_start3A_14 = tpu.memref_slice %arg5[%mul3A_2, %dma_start3A_13] : memref<512x768xf32, #tpu.memory_space<hbm>> -> memref<16x768xf32, #tpu.memory_space<hbm>>
      %dma_start3A_15 = arith.constant 0 : i32
      %dma_start3A_16 = tpu.memref_slice %arg5[%mul3A_2, %dma_start3A_15] : memref<512x768xf32, #tpu.memory_space<hbm>> -> memref<16x768xf32, #tpu.memory_space<hbm>>
      tpu.enqueue_dma source(%arg8 : memref<16x768xf32, #tpu.memory_space<vmem>>) target(%dma_start3A_16 : memref<16x768xf32, #tpu.memory_space<hbm>>) target_semaphore(%run_scoped3A : memref<!tpu.dma_semaphore, #tpu.memory_space<semaphore_mem>>)
      %dma_wait3A_17 = arith.constant 0 : i32
      %dma_wait3A_18 = tpu.memref_slice %arg5[%mul3A_2, %dma_wait3A_17] : memref<512x768xf32, #tpu.memory_space<hbm>> -> memref<16x768xf32, #tpu.memory_space<hbm>>
      %dma_wait3A_19 = arith.constant 0 : i32
      %dma_wait3A_20 = tpu.memref_slice %arg5[%mul3A_2, %dma_wait3A_19] : memref<512x768xf32, #tpu.memory_space<hbm>> -> memref<16x768xf32, #tpu.memory_space<hbm>>
      tpu.wait_dma2 semaphore(%run_scoped3A : memref<!tpu.dma_semaphore, #tpu.memory_space<semaphore_mem>>) src(%arg8 : memref<16x768xf32, #tpu.memory_space<vmem>>) dst(%dma_wait3A_20 : memref<16x768xf32, #tpu.memory_space<hbm>>)
      tpu.yield
    }) : () -> ()
    "tpu.region"() ({
      %run_scoped3A = tpu.sem_alloc : memref<!tpu.dma_semaphore, #tpu.memory_space<semaphore_mem>>
      %dma_start3A_13 = arith.constant 0 : i32
      %dma_start3A_14 = tpu.memref_slice %arg6[%mul3A_2, %dma_start3A_13] : memref<512x768xf32, #tpu.memory_space<hbm>> -> memref<16x768xf32, #tpu.memory_space<hbm>>
      %dma_start3A_15 = arith.constant 0 : i32
      %dma_start3A_16 = tpu.memref_slice %arg6[%mul3A_2, %dma_start3A_15] : memref<512x768xf32, #tpu.memory_space<hbm>> -> memref<16x768xf32, #tpu.memory_space<hbm>>
      tpu.enqueue_dma source(%arg9 : memref<16x768xf32, #tpu.memory_space<vmem>>) target(%dma_start3A_16 : memref<16x768xf32, #tpu.memory_space<hbm>>) target_semaphore(%run_scoped3A : memref<!tpu.dma_semaphore, #tpu.memory_space<semaphore_mem>>)
      %dma_wait3A_17 = arith.constant 0 : i32
      %dma_wait3A_18 = tpu.memref_slice %arg6[%mul3A_2, %dma_wait3A_17] : memref<512x768xf32, #tpu.memory_space<hbm>> -> memref<16x768xf32, #tpu.memory_space<hbm>>
      %dma_wait3A_19 = arith.constant 0 : i32
      %dma_wait3A_20 = tpu.memref_slice %arg6[%mul3A_2, %dma_wait3A_19] : memref<512x768xf32, #tpu.memory_space<hbm>> -> memref<16x768xf32, #tpu.memory_space<hbm>>
      tpu.wait_dma2 semaphore(%run_scoped3A : memref<!tpu.dma_semaphore, #tpu.memory_space<semaphore_mem>>) src(%arg9 : memref<16x768xf32, #tpu.memory_space<vmem>>) dst(%dma_wait3A_20 : memref<16x768xf32, #tpu.memory_space<hbm>>)
      tpu.yield
    }) : () -> ()
    return
  }
}

#map = affine_map<(d0, d1) -> (0, 0)>
#map1 = affine_map<(d0, d1) -> (0)>
module attributes {stable_mosaic.version = 14 : i64} {
  func.func @gather(%arg0: i32, %arg1: i32, %arg2: memref<32000x768xf32, #tpu.memory_space<hbm>>, %arg3: memref<2048xi32, #tpu.memory_space<hbm>>, %arg4: memref<2048x768xf32, #tpu.memory_space<hbm>>, %arg5: memref<64xi32, #tpu.memory_space<vmem>>, %arg6: memref<64x768xf32, #tpu.memory_space<vmem>>, %arg7: memref<!tpu.dma_semaphore, #tpu.memory_space<semaphore_mem>>) attributes {dimension_semantics = [#tpu.dimension_semantics<core_parallel>, #tpu.dimension_semantics<subcore_parallel>], iteration_bounds = array<i64: 2, 16>, scalar_prefetch = 0 : i64, scratch_operands = 3 : i64, tpu.core_type = #tpu.core_type<sc_vector_subcore>, window_params = [{transform_indices = #map}, {transform_indices = #map1}, {transform_indices = #map}]} {
    %mul3A = arith.constant 2 : i32
    %mul3A_0 = arith.muli %arg1, %mul3A : i32
    %add3A = arith.addi %mul3A_0, %arg0 : i32
    %mul3A_1 = arith.constant 64 : i32
    %mul3A_2 = arith.muli %add3A, %mul3A_1 : i32
    "tpu.region"() ({
      %run_scoped3A = tpu.sem_alloc : memref<!tpu.dma_semaphore, #tpu.memory_space<semaphore_mem>>
      %dma_start3A_7 = tpu.memref_slice %arg3[%mul3A_2] : memref<2048xi32, #tpu.memory_space<hbm>> -> memref<64xi32, #tpu.memory_space<hbm>>
      %dma_start3A_8 = tpu.memref_slice %arg3[%mul3A_2] : memref<2048xi32, #tpu.memory_space<hbm>> -> memref<64xi32, #tpu.memory_space<hbm>>
      tpu.enqueue_dma source(%dma_start3A_8 : memref<64xi32, #tpu.memory_space<hbm>>) target(%arg5 : memref<64xi32, #tpu.memory_space<vmem>>) target_semaphore(%run_scoped3A : memref<!tpu.dma_semaphore, #tpu.memory_space<semaphore_mem>>)
      %dma_wait3A_9 = tpu.memref_slice %arg3[%mul3A_2] : memref<2048xi32, #tpu.memory_space<hbm>> -> memref<64xi32, #tpu.memory_space<hbm>>
      %dma_wait3A_10 = tpu.memref_slice %arg3[%mul3A_2] : memref<2048xi32, #tpu.memory_space<hbm>> -> memref<64xi32, #tpu.memory_space<hbm>>
      tpu.wait_dma2 semaphore(%run_scoped3A : memref<!tpu.dma_semaphore, #tpu.memory_space<semaphore_mem>>) src(%dma_wait3A_10 : memref<64xi32, #tpu.memory_space<hbm>>) dst(%arg5 : memref<64xi32, #tpu.memory_space<vmem>>)
      tpu.yield
    }) : () -> ()
    %dma_start3A = arith.constant 0 : i32
    %dma_start3A_3 = arith.constant 0 : i32
    %dma_start3A_4 = tpu.memref_slice %arg2[%dma_start3A, %dma_start3A_3] : memref<32000x768xf32, #tpu.memory_space<hbm>> -> memref<32000x768xf32, #tpu.memory_space<hbm>>
    tpu.enqueue_indirect_dma source(%dma_start3A_4 : memref<32000x768xf32, #tpu.memory_space<hbm>>) target(%arg6 : memref<64x768xf32, #tpu.memory_space<vmem>>) offsets(%arg5 : memref<64xi32, #tpu.memory_space<vmem>>) semaphore(%arg7 : memref<!tpu.dma_semaphore, #tpu.memory_space<semaphore_mem>>)
    %dma_wait3A = arith.constant 0 : i32
    %dma_wait3A_5 = arith.constant 0 : i32
    %dma_wait3A_6 = tpu.memref_slice %arg2[%dma_wait3A, %dma_wait3A_5] : memref<32000x768xf32, #tpu.memory_space<hbm>> -> memref<32000x768xf32, #tpu.memory_space<hbm>>
    tpu.wait_indirect_dma semaphore(%arg7 : memref<!tpu.dma_semaphore, #tpu.memory_space<semaphore_mem>>) src(%dma_wait3A_6 : memref<32000x768xf32, #tpu.memory_space<hbm>>) dst(%arg6 : memref<64x768xf32, #tpu.memory_space<vmem>>)
    "tpu.region"() ({
      %run_scoped3A = tpu.sem_alloc : memref<!tpu.dma_semaphore, #tpu.memory_space<semaphore_mem>>
      %dma_start3A_7 = arith.constant 0 : i32
      %dma_start3A_8 = tpu.memref_slice %arg4[%mul3A_2, %dma_start3A_7] : memref<2048x768xf32, #tpu.memory_space<hbm>> -> memref<64x768xf32, #tpu.memory_space<hbm>>
      %dma_start3A_9 = arith.constant 0 : i32
      %dma_start3A_10 = tpu.memref_slice %arg4[%mul3A_2, %dma_start3A_9] : memref<2048x768xf32, #tpu.memory_space<hbm>> -> memref<64x768xf32, #tpu.memory_space<hbm>>
      tpu.enqueue_dma source(%arg6 : memref<64x768xf32, #tpu.memory_space<vmem>>) target(%dma_start3A_10 : memref<64x768xf32, #tpu.memory_space<hbm>>) target_semaphore(%run_scoped3A : memref<!tpu.dma_semaphore, #tpu.memory_space<semaphore_mem>>)
      %dma_wait3A_11 = arith.constant 0 : i32
      %dma_wait3A_12 = tpu.memref_slice %arg4[%mul3A_2, %dma_wait3A_11] : memref<2048x768xf32, #tpu.memory_space<hbm>> -> memref<64x768xf32, #tpu.memory_space<hbm>>
      %dma_wait3A_13 = arith.constant 0 : i32
      %dma_wait3A_14 = tpu.memref_slice %arg4[%mul3A_2, %dma_wait3A_13] : memref<2048x768xf32, #tpu.memory_space<hbm>> -> memref<64x768xf32, #tpu.memory_space<hbm>>
      tpu.wait_dma2 semaphore(%run_scoped3A : memref<!tpu.dma_semaphore, #tpu.memory_space<semaphore_mem>>) src(%arg6 : memref<64x768xf32, #tpu.memory_space<vmem>>) dst(%dma_wait3A_14 : memref<64x768xf32, #tpu.memory_space<hbm>>)
      tpu.yield
    }) : () -> ()
    return
  }
}

module attributes {stable_mosaic.version = 14 : i64} {
  func.func @body(%arg0: i32, %arg1: memref<256x768xf32, #tpu.memory_space<vmem>>, %arg2: memref<2048x768xf32, #tpu.memory_space<vmem>>, %arg3: memref<2048x768xf32, #tpu.memory_space<vmem>>, %arg4: memref<256x768xf32, #tpu.memory_space<vmem>>) attributes {dimension_semantics = [#tpu.dimension_semantics<arbitrary>], iteration_bounds = array<i64: 8>, scalar_prefetch = 0 : i64, scratch_operands = 0 : i64, tpu.core_type = #tpu.core_type<tc>, window_params = [{transform_indices = @transform_0, window_bounds = array<i64: 256, 768>}, {pipeline_mode = #tpu.pipeline_mode<synchronous>, transform_indices = @transform_1, window_bounds = array<i64: 2048, 768>}, {pipeline_mode = #tpu.pipeline_mode<synchronous>, transform_indices = @transform_2, window_bounds = array<i64: 2048, 768>}, {transform_indices = @transform_3, window_bounds = array<i64: 256, 768>}]} {
    %get3A = arith.constant 0 : index
    %get3A_0 = arith.constant 0 : index
    %get3A_1 = vector.load %arg1[%get3A, %get3A_0] : memref<256x768xf32, #tpu.memory_space<vmem>>, vector<256x64xf32>
    %get3A_2 = arith.constant 0 : index
    %get3A_3 = arith.constant 0 : index
    %get3A_4 = vector.load %arg2[%get3A_2, %get3A_3] : memref<2048x768xf32, #tpu.memory_space<vmem>>, vector<2048x64xf32>
    %dot_general3A = arith.constant dense<0.000000e+00> : vector<256x2048xf32>
    %dot_general3A_5 = tpu.matmul %get3A_1, %get3A_4, %dot_general3A {dimension_numbers = #tpu.dot_dimension_numbers<[1], [1], [0], [0], [0, 0, 1, 0], [], []>, transpose_lhs_hint = false} : vector<256x64xf32>, vector<2048x64xf32>, vector<256x2048xf32> -> vector<256x2048xf32>
    %reduce_max3A = arith.constant dense<0xFF800000> : vector<256xf32>
    %reduce_max3A_6 = vector.multi_reduction <maximumf>, %dot_general3A_5, %reduce_max3A [1] : vector<256x2048xf32> to vector<256xf32>
    %broadcast_in_dim3A = vector.shape_cast %reduce_max3A_6 : vector<256xf32> to vector<256x1xf32>
    %sub3A = vector.broadcast %broadcast_in_dim3A : vector<256x1xf32> to vector<256x2048xf32>
    %sub3A_7 = arith.subf %dot_general3A_5, %sub3A : vector<256x2048xf32>
    %exp3A = math.exp %sub3A_7 : vector<256x2048xf32>
    %reduce_sum3A = arith.constant dense<0.000000e+00> : vector<256xf32>
    %reduce_sum3A_8 = vector.multi_reduction <add>, %exp3A, %reduce_sum3A [1] : vector<256x2048xf32> to vector<256xf32>
    %broadcast_in_dim3A_9 = vector.shape_cast %reduce_sum3A_8 : vector<256xf32> to vector<256x1xf32>
    %div3A = arith.constant 1.000000e+00 : f32
    %div3A_10 = vector.broadcast %div3A : f32 to vector<256x1xf32>
    %div3A_11 = arith.divf %div3A_10, %broadcast_in_dim3A_9 : vector<256x1xf32>
    %mul3A = vector.broadcast %div3A_11 : vector<256x1xf32> to vector<256x2048xf32>
    %mul3A_12 = arith.mulf %exp3A, %mul3A : vector<256x2048xf32>
    %get3A_13 = arith.constant 0 : index
    %get3A_14 = arith.constant 0 : index
    %get3A_15 = vector.load %arg3[%get3A_13, %get3A_14] : memref<2048x768xf32, #tpu.memory_space<vmem>>, vector<2048x64xf32>
    %dot_general3A_16 = arith.constant dense<0.000000e+00> : vector<256x64xf32>
    %dot_general3A_17 = tpu.matmul %mul3A_12, %get3A_15, %dot_general3A_16 {dimension_numbers = #tpu.dot_dimension_numbers<[1], [0], [0], [1], [0, 0, 1, 1], [], []>, transpose_lhs_hint = false} : vector<256x2048xf32>, vector<2048x64xf32>, vector<256x64xf32> -> vector<256x64xf32>
    %get3A_18 = arith.constant 0 : index
    %get3A_19 = arith.constant 64 : index
    %get3A_20 = vector.load %arg1[%get3A_18, %get3A_19] : memref<256x768xf32, #tpu.memory_space<vmem>>, vector<256x64xf32>
    %get3A_21 = arith.constant 0 : index
    %get3A_22 = arith.constant 64 : index
    %get3A_23 = vector.load %arg2[%get3A_21, %get3A_22] : memref<2048x768xf32, #tpu.memory_space<vmem>>, vector<2048x64xf32>
    %dot_general3A_24 = arith.constant dense<0.000000e+00> : vector<256x2048xf32>
    %dot_general3A_25 = tpu.matmul %get3A_20, %get3A_23, %dot_general3A_24 {dimension_numbers = #tpu.dot_dimension_numbers<[1], [1], [0], [0], [0, 0, 1, 0], [], []>, transpose_lhs_hint = false} : vector<256x64xf32>, vector<2048x64xf32>, vector<256x2048xf32> -> vector<256x2048xf32>
    %reduce_max3A_26 = arith.constant dense<0xFF800000> : vector<256xf32>
    %reduce_max3A_27 = vector.multi_reduction <maximumf>, %dot_general3A_25, %reduce_max3A_26 [1] : vector<256x2048xf32> to vector<256xf32>
    %broadcast_in_dim3A_28 = vector.shape_cast %reduce_max3A_27 : vector<256xf32> to vector<256x1xf32>
    %sub3A_29 = vector.broadcast %broadcast_in_dim3A_28 : vector<256x1xf32> to vector<256x2048xf32>
    %sub3A_30 = arith.subf %dot_general3A_25, %sub3A_29 : vector<256x2048xf32>
    %exp3A_31 = math.exp %sub3A_30 : vector<256x2048xf32>
    %reduce_sum3A_32 = arith.constant dense<0.000000e+00> : vector<256xf32>
    %reduce_sum3A_33 = vector.multi_reduction <add>, %exp3A_31, %reduce_sum3A_32 [1] : vector<256x2048xf32> to vector<256xf32>
    %broadcast_in_dim3A_34 = vector.shape_cast %reduce_sum3A_33 : vector<256xf32> to vector<256x1xf32>
    %div3A_35 = arith.constant 1.000000e+00 : f32
    %div3A_36 = vector.broadcast %div3A_35 : f32 to vector<256x1xf32>
    %div3A_37 = arith.divf %div3A_36, %broadcast_in_dim3A_34 : vector<256x1xf32>
    %mul3A_38 = vector.broadcast %div3A_37 : vector<256x1xf32> to vector<256x2048xf32>
    %mul3A_39 = arith.mulf %exp3A_31, %mul3A_38 : vector<256x2048xf32>
    %get3A_40 = arith.constant 0 : index
    %get3A_41 = arith.constant 64 : index
    %get3A_42 = vector.load %arg3[%get3A_40, %get3A_41] : memref<2048x768xf32, #tpu.memory_space<vmem>>, vector<2048x64xf32>
    %dot_general3A_43 = arith.constant dense<0.000000e+00> : vector<256x64xf32>
    %dot_general3A_44 = tpu.matmul %mul3A_39, %get3A_42, %dot_general3A_43 {dimension_numbers = #tpu.dot_dimension_numbers<[1], [0], [0], [1], [0, 0, 1, 1], [], []>, transpose_lhs_hint = false} : vector<256x2048xf32>, vector<2048x64xf32>, vector<256x64xf32> -> vector<256x64xf32>
    %get3A_45 = arith.constant 0 : index
    %get3A_46 = arith.constant 128 : index
    %get3A_47 = vector.load %arg1[%get3A_45, %get3A_46] : memref<256x768xf32, #tpu.memory_space<vmem>>, vector<256x64xf32>
    %get3A_48 = arith.constant 0 : index
    %get3A_49 = arith.constant 128 : index
    %get3A_50 = vector.load %arg2[%get3A_48, %get3A_49] : memref<2048x768xf32, #tpu.memory_space<vmem>>, vector<2048x64xf32>
    %dot_general3A_51 = arith.constant dense<0.000000e+00> : vector<256x2048xf32>
    %dot_general3A_52 = tpu.matmul %get3A_47, %get3A_50, %dot_general3A_51 {dimension_numbers = #tpu.dot_dimension_numbers<[1], [1], [0], [0], [0, 0, 1, 0], [], []>, transpose_lhs_hint = false} : vector<256x64xf32>, vector<2048x64xf32>, vector<256x2048xf32> -> vector<256x2048xf32>
    %reduce_max3A_53 = arith.constant dense<0xFF800000> : vector<256xf32>
    %reduce_max3A_54 = vector.multi_reduction <maximumf>, %dot_general3A_52, %reduce_max3A_53 [1] : vector<256x2048xf32> to vector<256xf32>
    %broadcast_in_dim3A_55 = vector.shape_cast %reduce_max3A_54 : vector<256xf32> to vector<256x1xf32>
    %sub3A_56 = vector.broadcast %broadcast_in_dim3A_55 : vector<256x1xf32> to vector<256x2048xf32>
    %sub3A_57 = arith.subf %dot_general3A_52, %sub3A_56 : vector<256x2048xf32>
    %exp3A_58 = math.exp %sub3A_57 : vector<256x2048xf32>
    %reduce_sum3A_59 = arith.constant dense<0.000000e+00> : vector<256xf32>
    %reduce_sum3A_60 = vector.multi_reduction <add>, %exp3A_58, %reduce_sum3A_59 [1] : vector<256x2048xf32> to vector<256xf32>
    %broadcast_in_dim3A_61 = vector.shape_cast %reduce_sum3A_60 : vector<256xf32> to vector<256x1xf32>
    %div3A_62 = arith.constant 1.000000e+00 : f32
    %div3A_63 = vector.broadcast %div3A_62 : f32 to vector<256x1xf32>
    %div3A_64 = arith.divf %div3A_63, %broadcast_in_dim3A_61 : vector<256x1xf32>
    %mul3A_65 = vector.broadcast %div3A_64 : vector<256x1xf32> to vector<256x2048xf32>
    %mul3A_66 = arith.mulf %exp3A_58, %mul3A_65 : vector<256x2048xf32>
    %get3A_67 = arith.constant 0 : index
    %get3A_68 = arith.constant 128 : index
    %get3A_69 = vector.load %arg3[%get3A_67, %get3A_68] : memref<2048x768xf32, #tpu.memory_space<vmem>>, vector<2048x64xf32>
    %dot_general3A_70 = arith.constant dense<0.000000e+00> : vector<256x64xf32>
    %dot_general3A_71 = tpu.matmul %mul3A_66, %get3A_69, %dot_general3A_70 {dimension_numbers = #tpu.dot_dimension_numbers<[1], [0], [0], [1], [0, 0, 1, 1], [], []>, transpose_lhs_hint = false} : vector<256x2048xf32>, vector<2048x64xf32>, vector<256x64xf32> -> vector<256x64xf32>
    %get3A_72 = arith.constant 0 : index
    %get3A_73 = arith.constant 192 : index
    %get3A_74 = vector.load %arg1[%get3A_72, %get3A_73] : memref<256x768xf32, #tpu.memory_space<vmem>>, vector<256x64xf32>
    %get3A_75 = arith.constant 0 : index
    %get3A_76 = arith.constant 192 : index
    %get3A_77 = vector.load %arg2[%get3A_75, %get3A_76] : memref<2048x768xf32, #tpu.memory_space<vmem>>, vector<2048x64xf32>
    %dot_general3A_78 = arith.constant dense<0.000000e+00> : vector<256x2048xf32>
    %dot_general3A_79 = tpu.matmul %get3A_74, %get3A_77, %dot_general3A_78 {dimension_numbers = #tpu.dot_dimension_numbers<[1], [1], [0], [0], [0, 0, 1, 0], [], []>, transpose_lhs_hint = false} : vector<256x64xf32>, vector<2048x64xf32>, vector<256x2048xf32> -> vector<256x2048xf32>
    %reduce_max3A_80 = arith.constant dense<0xFF800000> : vector<256xf32>
    %reduce_max3A_81 = vector.multi_reduction <maximumf>, %dot_general3A_79, %reduce_max3A_80 [1] : vector<256x2048xf32> to vector<256xf32>
    %broadcast_in_dim3A_82 = vector.shape_cast %reduce_max3A_81 : vector<256xf32> to vector<256x1xf32>
    %sub3A_83 = vector.broadcast %broadcast_in_dim3A_82 : vector<256x1xf32> to vector<256x2048xf32>
    %sub3A_84 = arith.subf %dot_general3A_79, %sub3A_83 : vector<256x2048xf32>
    %exp3A_85 = math.exp %sub3A_84 : vector<256x2048xf32>
    %reduce_sum3A_86 = arith.constant dense<0.000000e+00> : vector<256xf32>
    %reduce_sum3A_87 = vector.multi_reduction <add>, %exp3A_85, %reduce_sum3A_86 [1] : vector<256x2048xf32> to vector<256xf32>
    %broadcast_in_dim3A_88 = vector.shape_cast %reduce_sum3A_87 : vector<256xf32> to vector<256x1xf32>
    %div3A_89 = arith.constant 1.000000e+00 : f32
    %div3A_90 = vector.broadcast %div3A_89 : f32 to vector<256x1xf32>
    %div3A_91 = arith.divf %div3A_90, %broadcast_in_dim3A_88 : vector<256x1xf32>
    %mul3A_92 = vector.broadcast %div3A_91 : vector<256x1xf32> to vector<256x2048xf32>
    %mul3A_93 = arith.mulf %exp3A_85, %mul3A_92 : vector<256x2048xf32>
    %get3A_94 = arith.constant 0 : index
    %get3A_95 = arith.constant 192 : index
    %get3A_96 = vector.load %arg3[%get3A_94, %get3A_95] : memref<2048x768xf32, #tpu.memory_space<vmem>>, vector<2048x64xf32>
    %dot_general3A_97 = arith.constant dense<0.000000e+00> : vector<256x64xf32>
    %dot_general3A_98 = tpu.matmul %mul3A_93, %get3A_96, %dot_general3A_97 {dimension_numbers = #tpu.dot_dimension_numbers<[1], [0], [0], [1], [0, 0, 1, 1], [], []>, transpose_lhs_hint = false} : vector<256x2048xf32>, vector<2048x64xf32>, vector<256x64xf32> -> vector<256x64xf32>
    %get3A_99 = arith.constant 0 : index
    %get3A_100 = arith.constant 256 : index
    %get3A_101 = vector.load %arg1[%get3A_99, %get3A_100] : memref<256x768xf32, #tpu.memory_space<vmem>>, vector<256x64xf32>
    %get3A_102 = arith.constant 0 : index
    %get3A_103 = arith.constant 256 : index
    %get3A_104 = vector.load %arg2[%get3A_102, %get3A_103] : memref<2048x768xf32, #tpu.memory_space<vmem>>, vector<2048x64xf32>
    %dot_general3A_105 = arith.constant dense<0.000000e+00> : vector<256x2048xf32>
    %dot_general3A_106 = tpu.matmul %get3A_101, %get3A_104, %dot_general3A_105 {dimension_numbers = #tpu.dot_dimension_numbers<[1], [1], [0], [0], [0, 0, 1, 0], [], []>, transpose_lhs_hint = false} : vector<256x64xf32>, vector<2048x64xf32>, vector<256x2048xf32> -> vector<256x2048xf32>
    %reduce_max3A_107 = arith.constant dense<0xFF800000> : vector<256xf32>
    %reduce_max3A_108 = vector.multi_reduction <maximumf>, %dot_general3A_106, %reduce_max3A_107 [1] : vector<256x2048xf32> to vector<256xf32>
    %broadcast_in_dim3A_109 = vector.shape_cast %reduce_max3A_108 : vector<256xf32> to vector<256x1xf32>
    %sub3A_110 = vector.broadcast %broadcast_in_dim3A_109 : vector<256x1xf32> to vector<256x2048xf32>
    %sub3A_111 = arith.subf %dot_general3A_106, %sub3A_110 : vector<256x2048xf32>
    %exp3A_112 = math.exp %sub3A_111 : vector<256x2048xf32>
    %reduce_sum3A_113 = arith.constant dense<0.000000e+00> : vector<256xf32>
    %reduce_sum3A_114 = vector.multi_reduction <add>, %exp3A_112, %reduce_sum3A_113 [1] : vector<256x2048xf32> to vector<256xf32>
    %broadcast_in_dim3A_115 = vector.shape_cast %reduce_sum3A_114 : vector<256xf32> to vector<256x1xf32>
    %div3A_116 = arith.constant 1.000000e+00 : f32
    %div3A_117 = vector.broadcast %div3A_116 : f32 to vector<256x1xf32>
    %div3A_118 = arith.divf %div3A_117, %broadcast_in_dim3A_115 : vector<256x1xf32>
    %mul3A_119 = vector.broadcast %div3A_118 : vector<256x1xf32> to vector<256x2048xf32>
    %mul3A_120 = arith.mulf %exp3A_112, %mul3A_119 : vector<256x2048xf32>
    %get3A_121 = arith.constant 0 : index
    %get3A_122 = arith.constant 256 : index
    %get3A_123 = vector.load %arg3[%get3A_121, %get3A_122] : memref<2048x768xf32, #tpu.memory_space<vmem>>, vector<2048x64xf32>
    %dot_general3A_124 = arith.constant dense<0.000000e+00> : vector<256x64xf32>
    %dot_general3A_125 = tpu.matmul %mul3A_120, %get3A_123, %dot_general3A_124 {dimension_numbers = #tpu.dot_dimension_numbers<[1], [0], [0], [1], [0, 0, 1, 1], [], []>, transpose_lhs_hint = false} : vector<256x2048xf32>, vector<2048x64xf32>, vector<256x64xf32> -> vector<256x64xf32>
    %get3A_126 = arith.constant 0 : index
    %get3A_127 = arith.constant 320 : index
    %get3A_128 = vector.load %arg1[%get3A_126, %get3A_127] : memref<256x768xf32, #tpu.memory_space<vmem>>, vector<256x64xf32>
    %get3A_129 = arith.constant 0 : index
    %get3A_130 = arith.constant 320 : index
    %get3A_131 = vector.load %arg2[%get3A_129, %get3A_130] : memref<2048x768xf32, #tpu.memory_space<vmem>>, vector<2048x64xf32>
    %dot_general3A_132 = arith.constant dense<0.000000e+00> : vector<256x2048xf32>
    %dot_general3A_133 = tpu.matmul %get3A_128, %get3A_131, %dot_general3A_132 {dimension_numbers = #tpu.dot_dimension_numbers<[1], [1], [0], [0], [0, 0, 1, 0], [], []>, transpose_lhs_hint = false} : vector<256x64xf32>, vector<2048x64xf32>, vector<256x2048xf32> -> vector<256x2048xf32>
    %reduce_max3A_134 = arith.constant dense<0xFF800000> : vector<256xf32>
    %reduce_max3A_135 = vector.multi_reduction <maximumf>, %dot_general3A_133, %reduce_max3A_134 [1] : vector<256x2048xf32> to vector<256xf32>
    %broadcast_in_dim3A_136 = vector.shape_cast %reduce_max3A_135 : vector<256xf32> to vector<256x1xf32>
    %sub3A_137 = vector.broadcast %broadcast_in_dim3A_136 : vector<256x1xf32> to vector<256x2048xf32>
    %sub3A_138 = arith.subf %dot_general3A_133, %sub3A_137 : vector<256x2048xf32>
    %exp3A_139 = math.exp %sub3A_138 : vector<256x2048xf32>
    %reduce_sum3A_140 = arith.constant dense<0.000000e+00> : vector<256xf32>
    %reduce_sum3A_141 = vector.multi_reduction <add>, %exp3A_139, %reduce_sum3A_140 [1] : vector<256x2048xf32> to vector<256xf32>
    %broadcast_in_dim3A_142 = vector.shape_cast %reduce_sum3A_141 : vector<256xf32> to vector<256x1xf32>
    %div3A_143 = arith.constant 1.000000e+00 : f32
    %div3A_144 = vector.broadcast %div3A_143 : f32 to vector<256x1xf32>
    %div3A_145 = arith.divf %div3A_144, %broadcast_in_dim3A_142 : vector<256x1xf32>
    %mul3A_146 = vector.broadcast %div3A_145 : vector<256x1xf32> to vector<256x2048xf32>
    %mul3A_147 = arith.mulf %exp3A_139, %mul3A_146 : vector<256x2048xf32>
    %get3A_148 = arith.constant 0 : index
    %get3A_149 = arith.constant 320 : index
    %get3A_150 = vector.load %arg3[%get3A_148, %get3A_149] : memref<2048x768xf32, #tpu.memory_space<vmem>>, vector<2048x64xf32>
    %dot_general3A_151 = arith.constant dense<0.000000e+00> : vector<256x64xf32>
    %dot_general3A_152 = tpu.matmul %mul3A_147, %get3A_150, %dot_general3A_151 {dimension_numbers = #tpu.dot_dimension_numbers<[1], [0], [0], [1], [0, 0, 1, 1], [], []>, transpose_lhs_hint = false} : vector<256x2048xf32>, vector<2048x64xf32>, vector<256x64xf32> -> vector<256x64xf32>
    %get3A_153 = arith.constant 0 : index
    %get3A_154 = arith.constant 384 : index
    %get3A_155 = vector.load %arg1[%get3A_153, %get3A_154] : memref<256x768xf32, #tpu.memory_space<vmem>>, vector<256x64xf32>
    %get3A_156 = arith.constant 0 : index
    %get3A_157 = arith.constant 384 : index
    %get3A_158 = vector.load %arg2[%get3A_156, %get3A_157] : memref<2048x768xf32, #tpu.memory_space<vmem>>, vector<2048x64xf32>
    %dot_general3A_159 = arith.constant dense<0.000000e+00> : vector<256x2048xf32>
    %dot_general3A_160 = tpu.matmul %get3A_155, %get3A_158, %dot_general3A_159 {dimension_numbers = #tpu.dot_dimension_numbers<[1], [1], [0], [0], [0, 0, 1, 0], [], []>, transpose_lhs_hint = false} : vector<256x64xf32>, vector<2048x64xf32>, vector<256x2048xf32> -> vector<256x2048xf32>
    %reduce_max3A_161 = arith.constant dense<0xFF800000> : vector<256xf32>
    %reduce_max3A_162 = vector.multi_reduction <maximumf>, %dot_general3A_160, %reduce_max3A_161 [1] : vector<256x2048xf32> to vector<256xf32>
    %broadcast_in_dim3A_163 = vector.shape_cast %reduce_max3A_162 : vector<256xf32> to vector<256x1xf32>
    %sub3A_164 = vector.broadcast %broadcast_in_dim3A_163 : vector<256x1xf32> to vector<256x2048xf32>
    %sub3A_165 = arith.subf %dot_general3A_160, %sub3A_164 : vector<256x2048xf32>
    %exp3A_166 = math.exp %sub3A_165 : vector<256x2048xf32>
    %reduce_sum3A_167 = arith.constant dense<0.000000e+00> : vector<256xf32>
    %reduce_sum3A_168 = vector.multi_reduction <add>, %exp3A_166, %reduce_sum3A_167 [1] : vector<256x2048xf32> to vector<256xf32>
    %broadcast_in_dim3A_169 = vector.shape_cast %reduce_sum3A_168 : vector<256xf32> to vector<256x1xf32>
    %div3A_170 = arith.constant 1.000000e+00 : f32
    %div3A_171 = vector.broadcast %div3A_170 : f32 to vector<256x1xf32>
    %div3A_172 = arith.divf %div3A_171, %broadcast_in_dim3A_169 : vector<256x1xf32>
    %mul3A_173 = vector.broadcast %div3A_172 : vector<256x1xf32> to vector<256x2048xf32>
    %mul3A_174 = arith.mulf %exp3A_166, %mul3A_173 : vector<256x2048xf32>
    %get3A_175 = arith.constant 0 : index
    %get3A_176 = arith.constant 384 : index
    %get3A_177 = vector.load %arg3[%get3A_175, %get3A_176] : memref<2048x768xf32, #tpu.memory_space<vmem>>, vector<2048x64xf32>
    %dot_general3A_178 = arith.constant dense<0.000000e+00> : vector<256x64xf32>
    %dot_general3A_179 = tpu.matmul %mul3A_174, %get3A_177, %dot_general3A_178 {dimension_numbers = #tpu.dot_dimension_numbers<[1], [0], [0], [1], [0, 0, 1, 1], [], []>, transpose_lhs_hint = false} : vector<256x2048xf32>, vector<2048x64xf32>, vector<256x64xf32> -> vector<256x64xf32>
    %get3A_180 = arith.constant 0 : index
    %get3A_181 = arith.constant 448 : index
    %get3A_182 = vector.load %arg1[%get3A_180, %get3A_181] : memref<256x768xf32, #tpu.memory_space<vmem>>, vector<256x64xf32>
    %get3A_183 = arith.constant 0 : index
    %get3A_184 = arith.constant 448 : index
    %get3A_185 = vector.load %arg2[%get3A_183, %get3A_184] : memref<2048x768xf32, #tpu.memory_space<vmem>>, vector<2048x64xf32>
    %dot_general3A_186 = arith.constant dense<0.000000e+00> : vector<256x2048xf32>
    %dot_general3A_187 = tpu.matmul %get3A_182, %get3A_185, %dot_general3A_186 {dimension_numbers = #tpu.dot_dimension_numbers<[1], [1], [0], [0], [0, 0, 1, 0], [], []>, transpose_lhs_hint = false} : vector<256x64xf32>, vector<2048x64xf32>, vector<256x2048xf32> -> vector<256x2048xf32>
    %reduce_max3A_188 = arith.constant dense<0xFF800000> : vector<256xf32>
    %reduce_max3A_189 = vector.multi_reduction <maximumf>, %dot_general3A_187, %reduce_max3A_188 [1] : vector<256x2048xf32> to vector<256xf32>
    %broadcast_in_dim3A_190 = vector.shape_cast %reduce_max3A_189 : vector<256xf32> to vector<256x1xf32>
    %sub3A_191 = vector.broadcast %broadcast_in_dim3A_190 : vector<256x1xf32> to vector<256x2048xf32>
    %sub3A_192 = arith.subf %dot_general3A_187, %sub3A_191 : vector<256x2048xf32>
    %exp3A_193 = math.exp %sub3A_192 : vector<256x2048xf32>
    %reduce_sum3A_194 = arith.constant dense<0.000000e+00> : vector<256xf32>
    %reduce_sum3A_195 = vector.multi_reduction <add>, %exp3A_193, %reduce_sum3A_194 [1] : vector<256x2048xf32> to vector<256xf32>
    %broadcast_in_dim3A_196 = vector.shape_cast %reduce_sum3A_195 : vector<256xf32> to vector<256x1xf32>
    %div3A_197 = arith.constant 1.000000e+00 : f32
    %div3A_198 = vector.broadcast %div3A_197 : f32 to vector<256x1xf32>
    %div3A_199 = arith.divf %div3A_198, %broadcast_in_dim3A_196 : vector<256x1xf32>
    %mul3A_200 = vector.broadcast %div3A_199 : vector<256x1xf32> to vector<256x2048xf32>
    %mul3A_201 = arith.mulf %exp3A_193, %mul3A_200 : vector<256x2048xf32>
    %get3A_202 = arith.constant 0 : index
    %get3A_203 = arith.constant 448 : index
    %get3A_204 = vector.load %arg3[%get3A_202, %get3A_203] : memref<2048x768xf32, #tpu.memory_space<vmem>>, vector<2048x64xf32>
    %dot_general3A_205 = arith.constant dense<0.000000e+00> : vector<256x64xf32>
    %dot_general3A_206 = tpu.matmul %mul3A_201, %get3A_204, %dot_general3A_205 {dimension_numbers = #tpu.dot_dimension_numbers<[1], [0], [0], [1], [0, 0, 1, 1], [], []>, transpose_lhs_hint = false} : vector<256x2048xf32>, vector<2048x64xf32>, vector<256x64xf32> -> vector<256x64xf32>
    %get3A_207 = arith.constant 0 : index
    %get3A_208 = arith.constant 512 : index
    %get3A_209 = vector.load %arg1[%get3A_207, %get3A_208] : memref<256x768xf32, #tpu.memory_space<vmem>>, vector<256x64xf32>
    %get3A_210 = arith.constant 0 : index
    %get3A_211 = arith.constant 512 : index
    %get3A_212 = vector.load %arg2[%get3A_210, %get3A_211] : memref<2048x768xf32, #tpu.memory_space<vmem>>, vector<2048x64xf32>
    %dot_general3A_213 = arith.constant dense<0.000000e+00> : vector<256x2048xf32>
    %dot_general3A_214 = tpu.matmul %get3A_209, %get3A_212, %dot_general3A_213 {dimension_numbers = #tpu.dot_dimension_numbers<[1], [1], [0], [0], [0, 0, 1, 0], [], []>, transpose_lhs_hint = false} : vector<256x64xf32>, vector<2048x64xf32>, vector<256x2048xf32> -> vector<256x2048xf32>
    %reduce_max3A_215 = arith.constant dense<0xFF800000> : vector<256xf32>
    %reduce_max3A_216 = vector.multi_reduction <maximumf>, %dot_general3A_214, %reduce_max3A_215 [1] : vector<256x2048xf32> to vector<256xf32>
    %broadcast_in_dim3A_217 = vector.shape_cast %reduce_max3A_216 : vector<256xf32> to vector<256x1xf32>
    %sub3A_218 = vector.broadcast %broadcast_in_dim3A_217 : vector<256x1xf32> to vector<256x2048xf32>
    %sub3A_219 = arith.subf %dot_general3A_214, %sub3A_218 : vector<256x2048xf32>
    %exp3A_220 = math.exp %sub3A_219 : vector<256x2048xf32>
    %reduce_sum3A_221 = arith.constant dense<0.000000e+00> : vector<256xf32>
    %reduce_sum3A_222 = vector.multi_reduction <add>, %exp3A_220, %reduce_sum3A_221 [1] : vector<256x2048xf32> to vector<256xf32>
    %broadcast_in_dim3A_223 = vector.shape_cast %reduce_sum3A_222 : vector<256xf32> to vector<256x1xf32>
    %div3A_224 = arith.constant 1.000000e+00 : f32
    %div3A_225 = vector.broadcast %div3A_224 : f32 to vector<256x1xf32>
    %div3A_226 = arith.divf %div3A_225, %broadcast_in_dim3A_223 : vector<256x1xf32>
    %mul3A_227 = vector.broadcast %div3A_226 : vector<256x1xf32> to vector<256x2048xf32>
    %mul3A_228 = arith.mulf %exp3A_220, %mul3A_227 : vector<256x2048xf32>
    %get3A_229 = arith.constant 0 : index
    %get3A_230 = arith.constant 512 : index
    %get3A_231 = vector.load %arg3[%get3A_229, %get3A_230] : memref<2048x768xf32, #tpu.memory_space<vmem>>, vector<2048x64xf32>
    %dot_general3A_232 = arith.constant dense<0.000000e+00> : vector<256x64xf32>
    %dot_general3A_233 = tpu.matmul %mul3A_228, %get3A_231, %dot_general3A_232 {dimension_numbers = #tpu.dot_dimension_numbers<[1], [0], [0], [1], [0, 0, 1, 1], [], []>, transpose_lhs_hint = false} : vector<256x2048xf32>, vector<2048x64xf32>, vector<256x64xf32> -> vector<256x64xf32>
    %get3A_234 = arith.constant 0 : index
    %get3A_235 = arith.constant 576 : index
    %get3A_236 = vector.load %arg1[%get3A_234, %get3A_235] : memref<256x768xf32, #tpu.memory_space<vmem>>, vector<256x64xf32>
    %get3A_237 = arith.constant 0 : index
    %get3A_238 = arith.constant 576 : index
    %get3A_239 = vector.load %arg2[%get3A_237, %get3A_238] : memref<2048x768xf32, #tpu.memory_space<vmem>>, vector<2048x64xf32>
    %dot_general3A_240 = arith.constant dense<0.000000e+00> : vector<256x2048xf32>
    %dot_general3A_241 = tpu.matmul %get3A_236, %get3A_239, %dot_general3A_240 {dimension_numbers = #tpu.dot_dimension_numbers<[1], [1], [0], [0], [0, 0, 1, 0], [], []>, transpose_lhs_hint = false} : vector<256x64xf32>, vector<2048x64xf32>, vector<256x2048xf32> -> vector<256x2048xf32>
    %reduce_max3A_242 = arith.constant dense<0xFF800000> : vector<256xf32>
    %reduce_max3A_243 = vector.multi_reduction <maximumf>, %dot_general3A_241, %reduce_max3A_242 [1] : vector<256x2048xf32> to vector<256xf32>
    %broadcast_in_dim3A_244 = vector.shape_cast %reduce_max3A_243 : vector<256xf32> to vector<256x1xf32>
    %sub3A_245 = vector.broadcast %broadcast_in_dim3A_244 : vector<256x1xf32> to vector<256x2048xf32>
    %sub3A_246 = arith.subf %dot_general3A_241, %sub3A_245 : vector<256x2048xf32>
    %exp3A_247 = math.exp %sub3A_246 : vector<256x2048xf32>
    %reduce_sum3A_248 = arith.constant dense<0.000000e+00> : vector<256xf32>
    %reduce_sum3A_249 = vector.multi_reduction <add>, %exp3A_247, %reduce_sum3A_248 [1] : vector<256x2048xf32> to vector<256xf32>
    %broadcast_in_dim3A_250 = vector.shape_cast %reduce_sum3A_249 : vector<256xf32> to vector<256x1xf32>
    %div3A_251 = arith.constant 1.000000e+00 : f32
    %div3A_252 = vector.broadcast %div3A_251 : f32 to vector<256x1xf32>
    %div3A_253 = arith.divf %div3A_252, %broadcast_in_dim3A_250 : vector<256x1xf32>
    %mul3A_254 = vector.broadcast %div3A_253 : vector<256x1xf32> to vector<256x2048xf32>
    %mul3A_255 = arith.mulf %exp3A_247, %mul3A_254 : vector<256x2048xf32>
    %get3A_256 = arith.constant 0 : index
    %get3A_257 = arith.constant 576 : index
    %get3A_258 = vector.load %arg3[%get3A_256, %get3A_257] : memref<2048x768xf32, #tpu.memory_space<vmem>>, vector<2048x64xf32>
    %dot_general3A_259 = arith.constant dense<0.000000e+00> : vector<256x64xf32>
    %dot_general3A_260 = tpu.matmul %mul3A_255, %get3A_258, %dot_general3A_259 {dimension_numbers = #tpu.dot_dimension_numbers<[1], [0], [0], [1], [0, 0, 1, 1], [], []>, transpose_lhs_hint = false} : vector<256x2048xf32>, vector<2048x64xf32>, vector<256x64xf32> -> vector<256x64xf32>
    %get3A_261 = arith.constant 0 : index
    %get3A_262 = arith.constant 640 : index
    %get3A_263 = vector.load %arg1[%get3A_261, %get3A_262] : memref<256x768xf32, #tpu.memory_space<vmem>>, vector<256x64xf32>
    %get3A_264 = arith.constant 0 : index
    %get3A_265 = arith.constant 640 : index
    %get3A_266 = vector.load %arg2[%get3A_264, %get3A_265] : memref<2048x768xf32, #tpu.memory_space<vmem>>, vector<2048x64xf32>
    %dot_general3A_267 = arith.constant dense<0.000000e+00> : vector<256x2048xf32>
    %dot_general3A_268 = tpu.matmul %get3A_263, %get3A_266, %dot_general3A_267 {dimension_numbers = #tpu.dot_dimension_numbers<[1], [1], [0], [0], [0, 0, 1, 0], [], []>, transpose_lhs_hint = false} : vector<256x64xf32>, vector<2048x64xf32>, vector<256x2048xf32> -> vector<256x2048xf32>
    %reduce_max3A_269 = arith.constant dense<0xFF800000> : vector<256xf32>
    %reduce_max3A_270 = vector.multi_reduction <maximumf>, %dot_general3A_268, %reduce_max3A_269 [1] : vector<256x2048xf32> to vector<256xf32>
    %broadcast_in_dim3A_271 = vector.shape_cast %reduce_max3A_270 : vector<256xf32> to vector<256x1xf32>
    %sub3A_272 = vector.broadcast %broadcast_in_dim3A_271 : vector<256x1xf32> to vector<256x2048xf32>
    %sub3A_273 = arith.subf %dot_general3A_268, %sub3A_272 : vector<256x2048xf32>
    %exp3A_274 = math.exp %sub3A_273 : vector<256x2048xf32>
    %reduce_sum3A_275 = arith.constant dense<0.000000e+00> : vector<256xf32>
    %reduce_sum3A_276 = vector.multi_reduction <add>, %exp3A_274, %reduce_sum3A_275 [1] : vector<256x2048xf32> to vector<256xf32>
    %broadcast_in_dim3A_277 = vector.shape_cast %reduce_sum3A_276 : vector<256xf32> to vector<256x1xf32>
    %div3A_278 = arith.constant 1.000000e+00 : f32
    %div3A_279 = vector.broadcast %div3A_278 : f32 to vector<256x1xf32>
    %div3A_280 = arith.divf %div3A_279, %broadcast_in_dim3A_277 : vector<256x1xf32>
    %mul3A_281 = vector.broadcast %div3A_280 : vector<256x1xf32> to vector<256x2048xf32>
    %mul3A_282 = arith.mulf %exp3A_274, %mul3A_281 : vector<256x2048xf32>
    %get3A_283 = arith.constant 0 : index
    %get3A_284 = arith.constant 640 : index
    %get3A_285 = vector.load %arg3[%get3A_283, %get3A_284] : memref<2048x768xf32, #tpu.memory_space<vmem>>, vector<2048x64xf32>
    %dot_general3A_286 = arith.constant dense<0.000000e+00> : vector<256x64xf32>
    %dot_general3A_287 = tpu.matmul %mul3A_282, %get3A_285, %dot_general3A_286 {dimension_numbers = #tpu.dot_dimension_numbers<[1], [0], [0], [1], [0, 0, 1, 1], [], []>, transpose_lhs_hint = false} : vector<256x2048xf32>, vector<2048x64xf32>, vector<256x64xf32> -> vector<256x64xf32>
    %get3A_288 = arith.constant 0 : index
    %get3A_289 = arith.constant 704 : index
    %get3A_290 = vector.load %arg1[%get3A_288, %get3A_289] : memref<256x768xf32, #tpu.memory_space<vmem>>, vector<256x64xf32>
    %get3A_291 = arith.constant 0 : index
    %get3A_292 = arith.constant 704 : index
    %get3A_293 = vector.load %arg2[%get3A_291, %get3A_292] : memref<2048x768xf32, #tpu.memory_space<vmem>>, vector<2048x64xf32>
    %dot_general3A_294 = arith.constant dense<0.000000e+00> : vector<256x2048xf32>
    %dot_general3A_295 = tpu.matmul %get3A_290, %get3A_293, %dot_general3A_294 {dimension_numbers = #tpu.dot_dimension_numbers<[1], [1], [0], [0], [0, 0, 1, 0], [], []>, transpose_lhs_hint = false} : vector<256x64xf32>, vector<2048x64xf32>, vector<256x2048xf32> -> vector<256x2048xf32>
    %reduce_max3A_296 = arith.constant dense<0xFF800000> : vector<256xf32>
    %reduce_max3A_297 = vector.multi_reduction <maximumf>, %dot_general3A_295, %reduce_max3A_296 [1] : vector<256x2048xf32> to vector<256xf32>
    %broadcast_in_dim3A_298 = vector.shape_cast %reduce_max3A_297 : vector<256xf32> to vector<256x1xf32>
    %sub3A_299 = vector.broadcast %broadcast_in_dim3A_298 : vector<256x1xf32> to vector<256x2048xf32>
    %sub3A_300 = arith.subf %dot_general3A_295, %sub3A_299 : vector<256x2048xf32>
    %exp3A_301 = math.exp %sub3A_300 : vector<256x2048xf32>
    %reduce_sum3A_302 = arith.constant dense<0.000000e+00> : vector<256xf32>
    %reduce_sum3A_303 = vector.multi_reduction <add>, %exp3A_301, %reduce_sum3A_302 [1] : vector<256x2048xf32> to vector<256xf32>
    %broadcast_in_dim3A_304 = vector.shape_cast %reduce_sum3A_303 : vector<256xf32> to vector<256x1xf32>
    %div3A_305 = arith.constant 1.000000e+00 : f32
    %div3A_306 = vector.broadcast %div3A_305 : f32 to vector<256x1xf32>
    %div3A_307 = arith.divf %div3A_306, %broadcast_in_dim3A_304 : vector<256x1xf32>
    %mul3A_308 = vector.broadcast %div3A_307 : vector<256x1xf32> to vector<256x2048xf32>
    %mul3A_309 = arith.mulf %exp3A_301, %mul3A_308 : vector<256x2048xf32>
    %get3A_310 = arith.constant 0 : index
    %get3A_311 = arith.constant 704 : index
    %get3A_312 = vector.load %arg3[%get3A_310, %get3A_311] : memref<2048x768xf32, #tpu.memory_space<vmem>>, vector<2048x64xf32>
    %dot_general3A_313 = arith.constant dense<0.000000e+00> : vector<256x64xf32>
    %dot_general3A_314 = tpu.matmul %mul3A_309, %get3A_312, %dot_general3A_313 {dimension_numbers = #tpu.dot_dimension_numbers<[1], [0], [0], [1], [0, 0, 1, 1], [], []>, transpose_lhs_hint = false} : vector<256x2048xf32>, vector<2048x64xf32>, vector<256x64xf32> -> vector<256x64xf32>
    %concatenate3A = tpu.concatenate %dot_general3A_17, %dot_general3A_44, %dot_general3A_71, %dot_general3A_98, %dot_general3A_125, %dot_general3A_152, %dot_general3A_179, %dot_general3A_206, %dot_general3A_233, %dot_general3A_260, %dot_general3A_287, %dot_general3A_314 in 1 : vector<256x64xf32>, vector<256x64xf32>, vector<256x64xf32>, vector<256x64xf32>, vector<256x64xf32>, vector<256x64xf32>, vector<256x64xf32>, vector<256x64xf32>, vector<256x64xf32>, vector<256x64xf32>, vector<256x64xf32>, vector<256x64xf32> -> vector<256x768xf32>
    %swap3A = arith.constant 0 : index
    %swap3A_315 = arith.constant 0 : index
    %swap3A_316 = vector.load %arg4[%swap3A, %swap3A_315] : memref<256x768xf32, #tpu.memory_space<vmem>>, vector<256x768xf32>
    tpu.vector_store %arg4[%swap3A, %swap3A_315], %concatenate3A {strides = array<i32>} : memref<256x768xf32, #tpu.memory_space<vmem>>, vector<256x768xf32>,
    return
  }
  func.func @transform_0(%arg0: i32) -> (i32, i32) {
    %c0_i32 = arith.constant 0 : i32
    %c0_i32_0 = arith.constant 0 : i32
    return %arg0, %c0_i32 : i32, i32
  }
  func.func @transform_1(%arg0: i32) -> (i32, i32) {
    %c0_i32 = arith.constant 0 : i32
    %c0_i32_0 = arith.constant 0 : i32
    %c0_i32_1 = arith.constant 0 : i32
    return %c0_i32, %c0_i32_0 : i32, i32
  }
  func.func @transform_2(%arg0: i32) -> (i32, i32) {
    %c0_i32 = arith.constant 0 : i32
    %c0_i32_0 = arith.constant 0 : i32
    %c0_i32_1 = arith.constant 0 : i32
    return %c0_i32, %c0_i32_0 : i32, i32
  }
  func.func @transform_3(%arg0: i32) -> (i32, i32) {
    %c0_i32 = arith.constant 0 : i32
    %c0_i32_0 = arith.constant 0 : i32
    return %arg0, %c0_i32 : i32, i32
  }
}

module attributes {stable_mosaic.version = 14 : i64} {
  func.func @body(%arg0: i32, %arg1: memref<256x768xf32, #tpu.memory_space<vmem>>, %arg2: memref<256x768xf32, #tpu.memory_space<vmem>>, %arg3: memref<768x768xf32, #tpu.memory_space<vmem>>, %arg4: memref<1x768xf32, #tpu.memory_space<vmem>>, %arg5: memref<1x768xf32, #tpu.memory_space<vmem>>, %arg6: memref<1x768xf32, #tpu.memory_space<vmem>>, %arg7: memref<768x768xf32, #tpu.memory_space<vmem>>, %arg8: memref<1x768xf32, #tpu.memory_space<vmem>>, %arg9: memref<768x768xf32, #tpu.memory_space<vmem>>, %arg10: memref<1x768xf32, #tpu.memory_space<vmem>>, %arg11: memref<768x768xf32, #tpu.memory_space<vmem>>, %arg12: memref<1x768xf32, #tpu.memory_space<vmem>>, %arg13: memref<256x768xf32, #tpu.memory_space<vmem>>, %arg14: memref<256x768xf32, #tpu.memory_space<vmem>>, %arg15: memref<256x768xf32, #tpu.memory_space<vmem>>, %arg16: memref<256x768xf32, #tpu.memory_space<vmem>>) attributes {dimension_semantics = [#tpu.dimension_semantics<arbitrary>], iteration_bounds = array<i64: 8>, scalar_prefetch = 0 : i64, scratch_operands = 0 : i64, tpu.core_type = #tpu.core_type<tc>, window_params = [{transform_indices = @transform_0, window_bounds = array<i64: 256, 768>}, {transform_indices = @transform_1, window_bounds = array<i64: 256, 768>}, {pipeline_mode = #tpu.pipeline_mode<synchronous>, transform_indices = @transform_2, window_bounds = array<i64: 768, 768>}, {pipeline_mode = #tpu.pipeline_mode<synchronous>, transform_indices = @transform_3, window_bounds = array<i64: 1, 768>}, {pipeline_mode = #tpu.pipeline_mode<synchronous>, transform_indices = @transform_4, window_bounds = array<i64: 1, 768>}, {pipeline_mode = #tpu.pipeline_mode<synchronous>, transform_indices = @transform_5, window_bounds = array<i64: 1, 768>}, {pipeline_mode = #tpu.pipeline_mode<synchronous>, transform_indices = @transform_6, window_bounds = array<i64: 768, 768>}, {pipeline_mode = #tpu.pipeline_mode<synchronous>, transform_indices = @transform_7, window_bounds = array<i64: 1, 768>}, {pipeline_mode = #tpu.pipeline_mode<synchronous>, transform_indices = @transform_8, window_bounds = array<i64: 768, 768>}, {pipeline_mode = #tpu.pipeline_mode<synchronous>, transform_indices = @transform_9, window_bounds = array<i64: 1, 768>}, {pipeline_mode = #tpu.pipeline_mode<synchronous>, transform_indices = @transform_10, window_bounds = array<i64: 768, 768>}, {pipeline_mode = #tpu.pipeline_mode<synchronous>, transform_indices = @transform_11, window_bounds = array<i64: 1, 768>}, {transform_indices = @transform_12, window_bounds = array<i64: 256, 768>}, {transform_indices = @transform_13, window_bounds = array<i64: 256, 768>}, {transform_indices = @transform_14, window_bounds = array<i64: 256, 768>}, {transform_indices = @transform_15, window_bounds = array<i64: 256, 768>}]} {
    %get3A = arith.constant 0 : index
    %get3A_0 = arith.constant 0 : index
    %get3A_1 = vector.load %arg1[%get3A, %get3A_0] : memref<256x768xf32, #tpu.memory_space<vmem>>, vector<256x768xf32>
    %get3A_2 = arith.constant 0 : index
    %get3A_3 = arith.constant 0 : index
    %get3A_4 = vector.load %arg2[%get3A_2, %get3A_3] : memref<256x768xf32, #tpu.memory_space<vmem>>, vector<256x768xf32>
    %add3A = arith.addf %get3A_1, %get3A_4 : vector<256x768xf32>
    %get3A_5 = arith.constant 0 : index
    %get3A_6 = arith.constant 0 : index
    %get3A_7 = vector.load %arg3[%get3A_5, %get3A_6] : memref<768x768xf32, #tpu.memory_space<vmem>>, vector<768x768xf32>
    %dot_general3A = arith.constant dense<0.000000e+00> : vector<256x768xf32>
    %dot_general3A_8 = tpu.matmul %add3A, %get3A_7, %dot_general3A {dimension_numbers = #tpu.dot_dimension_numbers<[1], [0], [0], [1], [0, 0, 1, 1], [], []>, transpose_lhs_hint = false} : vector<256x768xf32>, vector<768x768xf32>, vector<256x768xf32> -> vector<256x768xf32>
    %get3A_9 = arith.constant 0 : index
    %get3A_10 = arith.constant 0 : index
    %get3A_11 = vector.load %arg4[%get3A_9, %get3A_10] : memref<1x768xf32, #tpu.memory_space<vmem>>, vector<1x768xf32>
    %add3A_12 = vector.broadcast %get3A_11 : vector<1x768xf32> to vector<256x768xf32>
    %add3A_13 = arith.addf %dot_general3A_8, %add3A_12 : vector<256x768xf32>
    %swap3A = arith.constant 0 : index
    %swap3A_14 = arith.constant 0 : index
    %swap3A_15 = vector.load %arg13[%swap3A, %swap3A_14] : memref<256x768xf32, #tpu.memory_space<vmem>>, vector<256x768xf32>
    tpu.vector_store %arg13[%swap3A, %swap3A_14], %add3A_13 {strides = array<i32>} : memref<256x768xf32, #tpu.memory_space<vmem>>, vector<256x768xf32>,
    %get3A_16 = arith.constant 0 : index
    %get3A_17 = arith.constant 0 : index
    %get3A_18 = vector.load %arg5[%get3A_16, %get3A_17] : memref<1x768xf32, #tpu.memory_space<vmem>>, vector<1x768xf32>
    %get3A_19 = arith.constant 0 : index
    %get3A_20 = arith.constant 0 : index
    %get3A_21 = vector.load %arg6[%get3A_19, %get3A_20] : memref<1x768xf32, #tpu.memory_space<vmem>>, vector<1x768xf32>
    %reduce_sum3A = arith.constant dense<0.000000e+00> : vector<256xf32>
    %reduce_sum3A_22 = vector.multi_reduction <add>, %add3A_13, %reduce_sum3A [1] : vector<256x768xf32> to vector<256xf32>
    %broadcast_in_dim3A = vector.shape_cast %reduce_sum3A_22 : vector<256xf32> to vector<256x1xf32>
    %div3A = arith.constant 7.680000e+02 : f32
    %div3A_23 = vector.broadcast %div3A : f32 to vector<256x1xf32>
    %div3A_24 = arith.divf %broadcast_in_dim3A, %div3A_23 : vector<256x1xf32>
    %sub3A = vector.broadcast %div3A_24 : vector<256x1xf32> to vector<256x768xf32>
    %sub3A_25 = arith.subf %add3A_13, %sub3A : vector<256x768xf32>
    %sub3A_26 = vector.broadcast %div3A_24 : vector<256x1xf32> to vector<256x768xf32>
    %sub3A_27 = arith.subf %add3A_13, %sub3A_26 : vector<256x768xf32>
    %mul3A = arith.mulf %sub3A_25, %sub3A_27 : vector<256x768xf32>
    %reduce_sum3A_28 = arith.constant dense<0.000000e+00> : vector<256xf32>
    %reduce_sum3A_29 = vector.multi_reduction <add>, %mul3A, %reduce_sum3A_28 [1] : vector<256x768xf32> to vector<256xf32>
    %broadcast_in_dim3A_30 = vector.shape_cast %reduce_sum3A_29 : vector<256xf32> to vector<256x1xf32>
    %div3A_31 = arith.constant 7.680000e+02 : f32
    %div3A_32 = vector.broadcast %div3A_31 : f32 to vector<256x1xf32>
    %div3A_33 = arith.divf %broadcast_in_dim3A_30, %div3A_32 : vector<256x1xf32>
    %sub3A_34 = vector.broadcast %div3A_24 : vector<256x1xf32> to vector<256x768xf32>
    %sub3A_35 = arith.subf %add3A_13, %sub3A_34 : vector<256x768xf32>
    %add3A_36 = arith.constant 9.99999974E-6 : f32
    %add3A_37 = vector.broadcast %add3A_36 : f32 to vector<256x1xf32>
    %add3A_38 = arith.addf %div3A_33, %add3A_37 : vector<256x1xf32>
    %rsqrt3A = math.rsqrt %add3A_38 : vector<256x1xf32>
    %mul3A_39 = vector.broadcast %rsqrt3A : vector<256x1xf32> to vector<256x768xf32>
    %mul3A_40 = arith.mulf %sub3A_35, %mul3A_39 : vector<256x768xf32>
    %mul3A_41 = vector.broadcast %get3A_18 : vector<1x768xf32> to vector<256x768xf32>
    %mul3A_42 = arith.mulf %mul3A_40, %mul3A_41 : vector<256x768xf32>
    %add3A_43 = vector.broadcast %get3A_21 : vector<1x768xf32> to vector<256x768xf32>
    %add3A_44 = arith.addf %mul3A_42, %add3A_43 : vector<256x768xf32>
    %get3A_45 = arith.constant 0 : index
    %get3A_46 = arith.constant 0 : index
    %get3A_47 = vector.load %arg7[%get3A_45, %get3A_46] : memref<768x768xf32, #tpu.memory_space<vmem>>, vector<768x768xf32>
    %dot_general3A_48 = arith.constant dense<0.000000e+00> : vector<256x768xf32>
    %dot_general3A_49 = tpu.matmul %add3A_44, %get3A_47, %dot_general3A_48 {dimension_numbers = #tpu.dot_dimension_numbers<[1], [0], [0], [1], [0, 0, 1, 1], [], []>, transpose_lhs_hint = false} : vector<256x768xf32>, vector<768x768xf32>, vector<256x768xf32> -> vector<256x768xf32>
    %get3A_50 = arith.constant 0 : index
    %get3A_51 = arith.constant 0 : index
    %get3A_52 = vector.load %arg8[%get3A_50, %get3A_51] : memref<1x768xf32, #tpu.memory_space<vmem>>, vector<1x768xf32>
    %add3A_53 = vector.broadcast %get3A_52 : vector<1x768xf32> to vector<256x768xf32>
    %add3A_54 = arith.addf %dot_general3A_49, %add3A_53 : vector<256x768xf32>
    %mul3A_55 = arith.constant 1.250000e-01 : f32
    %mul3A_56 = vector.broadcast %mul3A_55 : f32 to vector<256x768xf32>
    %mul3A_57 = arith.mulf %add3A_54, %mul3A_56 : vector<256x768xf32>
    %swap3A_58 = arith.constant 0 : index
    %swap3A_59 = arith.constant 0 : index
    %swap3A_60 = vector.load %arg14[%swap3A_58, %swap3A_59] : memref<256x768xf32, #tpu.memory_space<vmem>>, vector<256x768xf32>
    tpu.vector_store %arg14[%swap3A_58, %swap3A_59], %mul3A_57 {strides = array<i32>} : memref<256x768xf32, #tpu.memory_space<vmem>>, vector<256x768xf32>,
    %get3A_61 = arith.constant 0 : index
    %get3A_62 = arith.constant 0 : index
    %get3A_63 = vector.load %arg9[%get3A_61, %get3A_62] : memref<768x768xf32, #tpu.memory_space<vmem>>, vector<768x768xf32>
    %dot_general3A_64 = arith.constant dense<0.000000e+00> : vector<256x768xf32>
    %dot_general3A_65 = tpu.matmul %add3A_44, %get3A_63, %dot_general3A_64 {dimension_numbers = #tpu.dot_dimension_numbers<[1], [0], [0], [1], [0, 0, 1, 1], [], []>, transpose_lhs_hint = false} : vector<256x768xf32>, vector<768x768xf32>, vector<256x768xf32> -> vector<256x768xf32>
    %get3A_66 = arith.constant 0 : index
    %get3A_67 = arith.constant 0 : index
    %get3A_68 = vector.load %arg10[%get3A_66, %get3A_67] : memref<1x768xf32, #tpu.memory_space<vmem>>, vector<1x768xf32>
    %add3A_69 = vector.broadcast %get3A_68 : vector<1x768xf32> to vector<256x768xf32>
    %add3A_70 = arith.addf %dot_general3A_65, %add3A_69 : vector<256x768xf32>
    %swap3A_71 = arith.constant 0 : index
    %swap3A_72 = arith.constant 0 : index
    %swap3A_73 = vector.load %arg15[%swap3A_71, %swap3A_72] : memref<256x768xf32, #tpu.memory_space<vmem>>, vector<256x768xf32>
    tpu.vector_store %arg15[%swap3A_71, %swap3A_72], %add3A_70 {strides = array<i32>} : memref<256x768xf32, #tpu.memory_space<vmem>>, vector<256x768xf32>,
    %get3A_74 = arith.constant 0 : index
    %get3A_75 = arith.constant 0 : index
    %get3A_76 = vector.load %arg11[%get3A_74, %get3A_75] : memref<768x768xf32, #tpu.memory_space<vmem>>, vector<768x768xf32>
    %dot_general3A_77 = arith.constant dense<0.000000e+00> : vector<256x768xf32>
    %dot_general3A_78 = tpu.matmul %add3A_44, %get3A_76, %dot_general3A_77 {dimension_numbers = #tpu.dot_dimension_numbers<[1], [0], [0], [1], [0, 0, 1, 1], [], []>, transpose_lhs_hint = false} : vector<256x768xf32>, vector<768x768xf32>, vector<256x768xf32> -> vector<256x768xf32>
    %get3A_79 = arith.constant 0 : index
    %get3A_80 = arith.constant 0 : index
    %get3A_81 = vector.load %arg12[%get3A_79, %get3A_80] : memref<1x768xf32, #tpu.memory_space<vmem>>, vector<1x768xf32>
    %add3A_82 = vector.broadcast %get3A_81 : vector<1x768xf32> to vector<256x768xf32>
    %add3A_83 = arith.addf %dot_general3A_78, %add3A_82 : vector<256x768xf32>
    %swap3A_84 = arith.constant 0 : index
    %swap3A_85 = arith.constant 0 : index
    %swap3A_86 = vector.load %arg16[%swap3A_84, %swap3A_85] : memref<256x768xf32, #tpu.memory_space<vmem>>, vector<256x768xf32>
    tpu.vector_store %arg16[%swap3A_84, %swap3A_85], %add3A_83 {strides = array<i32>} : memref<256x768xf32, #tpu.memory_space<vmem>>, vector<256x768xf32>,
    return
  }
  func.func @transform_0(%arg0: i32) -> (i32, i32) {
    %c0_i32 = arith.constant 0 : i32
    %c0_i32_0 = arith.constant 0 : i32
    return %arg0, %c0_i32 : i32, i32
  }
  func.func @transform_1(%arg0: i32) -> (i32, i32) {
    %c0_i32 = arith.constant 0 : i32
    %c0_i32_0 = arith.constant 0 : i32
    return %arg0, %c0_i32 : i32, i32
  }
  func.func @transform_2(%arg0: i32) -> (i32, i32) {
    %c0_i32 = arith.constant 0 : i32
    %c0_i32_0 = arith.constant 0 : i32
    %c0_i32_1 = arith.constant 0 : i32
    return %c0_i32, %c0_i32_0 : i32, i32
  }
  func.func @transform_3(%arg0: i32) -> (i32, i32) {
    %c0_i32 = arith.constant 0 : i32
    %c0_i32_0 = arith.constant 0 : i32
    %c0_i32_1 = arith.constant 0 : i32
    return %c0_i32, %c0_i32_0 : i32, i32
  }
  func.func @transform_4(%arg0: i32) -> (i32, i32) {
    %c0_i32 = arith.constant 0 : i32
    %c0_i32_0 = arith.constant 0 : i32
    %c0_i32_1 = arith.constant 0 : i32
    return %c0_i32, %c0_i32_0 : i32, i32
  }
  func.func @transform_5(%arg0: i32) -> (i32, i32) {
    %c0_i32 = arith.constant 0 : i32
    %c0_i32_0 = arith.constant 0 : i32
    %c0_i32_1 = arith.constant 0 : i32
    return %c0_i32, %c0_i32_0 : i32, i32
  }
  func.func @transform_6(%arg0: i32) -> (i32, i32) {
    %c0_i32 = arith.constant 0 : i32
    %c0_i32_0 = arith.constant 0 : i32
    %c0_i32_1 = arith.constant 0 : i32
    return %c0_i32, %c0_i32_0 : i32, i32
  }
  func.func @transform_7(%arg0: i32) -> (i32, i32) {
    %c0_i32 = arith.constant 0 : i32
    %c0_i32_0 = arith.constant 0 : i32
    %c0_i32_1 = arith.constant 0 : i32
    return %c0_i32, %c0_i32_0 : i32, i32
  }
  func.func @transform_8(%arg0: i32) -> (i32, i32) {
    %c0_i32 = arith.constant 0 : i32
    %c0_i32_0 = arith.constant 0 : i32
    %c0_i32_1 = arith.constant 0 : i32
    return %c0_i32, %c0_i32_0 : i32, i32
  }
  func.func @transform_9(%arg0: i32) -> (i32, i32) {
    %c0_i32 = arith.constant 0 : i32
    %c0_i32_0 = arith.constant 0 : i32
    %c0_i32_1 = arith.constant 0 : i32
    return %c0_i32, %c0_i32_0 : i32, i32
  }
  func.func @transform_10(%arg0: i32) -> (i32, i32) {
    %c0_i32 = arith.constant 0 : i32
    %c0_i32_0 = arith.constant 0 : i32
    %c0_i32_1 = arith.constant 0 : i32
    return %c0_i32, %c0_i32_0 : i32, i32
  }
  func.func @transform_11(%arg0: i32) -> (i32, i32) {
    %c0_i32 = arith.constant 0 : i32
    %c0_i32_0 = arith.constant 0 : i32
    %c0_i32_1 = arith.constant 0 : i32
    return %c0_i32, %c0_i32_0 : i32, i32
  }
  func.func @transform_12(%arg0: i32) -> (i32, i32) {
    %c0_i32 = arith.constant 0 : i32
    %c0_i32_0 = arith.constant 0 : i32
    return %arg0, %c0_i32 : i32, i32
  }
  func.func @transform_13(%arg0: i32) -> (i32, i32) {
    %c0_i32 = arith.constant 0 : i32
    %c0_i32_0 = arith.constant 0 : i32
    return %arg0, %c0_i32 : i32, i32
  }
  func.func @transform_14(%arg0: i32) -> (i32, i32) {
    %c0_i32 = arith.constant 0 : i32
    %c0_i32_0 = arith.constant 0 : i32
    return %arg0, %c0_i32 : i32, i32
  }
  func.func @transform_15(%arg0: i32) -> (i32, i32) {
    %c0_i32 = arith.constant 0 : i32
    %c0_i32_0 = arith.constant 0 : i32
    return %arg0, %c0_i32 : i32, i32
  }
}

module attributes {stable_mosaic.version = 14 : i64} {
  func.func @body(%arg0: i32, %arg1: memref<256x768xf32, #tpu.memory_space<vmem>>, %arg2: memref<256x768xf32, #tpu.memory_space<vmem>>, %arg3: memref<768x768xf32, #tpu.memory_space<vmem>>, %arg4: memref<1x768xf32, #tpu.memory_space<vmem>>, %arg5: memref<1x768xf32, #tpu.memory_space<vmem>>, %arg6: memref<1x768xf32, #tpu.memory_space<vmem>>, %arg7: memref<768x3072xf32, #tpu.memory_space<vmem>>, %arg8: memref<1x3072xf32, #tpu.memory_space<vmem>>, %arg9: memref<3072x768xf32, #tpu.memory_space<vmem>>, %arg10: memref<1x768xf32, #tpu.memory_space<vmem>>, %arg11: memref<1x768xf32, #tpu.memory_space<vmem>>, %arg12: memref<1x768xf32, #tpu.memory_space<vmem>>, %arg13: memref<768x768xf32, #tpu.memory_space<vmem>>, %arg14: memref<1x768xf32, #tpu.memory_space<vmem>>, %arg15: memref<768x768xf32, #tpu.memory_space<vmem>>, %arg16: memref<1x768xf32, #tpu.memory_space<vmem>>, %arg17: memref<768x768xf32, #tpu.memory_space<vmem>>, %arg18: memref<1x768xf32, #tpu.memory_space<vmem>>, %arg19: memref<256x768xf32, #tpu.memory_space<vmem>>, %arg20: memref<256x768xf32, #tpu.memory_space<vmem>>, %arg21: memref<256x768xf32, #tpu.memory_space<vmem>>, %arg22: memref<256x768xf32, #tpu.memory_space<vmem>>) attributes {dimension_semantics = [#tpu.dimension_semantics<arbitrary>], iteration_bounds = array<i64: 8>, scalar_prefetch = 0 : i64, scratch_operands = 0 : i64, tpu.core_type = #tpu.core_type<tc>, window_params = [{transform_indices = @transform_0, window_bounds = array<i64: 256, 768>}, {transform_indices = @transform_1, window_bounds = array<i64: 256, 768>}, {pipeline_mode = #tpu.pipeline_mode<synchronous>, transform_indices = @transform_2, window_bounds = array<i64: 768, 768>}, {pipeline_mode = #tpu.pipeline_mode<synchronous>, transform_indices = @transform_3, window_bounds = array<i64: 1, 768>}, {pipeline_mode = #tpu.pipeline_mode<synchronous>, transform_indices = @transform_4, window_bounds = array<i64: 1, 768>}, {pipeline_mode = #tpu.pipeline_mode<synchronous>, transform_indices = @transform_5, window_bounds = array<i64: 1, 768>}, {pipeline_mode = #tpu.pipeline_mode<synchronous>, transform_indices = @transform_6, window_bounds = array<i64: 768, 3072>}, {pipeline_mode = #tpu.pipeline_mode<synchronous>, transform_indices = @transform_7, window_bounds = array<i64: 1, 3072>}, {pipeline_mode = #tpu.pipeline_mode<synchronous>, transform_indices = @transform_8, window_bounds = array<i64: 3072, 768>}, {pipeline_mode = #tpu.pipeline_mode<synchronous>, transform_indices = @transform_9, window_bounds = array<i64: 1, 768>}, {pipeline_mode = #tpu.pipeline_mode<synchronous>, transform_indices = @transform_10, window_bounds = array<i64: 1, 768>}, {pipeline_mode = #tpu.pipeline_mode<synchronous>, transform_indices = @transform_11, window_bounds = array<i64: 1, 768>}, {pipeline_mode = #tpu.pipeline_mode<synchronous>, transform_indices = @transform_12, window_bounds = array<i64: 768, 768>}, {pipeline_mode = #tpu.pipeline_mode<synchronous>, transform_indices = @transform_13, window_bounds = array<i64: 1, 768>}, {pipeline_mode = #tpu.pipeline_mode<synchronous>, transform_indices = @transform_14, window_bounds = array<i64: 768, 768>}, {pipeline_mode = #tpu.pipeline_mode<synchronous>, transform_indices = @transform_15, window_bounds = array<i64: 1, 768>}, {pipeline_mode = #tpu.pipeline_mode<synchronous>, transform_indices = @transform_16, window_bounds = array<i64: 768, 768>}, {pipeline_mode = #tpu.pipeline_mode<synchronous>, transform_indices = @transform_17, window_bounds = array<i64: 1, 768>}, {transform_indices = @transform_18, window_bounds = array<i64: 256, 768>}, {transform_indices = @transform_19, window_bounds = array<i64: 256, 768>}, {transform_indices = @transform_20, window_bounds = array<i64: 256, 768>}, {transform_indices = @transform_21, window_bounds = array<i64: 256, 768>}]} {
    %get3A = arith.constant 0 : index
    %get3A_0 = arith.constant 0 : index
    %get3A_1 = vector.load %arg1[%get3A, %get3A_0] : memref<256x768xf32, #tpu.memory_space<vmem>>, vector<256x768xf32>
    %get3A_2 = arith.constant 0 : index
    %get3A_3 = arith.constant 0 : index
    %get3A_4 = vector.load %arg2[%get3A_2, %get3A_3] : memref<256x768xf32, #tpu.memory_space<vmem>>, vector<256x768xf32>
    %get3A_5 = arith.constant 0 : index
    %get3A_6 = arith.constant 0 : index
    %get3A_7 = vector.load %arg3[%get3A_5, %get3A_6] : memref<768x768xf32, #tpu.memory_space<vmem>>, vector<768x768xf32>
    %dot_general3A = arith.constant dense<0.000000e+00> : vector<256x768xf32>
    %dot_general3A_8 = tpu.matmul %get3A_4, %get3A_7, %dot_general3A {dimension_numbers = #tpu.dot_dimension_numbers<[1], [0], [0], [1], [0, 0, 1, 1], [], []>, transpose_lhs_hint = false} : vector<256x768xf32>, vector<768x768xf32>, vector<256x768xf32> -> vector<256x768xf32>
    %add3A = arith.addf %get3A_1, %dot_general3A_8 : vector<256x768xf32>
    %get3A_9 = arith.constant 0 : index
    %get3A_10 = arith.constant 0 : index
    %get3A_11 = vector.load %arg4[%get3A_9, %get3A_10] : memref<1x768xf32, #tpu.memory_space<vmem>>, vector<1x768xf32>
    %add3A_12 = vector.broadcast %get3A_11 : vector<1x768xf32> to vector<256x768xf32>
    %add3A_13 = arith.addf %add3A, %add3A_12 : vector<256x768xf32>
    %get3A_14 = arith.constant 0 : index
    %get3A_15 = arith.constant 0 : index
    %get3A_16 = vector.load %arg5[%get3A_14, %get3A_15] : memref<1x768xf32, #tpu.memory_space<vmem>>, vector<1x768xf32>
    %get3A_17 = arith.constant 0 : index
    %get3A_18 = arith.constant 0 : index
    %get3A_19 = vector.load %arg6[%get3A_17, %get3A_18] : memref<1x768xf32, #tpu.memory_space<vmem>>, vector<1x768xf32>
    %reduce_sum3A = arith.constant dense<0.000000e+00> : vector<256xf32>
    %reduce_sum3A_20 = vector.multi_reduction <add>, %add3A_13, %reduce_sum3A [1] : vector<256x768xf32> to vector<256xf32>
    %broadcast_in_dim3A = vector.shape_cast %reduce_sum3A_20 : vector<256xf32> to vector<256x1xf32>
    %div3A = arith.constant 7.680000e+02 : f32
    %div3A_21 = vector.broadcast %div3A : f32 to vector<256x1xf32>
    %div3A_22 = arith.divf %broadcast_in_dim3A, %div3A_21 : vector<256x1xf32>
    %sub3A = vector.broadcast %div3A_22 : vector<256x1xf32> to vector<256x768xf32>
    %sub3A_23 = arith.subf %add3A_13, %sub3A : vector<256x768xf32>
    %sub3A_24 = vector.broadcast %div3A_22 : vector<256x1xf32> to vector<256x768xf32>
    %sub3A_25 = arith.subf %add3A_13, %sub3A_24 : vector<256x768xf32>
    %mul3A = arith.mulf %sub3A_23, %sub3A_25 : vector<256x768xf32>
    %reduce_sum3A_26 = arith.constant dense<0.000000e+00> : vector<256xf32>
    %reduce_sum3A_27 = vector.multi_reduction <add>, %mul3A, %reduce_sum3A_26 [1] : vector<256x768xf32> to vector<256xf32>
    %broadcast_in_dim3A_28 = vector.shape_cast %reduce_sum3A_27 : vector<256xf32> to vector<256x1xf32>
    %div3A_29 = arith.constant 7.680000e+02 : f32
    %div3A_30 = vector.broadcast %div3A_29 : f32 to vector<256x1xf32>
    %div3A_31 = arith.divf %broadcast_in_dim3A_28, %div3A_30 : vector<256x1xf32>
    %sub3A_32 = vector.broadcast %div3A_22 : vector<256x1xf32> to vector<256x768xf32>
    %sub3A_33 = arith.subf %add3A_13, %sub3A_32 : vector<256x768xf32>
    %add3A_34 = arith.constant 9.99999974E-6 : f32
    %add3A_35 = vector.broadcast %add3A_34 : f32 to vector<256x1xf32>
    %add3A_36 = arith.addf %div3A_31, %add3A_35 : vector<256x1xf32>
    %rsqrt3A = math.rsqrt %add3A_36 : vector<256x1xf32>
    %mul3A_37 = vector.broadcast %rsqrt3A : vector<256x1xf32> to vector<256x768xf32>
    %mul3A_38 = arith.mulf %sub3A_33, %mul3A_37 : vector<256x768xf32>
    %mul3A_39 = vector.broadcast %get3A_16 : vector<1x768xf32> to vector<256x768xf32>
    %mul3A_40 = arith.mulf %mul3A_38, %mul3A_39 : vector<256x768xf32>
    %add3A_41 = vector.broadcast %get3A_19 : vector<1x768xf32> to vector<256x768xf32>
    %add3A_42 = arith.addf %mul3A_40, %add3A_41 : vector<256x768xf32>
    %get3A_43 = arith.constant 0 : index
    %get3A_44 = arith.constant 0 : index
    %get3A_45 = vector.load %arg7[%get3A_43, %get3A_44] : memref<768x3072xf32, #tpu.memory_space<vmem>>, vector<768x3072xf32>
    %dot_general3A_46 = arith.constant dense<0.000000e+00> : vector<256x3072xf32>
    %dot_general3A_47 = tpu.matmul %add3A_42, %get3A_45, %dot_general3A_46 {dimension_numbers = #tpu.dot_dimension_numbers<[1], [0], [0], [1], [0, 0, 1, 1], [], []>, transpose_lhs_hint = false} : vector<256x768xf32>, vector<768x3072xf32>, vector<256x3072xf32> -> vector<256x3072xf32>
    %get3A_48 = arith.constant 0 : index
    %get3A_49 = arith.constant 0 : index
    %get3A_50 = vector.load %arg8[%get3A_48, %get3A_49] : memref<1x3072xf32, #tpu.memory_space<vmem>>, vector<1x3072xf32>
    %add3A_51 = vector.broadcast %get3A_50 : vector<1x3072xf32> to vector<256x3072xf32>
    %add3A_52 = arith.addf %dot_general3A_47, %add3A_51 : vector<256x3072xf32>
    %mul3A_53 = arith.constant 5.000000e-01 : f32
    %mul3A_54 = vector.broadcast %mul3A_53 : f32 to vector<256x3072xf32>
    %mul3A_55 = arith.mulf %mul3A_54, %add3A_52 : vector<256x3072xf32>
    %mul3A_56 = arith.constant 0.707106769 : f32
    %mul3A_57 = vector.broadcast %mul3A_56 : f32 to vector<256x3072xf32>
    %mul3A_58 = arith.mulf %add3A_52, %mul3A_57 : vector<256x3072xf32>
    %erf3A = math.erf %mul3A_58 : vector<256x3072xf32>
    %add3A_59 = arith.constant 1.000000e+00 : f32
    %add3A_60 = vector.broadcast %add3A_59 : f32 to vector<256x3072xf32>
    %add3A_61 = arith.addf %add3A_60, %erf3A : vector<256x3072xf32>
    %mul3A_62 = arith.mulf %mul3A_55, %add3A_61 : vector<256x3072xf32>
    %get3A_63 = arith.constant 0 : index
    %get3A_64 = arith.constant 0 : index
    %get3A_65 = vector.load %arg9[%get3A_63, %get3A_64] : memref<3072x768xf32, #tpu.memory_space<vmem>>, vector<3072x768xf32>
    %dot_general3A_66 = arith.constant dense<0.000000e+00> : vector<256x768xf32>
    %dot_general3A_67 = tpu.matmul %mul3A_62, %get3A_65, %dot_general3A_66 {dimension_numbers = #tpu.dot_dimension_numbers<[1], [0], [0], [1], [0, 0, 1, 1], [], []>, transpose_lhs_hint = false} : vector<256x3072xf32>, vector<3072x768xf32>, vector<256x768xf32> -> vector<256x768xf32>
    %add3A_68 = arith.addf %add3A_13, %dot_general3A_67 : vector<256x768xf32>
    %get3A_69 = arith.constant 0 : index
    %get3A_70 = arith.constant 0 : index
    %get3A_71 = vector.load %arg10[%get3A_69, %get3A_70] : memref<1x768xf32, #tpu.memory_space<vmem>>, vector<1x768xf32>
    %add3A_72 = vector.broadcast %get3A_71 : vector<1x768xf32> to vector<256x768xf32>
    %add3A_73 = arith.addf %add3A_68, %add3A_72 : vector<256x768xf32>
    %swap3A = arith.constant 0 : index
    %swap3A_74 = arith.constant 0 : index
    %swap3A_75 = vector.load %arg19[%swap3A, %swap3A_74] : memref<256x768xf32, #tpu.memory_space<vmem>>, vector<256x768xf32>
    tpu.vector_store %arg19[%swap3A, %swap3A_74], %add3A_73 {strides = array<i32>} : memref<256x768xf32, #tpu.memory_space<vmem>>, vector<256x768xf32>,
    %get3A_76 = arith.constant 0 : index
    %get3A_77 = arith.constant 0 : index
    %get3A_78 = vector.load %arg11[%get3A_76, %get3A_77] : memref<1x768xf32, #tpu.memory_space<vmem>>, vector<1x768xf32>
    %get3A_79 = arith.constant 0 : index
    %get3A_80 = arith.constant 0 : index
    %get3A_81 = vector.load %arg12[%get3A_79, %get3A_80] : memref<1x768xf32, #tpu.memory_space<vmem>>, vector<1x768xf32>
    %reduce_sum3A_82 = arith.constant dense<0.000000e+00> : vector<256xf32>
    %reduce_sum3A_83 = vector.multi_reduction <add>, %add3A_73, %reduce_sum3A_82 [1] : vector<256x768xf32> to vector<256xf32>
    %broadcast_in_dim3A_84 = vector.shape_cast %reduce_sum3A_83 : vector<256xf32> to vector<256x1xf32>
    %div3A_85 = arith.constant 7.680000e+02 : f32
    %div3A_86 = vector.broadcast %div3A_85 : f32 to vector<256x1xf32>
    %div3A_87 = arith.divf %broadcast_in_dim3A_84, %div3A_86 : vector<256x1xf32>
    %sub3A_88 = vector.broadcast %div3A_87 : vector<256x1xf32> to vector<256x768xf32>
    %sub3A_89 = arith.subf %add3A_73, %sub3A_88 : vector<256x768xf32>
    %sub3A_90 = vector.broadcast %div3A_87 : vector<256x1xf32> to vector<256x768xf32>
    %sub3A_91 = arith.subf %add3A_73, %sub3A_90 : vector<256x768xf32>
    %mul3A_92 = arith.mulf %sub3A_89, %sub3A_91 : vector<256x768xf32>
    %reduce_sum3A_93 = arith.constant dense<0.000000e+00> : vector<256xf32>
    %reduce_sum3A_94 = vector.multi_reduction <add>, %mul3A_92, %reduce_sum3A_93 [1] : vector<256x768xf32> to vector<256xf32>
    %broadcast_in_dim3A_95 = vector.shape_cast %reduce_sum3A_94 : vector<256xf32> to vector<256x1xf32>
    %div3A_96 = arith.constant 7.680000e+02 : f32
    %div3A_97 = vector.broadcast %div3A_96 : f32 to vector<256x1xf32>
    %div3A_98 = arith.divf %broadcast_in_dim3A_95, %div3A_97 : vector<256x1xf32>
    %sub3A_99 = vector.broadcast %div3A_87 : vector<256x1xf32> to vector<256x768xf32>
    %sub3A_100 = arith.subf %add3A_73, %sub3A_99 : vector<256x768xf32>
    %add3A_101 = arith.constant 9.99999974E-6 : f32
    %add3A_102 = vector.broadcast %add3A_101 : f32 to vector<256x1xf32>
    %add3A_103 = arith.addf %div3A_98, %add3A_102 : vector<256x1xf32>
    %rsqrt3A_104 = math.rsqrt %add3A_103 : vector<256x1xf32>
    %mul3A_105 = vector.broadcast %rsqrt3A_104 : vector<256x1xf32> to vector<256x768xf32>
    %mul3A_106 = arith.mulf %sub3A_100, %mul3A_105 : vector<256x768xf32>
    %mul3A_107 = vector.broadcast %get3A_78 : vector<1x768xf32> to vector<256x768xf32>
    %mul3A_108 = arith.mulf %mul3A_106, %mul3A_107 : vector<256x768xf32>
    %add3A_109 = vector.broadcast %get3A_81 : vector<1x768xf32> to vector<256x768xf32>
    %add3A_110 = arith.addf %mul3A_108, %add3A_109 : vector<256x768xf32>
    %get3A_111 = arith.constant 0 : index
    %get3A_112 = arith.constant 0 : index
    %get3A_113 = vector.load %arg13[%get3A_111, %get3A_112] : memref<768x768xf32, #tpu.memory_space<vmem>>, vector<768x768xf32>
    %dot_general3A_114 = arith.constant dense<0.000000e+00> : vector<256x768xf32>
    %dot_general3A_115 = tpu.matmul %add3A_110, %get3A_113, %dot_general3A_114 {dimension_numbers = #tpu.dot_dimension_numbers<[1], [0], [0], [1], [0, 0, 1, 1], [], []>, transpose_lhs_hint = false} : vector<256x768xf32>, vector<768x768xf32>, vector<256x768xf32> -> vector<256x768xf32>
    %get3A_116 = arith.constant 0 : index
    %get3A_117 = arith.constant 0 : index
    %get3A_118 = vector.load %arg14[%get3A_116, %get3A_117] : memref<1x768xf32, #tpu.memory_space<vmem>>, vector<1x768xf32>
    %add3A_119 = vector.broadcast %get3A_118 : vector<1x768xf32> to vector<256x768xf32>
    %add3A_120 = arith.addf %dot_general3A_115, %add3A_119 : vector<256x768xf32>
    %mul3A_121 = arith.constant 1.250000e-01 : f32
    %mul3A_122 = vector.broadcast %mul3A_121 : f32 to vector<256x768xf32>
    %mul3A_123 = arith.mulf %add3A_120, %mul3A_122 : vector<256x768xf32>
    %swap3A_124 = arith.constant 0 : index
    %swap3A_125 = arith.constant 0 : index
    %swap3A_126 = vector.load %arg20[%swap3A_124, %swap3A_125] : memref<256x768xf32, #tpu.memory_space<vmem>>, vector<256x768xf32>
    tpu.vector_store %arg20[%swap3A_124, %swap3A_125], %mul3A_123 {strides = array<i32>} : memref<256x768xf32, #tpu.memory_space<vmem>>, vector<256x768xf32>,
    %get3A_127 = arith.constant 0 : index
    %get3A_128 = arith.constant 0 : index
    %get3A_129 = vector.load %arg15[%get3A_127, %get3A_128] : memref<768x768xf32, #tpu.memory_space<vmem>>, vector<768x768xf32>
    %dot_general3A_130 = arith.constant dense<0.000000e+00> : vector<256x768xf32>
    %dot_general3A_131 = tpu.matmul %add3A_110, %get3A_129, %dot_general3A_130 {dimension_numbers = #tpu.dot_dimension_numbers<[1], [0], [0], [1], [0, 0, 1, 1], [], []>, transpose_lhs_hint = false} : vector<256x768xf32>, vector<768x768xf32>, vector<256x768xf32> -> vector<256x768xf32>
    %get3A_132 = arith.constant 0 : index
    %get3A_133 = arith.constant 0 : index
    %get3A_134 = vector.load %arg16[%get3A_132, %get3A_133] : memref<1x768xf32, #tpu.memory_space<vmem>>, vector<1x768xf32>
    %add3A_135 = vector.broadcast %get3A_134 : vector<1x768xf32> to vector<256x768xf32>
    %add3A_136 = arith.addf %dot_general3A_131, %add3A_135 : vector<256x768xf32>
    %swap3A_137 = arith.constant 0 : index
    %swap3A_138 = arith.constant 0 : index
    %swap3A_139 = vector.load %arg21[%swap3A_137, %swap3A_138] : memref<256x768xf32, #tpu.memory_space<vmem>>, vector<256x768xf32>
    tpu.vector_store %arg21[%swap3A_137, %swap3A_138], %add3A_136 {strides = array<i32>} : memref<256x768xf32, #tpu.memory_space<vmem>>, vector<256x768xf32>,
    %get3A_140 = arith.constant 0 : index
    %get3A_141 = arith.constant 0 : index
    %get3A_142 = vector.load %arg17[%get3A_140, %get3A_141] : memref<768x768xf32, #tpu.memory_space<vmem>>, vector<768x768xf32>
    %dot_general3A_143 = arith.constant dense<0.000000e+00> : vector<256x768xf32>
    %dot_general3A_144 = tpu.matmul %add3A_110, %get3A_142, %dot_general3A_143 {dimension_numbers = #tpu.dot_dimension_numbers<[1], [0], [0], [1], [0, 0, 1, 1], [], []>, transpose_lhs_hint = false} : vector<256x768xf32>, vector<768x768xf32>, vector<256x768xf32> -> vector<256x768xf32>
    %get3A_145 = arith.constant 0 : index
    %get3A_146 = arith.constant 0 : index
    %get3A_147 = vector.load %arg18[%get3A_145, %get3A_146] : memref<1x768xf32, #tpu.memory_space<vmem>>, vector<1x768xf32>
    %add3A_148 = vector.broadcast %get3A_147 : vector<1x768xf32> to vector<256x768xf32>
    %add3A_149 = arith.addf %dot_general3A_144, %add3A_148 : vector<256x768xf32>
    %swap3A_150 = arith.constant 0 : index
    %swap3A_151 = arith.constant 0 : index
    %swap3A_152 = vector.load %arg22[%swap3A_150, %swap3A_151] : memref<256x768xf32, #tpu.memory_space<vmem>>, vector<256x768xf32>
    tpu.vector_store %arg22[%swap3A_150, %swap3A_151], %add3A_149 {strides = array<i32>} : memref<256x768xf32, #tpu.memory_space<vmem>>, vector<256x768xf32>,
    return
  }
  func.func @transform_0(%arg0: i32) -> (i32, i32) {
    %c0_i32 = arith.constant 0 : i32
    %c0_i32_0 = arith.constant 0 : i32
    return %arg0, %c0_i32 : i32, i32
  }
  func.func @transform_1(%arg0: i32) -> (i32, i32) {
    %c0_i32 = arith.constant 0 : i32
    %c0_i32_0 = arith.constant 0 : i32
    return %arg0, %c0_i32 : i32, i32
  }
  func.func @transform_2(%arg0: i32) -> (i32, i32) {
    %c0_i32 = arith.constant 0 : i32
    %c0_i32_0 = arith.constant 0 : i32
    %c0_i32_1 = arith.constant 0 : i32
    return %c0_i32, %c0_i32_0 : i32, i32
  }
  func.func @transform_3(%arg0: i32) -> (i32, i32) {
    %c0_i32 = arith.constant 0 : i32
    %c0_i32_0 = arith.constant 0 : i32
    %c0_i32_1 = arith.constant 0 : i32
    return %c0_i32, %c0_i32_0 : i32, i32
  }
  func.func @transform_4(%arg0: i32) -> (i32, i32) {
    %c0_i32 = arith.constant 0 : i32
    %c0_i32_0 = arith.constant 0 : i32
    %c0_i32_1 = arith.constant 0 : i32
    return %c0_i32, %c0_i32_0 : i32, i32
  }
  func.func @transform_5(%arg0: i32) -> (i32, i32) {
    %c0_i32 = arith.constant 0 : i32
    %c0_i32_0 = arith.constant 0 : i32
    %c0_i32_1 = arith.constant 0 : i32
    return %c0_i32, %c0_i32_0 : i32, i32
  }
  func.func @transform_6(%arg0: i32) -> (i32, i32) {
    %c0_i32 = arith.constant 0 : i32
    %c0_i32_0 = arith.constant 0 : i32
    %c0_i32_1 = arith.constant 0 : i32
    return %c0_i32, %c0_i32_0 : i32, i32
  }
  func.func @transform_7(%arg0: i32) -> (i32, i32) {
    %c0_i32 = arith.constant 0 : i32
    %c0_i32_0 = arith.constant 0 : i32
    %c0_i32_1 = arith.constant 0 : i32
    return %c0_i32, %c0_i32_0 : i32, i32
  }
  func.func @transform_8(%arg0: i32) -> (i32, i32) {
    %c0_i32 = arith.constant 0 : i32
    %c0_i32_0 = arith.constant 0 : i32
    %c0_i32_1 = arith.constant 0 : i32
    return %c0_i32, %c0_i32_0 : i32, i32
  }
  func.func @transform_9(%arg0: i32) -> (i32, i32) {
    %c0_i32 = arith.constant 0 : i32
    %c0_i32_0 = arith.constant 0 : i32
    %c0_i32_1 = arith.constant 0 : i32
    return %c0_i32, %c0_i32_0 : i32, i32
  }
  func.func @transform_10(%arg0: i32) -> (i32, i32) {
    %c0_i32 = arith.constant 0 : i32
    %c0_i32_0 = arith.constant 0 : i32
    %c0_i32_1 = arith.constant 0 : i32
    return %c0_i32, %c0_i32_0 : i32, i32
  }
  func.func @transform_11(%arg0: i32) -> (i32, i32) {
    %c0_i32 = arith.constant 0 : i32
    %c0_i32_0 = arith.constant 0 : i32
    %c0_i32_1 = arith.constant 0 : i32
    return %c0_i32, %c0_i32_0 : i32, i32
  }
  func.func @transform_12(%arg0: i32) -> (i32, i32) {
    %c0_i32 = arith.constant 0 : i32
    %c0_i32_0 = arith.constant 0 : i32
    %c0_i32_1 = arith.constant 0 : i32
    return %c0_i32, %c0_i32_0 : i32, i32
  }
  func.func @transform_13(%arg0: i32) -> (i32, i32) {
    %c0_i32 = arith.constant 0 : i32
    %c0_i32_0 = arith.constant 0 : i32
    %c0_i32_1 = arith.constant 0 : i32
    return %c0_i32, %c0_i32_0 : i32, i32
  }
  func.func @transform_14(%arg0: i32) -> (i32, i32) {
    %c0_i32 = arith.constant 0 : i32
    %c0_i32_0 = arith.constant 0 : i32
    %c0_i32_1 = arith.constant 0 : i32
    return %c0_i32, %c0_i32_0 : i32, i32
  }
  func.func @transform_15(%arg0: i32) -> (i32, i32) {
    %c0_i32 = arith.constant 0 : i32
    %c0_i32_0 = arith.constant 0 : i32
    %c0_i32_1 = arith.constant 0 : i32
    return %c0_i32, %c0_i32_0 : i32, i32
  }
  func.func @transform_16(%arg0: i32) -> (i32, i32) {
    %c0_i32 = arith.constant 0 : i32
    %c0_i32_0 = arith.constant 0 : i32
    %c0_i32_1 = arith.constant 0 : i32
    return %c0_i32, %c0_i32_0 : i32, i32
  }
  func.func @transform_17(%arg0: i32) -> (i32, i32) {
    %c0_i32 = arith.constant 0 : i32
    %c0_i32_0 = arith.constant 0 : i32
    %c0_i32_1 = arith.constant 0 : i32
    return %c0_i32, %c0_i32_0 : i32, i32
  }
  func.func @transform_18(%arg0: i32) -> (i32, i32) {
    %c0_i32 = arith.constant 0 : i32
    %c0_i32_0 = arith.constant 0 : i32
    return %arg0, %c0_i32 : i32, i32
  }
  func.func @transform_19(%arg0: i32) -> (i32, i32) {
    %c0_i32 = arith.constant 0 : i32
    %c0_i32_0 = arith.constant 0 : i32
    return %arg0, %c0_i32 : i32, i32
  }
  func.func @transform_20(%arg0: i32) -> (i32, i32) {
    %c0_i32 = arith.constant 0 : i32
    %c0_i32_0 = arith.constant 0 : i32
    return %arg0, %c0_i32 : i32, i32
  }
  func.func @transform_21(%arg0: i32) -> (i32, i32) {
    %c0_i32 = arith.constant 0 : i32
    %c0_i32_0 = arith.constant 0 : i32
    return %arg0, %c0_i32 : i32, i32
  }
}

module attributes {stable_mosaic.version = 14 : i64} {
  func.func @body(%arg0: i32, %arg1: memref<256x768xf32, #tpu.memory_space<vmem>>, %arg2: memref<2048x768xf32, #tpu.memory_space<vmem>>, %arg3: memref<1x2048xf32, #tpu.memory_space<vmem>>) attributes {dimension_semantics = [#tpu.dimension_semantics<arbitrary>], iteration_bounds = array<i64: 8>, scalar_prefetch = 0 : i64, scratch_operands = 0 : i64, tpu.core_type = #tpu.core_type<tc>, window_params = [{transform_indices = @transform_0, window_bounds = array<i64: 256, 768>}, {pipeline_mode = #tpu.pipeline_mode<synchronous>, transform_indices = @transform_1, window_bounds = array<i64: 2048, 768>}, {pipeline_mode = #tpu.pipeline_mode<synchronous>, transform_indices = @transform_2, window_bounds = array<i64: 1, 2048>}]} {
    %eq3A = arith.constant 0 : i32
    %eq3A_0 = arith.cmpi eq, %arg0, %eq3A : i32
    %convert_element_type3A = arith.extui %eq3A_0 : i1 to i32
    %cond3A = arith.constant 0 : i32
    %cond3A_1 = arith.cmpi ne, %convert_element_type3A, %cond3A : i32
    scf.if %cond3A_1 {
      %broadcast_in_dim3A_160 = arith.constant 0.000000e+00 : f32
      %broadcast_in_dim3A_161 = vector.broadcast %broadcast_in_dim3A_160 : f32 to vector<1x2048xf32>
      %swap3A_162 = arith.constant 0 : index
      %swap3A_163 = arith.constant 0 : index
      %swap3A_164 = vector.load %arg3[%swap3A_162, %swap3A_163] : memref<1x2048xf32, #tpu.memory_space<vmem>>, vector<1x2048xf32>
      tpu.vector_store %arg3[%swap3A_162, %swap3A_163], %broadcast_in_dim3A_161 {strides = array<i32>} : memref<1x2048xf32, #tpu.memory_space<vmem>>, vector<1x2048xf32>,
    } else {
    }
    %broadcast_in_dim3A = arith.constant 0.000000e+00 : f32
    %broadcast_in_dim3A_2 = vector.broadcast %broadcast_in_dim3A : f32 to vector<1x2048xf32>
    %get3A = arith.constant 0 : index
    %get3A_3 = arith.constant 0 : index
    %get3A_4 = vector.load %arg1[%get3A, %get3A_3] : memref<256x768xf32, #tpu.memory_space<vmem>>, vector<256x64xf32>
    %get3A_5 = arith.constant 0 : index
    %get3A_6 = arith.constant 0 : index
    %get3A_7 = vector.load %arg2[%get3A_5, %get3A_6] : memref<2048x768xf32, #tpu.memory_space<vmem>>, vector<2048x64xf32>
    %dot_general3A = arith.constant dense<0.000000e+00> : vector<256x2048xf32>
    %dot_general3A_8 = tpu.matmul %get3A_4, %get3A_7, %dot_general3A {dimension_numbers = #tpu.dot_dimension_numbers<[1], [1], [0], [0], [0, 0, 1, 0], [], []>, transpose_lhs_hint = false} : vector<256x64xf32>, vector<2048x64xf32>, vector<256x2048xf32> -> vector<256x2048xf32>
    %abs3A = math.absf %dot_general3A_8 : vector<256x2048xf32>
    %reduce_sum3A = arith.constant dense<0.000000e+00> : vector<2048xf32>
    %reduce_sum3A_9 = vector.multi_reduction <add>, %abs3A, %reduce_sum3A [0] : vector<256x2048xf32> to vector<2048xf32>
    %broadcast_in_dim3A_10 = vector.shape_cast %reduce_sum3A_9 : vector<2048xf32> to vector<1x2048xf32>
    %add3A = arith.addf %broadcast_in_dim3A_2, %broadcast_in_dim3A_10 : vector<1x2048xf32>
    %get3A_11 = arith.constant 0 : index
    %get3A_12 = arith.constant 64 : index
    %get3A_13 = vector.load %arg1[%get3A_11, %get3A_12] : memref<256x768xf32, #tpu.memory_space<vmem>>, vector<256x64xf32>
    %get3A_14 = arith.constant 0 : index
    %get3A_15 = arith.constant 64 : index
    %get3A_16 = vector.load %arg2[%get3A_14, %get3A_15] : memref<2048x768xf32, #tpu.memory_space<vmem>>, vector<2048x64xf32>
    %dot_general3A_17 = arith.constant dense<0.000000e+00> : vector<256x2048xf32>
    %dot_general3A_18 = tpu.matmul %get3A_13, %get3A_16, %dot_general3A_17 {dimension_numbers = #tpu.dot_dimension_numbers<[1], [1], [0], [0], [0, 0, 1, 0], [], []>, transpose_lhs_hint = false} : vector<256x64xf32>, vector<2048x64xf32>, vector<256x2048xf32> -> vector<256x2048xf32>
    %abs3A_19 = math.absf %dot_general3A_18 : vector<256x2048xf32>
    %reduce_sum3A_20 = arith.constant dense<0.000000e+00> : vector<2048xf32>
    %reduce_sum3A_21 = vector.multi_reduction <add>, %abs3A_19, %reduce_sum3A_20 [0] : vector<256x2048xf32> to vector<2048xf32>
    %broadcast_in_dim3A_22 = vector.shape_cast %reduce_sum3A_21 : vector<2048xf32> to vector<1x2048xf32>
    %add3A_23 = arith.addf %add3A, %broadcast_in_dim3A_22 : vector<1x2048xf32>
    %get3A_24 = arith.constant 0 : index
    %get3A_25 = arith.constant 128 : index
    %get3A_26 = vector.load %arg1[%get3A_24, %get3A_25] : memref<256x768xf32, #tpu.memory_space<vmem>>, vector<256x64xf32>
    %get3A_27 = arith.constant 0 : index
    %get3A_28 = arith.constant 128 : index
    %get3A_29 = vector.load %arg2[%get3A_27, %get3A_28] : memref<2048x768xf32, #tpu.memory_space<vmem>>, vector<2048x64xf32>
    %dot_general3A_30 = arith.constant dense<0.000000e+00> : vector<256x2048xf32>
    %dot_general3A_31 = tpu.matmul %get3A_26, %get3A_29, %dot_general3A_30 {dimension_numbers = #tpu.dot_dimension_numbers<[1], [1], [0], [0], [0, 0, 1, 0], [], []>, transpose_lhs_hint = false} : vector<256x64xf32>, vector<2048x64xf32>, vector<256x2048xf32> -> vector<256x2048xf32>
    %abs3A_32 = math.absf %dot_general3A_31 : vector<256x2048xf32>
    %reduce_sum3A_33 = arith.constant dense<0.000000e+00> : vector<2048xf32>
    %reduce_sum3A_34 = vector.multi_reduction <add>, %abs3A_32, %reduce_sum3A_33 [0] : vector<256x2048xf32> to vector<2048xf32>
    %broadcast_in_dim3A_35 = vector.shape_cast %reduce_sum3A_34 : vector<2048xf32> to vector<1x2048xf32>
    %add3A_36 = arith.addf %add3A_23, %broadcast_in_dim3A_35 : vector<1x2048xf32>
    %get3A_37 = arith.constant 0 : index
    %get3A_38 = arith.constant 192 : index
    %get3A_39 = vector.load %arg1[%get3A_37, %get3A_38] : memref<256x768xf32, #tpu.memory_space<vmem>>, vector<256x64xf32>
    %get3A_40 = arith.constant 0 : index
    %get3A_41 = arith.constant 192 : index
    %get3A_42 = vector.load %arg2[%get3A_40, %get3A_41] : memref<2048x768xf32, #tpu.memory_space<vmem>>, vector<2048x64xf32>
    %dot_general3A_43 = arith.constant dense<0.000000e+00> : vector<256x2048xf32>
    %dot_general3A_44 = tpu.matmul %get3A_39, %get3A_42, %dot_general3A_43 {dimension_numbers = #tpu.dot_dimension_numbers<[1], [1], [0], [0], [0, 0, 1, 0], [], []>, transpose_lhs_hint = false} : vector<256x64xf32>, vector<2048x64xf32>, vector<256x2048xf32> -> vector<256x2048xf32>
    %abs3A_45 = math.absf %dot_general3A_44 : vector<256x2048xf32>
    %reduce_sum3A_46 = arith.constant dense<0.000000e+00> : vector<2048xf32>
    %reduce_sum3A_47 = vector.multi_reduction <add>, %abs3A_45, %reduce_sum3A_46 [0] : vector<256x2048xf32> to vector<2048xf32>
    %broadcast_in_dim3A_48 = vector.shape_cast %reduce_sum3A_47 : vector<2048xf32> to vector<1x2048xf32>
    %add3A_49 = arith.addf %add3A_36, %broadcast_in_dim3A_48 : vector<1x2048xf32>
    %get3A_50 = arith.constant 0 : index
    %get3A_51 = arith.constant 256 : index
    %get3A_52 = vector.load %arg1[%get3A_50, %get3A_51] : memref<256x768xf32, #tpu.memory_space<vmem>>, vector<256x64xf32>
    %get3A_53 = arith.constant 0 : index
    %get3A_54 = arith.constant 256 : index
    %get3A_55 = vector.load %arg2[%get3A_53, %get3A_54] : memref<2048x768xf32, #tpu.memory_space<vmem>>, vector<2048x64xf32>
    %dot_general3A_56 = arith.constant dense<0.000000e+00> : vector<256x2048xf32>
    %dot_general3A_57 = tpu.matmul %get3A_52, %get3A_55, %dot_general3A_56 {dimension_numbers = #tpu.dot_dimension_numbers<[1], [1], [0], [0], [0, 0, 1, 0], [], []>, transpose_lhs_hint = false} : vector<256x64xf32>, vector<2048x64xf32>, vector<256x2048xf32> -> vector<256x2048xf32>
    %abs3A_58 = math.absf %dot_general3A_57 : vector<256x2048xf32>
    %reduce_sum3A_59 = arith.constant dense<0.000000e+00> : vector<2048xf32>
    %reduce_sum3A_60 = vector.multi_reduction <add>, %abs3A_58, %reduce_sum3A_59 [0] : vector<256x2048xf32> to vector<2048xf32>
    %broadcast_in_dim3A_61 = vector.shape_cast %reduce_sum3A_60 : vector<2048xf32> to vector<1x2048xf32>
    %add3A_62 = arith.addf %add3A_49, %broadcast_in_dim3A_61 : vector<1x2048xf32>
    %get3A_63 = arith.constant 0 : index
    %get3A_64 = arith.constant 320 : index
    %get3A_65 = vector.load %arg1[%get3A_63, %get3A_64] : memref<256x768xf32, #tpu.memory_space<vmem>>, vector<256x64xf32>
    %get3A_66 = arith.constant 0 : index
    %get3A_67 = arith.constant 320 : index
    %get3A_68 = vector.load %arg2[%get3A_66, %get3A_67] : memref<2048x768xf32, #tpu.memory_space<vmem>>, vector<2048x64xf32>
    %dot_general3A_69 = arith.constant dense<0.000000e+00> : vector<256x2048xf32>
    %dot_general3A_70 = tpu.matmul %get3A_65, %get3A_68, %dot_general3A_69 {dimension_numbers = #tpu.dot_dimension_numbers<[1], [1], [0], [0], [0, 0, 1, 0], [], []>, transpose_lhs_hint = false} : vector<256x64xf32>, vector<2048x64xf32>, vector<256x2048xf32> -> vector<256x2048xf32>
    %abs3A_71 = math.absf %dot_general3A_70 : vector<256x2048xf32>
    %reduce_sum3A_72 = arith.constant dense<0.000000e+00> : vector<2048xf32>
    %reduce_sum3A_73 = vector.multi_reduction <add>, %abs3A_71, %reduce_sum3A_72 [0] : vector<256x2048xf32> to vector<2048xf32>
    %broadcast_in_dim3A_74 = vector.shape_cast %reduce_sum3A_73 : vector<2048xf32> to vector<1x2048xf32>
    %add3A_75 = arith.addf %add3A_62, %broadcast_in_dim3A_74 : vector<1x2048xf32>
    %get3A_76 = arith.constant 0 : index
    %get3A_77 = arith.constant 384 : index
    %get3A_78 = vector.load %arg1[%get3A_76, %get3A_77] : memref<256x768xf32, #tpu.memory_space<vmem>>, vector<256x64xf32>
    %get3A_79 = arith.constant 0 : index
    %get3A_80 = arith.constant 384 : index
    %get3A_81 = vector.load %arg2[%get3A_79, %get3A_80] : memref<2048x768xf32, #tpu.memory_space<vmem>>, vector<2048x64xf32>
    %dot_general3A_82 = arith.constant dense<0.000000e+00> : vector<256x2048xf32>
    %dot_general3A_83 = tpu.matmul %get3A_78, %get3A_81, %dot_general3A_82 {dimension_numbers = #tpu.dot_dimension_numbers<[1], [1], [0], [0], [0, 0, 1, 0], [], []>, transpose_lhs_hint = false} : vector<256x64xf32>, vector<2048x64xf32>, vector<256x2048xf32> -> vector<256x2048xf32>
    %abs3A_84 = math.absf %dot_general3A_83 : vector<256x2048xf32>
    %reduce_sum3A_85 = arith.constant dense<0.000000e+00> : vector<2048xf32>
    %reduce_sum3A_86 = vector.multi_reduction <add>, %abs3A_84, %reduce_sum3A_85 [0] : vector<256x2048xf32> to vector<2048xf32>
    %broadcast_in_dim3A_87 = vector.shape_cast %reduce_sum3A_86 : vector<2048xf32> to vector<1x2048xf32>
    %add3A_88 = arith.addf %add3A_75, %broadcast_in_dim3A_87 : vector<1x2048xf32>
    %get3A_89 = arith.constant 0 : index
    %get3A_90 = arith.constant 448 : index
    %get3A_91 = vector.load %arg1[%get3A_89, %get3A_90] : memref<256x768xf32, #tpu.memory_space<vmem>>, vector<256x64xf32>
    %get3A_92 = arith.constant 0 : index
    %get3A_93 = arith.constant 448 : index
    %get3A_94 = vector.load %arg2[%get3A_92, %get3A_93] : memref<2048x768xf32, #tpu.memory_space<vmem>>, vector<2048x64xf32>
    %dot_general3A_95 = arith.constant dense<0.000000e+00> : vector<256x2048xf32>
    %dot_general3A_96 = tpu.matmul %get3A_91, %get3A_94, %dot_general3A_95 {dimension_numbers = #tpu.dot_dimension_numbers<[1], [1], [0], [0], [0, 0, 1, 0], [], []>, transpose_lhs_hint = false} : vector<256x64xf32>, vector<2048x64xf32>, vector<256x2048xf32> -> vector<256x2048xf32>
    %abs3A_97 = math.absf %dot_general3A_96 : vector<256x2048xf32>
    %reduce_sum3A_98 = arith.constant dense<0.000000e+00> : vector<2048xf32>
    %reduce_sum3A_99 = vector.multi_reduction <add>, %abs3A_97, %reduce_sum3A_98 [0] : vector<256x2048xf32> to vector<2048xf32>
    %broadcast_in_dim3A_100 = vector.shape_cast %reduce_sum3A_99 : vector<2048xf32> to vector<1x2048xf32>
    %add3A_101 = arith.addf %add3A_88, %broadcast_in_dim3A_100 : vector<1x2048xf32>
    %get3A_102 = arith.constant 0 : index
    %get3A_103 = arith.constant 512 : index
    %get3A_104 = vector.load %arg1[%get3A_102, %get3A_103] : memref<256x768xf32, #tpu.memory_space<vmem>>, vector<256x64xf32>
    %get3A_105 = arith.constant 0 : index
    %get3A_106 = arith.constant 512 : index
    %get3A_107 = vector.load %arg2[%get3A_105, %get3A_106] : memref<2048x768xf32, #tpu.memory_space<vmem>>, vector<2048x64xf32>
    %dot_general3A_108 = arith.constant dense<0.000000e+00> : vector<256x2048xf32>
    %dot_general3A_109 = tpu.matmul %get3A_104, %get3A_107, %dot_general3A_108 {dimension_numbers = #tpu.dot_dimension_numbers<[1], [1], [0], [0], [0, 0, 1, 0], [], []>, transpose_lhs_hint = false} : vector<256x64xf32>, vector<2048x64xf32>, vector<256x2048xf32> -> vector<256x2048xf32>
    %abs3A_110 = math.absf %dot_general3A_109 : vector<256x2048xf32>
    %reduce_sum3A_111 = arith.constant dense<0.000000e+00> : vector<2048xf32>
    %reduce_sum3A_112 = vector.multi_reduction <add>, %abs3A_110, %reduce_sum3A_111 [0] : vector<256x2048xf32> to vector<2048xf32>
    %broadcast_in_dim3A_113 = vector.shape_cast %reduce_sum3A_112 : vector<2048xf32> to vector<1x2048xf32>
    %add3A_114 = arith.addf %add3A_101, %broadcast_in_dim3A_113 : vector<1x2048xf32>
    %get3A_115 = arith.constant 0 : index
    %get3A_116 = arith.constant 576 : index
    %get3A_117 = vector.load %arg1[%get3A_115, %get3A_116] : memref<256x768xf32, #tpu.memory_space<vmem>>, vector<256x64xf32>
    %get3A_118 = arith.constant 0 : index
    %get3A_119 = arith.constant 576 : index
    %get3A_120 = vector.load %arg2[%get3A_118, %get3A_119] : memref<2048x768xf32, #tpu.memory_space<vmem>>, vector<2048x64xf32>
    %dot_general3A_121 = arith.constant dense<0.000000e+00> : vector<256x2048xf32>
    %dot_general3A_122 = tpu.matmul %get3A_117, %get3A_120, %dot_general3A_121 {dimension_numbers = #tpu.dot_dimension_numbers<[1], [1], [0], [0], [0, 0, 1, 0], [], []>, transpose_lhs_hint = false} : vector<256x64xf32>, vector<2048x64xf32>, vector<256x2048xf32> -> vector<256x2048xf32>
    %abs3A_123 = math.absf %dot_general3A_122 : vector<256x2048xf32>
    %reduce_sum3A_124 = arith.constant dense<0.000000e+00> : vector<2048xf32>
    %reduce_sum3A_125 = vector.multi_reduction <add>, %abs3A_123, %reduce_sum3A_124 [0] : vector<256x2048xf32> to vector<2048xf32>
    %broadcast_in_dim3A_126 = vector.shape_cast %reduce_sum3A_125 : vector<2048xf32> to vector<1x2048xf32>
    %add3A_127 = arith.addf %add3A_114, %broadcast_in_dim3A_126 : vector<1x2048xf32>
    %get3A_128 = arith.constant 0 : index
    %get3A_129 = arith.constant 640 : index
    %get3A_130 = vector.load %arg1[%get3A_128, %get3A_129] : memref<256x768xf32, #tpu.memory_space<vmem>>, vector<256x64xf32>
    %get3A_131 = arith.constant 0 : index
    %get3A_132 = arith.constant 640 : index
    %get3A_133 = vector.load %arg2[%get3A_131, %get3A_132] : memref<2048x768xf32, #tpu.memory_space<vmem>>, vector<2048x64xf32>
    %dot_general3A_134 = arith.constant dense<0.000000e+00> : vector<256x2048xf32>
    %dot_general3A_135 = tpu.matmul %get3A_130, %get3A_133, %dot_general3A_134 {dimension_numbers = #tpu.dot_dimension_numbers<[1], [1], [0], [0], [0, 0, 1, 0], [], []>, transpose_lhs_hint = false} : vector<256x64xf32>, vector<2048x64xf32>, vector<256x2048xf32> -> vector<256x2048xf32>
    %abs3A_136 = math.absf %dot_general3A_135 : vector<256x2048xf32>
    %reduce_sum3A_137 = arith.constant dense<0.000000e+00> : vector<2048xf32>
    %reduce_sum3A_138 = vector.multi_reduction <add>, %abs3A_136, %reduce_sum3A_137 [0] : vector<256x2048xf32> to vector<2048xf32>
    %broadcast_in_dim3A_139 = vector.shape_cast %reduce_sum3A_138 : vector<2048xf32> to vector<1x2048xf32>
    %add3A_140 = arith.addf %add3A_127, %broadcast_in_dim3A_139 : vector<1x2048xf32>
    %get3A_141 = arith.constant 0 : index
    %get3A_142 = arith.constant 704 : index
    %get3A_143 = vector.load %arg1[%get3A_141, %get3A_142] : memref<256x768xf32, #tpu.memory_space<vmem>>, vector<256x64xf32>
    %get3A_144 = arith.constant 0 : index
    %get3A_145 = arith.constant 704 : index
    %get3A_146 = vector.load %arg2[%get3A_144, %get3A_145] : memref<2048x768xf32, #tpu.memory_space<vmem>>, vector<2048x64xf32>
    %dot_general3A_147 = arith.constant dense<0.000000e+00> : vector<256x2048xf32>
    %dot_general3A_148 = tpu.matmul %get3A_143, %get3A_146, %dot_general3A_147 {dimension_numbers = #tpu.dot_dimension_numbers<[1], [1], [0], [0], [0, 0, 1, 0], [], []>, transpose_lhs_hint = false} : vector<256x64xf32>, vector<2048x64xf32>, vector<256x2048xf32> -> vector<256x2048xf32>
    %abs3A_149 = math.absf %dot_general3A_148 : vector<256x2048xf32>
    %reduce_sum3A_150 = arith.constant dense<0.000000e+00> : vector<2048xf32>
    %reduce_sum3A_151 = vector.multi_reduction <add>, %abs3A_149, %reduce_sum3A_150 [0] : vector<256x2048xf32> to vector<2048xf32>
    %broadcast_in_dim3A_152 = vector.shape_cast %reduce_sum3A_151 : vector<2048xf32> to vector<1x2048xf32>
    %add3A_153 = arith.addf %add3A_140, %broadcast_in_dim3A_152 : vector<1x2048xf32>
    %get3A_154 = arith.constant 0 : index
    %get3A_155 = arith.constant 0 : index
    %get3A_156 = vector.load %arg3[%get3A_154, %get3A_155] : memref<1x2048xf32, #tpu.memory_space<vmem>>, vector<1x2048xf32>
    %add3A_157 = arith.addf %get3A_156, %add3A_153 : vector<1x2048xf32>
    %swap3A = arith.constant 0 : index
    %swap3A_158 = arith.constant 0 : index
    %swap3A_159 = vector.load %arg3[%swap3A, %swap3A_158] : memref<1x2048xf32, #tpu.memory_space<vmem>>, vector<1x2048xf32>
    tpu.vector_store %arg3[%swap3A, %swap3A_158], %add3A_157 {strides = array<i32>} : memref<1x2048xf32, #tpu.memory_space<vmem>>, vector<1x2048xf32>,
    return
  }
  func.func @transform_0(%arg0: i32) -> (i32, i32) {
    %c0_i32 = arith.constant 0 : i32
    %c0_i32_0 = arith.constant 0 : i32
    return %arg0, %c0_i32 : i32, i32
  }
  func.func @transform_1(%arg0: i32) -> (i32, i32) {
    %c0_i32 = arith.constant 0 : i32
    %c0_i32_0 = arith.constant 0 : i32
    %c0_i32_1 = arith.constant 0 : i32
    return %c0_i32, %c0_i32_0 : i32, i32
  }
  func.func @transform_2(%arg0: i32) -> (i32, i32) {
    %c0_i32 = arith.constant 0 : i32
    %c0_i32_0 = arith.constant 0 : i32
    %c0_i32_1 = arith.constant 0 : i32
    return %c0_i32, %c0_i32_0 : i32, i32
  }
}

module attributes {stable_mosaic.version = 14 : i64} {
  func.func @body(%arg0: memref<16x128xf32, #tpu.memory_space<vmem>>, %arg1: memref<4x128xi32, #tpu.memory_space<vmem>>) attributes {dimension_semantics = [], scalar_prefetch = 0 : i64, scratch_operands = 0 : i64, tpu.core_type = #tpu.core_type<tc>} {
    %get3A = arith.constant 0 : index
    %get3A_0 = arith.constant 0 : index
    %get3A_1 = vector.load %arg0[%get3A, %get3A_0] : memref<16x128xf32, #tpu.memory_space<vmem>>, vector<16x128xf32>
    %bitcast_convert_type3A = tpu.bitcast %get3A_1 : vector<16x128xf32> -> vector<16x128xi32>
    %scan3A = arith.constant 0 : i32
    %scan3A_2 = arith.constant 0 : i32
    %scan3A_3 = arith.constant 31 : i32
    %scan3A_4 = arith.addi %scan3A_2, %scan3A_3 : i32
    %scan3A_5 = arith.constant 1 : i32
    %scan3A_6 = scf.for %scan3A_1257 = %scan3A_2 to %scan3A_4 step %scan3A_5 iter_args(%scan3A_1258 = %scan3A) -> (i32)  : i32 {
      %sub3A_1259 = arith.constant 30 : i32
      %sub3A_1260 = arith.subi %sub3A_1259, %scan3A_1257 : i32
      %shift_left3A = arith.constant 1 : i32
      %shift_left3A_1261 = arith.shli %shift_left3A, %sub3A_1260 : i32
      %or3A = arith.ori %scan3A_1258, %shift_left3A_1261 : i32
      %ge3A_1262 = vector.broadcast %or3A : i32 to vector<16x128xi32>
      %ge3A_1263 = arith.cmpi sge, %bitcast_convert_type3A, %ge3A_1262 : vector<16x128xi32>
      %convert_element_type3A_1264 = arith.extui %ge3A_1263 : vector<16x128xi1> to vector<16x128xi32>
      %reduce_sum3A = vector.shape_cast %convert_element_type3A_1264 : vector<16x128xi32> to vector<1x16x128xi32>
      %reduce_sum3A_1265 = arith.constant dense<0> : vector<1xi32>
      %reduce_sum3A_1266 = vector.multi_reduction <add>, %reduce_sum3A, %reduce_sum3A_1265 [1, 2] : vector<1x16x128xi32> to vector<1xi32>
      %reduce_sum3A_1267 = vector.shape_cast %reduce_sum3A_1266 : vector<1xi32> to vector<1x1x1xi32>
      %reduce_sum3A_1268 = vector.extract %reduce_sum3A_1267[0, 0, 0] : i32 from vector<1x1x1xi32>
      %ge3A_1269 = arith.constant 409 : i32
      %ge3A_1270 = arith.cmpi sge, %reduce_sum3A_1268, %ge3A_1269 : i32
      %select_n3A_1271 = arith.select %ge3A_1270, %or3A, %scan3A_1258 : i32
      scf.yield %select_n3A_1271 : i32
    }
    %scan3A_7 = arith.constant 31 : i32
    %ge3A = vector.broadcast %scan3A_6 : i32 to vector<16x128xi32>
    %ge3A_8 = arith.cmpi sge, %bitcast_convert_type3A, %ge3A : vector<16x128xi32>
    %convert_element_type3A = arith.extui %ge3A_8 : vector<16x128xi1> to vector<16x128xi32>
    %convert_element_type3A_9 = arith.sitofp %convert_element_type3A : vector<16x128xi32> to vector<16x128xf32>
    %iota3A = tpu.iota {dimensions = array<i32: 0>} : vector<128x128xi32>
    %iota3A_10 = tpu.iota {dimensions = array<i32: 1>} : vector<128x128xi32>
    %le3A = arith.cmpi sle, %iota3A, %iota3A_10 : vector<128x128xi32>
    %convert_element_type3A_11 = arith.extui %le3A : vector<128x128xi1> to vector<128x128xi32>
    %convert_element_type3A_12 = arith.sitofp %convert_element_type3A_11 : vector<128x128xi32> to vector<128x128xf32>
    %dot_general3A = arith.constant dense<0.000000e+00> : vector<16x128xf32>
    %dot_general3A_13 = tpu.matmul %convert_element_type3A_9, %convert_element_type3A_12, %dot_general3A {dimension_numbers = #tpu.dot_dimension_numbers<[1], [0], [0], [1], [0, 0, 1, 1], [], []>, transpose_lhs_hint = false} : vector<16x128xf32>, vector<128x128xf32>, vector<16x128xf32> -> vector<16x128xf32>
    %iota3A_14 = tpu.iota {dimensions = array<i32: 0>} : vector<16x16xi32>
    %iota3A_15 = tpu.iota {dimensions = array<i32: 1>} : vector<16x16xi32>
    %lt3A = arith.cmpi slt, %iota3A_15, %iota3A_14 : vector<16x16xi32>
    %convert_element_type3A_16 = arith.extui %lt3A : vector<16x16xi1> to vector<16x16xi32>
    %convert_element_type3A_17 = arith.sitofp %convert_element_type3A_16 : vector<16x16xi32> to vector<16x16xf32>
    %slice3A = vector.extract_strided_slice %dot_general3A_13 {offsets = [0, 127], sizes = [16, 1], strides = [1, 1]} : vector<16x128xf32> to vector<16x1xf32>
    %dot_general3A_18 = arith.constant dense<0.000000e+00> : vector<16x1xf32>
    %dot_general3A_19 = tpu.matmul %convert_element_type3A_17, %slice3A, %dot_general3A_18 {dimension_numbers = #tpu.dot_dimension_numbers<[1], [0], [0], [1], [0, 0, 1, 1], [], []>, transpose_lhs_hint = false} : vector<16x16xf32>, vector<16x1xf32>, vector<16x1xf32> -> vector<16x1xf32>
    %gt3A = arith.constant 0.000000e+00 : f32
    %gt3A_20 = vector.broadcast %gt3A : f32 to vector<16x128xf32>
    %gt3A_21 = arith.cmpf ogt, %convert_element_type3A_9, %gt3A_20 : vector<16x128xf32>
    %add3A = vector.broadcast %dot_general3A_19 : vector<16x1xf32> to vector<16x128xf32>
    %add3A_22 = arith.addf %dot_general3A_13, %add3A : vector<16x128xf32>
    %sub3A = arith.constant 1.000000e+00 : f32
    %sub3A_23 = vector.broadcast %sub3A : f32 to vector<16x128xf32>
    %sub3A_24 = arith.subf %add3A_22, %sub3A_23 : vector<16x128xf32>
    %jit3A = arith.constant 1.000000e+06 : f32
    %broadcast_in_dim3A = vector.broadcast %jit3A : f32 to vector<16x128xf32>
    %select_n3A = arith.select %gt3A_21, %sub3A_24, %broadcast_in_dim3A : vector<16x128xi1>, vector<16x128xf32>
    %eq3A = arith.cmpi eq, %iota3A, %iota3A_10 : vector<128x128xi32>
    %convert_element_type3A_25 = arith.extui %eq3A : vector<128x128xi1> to vector<128x128xi32>
    %convert_element_type3A_26 = arith.sitofp %convert_element_type3A_25 : vector<128x128xi32> to vector<128x128xf32>
    %broadcast_in_dim3A_27 = arith.constant 1.000000e+00 : f32
    %broadcast_in_dim3A_28 = vector.broadcast %broadcast_in_dim3A_27 : f32 to vector<128x1xf32>
    %iota3A_29 = tpu.iota {dimensions = array<i32: 1>} : vector<1x128xi32>
    %convert_element_type3A_30 = arith.sitofp %iota3A_29 : vector<1x128xi32> to vector<1x128xf32>
    %broadcast_in_dim3A_31 = arith.constant 0.000000e+00 : f32
    %broadcast_in_dim3A_32 = vector.broadcast %broadcast_in_dim3A_31 : f32 to vector<1x128xf32>
    %slice3A_33 = vector.extract_strided_slice %select_n3A {offsets = [0, 0], sizes = [1, 128], strides = [1, 1]} : vector<16x128xf32> to vector<1x128xf32>
    %mul3A = vector.broadcast %slice3A_33 : vector<1x128xf32> to vector<128x128xf32>
    %mul3A_34 = arith.mulf %convert_element_type3A_26, %mul3A : vector<128x128xf32>
    %dot_general3A_35 = arith.constant dense<0.000000e+00> : vector<128x1xf32>
    %dot_general3A_36 = tpu.matmul %mul3A_34, %broadcast_in_dim3A_28, %dot_general3A_35 {dimension_numbers = #tpu.dot_dimension_numbers<[1], [0], [0], [1], [0, 0, 1, 1], [], []>, precision = #tpu.contract_precision<fp32>, transpose_lhs_hint = false} : vector<128x128xf32>, vector<128x1xf32>, vector<128x1xf32> -> vector<128x1xf32>
    %sub3A_37 = arith.constant 0.000000e+00 : f32
    %sub3A_38 = vector.broadcast %sub3A_37 : f32 to vector<128x1xf32>
    %sub3A_39 = arith.subf %dot_general3A_36, %sub3A_38 : vector<128x1xf32>
    %eq3A_40 = vector.broadcast %sub3A_39 : vector<128x1xf32> to vector<128x128xf32>
    %eq3A_41 = vector.broadcast %convert_element_type3A_30 : vector<1x128xf32> to vector<128x128xf32>
    %eq3A_42 = arith.cmpf oeq, %eq3A_40, %eq3A_41 : vector<128x128xf32>
    %convert_element_type3A_43 = arith.extui %eq3A_42 : vector<128x128xi1> to vector<128x128xi32>
    %convert_element_type3A_44 = arith.sitofp %convert_element_type3A_43 : vector<128x128xi32> to vector<128x128xf32>
    %add3A_45 = arith.constant 0.000000e+00 : f32
    %add3A_46 = vector.broadcast %add3A_45 : f32 to vector<1x128xf32>
    %add3A_47 = arith.addf %add3A_46, %convert_element_type3A_30 : vector<1x128xf32>
    %dot_general3A_48 = arith.constant dense<0.000000e+00> : vector<1x128xf32>
    %dot_general3A_49 = tpu.matmul %add3A_47, %convert_element_type3A_44, %dot_general3A_48 {dimension_numbers = #tpu.dot_dimension_numbers<[1], [0], [0], [1], [0, 0, 1, 1], [], []>, precision = #tpu.contract_precision<fp32>, transpose_lhs_hint = false} : vector<1x128xf32>, vector<128x128xf32>, vector<1x128xf32> -> vector<1x128xf32>
    %add3A_50 = arith.addf %broadcast_in_dim3A_32, %dot_general3A_49 : vector<1x128xf32>
    %slice3A_51 = vector.extract_strided_slice %select_n3A {offsets = [1, 0], sizes = [1, 128], strides = [1, 1]} : vector<16x128xf32> to vector<1x128xf32>
    %mul3A_52 = vector.broadcast %slice3A_51 : vector<1x128xf32> to vector<128x128xf32>
    %mul3A_53 = arith.mulf %convert_element_type3A_26, %mul3A_52 : vector<128x128xf32>
    %dot_general3A_54 = arith.constant dense<0.000000e+00> : vector<128x1xf32>
    %dot_general3A_55 = tpu.matmul %mul3A_53, %broadcast_in_dim3A_28, %dot_general3A_54 {dimension_numbers = #tpu.dot_dimension_numbers<[1], [0], [0], [1], [0, 0, 1, 1], [], []>, precision = #tpu.contract_precision<fp32>, transpose_lhs_hint = false} : vector<128x128xf32>, vector<128x1xf32>, vector<128x1xf32> -> vector<128x1xf32>
    %sub3A_56 = arith.constant 0.000000e+00 : f32
    %sub3A_57 = vector.broadcast %sub3A_56 : f32 to vector<128x1xf32>
    %sub3A_58 = arith.subf %dot_general3A_55, %sub3A_57 : vector<128x1xf32>
    %eq3A_59 = vector.broadcast %sub3A_58 : vector<128x1xf32> to vector<128x128xf32>
    %eq3A_60 = vector.broadcast %convert_element_type3A_30 : vector<1x128xf32> to vector<128x128xf32>
    %eq3A_61 = arith.cmpf oeq, %eq3A_59, %eq3A_60 : vector<128x128xf32>
    %convert_element_type3A_62 = arith.extui %eq3A_61 : vector<128x128xi1> to vector<128x128xi32>
    %convert_element_type3A_63 = arith.sitofp %convert_element_type3A_62 : vector<128x128xi32> to vector<128x128xf32>
    %add3A_64 = arith.constant 1.280000e+02 : f32
    %add3A_65 = vector.broadcast %add3A_64 : f32 to vector<1x128xf32>
    %add3A_66 = arith.addf %add3A_65, %convert_element_type3A_30 : vector<1x128xf32>
    %dot_general3A_67 = arith.constant dense<0.000000e+00> : vector<1x128xf32>
    %dot_general3A_68 = tpu.matmul %add3A_66, %convert_element_type3A_63, %dot_general3A_67 {dimension_numbers = #tpu.dot_dimension_numbers<[1], [0], [0], [1], [0, 0, 1, 1], [], []>, precision = #tpu.contract_precision<fp32>, transpose_lhs_hint = false} : vector<1x128xf32>, vector<128x128xf32>, vector<1x128xf32> -> vector<1x128xf32>
    %add3A_69 = arith.addf %add3A_50, %dot_general3A_68 : vector<1x128xf32>
    %slice3A_70 = vector.extract_strided_slice %select_n3A {offsets = [2, 0], sizes = [1, 128], strides = [1, 1]} : vector<16x128xf32> to vector<1x128xf32>
    %mul3A_71 = vector.broadcast %slice3A_70 : vector<1x128xf32> to vector<128x128xf32>
    %mul3A_72 = arith.mulf %convert_element_type3A_26, %mul3A_71 : vector<128x128xf32>
    %dot_general3A_73 = arith.constant dense<0.000000e+00> : vector<128x1xf32>
    %dot_general3A_74 = tpu.matmul %mul3A_72, %broadcast_in_dim3A_28, %dot_general3A_73 {dimension_numbers = #tpu.dot_dimension_numbers<[1], [0], [0], [1], [0, 0, 1, 1], [], []>, precision = #tpu.contract_precision<fp32>, transpose_lhs_hint = false} : vector<128x128xf32>, vector<128x1xf32>, vector<128x1xf32> -> vector<128x1xf32>
    %sub3A_75 = arith.constant 0.000000e+00 : f32
    %sub3A_76 = vector.broadcast %sub3A_75 : f32 to vector<128x1xf32>
    %sub3A_77 = arith.subf %dot_general3A_74, %sub3A_76 : vector<128x1xf32>
    %eq3A_78 = vector.broadcast %sub3A_77 : vector<128x1xf32> to vector<128x128xf32>
    %eq3A_79 = vector.broadcast %convert_element_type3A_30 : vector<1x128xf32> to vector<128x128xf32>
    %eq3A_80 = arith.cmpf oeq, %eq3A_78, %eq3A_79 : vector<128x128xf32>
    %convert_element_type3A_81 = arith.extui %eq3A_80 : vector<128x128xi1> to vector<128x128xi32>
    %convert_element_type3A_82 = arith.sitofp %convert_element_type3A_81 : vector<128x128xi32> to vector<128x128xf32>
    %add3A_83 = arith.constant 2.560000e+02 : f32
    %add3A_84 = vector.broadcast %add3A_83 : f32 to vector<1x128xf32>
    %add3A_85 = arith.addf %add3A_84, %convert_element_type3A_30 : vector<1x128xf32>
    %dot_general3A_86 = arith.constant dense<0.000000e+00> : vector<1x128xf32>
    %dot_general3A_87 = tpu.matmul %add3A_85, %convert_element_type3A_82, %dot_general3A_86 {dimension_numbers = #tpu.dot_dimension_numbers<[1], [0], [0], [1], [0, 0, 1, 1], [], []>, precision = #tpu.contract_precision<fp32>, transpose_lhs_hint = false} : vector<1x128xf32>, vector<128x128xf32>, vector<1x128xf32> -> vector<1x128xf32>
    %add3A_88 = arith.addf %add3A_69, %dot_general3A_87 : vector<1x128xf32>
    %slice3A_89 = vector.extract_strided_slice %select_n3A {offsets = [3, 0], sizes = [1, 128], strides = [1, 1]} : vector<16x128xf32> to vector<1x128xf32>
    %mul3A_90 = vector.broadcast %slice3A_89 : vector<1x128xf32> to vector<128x128xf32>
    %mul3A_91 = arith.mulf %convert_element_type3A_26, %mul3A_90 : vector<128x128xf32>
    %dot_general3A_92 = arith.constant dense<0.000000e+00> : vector<128x1xf32>
    %dot_general3A_93 = tpu.matmul %mul3A_91, %broadcast_in_dim3A_28, %dot_general3A_92 {dimension_numbers = #tpu.dot_dimension_numbers<[1], [0], [0], [1], [0, 0, 1, 1], [], []>, precision = #tpu.contract_precision<fp32>, transpose_lhs_hint = false} : vector<128x128xf32>, vector<128x1xf32>, vector<128x1xf32> -> vector<128x1xf32>
    %sub3A_94 = arith.constant 0.000000e+00 : f32
    %sub3A_95 = vector.broadcast %sub3A_94 : f32 to vector<128x1xf32>
    %sub3A_96 = arith.subf %dot_general3A_93, %sub3A_95 : vector<128x1xf32>
    %eq3A_97 = vector.broadcast %sub3A_96 : vector<128x1xf32> to vector<128x128xf32>
    %eq3A_98 = vector.broadcast %convert_element_type3A_30 : vector<1x128xf32> to vector<128x128xf32>
    %eq3A_99 = arith.cmpf oeq, %eq3A_97, %eq3A_98 : vector<128x128xf32>
    %convert_element_type3A_100 = arith.extui %eq3A_99 : vector<128x128xi1> to vector<128x128xi32>
    %convert_element_type3A_101 = arith.sitofp %convert_element_type3A_100 : vector<128x128xi32> to vector<128x128xf32>
    %add3A_102 = arith.constant 3.840000e+02 : f32
    %add3A_103 = vector.broadcast %add3A_102 : f32 to vector<1x128xf32>
    %add3A_104 = arith.addf %add3A_103, %convert_element_type3A_30 : vector<1x128xf32>
    %dot_general3A_105 = arith.constant dense<0.000000e+00> : vector<1x128xf32>
    %dot_general3A_106 = tpu.matmul %add3A_104, %convert_element_type3A_101, %dot_general3A_105 {dimension_numbers = #tpu.dot_dimension_numbers<[1], [0], [0], [1], [0, 0, 1, 1], [], []>, precision = #tpu.contract_precision<fp32>, transpose_lhs_hint = false} : vector<1x128xf32>, vector<128x128xf32>, vector<1x128xf32> -> vector<1x128xf32>
    %add3A_107 = arith.addf %add3A_88, %dot_general3A_106 : vector<1x128xf32>
    %slice3A_108 = vector.extract_strided_slice %select_n3A {offsets = [4, 0], sizes = [1, 128], strides = [1, 1]} : vector<16x128xf32> to vector<1x128xf32>
    %mul3A_109 = vector.broadcast %slice3A_108 : vector<1x128xf32> to vector<128x128xf32>
    %mul3A_110 = arith.mulf %convert_element_type3A_26, %mul3A_109 : vector<128x128xf32>
    %dot_general3A_111 = arith.constant dense<0.000000e+00> : vector<128x1xf32>
    %dot_general3A_112 = tpu.matmul %mul3A_110, %broadcast_in_dim3A_28, %dot_general3A_111 {dimension_numbers = #tpu.dot_dimension_numbers<[1], [0], [0], [1], [0, 0, 1, 1], [], []>, precision = #tpu.contract_precision<fp32>, transpose_lhs_hint = false} : vector<128x128xf32>, vector<128x1xf32>, vector<128x1xf32> -> vector<128x1xf32>
    %sub3A_113 = arith.constant 0.000000e+00 : f32
    %sub3A_114 = vector.broadcast %sub3A_113 : f32 to vector<128x1xf32>
    %sub3A_115 = arith.subf %dot_general3A_112, %sub3A_114 : vector<128x1xf32>
    %eq3A_116 = vector.broadcast %sub3A_115 : vector<128x1xf32> to vector<128x128xf32>
    %eq3A_117 = vector.broadcast %convert_element_type3A_30 : vector<1x128xf32> to vector<128x128xf32>
    %eq3A_118 = arith.cmpf oeq, %eq3A_116, %eq3A_117 : vector<128x128xf32>
    %convert_element_type3A_119 = arith.extui %eq3A_118 : vector<128x128xi1> to vector<128x128xi32>
    %convert_element_type3A_120 = arith.sitofp %convert_element_type3A_119 : vector<128x128xi32> to vector<128x128xf32>
    %add3A_121 = arith.constant 5.120000e+02 : f32
    %add3A_122 = vector.broadcast %add3A_121 : f32 to vector<1x128xf32>
    %add3A_123 = arith.addf %add3A_122, %convert_element_type3A_30 : vector<1x128xf32>
    %dot_general3A_124 = arith.constant dense<0.000000e+00> : vector<1x128xf32>
    %dot_general3A_125 = tpu.matmul %add3A_123, %convert_element_type3A_120, %dot_general3A_124 {dimension_numbers = #tpu.dot_dimension_numbers<[1], [0], [0], [1], [0, 0, 1, 1], [], []>, precision = #tpu.contract_precision<fp32>, transpose_lhs_hint = false} : vector<1x128xf32>, vector<128x128xf32>, vector<1x128xf32> -> vector<1x128xf32>
    %add3A_126 = arith.addf %add3A_107, %dot_general3A_125 : vector<1x128xf32>
    %slice3A_127 = vector.extract_strided_slice %select_n3A {offsets = [5, 0], sizes = [1, 128], strides = [1, 1]} : vector<16x128xf32> to vector<1x128xf32>
    %mul3A_128 = vector.broadcast %slice3A_127 : vector<1x128xf32> to vector<128x128xf32>
    %mul3A_129 = arith.mulf %convert_element_type3A_26, %mul3A_128 : vector<128x128xf32>
    %dot_general3A_130 = arith.constant dense<0.000000e+00> : vector<128x1xf32>
    %dot_general3A_131 = tpu.matmul %mul3A_129, %broadcast_in_dim3A_28, %dot_general3A_130 {dimension_numbers = #tpu.dot_dimension_numbers<[1], [0], [0], [1], [0, 0, 1, 1], [], []>, precision = #tpu.contract_precision<fp32>, transpose_lhs_hint = false} : vector<128x128xf32>, vector<128x1xf32>, vector<128x1xf32> -> vector<128x1xf32>
    %sub3A_132 = arith.constant 0.000000e+00 : f32
    %sub3A_133 = vector.broadcast %sub3A_132 : f32 to vector<128x1xf32>
    %sub3A_134 = arith.subf %dot_general3A_131, %sub3A_133 : vector<128x1xf32>
    %eq3A_135 = vector.broadcast %sub3A_134 : vector<128x1xf32> to vector<128x128xf32>
    %eq3A_136 = vector.broadcast %convert_element_type3A_30 : vector<1x128xf32> to vector<128x128xf32>
    %eq3A_137 = arith.cmpf oeq, %eq3A_135, %eq3A_136 : vector<128x128xf32>
    %convert_element_type3A_138 = arith.extui %eq3A_137 : vector<128x128xi1> to vector<128x128xi32>
    %convert_element_type3A_139 = arith.sitofp %convert_element_type3A_138 : vector<128x128xi32> to vector<128x128xf32>
    %add3A_140 = arith.constant 6.400000e+02 : f32
    %add3A_141 = vector.broadcast %add3A_140 : f32 to vector<1x128xf32>
    %add3A_142 = arith.addf %add3A_141, %convert_element_type3A_30 : vector<1x128xf32>
    %dot_general3A_143 = arith.constant dense<0.000000e+00> : vector<1x128xf32>
    %dot_general3A_144 = tpu.matmul %add3A_142, %convert_element_type3A_139, %dot_general3A_143 {dimension_numbers = #tpu.dot_dimension_numbers<[1], [0], [0], [1], [0, 0, 1, 1], [], []>, precision = #tpu.contract_precision<fp32>, transpose_lhs_hint = false} : vector<1x128xf32>, vector<128x128xf32>, vector<1x128xf32> -> vector<1x128xf32>
    %add3A_145 = arith.addf %add3A_126, %dot_general3A_144 : vector<1x128xf32>
    %slice3A_146 = vector.extract_strided_slice %select_n3A {offsets = [6, 0], sizes = [1, 128], strides = [1, 1]} : vector<16x128xf32> to vector<1x128xf32>
    %mul3A_147 = vector.broadcast %slice3A_146 : vector<1x128xf32> to vector<128x128xf32>
    %mul3A_148 = arith.mulf %convert_element_type3A_26, %mul3A_147 : vector<128x128xf32>
    %dot_general3A_149 = arith.constant dense<0.000000e+00> : vector<128x1xf32>
    %dot_general3A_150 = tpu.matmul %mul3A_148, %broadcast_in_dim3A_28, %dot_general3A_149 {dimension_numbers = #tpu.dot_dimension_numbers<[1], [0], [0], [1], [0, 0, 1, 1], [], []>, precision = #tpu.contract_precision<fp32>, transpose_lhs_hint = false} : vector<128x128xf32>, vector<128x1xf32>, vector<128x1xf32> -> vector<128x1xf32>
    %sub3A_151 = arith.constant 0.000000e+00 : f32
    %sub3A_152 = vector.broadcast %sub3A_151 : f32 to vector<128x1xf32>
    %sub3A_153 = arith.subf %dot_general3A_150, %sub3A_152 : vector<128x1xf32>
    %eq3A_154 = vector.broadcast %sub3A_153 : vector<128x1xf32> to vector<128x128xf32>
    %eq3A_155 = vector.broadcast %convert_element_type3A_30 : vector<1x128xf32> to vector<128x128xf32>
    %eq3A_156 = arith.cmpf oeq, %eq3A_154, %eq3A_155 : vector<128x128xf32>
    %convert_element_type3A_157 = arith.extui %eq3A_156 : vector<128x128xi1> to vector<128x128xi32>
    %convert_element_type3A_158 = arith.sitofp %convert_element_type3A_157 : vector<128x128xi32> to vector<128x128xf32>
    %add3A_159 = arith.constant 7.680000e+02 : f32
    %add3A_160 = vector.broadcast %add3A_159 : f32 to vector<1x128xf32>
    %add3A_161 = arith.addf %add3A_160, %convert_element_type3A_30 : vector<1x128xf32>
    %dot_general3A_162 = arith.constant dense<0.000000e+00> : vector<1x128xf32>
    %dot_general3A_163 = tpu.matmul %add3A_161, %convert_element_type3A_158, %dot_general3A_162 {dimension_numbers = #tpu.dot_dimension_numbers<[1], [0], [0], [1], [0, 0, 1, 1], [], []>, precision = #tpu.contract_precision<fp32>, transpose_lhs_hint = false} : vector<1x128xf32>, vector<128x128xf32>, vector<1x128xf32> -> vector<1x128xf32>
    %add3A_164 = arith.addf %add3A_145, %dot_general3A_163 : vector<1x128xf32>
    %slice3A_165 = vector.extract_strided_slice %select_n3A {offsets = [7, 0], sizes = [1, 128], strides = [1, 1]} : vector<16x128xf32> to vector<1x128xf32>
    %mul3A_166 = vector.broadcast %slice3A_165 : vector<1x128xf32> to vector<128x128xf32>
    %mul3A_167 = arith.mulf %convert_element_type3A_26, %mul3A_166 : vector<128x128xf32>
    %dot_general3A_168 = arith.constant dense<0.000000e+00> : vector<128x1xf32>
    %dot_general3A_169 = tpu.matmul %mul3A_167, %broadcast_in_dim3A_28, %dot_general3A_168 {dimension_numbers = #tpu.dot_dimension_numbers<[1], [0], [0], [1], [0, 0, 1, 1], [], []>, precision = #tpu.contract_precision<fp32>, transpose_lhs_hint = false} : vector<128x128xf32>, vector<128x1xf32>, vector<128x1xf32> -> vector<128x1xf32>
    %sub3A_170 = arith.constant 0.000000e+00 : f32
    %sub3A_171 = vector.broadcast %sub3A_170 : f32 to vector<128x1xf32>
    %sub3A_172 = arith.subf %dot_general3A_169, %sub3A_171 : vector<128x1xf32>
    %eq3A_173 = vector.broadcast %sub3A_172 : vector<128x1xf32> to vector<128x128xf32>
    %eq3A_174 = vector.broadcast %convert_element_type3A_30 : vector<1x128xf32> to vector<128x128xf32>
    %eq3A_175 = arith.cmpf oeq, %eq3A_173, %eq3A_174 : vector<128x128xf32>
    %convert_element_type3A_176 = arith.extui %eq3A_175 : vector<128x128xi1> to vector<128x128xi32>
    %convert_element_type3A_177 = arith.sitofp %convert_element_type3A_176 : vector<128x128xi32> to vector<128x128xf32>
    %add3A_178 = arith.constant 8.960000e+02 : f32
    %add3A_179 = vector.broadcast %add3A_178 : f32 to vector<1x128xf32>
    %add3A_180 = arith.addf %add3A_179, %convert_element_type3A_30 : vector<1x128xf32>
    %dot_general3A_181 = arith.constant dense<0.000000e+00> : vector<1x128xf32>
    %dot_general3A_182 = tpu.matmul %add3A_180, %convert_element_type3A_177, %dot_general3A_181 {dimension_numbers = #tpu.dot_dimension_numbers<[1], [0], [0], [1], [0, 0, 1, 1], [], []>, precision = #tpu.contract_precision<fp32>, transpose_lhs_hint = false} : vector<1x128xf32>, vector<128x128xf32>, vector<1x128xf32> -> vector<1x128xf32>
    %add3A_183 = arith.addf %add3A_164, %dot_general3A_182 : vector<1x128xf32>
    %slice3A_184 = vector.extract_strided_slice %select_n3A {offsets = [8, 0], sizes = [1, 128], strides = [1, 1]} : vector<16x128xf32> to vector<1x128xf32>
    %mul3A_185 = vector.broadcast %slice3A_184 : vector<1x128xf32> to vector<128x128xf32>
    %mul3A_186 = arith.mulf %convert_element_type3A_26, %mul3A_185 : vector<128x128xf32>
    %dot_general3A_187 = arith.constant dense<0.000000e+00> : vector<128x1xf32>
    %dot_general3A_188 = tpu.matmul %mul3A_186, %broadcast_in_dim3A_28, %dot_general3A_187 {dimension_numbers = #tpu.dot_dimension_numbers<[1], [0], [0], [1], [0, 0, 1, 1], [], []>, precision = #tpu.contract_precision<fp32>, transpose_lhs_hint = false} : vector<128x128xf32>, vector<128x1xf32>, vector<128x1xf32> -> vector<128x1xf32>
    %sub3A_189 = arith.constant 0.000000e+00 : f32
    %sub3A_190 = vector.broadcast %sub3A_189 : f32 to vector<128x1xf32>
    %sub3A_191 = arith.subf %dot_general3A_188, %sub3A_190 : vector<128x1xf32>
    %eq3A_192 = vector.broadcast %sub3A_191 : vector<128x1xf32> to vector<128x128xf32>
    %eq3A_193 = vector.broadcast %convert_element_type3A_30 : vector<1x128xf32> to vector<128x128xf32>
    %eq3A_194 = arith.cmpf oeq, %eq3A_192, %eq3A_193 : vector<128x128xf32>
    %convert_element_type3A_195 = arith.extui %eq3A_194 : vector<128x128xi1> to vector<128x128xi32>
    %convert_element_type3A_196 = arith.sitofp %convert_element_type3A_195 : vector<128x128xi32> to vector<128x128xf32>
    %add3A_197 = arith.constant 1.024000e+03 : f32
    %add3A_198 = vector.broadcast %add3A_197 : f32 to vector<1x128xf32>
    %add3A_199 = arith.addf %add3A_198, %convert_element_type3A_30 : vector<1x128xf32>
    %dot_general3A_200 = arith.constant dense<0.000000e+00> : vector<1x128xf32>
    %dot_general3A_201 = tpu.matmul %add3A_199, %convert_element_type3A_196, %dot_general3A_200 {dimension_numbers = #tpu.dot_dimension_numbers<[1], [0], [0], [1], [0, 0, 1, 1], [], []>, precision = #tpu.contract_precision<fp32>, transpose_lhs_hint = false} : vector<1x128xf32>, vector<128x128xf32>, vector<1x128xf32> -> vector<1x128xf32>
    %add3A_202 = arith.addf %add3A_183, %dot_general3A_201 : vector<1x128xf32>
    %slice3A_203 = vector.extract_strided_slice %select_n3A {offsets = [9, 0], sizes = [1, 128], strides = [1, 1]} : vector<16x128xf32> to vector<1x128xf32>
    %mul3A_204 = vector.broadcast %slice3A_203 : vector<1x128xf32> to vector<128x128xf32>
    %mul3A_205 = arith.mulf %convert_element_type3A_26, %mul3A_204 : vector<128x128xf32>
    %dot_general3A_206 = arith.constant dense<0.000000e+00> : vector<128x1xf32>
    %dot_general3A_207 = tpu.matmul %mul3A_205, %broadcast_in_dim3A_28, %dot_general3A_206 {dimension_numbers = #tpu.dot_dimension_numbers<[1], [0], [0], [1], [0, 0, 1, 1], [], []>, precision = #tpu.contract_precision<fp32>, transpose_lhs_hint = false} : vector<128x128xf32>, vector<128x1xf32>, vector<128x1xf32> -> vector<128x1xf32>
    %sub3A_208 = arith.constant 0.000000e+00 : f32
    %sub3A_209 = vector.broadcast %sub3A_208 : f32 to vector<128x1xf32>
    %sub3A_210 = arith.subf %dot_general3A_207, %sub3A_209 : vector<128x1xf32>
    %eq3A_211 = vector.broadcast %sub3A_210 : vector<128x1xf32> to vector<128x128xf32>
    %eq3A_212 = vector.broadcast %convert_element_type3A_30 : vector<1x128xf32> to vector<128x128xf32>
    %eq3A_213 = arith.cmpf oeq, %eq3A_211, %eq3A_212 : vector<128x128xf32>
    %convert_element_type3A_214 = arith.extui %eq3A_213 : vector<128x128xi1> to vector<128x128xi32>
    %convert_element_type3A_215 = arith.sitofp %convert_element_type3A_214 : vector<128x128xi32> to vector<128x128xf32>
    %add3A_216 = arith.constant 1.152000e+03 : f32
    %add3A_217 = vector.broadcast %add3A_216 : f32 to vector<1x128xf32>
    %add3A_218 = arith.addf %add3A_217, %convert_element_type3A_30 : vector<1x128xf32>
    %dot_general3A_219 = arith.constant dense<0.000000e+00> : vector<1x128xf32>
    %dot_general3A_220 = tpu.matmul %add3A_218, %convert_element_type3A_215, %dot_general3A_219 {dimension_numbers = #tpu.dot_dimension_numbers<[1], [0], [0], [1], [0, 0, 1, 1], [], []>, precision = #tpu.contract_precision<fp32>, transpose_lhs_hint = false} : vector<1x128xf32>, vector<128x128xf32>, vector<1x128xf32> -> vector<1x128xf32>
    %add3A_221 = arith.addf %add3A_202, %dot_general3A_220 : vector<1x128xf32>
    %slice3A_222 = vector.extract_strided_slice %select_n3A {offsets = [10, 0], sizes = [1, 128], strides = [1, 1]} : vector<16x128xf32> to vector<1x128xf32>
    %mul3A_223 = vector.broadcast %slice3A_222 : vector<1x128xf32> to vector<128x128xf32>
    %mul3A_224 = arith.mulf %convert_element_type3A_26, %mul3A_223 : vector<128x128xf32>
    %dot_general3A_225 = arith.constant dense<0.000000e+00> : vector<128x1xf32>
    %dot_general3A_226 = tpu.matmul %mul3A_224, %broadcast_in_dim3A_28, %dot_general3A_225 {dimension_numbers = #tpu.dot_dimension_numbers<[1], [0], [0], [1], [0, 0, 1, 1], [], []>, precision = #tpu.contract_precision<fp32>, transpose_lhs_hint = false} : vector<128x128xf32>, vector<128x1xf32>, vector<128x1xf32> -> vector<128x1xf32>
    %sub3A_227 = arith.constant 0.000000e+00 : f32
    %sub3A_228 = vector.broadcast %sub3A_227 : f32 to vector<128x1xf32>
    %sub3A_229 = arith.subf %dot_general3A_226, %sub3A_228 : vector<128x1xf32>
    %eq3A_230 = vector.broadcast %sub3A_229 : vector<128x1xf32> to vector<128x128xf32>
    %eq3A_231 = vector.broadcast %convert_element_type3A_30 : vector<1x128xf32> to vector<128x128xf32>
    %eq3A_232 = arith.cmpf oeq, %eq3A_230, %eq3A_231 : vector<128x128xf32>
    %convert_element_type3A_233 = arith.extui %eq3A_232 : vector<128x128xi1> to vector<128x128xi32>
    %convert_element_type3A_234 = arith.sitofp %convert_element_type3A_233 : vector<128x128xi32> to vector<128x128xf32>
    %add3A_235 = arith.constant 1.280000e+03 : f32
    %add3A_236 = vector.broadcast %add3A_235 : f32 to vector<1x128xf32>
    %add3A_237 = arith.addf %add3A_236, %convert_element_type3A_30 : vector<1x128xf32>
    %dot_general3A_238 = arith.constant dense<0.000000e+00> : vector<1x128xf32>
    %dot_general3A_239 = tpu.matmul %add3A_237, %convert_element_type3A_234, %dot_general3A_238 {dimension_numbers = #tpu.dot_dimension_numbers<[1], [0], [0], [1], [0, 0, 1, 1], [], []>, precision = #tpu.contract_precision<fp32>, transpose_lhs_hint = false} : vector<1x128xf32>, vector<128x128xf32>, vector<1x128xf32> -> vector<1x128xf32>
    %add3A_240 = arith.addf %add3A_221, %dot_general3A_239 : vector<1x128xf32>
    %slice3A_241 = vector.extract_strided_slice %select_n3A {offsets = [11, 0], sizes = [1, 128], strides = [1, 1]} : vector<16x128xf32> to vector<1x128xf32>
    %mul3A_242 = vector.broadcast %slice3A_241 : vector<1x128xf32> to vector<128x128xf32>
    %mul3A_243 = arith.mulf %convert_element_type3A_26, %mul3A_242 : vector<128x128xf32>
    %dot_general3A_244 = arith.constant dense<0.000000e+00> : vector<128x1xf32>
    %dot_general3A_245 = tpu.matmul %mul3A_243, %broadcast_in_dim3A_28, %dot_general3A_244 {dimension_numbers = #tpu.dot_dimension_numbers<[1], [0], [0], [1], [0, 0, 1, 1], [], []>, precision = #tpu.contract_precision<fp32>, transpose_lhs_hint = false} : vector<128x128xf32>, vector<128x1xf32>, vector<128x1xf32> -> vector<128x1xf32>
    %sub3A_246 = arith.constant 0.000000e+00 : f32
    %sub3A_247 = vector.broadcast %sub3A_246 : f32 to vector<128x1xf32>
    %sub3A_248 = arith.subf %dot_general3A_245, %sub3A_247 : vector<128x1xf32>
    %eq3A_249 = vector.broadcast %sub3A_248 : vector<128x1xf32> to vector<128x128xf32>
    %eq3A_250 = vector.broadcast %convert_element_type3A_30 : vector<1x128xf32> to vector<128x128xf32>
    %eq3A_251 = arith.cmpf oeq, %eq3A_249, %eq3A_250 : vector<128x128xf32>
    %convert_element_type3A_252 = arith.extui %eq3A_251 : vector<128x128xi1> to vector<128x128xi32>
    %convert_element_type3A_253 = arith.sitofp %convert_element_type3A_252 : vector<128x128xi32> to vector<128x128xf32>
    %add3A_254 = arith.constant 1.408000e+03 : f32
    %add3A_255 = vector.broadcast %add3A_254 : f32 to vector<1x128xf32>
    %add3A_256 = arith.addf %add3A_255, %convert_element_type3A_30 : vector<1x128xf32>
    %dot_general3A_257 = arith.constant dense<0.000000e+00> : vector<1x128xf32>
    %dot_general3A_258 = tpu.matmul %add3A_256, %convert_element_type3A_253, %dot_general3A_257 {dimension_numbers = #tpu.dot_dimension_numbers<[1], [0], [0], [1], [0, 0, 1, 1], [], []>, precision = #tpu.contract_precision<fp32>, transpose_lhs_hint = false} : vector<1x128xf32>, vector<128x128xf32>, vector<1x128xf32> -> vector<1x128xf32>
    %add3A_259 = arith.addf %add3A_240, %dot_general3A_258 : vector<1x128xf32>
    %slice3A_260 = vector.extract_strided_slice %select_n3A {offsets = [12, 0], sizes = [1, 128], strides = [1, 1]} : vector<16x128xf32> to vector<1x128xf32>
    %mul3A_261 = vector.broadcast %slice3A_260 : vector<1x128xf32> to vector<128x128xf32>
    %mul3A_262 = arith.mulf %convert_element_type3A_26, %mul3A_261 : vector<128x128xf32>
    %dot_general3A_263 = arith.constant dense<0.000000e+00> : vector<128x1xf32>
    %dot_general3A_264 = tpu.matmul %mul3A_262, %broadcast_in_dim3A_28, %dot_general3A_263 {dimension_numbers = #tpu.dot_dimension_numbers<[1], [0], [0], [1], [0, 0, 1, 1], [], []>, precision = #tpu.contract_precision<fp32>, transpose_lhs_hint = false} : vector<128x128xf32>, vector<128x1xf32>, vector<128x1xf32> -> vector<128x1xf32>
    %sub3A_265 = arith.constant 0.000000e+00 : f32
    %sub3A_266 = vector.broadcast %sub3A_265 : f32 to vector<128x1xf32>
    %sub3A_267 = arith.subf %dot_general3A_264, %sub3A_266 : vector<128x1xf32>
    %eq3A_268 = vector.broadcast %sub3A_267 : vector<128x1xf32> to vector<128x128xf32>
    %eq3A_269 = vector.broadcast %convert_element_type3A_30 : vector<1x128xf32> to vector<128x128xf32>
    %eq3A_270 = arith.cmpf oeq, %eq3A_268, %eq3A_269 : vector<128x128xf32>
    %convert_element_type3A_271 = arith.extui %eq3A_270 : vector<128x128xi1> to vector<128x128xi32>
    %convert_element_type3A_272 = arith.sitofp %convert_element_type3A_271 : vector<128x128xi32> to vector<128x128xf32>
    %add3A_273 = arith.constant 1.536000e+03 : f32
    %add3A_274 = vector.broadcast %add3A_273 : f32 to vector<1x128xf32>
    %add3A_275 = arith.addf %add3A_274, %convert_element_type3A_30 : vector<1x128xf32>
    %dot_general3A_276 = arith.constant dense<0.000000e+00> : vector<1x128xf32>
    %dot_general3A_277 = tpu.matmul %add3A_275, %convert_element_type3A_272, %dot_general3A_276 {dimension_numbers = #tpu.dot_dimension_numbers<[1], [0], [0], [1], [0, 0, 1, 1], [], []>, precision = #tpu.contract_precision<fp32>, transpose_lhs_hint = false} : vector<1x128xf32>, vector<128x128xf32>, vector<1x128xf32> -> vector<1x128xf32>
    %add3A_278 = arith.addf %add3A_259, %dot_general3A_277 : vector<1x128xf32>
    %slice3A_279 = vector.extract_strided_slice %select_n3A {offsets = [13, 0], sizes = [1, 128], strides = [1, 1]} : vector<16x128xf32> to vector<1x128xf32>
    %mul3A_280 = vector.broadcast %slice3A_279 : vector<1x128xf32> to vector<128x128xf32>
    %mul3A_281 = arith.mulf %convert_element_type3A_26, %mul3A_280 : vector<128x128xf32>
    %dot_general3A_282 = arith.constant dense<0.000000e+00> : vector<128x1xf32>
    %dot_general3A_283 = tpu.matmul %mul3A_281, %broadcast_in_dim3A_28, %dot_general3A_282 {dimension_numbers = #tpu.dot_dimension_numbers<[1], [0], [0], [1], [0, 0, 1, 1], [], []>, precision = #tpu.contract_precision<fp32>, transpose_lhs_hint = false} : vector<128x128xf32>, vector<128x1xf32>, vector<128x1xf32> -> vector<128x1xf32>
    %sub3A_284 = arith.constant 0.000000e+00 : f32
    %sub3A_285 = vector.broadcast %sub3A_284 : f32 to vector<128x1xf32>
    %sub3A_286 = arith.subf %dot_general3A_283, %sub3A_285 : vector<128x1xf32>
    %eq3A_287 = vector.broadcast %sub3A_286 : vector<128x1xf32> to vector<128x128xf32>
    %eq3A_288 = vector.broadcast %convert_element_type3A_30 : vector<1x128xf32> to vector<128x128xf32>
    %eq3A_289 = arith.cmpf oeq, %eq3A_287, %eq3A_288 : vector<128x128xf32>
    %convert_element_type3A_290 = arith.extui %eq3A_289 : vector<128x128xi1> to vector<128x128xi32>
    %convert_element_type3A_291 = arith.sitofp %convert_element_type3A_290 : vector<128x128xi32> to vector<128x128xf32>
    %add3A_292 = arith.constant 1.664000e+03 : f32
    %add3A_293 = vector.broadcast %add3A_292 : f32 to vector<1x128xf32>
    %add3A_294 = arith.addf %add3A_293, %convert_element_type3A_30 : vector<1x128xf32>
    %dot_general3A_295 = arith.constant dense<0.000000e+00> : vector<1x128xf32>
    %dot_general3A_296 = tpu.matmul %add3A_294, %convert_element_type3A_291, %dot_general3A_295 {dimension_numbers = #tpu.dot_dimension_numbers<[1], [0], [0], [1], [0, 0, 1, 1], [], []>, precision = #tpu.contract_precision<fp32>, transpose_lhs_hint = false} : vector<1x128xf32>, vector<128x128xf32>, vector<1x128xf32> -> vector<1x128xf32>
    %add3A_297 = arith.addf %add3A_278, %dot_general3A_296 : vector<1x128xf32>
    %slice3A_298 = vector.extract_strided_slice %select_n3A {offsets = [14, 0], sizes = [1, 128], strides = [1, 1]} : vector<16x128xf32> to vector<1x128xf32>
    %mul3A_299 = vector.broadcast %slice3A_298 : vector<1x128xf32> to vector<128x128xf32>
    %mul3A_300 = arith.mulf %convert_element_type3A_26, %mul3A_299 : vector<128x128xf32>
    %dot_general3A_301 = arith.constant dense<0.000000e+00> : vector<128x1xf32>
    %dot_general3A_302 = tpu.matmul %mul3A_300, %broadcast_in_dim3A_28, %dot_general3A_301 {dimension_numbers = #tpu.dot_dimension_numbers<[1], [0], [0], [1], [0, 0, 1, 1], [], []>, precision = #tpu.contract_precision<fp32>, transpose_lhs_hint = false} : vector<128x128xf32>, vector<128x1xf32>, vector<128x1xf32> -> vector<128x1xf32>
    %sub3A_303 = arith.constant 0.000000e+00 : f32
    %sub3A_304 = vector.broadcast %sub3A_303 : f32 to vector<128x1xf32>
    %sub3A_305 = arith.subf %dot_general3A_302, %sub3A_304 : vector<128x1xf32>
    %eq3A_306 = vector.broadcast %sub3A_305 : vector<128x1xf32> to vector<128x128xf32>
    %eq3A_307 = vector.broadcast %convert_element_type3A_30 : vector<1x128xf32> to vector<128x128xf32>
    %eq3A_308 = arith.cmpf oeq, %eq3A_306, %eq3A_307 : vector<128x128xf32>
    %convert_element_type3A_309 = arith.extui %eq3A_308 : vector<128x128xi1> to vector<128x128xi32>
    %convert_element_type3A_310 = arith.sitofp %convert_element_type3A_309 : vector<128x128xi32> to vector<128x128xf32>
    %add3A_311 = arith.constant 1.792000e+03 : f32
    %add3A_312 = vector.broadcast %add3A_311 : f32 to vector<1x128xf32>
    %add3A_313 = arith.addf %add3A_312, %convert_element_type3A_30 : vector<1x128xf32>
    %dot_general3A_314 = arith.constant dense<0.000000e+00> : vector<1x128xf32>
    %dot_general3A_315 = tpu.matmul %add3A_313, %convert_element_type3A_310, %dot_general3A_314 {dimension_numbers = #tpu.dot_dimension_numbers<[1], [0], [0], [1], [0, 0, 1, 1], [], []>, precision = #tpu.contract_precision<fp32>, transpose_lhs_hint = false} : vector<1x128xf32>, vector<128x128xf32>, vector<1x128xf32> -> vector<1x128xf32>
    %add3A_316 = arith.addf %add3A_297, %dot_general3A_315 : vector<1x128xf32>
    %slice3A_317 = vector.extract_strided_slice %select_n3A {offsets = [15, 0], sizes = [1, 128], strides = [1, 1]} : vector<16x128xf32> to vector<1x128xf32>
    %mul3A_318 = vector.broadcast %slice3A_317 : vector<1x128xf32> to vector<128x128xf32>
    %mul3A_319 = arith.mulf %convert_element_type3A_26, %mul3A_318 : vector<128x128xf32>
    %dot_general3A_320 = arith.constant dense<0.000000e+00> : vector<128x1xf32>
    %dot_general3A_321 = tpu.matmul %mul3A_319, %broadcast_in_dim3A_28, %dot_general3A_320 {dimension_numbers = #tpu.dot_dimension_numbers<[1], [0], [0], [1], [0, 0, 1, 1], [], []>, precision = #tpu.contract_precision<fp32>, transpose_lhs_hint = false} : vector<128x128xf32>, vector<128x1xf32>, vector<128x1xf32> -> vector<128x1xf32>
    %sub3A_322 = arith.constant 0.000000e+00 : f32
    %sub3A_323 = vector.broadcast %sub3A_322 : f32 to vector<128x1xf32>
    %sub3A_324 = arith.subf %dot_general3A_321, %sub3A_323 : vector<128x1xf32>
    %eq3A_325 = vector.broadcast %sub3A_324 : vector<128x1xf32> to vector<128x128xf32>
    %eq3A_326 = vector.broadcast %convert_element_type3A_30 : vector<1x128xf32> to vector<128x128xf32>
    %eq3A_327 = arith.cmpf oeq, %eq3A_325, %eq3A_326 : vector<128x128xf32>
    %convert_element_type3A_328 = arith.extui %eq3A_327 : vector<128x128xi1> to vector<128x128xi32>
    %convert_element_type3A_329 = arith.sitofp %convert_element_type3A_328 : vector<128x128xi32> to vector<128x128xf32>
    %add3A_330 = arith.constant 1.920000e+03 : f32
    %add3A_331 = vector.broadcast %add3A_330 : f32 to vector<1x128xf32>
    %add3A_332 = arith.addf %add3A_331, %convert_element_type3A_30 : vector<1x128xf32>
    %dot_general3A_333 = arith.constant dense<0.000000e+00> : vector<1x128xf32>
    %dot_general3A_334 = tpu.matmul %add3A_332, %convert_element_type3A_329, %dot_general3A_333 {dimension_numbers = #tpu.dot_dimension_numbers<[1], [0], [0], [1], [0, 0, 1, 1], [], []>, precision = #tpu.contract_precision<fp32>, transpose_lhs_hint = false} : vector<1x128xf32>, vector<128x128xf32>, vector<1x128xf32> -> vector<1x128xf32>
    %add3A_335 = arith.addf %add3A_316, %dot_general3A_334 : vector<1x128xf32>
    %broadcast_in_dim3A_336 = arith.constant 0.000000e+00 : f32
    %broadcast_in_dim3A_337 = vector.broadcast %broadcast_in_dim3A_336 : f32 to vector<1x128xf32>
    %slice3A_338 = vector.extract_strided_slice %select_n3A {offsets = [0, 0], sizes = [1, 128], strides = [1, 1]} : vector<16x128xf32> to vector<1x128xf32>
    %mul3A_339 = vector.broadcast %slice3A_338 : vector<1x128xf32> to vector<128x128xf32>
    %mul3A_340 = arith.mulf %convert_element_type3A_26, %mul3A_339 : vector<128x128xf32>
    %dot_general3A_341 = arith.constant dense<0.000000e+00> : vector<128x1xf32>
    %dot_general3A_342 = tpu.matmul %mul3A_340, %broadcast_in_dim3A_28, %dot_general3A_341 {dimension_numbers = #tpu.dot_dimension_numbers<[1], [0], [0], [1], [0, 0, 1, 1], [], []>, precision = #tpu.contract_precision<fp32>, transpose_lhs_hint = false} : vector<128x128xf32>, vector<128x1xf32>, vector<128x1xf32> -> vector<128x1xf32>
    %sub3A_343 = arith.constant 1.280000e+02 : f32
    %sub3A_344 = vector.broadcast %sub3A_343 : f32 to vector<128x1xf32>
    %sub3A_345 = arith.subf %dot_general3A_342, %sub3A_344 : vector<128x1xf32>
    %eq3A_346 = vector.broadcast %sub3A_345 : vector<128x1xf32> to vector<128x128xf32>
    %eq3A_347 = vector.broadcast %convert_element_type3A_30 : vector<1x128xf32> to vector<128x128xf32>
    %eq3A_348 = arith.cmpf oeq, %eq3A_346, %eq3A_347 : vector<128x128xf32>
    %convert_element_type3A_349 = arith.extui %eq3A_348 : vector<128x128xi1> to vector<128x128xi32>
    %convert_element_type3A_350 = arith.sitofp %convert_element_type3A_349 : vector<128x128xi32> to vector<128x128xf32>
    %add3A_351 = arith.constant 0.000000e+00 : f32
    %add3A_352 = vector.broadcast %add3A_351 : f32 to vector<1x128xf32>
    %add3A_353 = arith.addf %add3A_352, %convert_element_type3A_30 : vector<1x128xf32>
    %dot_general3A_354 = arith.constant dense<0.000000e+00> : vector<1x128xf32>
    %dot_general3A_355 = tpu.matmul %add3A_353, %convert_element_type3A_350, %dot_general3A_354 {dimension_numbers = #tpu.dot_dimension_numbers<[1], [0], [0], [1], [0, 0, 1, 1], [], []>, precision = #tpu.contract_precision<fp32>, transpose_lhs_hint = false} : vector<1x128xf32>, vector<128x128xf32>, vector<1x128xf32> -> vector<1x128xf32>
    %add3A_356 = arith.addf %broadcast_in_dim3A_337, %dot_general3A_355 : vector<1x128xf32>
    %slice3A_357 = vector.extract_strided_slice %select_n3A {offsets = [1, 0], sizes = [1, 128], strides = [1, 1]} : vector<16x128xf32> to vector<1x128xf32>
    %mul3A_358 = vector.broadcast %slice3A_357 : vector<1x128xf32> to vector<128x128xf32>
    %mul3A_359 = arith.mulf %convert_element_type3A_26, %mul3A_358 : vector<128x128xf32>
    %dot_general3A_360 = arith.constant dense<0.000000e+00> : vector<128x1xf32>
    %dot_general3A_361 = tpu.matmul %mul3A_359, %broadcast_in_dim3A_28, %dot_general3A_360 {dimension_numbers = #tpu.dot_dimension_numbers<[1], [0], [0], [1], [0, 0, 1, 1], [], []>, precision = #tpu.contract_precision<fp32>, transpose_lhs_hint = false} : vector<128x128xf32>, vector<128x1xf32>, vector<128x1xf32> -> vector<128x1xf32>
    %sub3A_362 = arith.constant 1.280000e+02 : f32
    %sub3A_363 = vector.broadcast %sub3A_362 : f32 to vector<128x1xf32>
    %sub3A_364 = arith.subf %dot_general3A_361, %sub3A_363 : vector<128x1xf32>
    %eq3A_365 = vector.broadcast %sub3A_364 : vector<128x1xf32> to vector<128x128xf32>
    %eq3A_366 = vector.broadcast %convert_element_type3A_30 : vector<1x128xf32> to vector<128x128xf32>
    %eq3A_367 = arith.cmpf oeq, %eq3A_365, %eq3A_366 : vector<128x128xf32>
    %convert_element_type3A_368 = arith.extui %eq3A_367 : vector<128x128xi1> to vector<128x128xi32>
    %convert_element_type3A_369 = arith.sitofp %convert_element_type3A_368 : vector<128x128xi32> to vector<128x128xf32>
    %add3A_370 = arith.constant 1.280000e+02 : f32
    %add3A_371 = vector.broadcast %add3A_370 : f32 to vector<1x128xf32>
    %add3A_372 = arith.addf %add3A_371, %convert_element_type3A_30 : vector<1x128xf32>
    %dot_general3A_373 = arith.constant dense<0.000000e+00> : vector<1x128xf32>
    %dot_general3A_374 = tpu.matmul %add3A_372, %convert_element_type3A_369, %dot_general3A_373 {dimension_numbers = #tpu.dot_dimension_numbers<[1], [0], [0], [1], [0, 0, 1, 1], [], []>, precision = #tpu.contract_precision<fp32>, transpose_lhs_hint = false} : vector<1x128xf32>, vector<128x128xf32>, vector<1x128xf32> -> vector<1x128xf32>
    %add3A_375 = arith.addf %add3A_356, %dot_general3A_374 : vector<1x128xf32>
    %slice3A_376 = vector.extract_strided_slice %select_n3A {offsets = [2, 0], sizes = [1, 128], strides = [1, 1]} : vector<16x128xf32> to vector<1x128xf32>
    %mul3A_377 = vector.broadcast %slice3A_376 : vector<1x128xf32> to vector<128x128xf32>
    %mul3A_378 = arith.mulf %convert_element_type3A_26, %mul3A_377 : vector<128x128xf32>
    %dot_general3A_379 = arith.constant dense<0.000000e+00> : vector<128x1xf32>
    %dot_general3A_380 = tpu.matmul %mul3A_378, %broadcast_in_dim3A_28, %dot_general3A_379 {dimension_numbers = #tpu.dot_dimension_numbers<[1], [0], [0], [1], [0, 0, 1, 1], [], []>, precision = #tpu.contract_precision<fp32>, transpose_lhs_hint = false} : vector<128x128xf32>, vector<128x1xf32>, vector<128x1xf32> -> vector<128x1xf32>
    %sub3A_381 = arith.constant 1.280000e+02 : f32
    %sub3A_382 = vector.broadcast %sub3A_381 : f32 to vector<128x1xf32>
    %sub3A_383 = arith.subf %dot_general3A_380, %sub3A_382 : vector<128x1xf32>
    %eq3A_384 = vector.broadcast %sub3A_383 : vector<128x1xf32> to vector<128x128xf32>
    %eq3A_385 = vector.broadcast %convert_element_type3A_30 : vector<1x128xf32> to vector<128x128xf32>
    %eq3A_386 = arith.cmpf oeq, %eq3A_384, %eq3A_385 : vector<128x128xf32>
    %convert_element_type3A_387 = arith.extui %eq3A_386 : vector<128x128xi1> to vector<128x128xi32>
    %convert_element_type3A_388 = arith.sitofp %convert_element_type3A_387 : vector<128x128xi32> to vector<128x128xf32>
    %add3A_389 = arith.constant 2.560000e+02 : f32
    %add3A_390 = vector.broadcast %add3A_389 : f32 to vector<1x128xf32>
    %add3A_391 = arith.addf %add3A_390, %convert_element_type3A_30 : vector<1x128xf32>
    %dot_general3A_392 = arith.constant dense<0.000000e+00> : vector<1x128xf32>
    %dot_general3A_393 = tpu.matmul %add3A_391, %convert_element_type3A_388, %dot_general3A_392 {dimension_numbers = #tpu.dot_dimension_numbers<[1], [0], [0], [1], [0, 0, 1, 1], [], []>, precision = #tpu.contract_precision<fp32>, transpose_lhs_hint = false} : vector<1x128xf32>, vector<128x128xf32>, vector<1x128xf32> -> vector<1x128xf32>
    %add3A_394 = arith.addf %add3A_375, %dot_general3A_393 : vector<1x128xf32>
    %slice3A_395 = vector.extract_strided_slice %select_n3A {offsets = [3, 0], sizes = [1, 128], strides = [1, 1]} : vector<16x128xf32> to vector<1x128xf32>
    %mul3A_396 = vector.broadcast %slice3A_395 : vector<1x128xf32> to vector<128x128xf32>
    %mul3A_397 = arith.mulf %convert_element_type3A_26, %mul3A_396 : vector<128x128xf32>
    %dot_general3A_398 = arith.constant dense<0.000000e+00> : vector<128x1xf32>
    %dot_general3A_399 = tpu.matmul %mul3A_397, %broadcast_in_dim3A_28, %dot_general3A_398 {dimension_numbers = #tpu.dot_dimension_numbers<[1], [0], [0], [1], [0, 0, 1, 1], [], []>, precision = #tpu.contract_precision<fp32>, transpose_lhs_hint = false} : vector<128x128xf32>, vector<128x1xf32>, vector<128x1xf32> -> vector<128x1xf32>
    %sub3A_400 = arith.constant 1.280000e+02 : f32
    %sub3A_401 = vector.broadcast %sub3A_400 : f32 to vector<128x1xf32>
    %sub3A_402 = arith.subf %dot_general3A_399, %sub3A_401 : vector<128x1xf32>
    %eq3A_403 = vector.broadcast %sub3A_402 : vector<128x1xf32> to vector<128x128xf32>
    %eq3A_404 = vector.broadcast %convert_element_type3A_30 : vector<1x128xf32> to vector<128x128xf32>
    %eq3A_405 = arith.cmpf oeq, %eq3A_403, %eq3A_404 : vector<128x128xf32>
    %convert_element_type3A_406 = arith.extui %eq3A_405 : vector<128x128xi1> to vector<128x128xi32>
    %convert_element_type3A_407 = arith.sitofp %convert_element_type3A_406 : vector<128x128xi32> to vector<128x128xf32>
    %add3A_408 = arith.constant 3.840000e+02 : f32
    %add3A_409 = vector.broadcast %add3A_408 : f32 to vector<1x128xf32>
    %add3A_410 = arith.addf %add3A_409, %convert_element_type3A_30 : vector<1x128xf32>
    %dot_general3A_411 = arith.constant dense<0.000000e+00> : vector<1x128xf32>
    %dot_general3A_412 = tpu.matmul %add3A_410, %convert_element_type3A_407, %dot_general3A_411 {dimension_numbers = #tpu.dot_dimension_numbers<[1], [0], [0], [1], [0, 0, 1, 1], [], []>, precision = #tpu.contract_precision<fp32>, transpose_lhs_hint = false} : vector<1x128xf32>, vector<128x128xf32>, vector<1x128xf32> -> vector<1x128xf32>
    %add3A_413 = arith.addf %add3A_394, %dot_general3A_412 : vector<1x128xf32>
    %slice3A_414 = vector.extract_strided_slice %select_n3A {offsets = [4, 0], sizes = [1, 128], strides = [1, 1]} : vector<16x128xf32> to vector<1x128xf32>
    %mul3A_415 = vector.broadcast %slice3A_414 : vector<1x128xf32> to vector<128x128xf32>
    %mul3A_416 = arith.mulf %convert_element_type3A_26, %mul3A_415 : vector<128x128xf32>
    %dot_general3A_417 = arith.constant dense<0.000000e+00> : vector<128x1xf32>
    %dot_general3A_418 = tpu.matmul %mul3A_416, %broadcast_in_dim3A_28, %dot_general3A_417 {dimension_numbers = #tpu.dot_dimension_numbers<[1], [0], [0], [1], [0, 0, 1, 1], [], []>, precision = #tpu.contract_precision<fp32>, transpose_lhs_hint = false} : vector<128x128xf32>, vector<128x1xf32>, vector<128x1xf32> -> vector<128x1xf32>
    %sub3A_419 = arith.constant 1.280000e+02 : f32
    %sub3A_420 = vector.broadcast %sub3A_419 : f32 to vector<128x1xf32>
    %sub3A_421 = arith.subf %dot_general3A_418, %sub3A_420 : vector<128x1xf32>
    %eq3A_422 = vector.broadcast %sub3A_421 : vector<128x1xf32> to vector<128x128xf32>
    %eq3A_423 = vector.broadcast %convert_element_type3A_30 : vector<1x128xf32> to vector<128x128xf32>
    %eq3A_424 = arith.cmpf oeq, %eq3A_422, %eq3A_423 : vector<128x128xf32>
    %convert_element_type3A_425 = arith.extui %eq3A_424 : vector<128x128xi1> to vector<128x128xi32>
    %convert_element_type3A_426 = arith.sitofp %convert_element_type3A_425 : vector<128x128xi32> to vector<128x128xf32>
    %add3A_427 = arith.constant 5.120000e+02 : f32
    %add3A_428 = vector.broadcast %add3A_427 : f32 to vector<1x128xf32>
    %add3A_429 = arith.addf %add3A_428, %convert_element_type3A_30 : vector<1x128xf32>
    %dot_general3A_430 = arith.constant dense<0.000000e+00> : vector<1x128xf32>
    %dot_general3A_431 = tpu.matmul %add3A_429, %convert_element_type3A_426, %dot_general3A_430 {dimension_numbers = #tpu.dot_dimension_numbers<[1], [0], [0], [1], [0, 0, 1, 1], [], []>, precision = #tpu.contract_precision<fp32>, transpose_lhs_hint = false} : vector<1x128xf32>, vector<128x128xf32>, vector<1x128xf32> -> vector<1x128xf32>
    %add3A_432 = arith.addf %add3A_413, %dot_general3A_431 : vector<1x128xf32>
    %slice3A_433 = vector.extract_strided_slice %select_n3A {offsets = [5, 0], sizes = [1, 128], strides = [1, 1]} : vector<16x128xf32> to vector<1x128xf32>
    %mul3A_434 = vector.broadcast %slice3A_433 : vector<1x128xf32> to vector<128x128xf32>
    %mul3A_435 = arith.mulf %convert_element_type3A_26, %mul3A_434 : vector<128x128xf32>
    %dot_general3A_436 = arith.constant dense<0.000000e+00> : vector<128x1xf32>
    %dot_general3A_437 = tpu.matmul %mul3A_435, %broadcast_in_dim3A_28, %dot_general3A_436 {dimension_numbers = #tpu.dot_dimension_numbers<[1], [0], [0], [1], [0, 0, 1, 1], [], []>, precision = #tpu.contract_precision<fp32>, transpose_lhs_hint = false} : vector<128x128xf32>, vector<128x1xf32>, vector<128x1xf32> -> vector<128x1xf32>
    %sub3A_438 = arith.constant 1.280000e+02 : f32
    %sub3A_439 = vector.broadcast %sub3A_438 : f32 to vector<128x1xf32>
    %sub3A_440 = arith.subf %dot_general3A_437, %sub3A_439 : vector<128x1xf32>
    %eq3A_441 = vector.broadcast %sub3A_440 : vector<128x1xf32> to vector<128x128xf32>
    %eq3A_442 = vector.broadcast %convert_element_type3A_30 : vector<1x128xf32> to vector<128x128xf32>
    %eq3A_443 = arith.cmpf oeq, %eq3A_441, %eq3A_442 : vector<128x128xf32>
    %convert_element_type3A_444 = arith.extui %eq3A_443 : vector<128x128xi1> to vector<128x128xi32>
    %convert_element_type3A_445 = arith.sitofp %convert_element_type3A_444 : vector<128x128xi32> to vector<128x128xf32>
    %add3A_446 = arith.constant 6.400000e+02 : f32
    %add3A_447 = vector.broadcast %add3A_446 : f32 to vector<1x128xf32>
    %add3A_448 = arith.addf %add3A_447, %convert_element_type3A_30 : vector<1x128xf32>
    %dot_general3A_449 = arith.constant dense<0.000000e+00> : vector<1x128xf32>
    %dot_general3A_450 = tpu.matmul %add3A_448, %convert_element_type3A_445, %dot_general3A_449 {dimension_numbers = #tpu.dot_dimension_numbers<[1], [0], [0], [1], [0, 0, 1, 1], [], []>, precision = #tpu.contract_precision<fp32>, transpose_lhs_hint = false} : vector<1x128xf32>, vector<128x128xf32>, vector<1x128xf32> -> vector<1x128xf32>
    %add3A_451 = arith.addf %add3A_432, %dot_general3A_450 : vector<1x128xf32>
    %slice3A_452 = vector.extract_strided_slice %select_n3A {offsets = [6, 0], sizes = [1, 128], strides = [1, 1]} : vector<16x128xf32> to vector<1x128xf32>
    %mul3A_453 = vector.broadcast %slice3A_452 : vector<1x128xf32> to vector<128x128xf32>
    %mul3A_454 = arith.mulf %convert_element_type3A_26, %mul3A_453 : vector<128x128xf32>
    %dot_general3A_455 = arith.constant dense<0.000000e+00> : vector<128x1xf32>
    %dot_general3A_456 = tpu.matmul %mul3A_454, %broadcast_in_dim3A_28, %dot_general3A_455 {dimension_numbers = #tpu.dot_dimension_numbers<[1], [0], [0], [1], [0, 0, 1, 1], [], []>, precision = #tpu.contract_precision<fp32>, transpose_lhs_hint = false} : vector<128x128xf32>, vector<128x1xf32>, vector<128x1xf32> -> vector<128x1xf32>
    %sub3A_457 = arith.constant 1.280000e+02 : f32
    %sub3A_458 = vector.broadcast %sub3A_457 : f32 to vector<128x1xf32>
    %sub3A_459 = arith.subf %dot_general3A_456, %sub3A_458 : vector<128x1xf32>
    %eq3A_460 = vector.broadcast %sub3A_459 : vector<128x1xf32> to vector<128x128xf32>
    %eq3A_461 = vector.broadcast %convert_element_type3A_30 : vector<1x128xf32> to vector<128x128xf32>
    %eq3A_462 = arith.cmpf oeq, %eq3A_460, %eq3A_461 : vector<128x128xf32>
    %convert_element_type3A_463 = arith.extui %eq3A_462 : vector<128x128xi1> to vector<128x128xi32>
    %convert_element_type3A_464 = arith.sitofp %convert_element_type3A_463 : vector<128x128xi32> to vector<128x128xf32>
    %add3A_465 = arith.constant 7.680000e+02 : f32
    %add3A_466 = vector.broadcast %add3A_465 : f32 to vector<1x128xf32>
    %add3A_467 = arith.addf %add3A_466, %convert_element_type3A_30 : vector<1x128xf32>
    %dot_general3A_468 = arith.constant dense<0.000000e+00> : vector<1x128xf32>
    %dot_general3A_469 = tpu.matmul %add3A_467, %convert_element_type3A_464, %dot_general3A_468 {dimension_numbers = #tpu.dot_dimension_numbers<[1], [0], [0], [1], [0, 0, 1, 1], [], []>, precision = #tpu.contract_precision<fp32>, transpose_lhs_hint = false} : vector<1x128xf32>, vector<128x128xf32>, vector<1x128xf32> -> vector<1x128xf32>
    %add3A_470 = arith.addf %add3A_451, %dot_general3A_469 : vector<1x128xf32>
    %slice3A_471 = vector.extract_strided_slice %select_n3A {offsets = [7, 0], sizes = [1, 128], strides = [1, 1]} : vector<16x128xf32> to vector<1x128xf32>
    %mul3A_472 = vector.broadcast %slice3A_471 : vector<1x128xf32> to vector<128x128xf32>
    %mul3A_473 = arith.mulf %convert_element_type3A_26, %mul3A_472 : vector<128x128xf32>
    %dot_general3A_474 = arith.constant dense<0.000000e+00> : vector<128x1xf32>
    %dot_general3A_475 = tpu.matmul %mul3A_473, %broadcast_in_dim3A_28, %dot_general3A_474 {dimension_numbers = #tpu.dot_dimension_numbers<[1], [0], [0], [1], [0, 0, 1, 1], [], []>, precision = #tpu.contract_precision<fp32>, transpose_lhs_hint = false} : vector<128x128xf32>, vector<128x1xf32>, vector<128x1xf32> -> vector<128x1xf32>
    %sub3A_476 = arith.constant 1.280000e+02 : f32
    %sub3A_477 = vector.broadcast %sub3A_476 : f32 to vector<128x1xf32>
    %sub3A_478 = arith.subf %dot_general3A_475, %sub3A_477 : vector<128x1xf32>
    %eq3A_479 = vector.broadcast %sub3A_478 : vector<128x1xf32> to vector<128x128xf32>
    %eq3A_480 = vector.broadcast %convert_element_type3A_30 : vector<1x128xf32> to vector<128x128xf32>
    %eq3A_481 = arith.cmpf oeq, %eq3A_479, %eq3A_480 : vector<128x128xf32>
    %convert_element_type3A_482 = arith.extui %eq3A_481 : vector<128x128xi1> to vector<128x128xi32>
    %convert_element_type3A_483 = arith.sitofp %convert_element_type3A_482 : vector<128x128xi32> to vector<128x128xf32>
    %add3A_484 = arith.constant 8.960000e+02 : f32
    %add3A_485 = vector.broadcast %add3A_484 : f32 to vector<1x128xf32>
    %add3A_486 = arith.addf %add3A_485, %convert_element_type3A_30 : vector<1x128xf32>
    %dot_general3A_487 = arith.constant dense<0.000000e+00> : vector<1x128xf32>
    %dot_general3A_488 = tpu.matmul %add3A_486, %convert_element_type3A_483, %dot_general3A_487 {dimension_numbers = #tpu.dot_dimension_numbers<[1], [0], [0], [1], [0, 0, 1, 1], [], []>, precision = #tpu.contract_precision<fp32>, transpose_lhs_hint = false} : vector<1x128xf32>, vector<128x128xf32>, vector<1x128xf32> -> vector<1x128xf32>
    %add3A_489 = arith.addf %add3A_470, %dot_general3A_488 : vector<1x128xf32>
    %slice3A_490 = vector.extract_strided_slice %select_n3A {offsets = [8, 0], sizes = [1, 128], strides = [1, 1]} : vector<16x128xf32> to vector<1x128xf32>
    %mul3A_491 = vector.broadcast %slice3A_490 : vector<1x128xf32> to vector<128x128xf32>
    %mul3A_492 = arith.mulf %convert_element_type3A_26, %mul3A_491 : vector<128x128xf32>
    %dot_general3A_493 = arith.constant dense<0.000000e+00> : vector<128x1xf32>
    %dot_general3A_494 = tpu.matmul %mul3A_492, %broadcast_in_dim3A_28, %dot_general3A_493 {dimension_numbers = #tpu.dot_dimension_numbers<[1], [0], [0], [1], [0, 0, 1, 1], [], []>, precision = #tpu.contract_precision<fp32>, transpose_lhs_hint = false} : vector<128x128xf32>, vector<128x1xf32>, vector<128x1xf32> -> vector<128x1xf32>
    %sub3A_495 = arith.constant 1.280000e+02 : f32
    %sub3A_496 = vector.broadcast %sub3A_495 : f32 to vector<128x1xf32>
    %sub3A_497 = arith.subf %dot_general3A_494, %sub3A_496 : vector<128x1xf32>
    %eq3A_498 = vector.broadcast %sub3A_497 : vector<128x1xf32> to vector<128x128xf32>
    %eq3A_499 = vector.broadcast %convert_element_type3A_30 : vector<1x128xf32> to vector<128x128xf32>
    %eq3A_500 = arith.cmpf oeq, %eq3A_498, %eq3A_499 : vector<128x128xf32>
    %convert_element_type3A_501 = arith.extui %eq3A_500 : vector<128x128xi1> to vector<128x128xi32>
    %convert_element_type3A_502 = arith.sitofp %convert_element_type3A_501 : vector<128x128xi32> to vector<128x128xf32>
    %add3A_503 = arith.constant 1.024000e+03 : f32
    %add3A_504 = vector.broadcast %add3A_503 : f32 to vector<1x128xf32>
    %add3A_505 = arith.addf %add3A_504, %convert_element_type3A_30 : vector<1x128xf32>
    %dot_general3A_506 = arith.constant dense<0.000000e+00> : vector<1x128xf32>
    %dot_general3A_507 = tpu.matmul %add3A_505, %convert_element_type3A_502, %dot_general3A_506 {dimension_numbers = #tpu.dot_dimension_numbers<[1], [0], [0], [1], [0, 0, 1, 1], [], []>, precision = #tpu.contract_precision<fp32>, transpose_lhs_hint = false} : vector<1x128xf32>, vector<128x128xf32>, vector<1x128xf32> -> vector<1x128xf32>
    %add3A_508 = arith.addf %add3A_489, %dot_general3A_507 : vector<1x128xf32>
    %slice3A_509 = vector.extract_strided_slice %select_n3A {offsets = [9, 0], sizes = [1, 128], strides = [1, 1]} : vector<16x128xf32> to vector<1x128xf32>
    %mul3A_510 = vector.broadcast %slice3A_509 : vector<1x128xf32> to vector<128x128xf32>
    %mul3A_511 = arith.mulf %convert_element_type3A_26, %mul3A_510 : vector<128x128xf32>
    %dot_general3A_512 = arith.constant dense<0.000000e+00> : vector<128x1xf32>
    %dot_general3A_513 = tpu.matmul %mul3A_511, %broadcast_in_dim3A_28, %dot_general3A_512 {dimension_numbers = #tpu.dot_dimension_numbers<[1], [0], [0], [1], [0, 0, 1, 1], [], []>, precision = #tpu.contract_precision<fp32>, transpose_lhs_hint = false} : vector<128x128xf32>, vector<128x1xf32>, vector<128x1xf32> -> vector<128x1xf32>
    %sub3A_514 = arith.constant 1.280000e+02 : f32
    %sub3A_515 = vector.broadcast %sub3A_514 : f32 to vector<128x1xf32>
    %sub3A_516 = arith.subf %dot_general3A_513, %sub3A_515 : vector<128x1xf32>
    %eq3A_517 = vector.broadcast %sub3A_516 : vector<128x1xf32> to vector<128x128xf32>
    %eq3A_518 = vector.broadcast %convert_element_type3A_30 : vector<1x128xf32> to vector<128x128xf32>
    %eq3A_519 = arith.cmpf oeq, %eq3A_517, %eq3A_518 : vector<128x128xf32>
    %convert_element_type3A_520 = arith.extui %eq3A_519 : vector<128x128xi1> to vector<128x128xi32>
    %convert_element_type3A_521 = arith.sitofp %convert_element_type3A_520 : vector<128x128xi32> to vector<128x128xf32>
    %add3A_522 = arith.constant 1.152000e+03 : f32
    %add3A_523 = vector.broadcast %add3A_522 : f32 to vector<1x128xf32>
    %add3A_524 = arith.addf %add3A_523, %convert_element_type3A_30 : vector<1x128xf32>
    %dot_general3A_525 = arith.constant dense<0.000000e+00> : vector<1x128xf32>
    %dot_general3A_526 = tpu.matmul %add3A_524, %convert_element_type3A_521, %dot_general3A_525 {dimension_numbers = #tpu.dot_dimension_numbers<[1], [0], [0], [1], [0, 0, 1, 1], [], []>, precision = #tpu.contract_precision<fp32>, transpose_lhs_hint = false} : vector<1x128xf32>, vector<128x128xf32>, vector<1x128xf32> -> vector<1x128xf32>
    %add3A_527 = arith.addf %add3A_508, %dot_general3A_526 : vector<1x128xf32>
    %slice3A_528 = vector.extract_strided_slice %select_n3A {offsets = [10, 0], sizes = [1, 128], strides = [1, 1]} : vector<16x128xf32> to vector<1x128xf32>
    %mul3A_529 = vector.broadcast %slice3A_528 : vector<1x128xf32> to vector<128x128xf32>
    %mul3A_530 = arith.mulf %convert_element_type3A_26, %mul3A_529 : vector<128x128xf32>
    %dot_general3A_531 = arith.constant dense<0.000000e+00> : vector<128x1xf32>
    %dot_general3A_532 = tpu.matmul %mul3A_530, %broadcast_in_dim3A_28, %dot_general3A_531 {dimension_numbers = #tpu.dot_dimension_numbers<[1], [0], [0], [1], [0, 0, 1, 1], [], []>, precision = #tpu.contract_precision<fp32>, transpose_lhs_hint = false} : vector<128x128xf32>, vector<128x1xf32>, vector<128x1xf32> -> vector<128x1xf32>
    %sub3A_533 = arith.constant 1.280000e+02 : f32
    %sub3A_534 = vector.broadcast %sub3A_533 : f32 to vector<128x1xf32>
    %sub3A_535 = arith.subf %dot_general3A_532, %sub3A_534 : vector<128x1xf32>
    %eq3A_536 = vector.broadcast %sub3A_535 : vector<128x1xf32> to vector<128x128xf32>
    %eq3A_537 = vector.broadcast %convert_element_type3A_30 : vector<1x128xf32> to vector<128x128xf32>
    %eq3A_538 = arith.cmpf oeq, %eq3A_536, %eq3A_537 : vector<128x128xf32>
    %convert_element_type3A_539 = arith.extui %eq3A_538 : vector<128x128xi1> to vector<128x128xi32>
    %convert_element_type3A_540 = arith.sitofp %convert_element_type3A_539 : vector<128x128xi32> to vector<128x128xf32>
    %add3A_541 = arith.constant 1.280000e+03 : f32
    %add3A_542 = vector.broadcast %add3A_541 : f32 to vector<1x128xf32>
    %add3A_543 = arith.addf %add3A_542, %convert_element_type3A_30 : vector<1x128xf32>
    %dot_general3A_544 = arith.constant dense<0.000000e+00> : vector<1x128xf32>
    %dot_general3A_545 = tpu.matmul %add3A_543, %convert_element_type3A_540, %dot_general3A_544 {dimension_numbers = #tpu.dot_dimension_numbers<[1], [0], [0], [1], [0, 0, 1, 1], [], []>, precision = #tpu.contract_precision<fp32>, transpose_lhs_hint = false} : vector<1x128xf32>, vector<128x128xf32>, vector<1x128xf32> -> vector<1x128xf32>
    %add3A_546 = arith.addf %add3A_527, %dot_general3A_545 : vector<1x128xf32>
    %slice3A_547 = vector.extract_strided_slice %select_n3A {offsets = [11, 0], sizes = [1, 128], strides = [1, 1]} : vector<16x128xf32> to vector<1x128xf32>
    %mul3A_548 = vector.broadcast %slice3A_547 : vector<1x128xf32> to vector<128x128xf32>
    %mul3A_549 = arith.mulf %convert_element_type3A_26, %mul3A_548 : vector<128x128xf32>
    %dot_general3A_550 = arith.constant dense<0.000000e+00> : vector<128x1xf32>
    %dot_general3A_551 = tpu.matmul %mul3A_549, %broadcast_in_dim3A_28, %dot_general3A_550 {dimension_numbers = #tpu.dot_dimension_numbers<[1], [0], [0], [1], [0, 0, 1, 1], [], []>, precision = #tpu.contract_precision<fp32>, transpose_lhs_hint = false} : vector<128x128xf32>, vector<128x1xf32>, vector<128x1xf32> -> vector<128x1xf32>
    %sub3A_552 = arith.constant 1.280000e+02 : f32
    %sub3A_553 = vector.broadcast %sub3A_552 : f32 to vector<128x1xf32>
    %sub3A_554 = arith.subf %dot_general3A_551, %sub3A_553 : vector<128x1xf32>
    %eq3A_555 = vector.broadcast %sub3A_554 : vector<128x1xf32> to vector<128x128xf32>
    %eq3A_556 = vector.broadcast %convert_element_type3A_30 : vector<1x128xf32> to vector<128x128xf32>
    %eq3A_557 = arith.cmpf oeq, %eq3A_555, %eq3A_556 : vector<128x128xf32>
    %convert_element_type3A_558 = arith.extui %eq3A_557 : vector<128x128xi1> to vector<128x128xi32>
    %convert_element_type3A_559 = arith.sitofp %convert_element_type3A_558 : vector<128x128xi32> to vector<128x128xf32>
    %add3A_560 = arith.constant 1.408000e+03 : f32
    %add3A_561 = vector.broadcast %add3A_560 : f32 to vector<1x128xf32>
    %add3A_562 = arith.addf %add3A_561, %convert_element_type3A_30 : vector<1x128xf32>
    %dot_general3A_563 = arith.constant dense<0.000000e+00> : vector<1x128xf32>
    %dot_general3A_564 = tpu.matmul %add3A_562, %convert_element_type3A_559, %dot_general3A_563 {dimension_numbers = #tpu.dot_dimension_numbers<[1], [0], [0], [1], [0, 0, 1, 1], [], []>, precision = #tpu.contract_precision<fp32>, transpose_lhs_hint = false} : vector<1x128xf32>, vector<128x128xf32>, vector<1x128xf32> -> vector<1x128xf32>
    %add3A_565 = arith.addf %add3A_546, %dot_general3A_564 : vector<1x128xf32>
    %slice3A_566 = vector.extract_strided_slice %select_n3A {offsets = [12, 0], sizes = [1, 128], strides = [1, 1]} : vector<16x128xf32> to vector<1x128xf32>
    %mul3A_567 = vector.broadcast %slice3A_566 : vector<1x128xf32> to vector<128x128xf32>
    %mul3A_568 = arith.mulf %convert_element_type3A_26, %mul3A_567 : vector<128x128xf32>
    %dot_general3A_569 = arith.constant dense<0.000000e+00> : vector<128x1xf32>
    %dot_general3A_570 = tpu.matmul %mul3A_568, %broadcast_in_dim3A_28, %dot_general3A_569 {dimension_numbers = #tpu.dot_dimension_numbers<[1], [0], [0], [1], [0, 0, 1, 1], [], []>, precision = #tpu.contract_precision<fp32>, transpose_lhs_hint = false} : vector<128x128xf32>, vector<128x1xf32>, vector<128x1xf32> -> vector<128x1xf32>
    %sub3A_571 = arith.constant 1.280000e+02 : f32
    %sub3A_572 = vector.broadcast %sub3A_571 : f32 to vector<128x1xf32>
    %sub3A_573 = arith.subf %dot_general3A_570, %sub3A_572 : vector<128x1xf32>
    %eq3A_574 = vector.broadcast %sub3A_573 : vector<128x1xf32> to vector<128x128xf32>
    %eq3A_575 = vector.broadcast %convert_element_type3A_30 : vector<1x128xf32> to vector<128x128xf32>
    %eq3A_576 = arith.cmpf oeq, %eq3A_574, %eq3A_575 : vector<128x128xf32>
    %convert_element_type3A_577 = arith.extui %eq3A_576 : vector<128x128xi1> to vector<128x128xi32>
    %convert_element_type3A_578 = arith.sitofp %convert_element_type3A_577 : vector<128x128xi32> to vector<128x128xf32>
    %add3A_579 = arith.constant 1.536000e+03 : f32
    %add3A_580 = vector.broadcast %add3A_579 : f32 to vector<1x128xf32>
    %add3A_581 = arith.addf %add3A_580, %convert_element_type3A_30 : vector<1x128xf32>
    %dot_general3A_582 = arith.constant dense<0.000000e+00> : vector<1x128xf32>
    %dot_general3A_583 = tpu.matmul %add3A_581, %convert_element_type3A_578, %dot_general3A_582 {dimension_numbers = #tpu.dot_dimension_numbers<[1], [0], [0], [1], [0, 0, 1, 1], [], []>, precision = #tpu.contract_precision<fp32>, transpose_lhs_hint = false} : vector<1x128xf32>, vector<128x128xf32>, vector<1x128xf32> -> vector<1x128xf32>
    %add3A_584 = arith.addf %add3A_565, %dot_general3A_583 : vector<1x128xf32>
    %slice3A_585 = vector.extract_strided_slice %select_n3A {offsets = [13, 0], sizes = [1, 128], strides = [1, 1]} : vector<16x128xf32> to vector<1x128xf32>
    %mul3A_586 = vector.broadcast %slice3A_585 : vector<1x128xf32> to vector<128x128xf32>
    %mul3A_587 = arith.mulf %convert_element_type3A_26, %mul3A_586 : vector<128x128xf32>
    %dot_general3A_588 = arith.constant dense<0.000000e+00> : vector<128x1xf32>
    %dot_general3A_589 = tpu.matmul %mul3A_587, %broadcast_in_dim3A_28, %dot_general3A_588 {dimension_numbers = #tpu.dot_dimension_numbers<[1], [0], [0], [1], [0, 0, 1, 1], [], []>, precision = #tpu.contract_precision<fp32>, transpose_lhs_hint = false} : vector<128x128xf32>, vector<128x1xf32>, vector<128x1xf32> -> vector<128x1xf32>
    %sub3A_590 = arith.constant 1.280000e+02 : f32
    %sub3A_591 = vector.broadcast %sub3A_590 : f32 to vector<128x1xf32>
    %sub3A_592 = arith.subf %dot_general3A_589, %sub3A_591 : vector<128x1xf32>
    %eq3A_593 = vector.broadcast %sub3A_592 : vector<128x1xf32> to vector<128x128xf32>
    %eq3A_594 = vector.broadcast %convert_element_type3A_30 : vector<1x128xf32> to vector<128x128xf32>
    %eq3A_595 = arith.cmpf oeq, %eq3A_593, %eq3A_594 : vector<128x128xf32>
    %convert_element_type3A_596 = arith.extui %eq3A_595 : vector<128x128xi1> to vector<128x128xi32>
    %convert_element_type3A_597 = arith.sitofp %convert_element_type3A_596 : vector<128x128xi32> to vector<128x128xf32>
    %add3A_598 = arith.constant 1.664000e+03 : f32
    %add3A_599 = vector.broadcast %add3A_598 : f32 to vector<1x128xf32>
    %add3A_600 = arith.addf %add3A_599, %convert_element_type3A_30 : vector<1x128xf32>
    %dot_general3A_601 = arith.constant dense<0.000000e+00> : vector<1x128xf32>
    %dot_general3A_602 = tpu.matmul %add3A_600, %convert_element_type3A_597, %dot_general3A_601 {dimension_numbers = #tpu.dot_dimension_numbers<[1], [0], [0], [1], [0, 0, 1, 1], [], []>, precision = #tpu.contract_precision<fp32>, transpose_lhs_hint = false} : vector<1x128xf32>, vector<128x128xf32>, vector<1x128xf32> -> vector<1x128xf32>
    %add3A_603 = arith.addf %add3A_584, %dot_general3A_602 : vector<1x128xf32>
    %slice3A_604 = vector.extract_strided_slice %select_n3A {offsets = [14, 0], sizes = [1, 128], strides = [1, 1]} : vector<16x128xf32> to vector<1x128xf32>
    %mul3A_605 = vector.broadcast %slice3A_604 : vector<1x128xf32> to vector<128x128xf32>
    %mul3A_606 = arith.mulf %convert_element_type3A_26, %mul3A_605 : vector<128x128xf32>
    %dot_general3A_607 = arith.constant dense<0.000000e+00> : vector<128x1xf32>
    %dot_general3A_608 = tpu.matmul %mul3A_606, %broadcast_in_dim3A_28, %dot_general3A_607 {dimension_numbers = #tpu.dot_dimension_numbers<[1], [0], [0], [1], [0, 0, 1, 1], [], []>, precision = #tpu.contract_precision<fp32>, transpose_lhs_hint = false} : vector<128x128xf32>, vector<128x1xf32>, vector<128x1xf32> -> vector<128x1xf32>
    %sub3A_609 = arith.constant 1.280000e+02 : f32
    %sub3A_610 = vector.broadcast %sub3A_609 : f32 to vector<128x1xf32>
    %sub3A_611 = arith.subf %dot_general3A_608, %sub3A_610 : vector<128x1xf32>
    %eq3A_612 = vector.broadcast %sub3A_611 : vector<128x1xf32> to vector<128x128xf32>
    %eq3A_613 = vector.broadcast %convert_element_type3A_30 : vector<1x128xf32> to vector<128x128xf32>
    %eq3A_614 = arith.cmpf oeq, %eq3A_612, %eq3A_613 : vector<128x128xf32>
    %convert_element_type3A_615 = arith.extui %eq3A_614 : vector<128x128xi1> to vector<128x128xi32>
    %convert_element_type3A_616 = arith.sitofp %convert_element_type3A_615 : vector<128x128xi32> to vector<128x128xf32>
    %add3A_617 = arith.constant 1.792000e+03 : f32
    %add3A_618 = vector.broadcast %add3A_617 : f32 to vector<1x128xf32>
    %add3A_619 = arith.addf %add3A_618, %convert_element_type3A_30 : vector<1x128xf32>
    %dot_general3A_620 = arith.constant dense<0.000000e+00> : vector<1x128xf32>
    %dot_general3A_621 = tpu.matmul %add3A_619, %convert_element_type3A_616, %dot_general3A_620 {dimension_numbers = #tpu.dot_dimension_numbers<[1], [0], [0], [1], [0, 0, 1, 1], [], []>, precision = #tpu.contract_precision<fp32>, transpose_lhs_hint = false} : vector<1x128xf32>, vector<128x128xf32>, vector<1x128xf32> -> vector<1x128xf32>
    %add3A_622 = arith.addf %add3A_603, %dot_general3A_621 : vector<1x128xf32>
    %slice3A_623 = vector.extract_strided_slice %select_n3A {offsets = [15, 0], sizes = [1, 128], strides = [1, 1]} : vector<16x128xf32> to vector<1x128xf32>
    %mul3A_624 = vector.broadcast %slice3A_623 : vector<1x128xf32> to vector<128x128xf32>
    %mul3A_625 = arith.mulf %convert_element_type3A_26, %mul3A_624 : vector<128x128xf32>
    %dot_general3A_626 = arith.constant dense<0.000000e+00> : vector<128x1xf32>
    %dot_general3A_627 = tpu.matmul %mul3A_625, %broadcast_in_dim3A_28, %dot_general3A_626 {dimension_numbers = #tpu.dot_dimension_numbers<[1], [0], [0], [1], [0, 0, 1, 1], [], []>, precision = #tpu.contract_precision<fp32>, transpose_lhs_hint = false} : vector<128x128xf32>, vector<128x1xf32>, vector<128x1xf32> -> vector<128x1xf32>
    %sub3A_628 = arith.constant 1.280000e+02 : f32
    %sub3A_629 = vector.broadcast %sub3A_628 : f32 to vector<128x1xf32>
    %sub3A_630 = arith.subf %dot_general3A_627, %sub3A_629 : vector<128x1xf32>
    %eq3A_631 = vector.broadcast %sub3A_630 : vector<128x1xf32> to vector<128x128xf32>
    %eq3A_632 = vector.broadcast %convert_element_type3A_30 : vector<1x128xf32> to vector<128x128xf32>
    %eq3A_633 = arith.cmpf oeq, %eq3A_631, %eq3A_632 : vector<128x128xf32>
    %convert_element_type3A_634 = arith.extui %eq3A_633 : vector<128x128xi1> to vector<128x128xi32>
    %convert_element_type3A_635 = arith.sitofp %convert_element_type3A_634 : vector<128x128xi32> to vector<128x128xf32>
    %add3A_636 = arith.constant 1.920000e+03 : f32
    %add3A_637 = vector.broadcast %add3A_636 : f32 to vector<1x128xf32>
    %add3A_638 = arith.addf %add3A_637, %convert_element_type3A_30 : vector<1x128xf32>
    %dot_general3A_639 = arith.constant dense<0.000000e+00> : vector<1x128xf32>
    %dot_general3A_640 = tpu.matmul %add3A_638, %convert_element_type3A_635, %dot_general3A_639 {dimension_numbers = #tpu.dot_dimension_numbers<[1], [0], [0], [1], [0, 0, 1, 1], [], []>, precision = #tpu.contract_precision<fp32>, transpose_lhs_hint = false} : vector<1x128xf32>, vector<128x128xf32>, vector<1x128xf32> -> vector<1x128xf32>
    %add3A_641 = arith.addf %add3A_622, %dot_general3A_640 : vector<1x128xf32>
    %broadcast_in_dim3A_642 = arith.constant 0.000000e+00 : f32
    %broadcast_in_dim3A_643 = vector.broadcast %broadcast_in_dim3A_642 : f32 to vector<1x128xf32>
    %slice3A_644 = vector.extract_strided_slice %select_n3A {offsets = [0, 0], sizes = [1, 128], strides = [1, 1]} : vector<16x128xf32> to vector<1x128xf32>
    %mul3A_645 = vector.broadcast %slice3A_644 : vector<1x128xf32> to vector<128x128xf32>
    %mul3A_646 = arith.mulf %convert_element_type3A_26, %mul3A_645 : vector<128x128xf32>
    %dot_general3A_647 = arith.constant dense<0.000000e+00> : vector<128x1xf32>
    %dot_general3A_648 = tpu.matmul %mul3A_646, %broadcast_in_dim3A_28, %dot_general3A_647 {dimension_numbers = #tpu.dot_dimension_numbers<[1], [0], [0], [1], [0, 0, 1, 1], [], []>, precision = #tpu.contract_precision<fp32>, transpose_lhs_hint = false} : vector<128x128xf32>, vector<128x1xf32>, vector<128x1xf32> -> vector<128x1xf32>
    %sub3A_649 = arith.constant 2.560000e+02 : f32
    %sub3A_650 = vector.broadcast %sub3A_649 : f32 to vector<128x1xf32>
    %sub3A_651 = arith.subf %dot_general3A_648, %sub3A_650 : vector<128x1xf32>
    %eq3A_652 = vector.broadcast %sub3A_651 : vector<128x1xf32> to vector<128x128xf32>
    %eq3A_653 = vector.broadcast %convert_element_type3A_30 : vector<1x128xf32> to vector<128x128xf32>
    %eq3A_654 = arith.cmpf oeq, %eq3A_652, %eq3A_653 : vector<128x128xf32>
    %convert_element_type3A_655 = arith.extui %eq3A_654 : vector<128x128xi1> to vector<128x128xi32>
    %convert_element_type3A_656 = arith.sitofp %convert_element_type3A_655 : vector<128x128xi32> to vector<128x128xf32>
    %add3A_657 = arith.constant 0.000000e+00 : f32
    %add3A_658 = vector.broadcast %add3A_657 : f32 to vector<1x128xf32>
    %add3A_659 = arith.addf %add3A_658, %convert_element_type3A_30 : vector<1x128xf32>
    %dot_general3A_660 = arith.constant dense<0.000000e+00> : vector<1x128xf32>
    %dot_general3A_661 = tpu.matmul %add3A_659, %convert_element_type3A_656, %dot_general3A_660 {dimension_numbers = #tpu.dot_dimension_numbers<[1], [0], [0], [1], [0, 0, 1, 1], [], []>, precision = #tpu.contract_precision<fp32>, transpose_lhs_hint = false} : vector<1x128xf32>, vector<128x128xf32>, vector<1x128xf32> -> vector<1x128xf32>
    %add3A_662 = arith.addf %broadcast_in_dim3A_643, %dot_general3A_661 : vector<1x128xf32>
    %slice3A_663 = vector.extract_strided_slice %select_n3A {offsets = [1, 0], sizes = [1, 128], strides = [1, 1]} : vector<16x128xf32> to vector<1x128xf32>
    %mul3A_664 = vector.broadcast %slice3A_663 : vector<1x128xf32> to vector<128x128xf32>
    %mul3A_665 = arith.mulf %convert_element_type3A_26, %mul3A_664 : vector<128x128xf32>
    %dot_general3A_666 = arith.constant dense<0.000000e+00> : vector<128x1xf32>
    %dot_general3A_667 = tpu.matmul %mul3A_665, %broadcast_in_dim3A_28, %dot_general3A_666 {dimension_numbers = #tpu.dot_dimension_numbers<[1], [0], [0], [1], [0, 0, 1, 1], [], []>, precision = #tpu.contract_precision<fp32>, transpose_lhs_hint = false} : vector<128x128xf32>, vector<128x1xf32>, vector<128x1xf32> -> vector<128x1xf32>
    %sub3A_668 = arith.constant 2.560000e+02 : f32
    %sub3A_669 = vector.broadcast %sub3A_668 : f32 to vector<128x1xf32>
    %sub3A_670 = arith.subf %dot_general3A_667, %sub3A_669 : vector<128x1xf32>
    %eq3A_671 = vector.broadcast %sub3A_670 : vector<128x1xf32> to vector<128x128xf32>
    %eq3A_672 = vector.broadcast %convert_element_type3A_30 : vector<1x128xf32> to vector<128x128xf32>
    %eq3A_673 = arith.cmpf oeq, %eq3A_671, %eq3A_672 : vector<128x128xf32>
    %convert_element_type3A_674 = arith.extui %eq3A_673 : vector<128x128xi1> to vector<128x128xi32>
    %convert_element_type3A_675 = arith.sitofp %convert_element_type3A_674 : vector<128x128xi32> to vector<128x128xf32>
    %add3A_676 = arith.constant 1.280000e+02 : f32
    %add3A_677 = vector.broadcast %add3A_676 : f32 to vector<1x128xf32>
    %add3A_678 = arith.addf %add3A_677, %convert_element_type3A_30 : vector<1x128xf32>
    %dot_general3A_679 = arith.constant dense<0.000000e+00> : vector<1x128xf32>
    %dot_general3A_680 = tpu.matmul %add3A_678, %convert_element_type3A_675, %dot_general3A_679 {dimension_numbers = #tpu.dot_dimension_numbers<[1], [0], [0], [1], [0, 0, 1, 1], [], []>, precision = #tpu.contract_precision<fp32>, transpose_lhs_hint = false} : vector<1x128xf32>, vector<128x128xf32>, vector<1x128xf32> -> vector<1x128xf32>
    %add3A_681 = arith.addf %add3A_662, %dot_general3A_680 : vector<1x128xf32>
    %slice3A_682 = vector.extract_strided_slice %select_n3A {offsets = [2, 0], sizes = [1, 128], strides = [1, 1]} : vector<16x128xf32> to vector<1x128xf32>
    %mul3A_683 = vector.broadcast %slice3A_682 : vector<1x128xf32> to vector<128x128xf32>
    %mul3A_684 = arith.mulf %convert_element_type3A_26, %mul3A_683 : vector<128x128xf32>
    %dot_general3A_685 = arith.constant dense<0.000000e+00> : vector<128x1xf32>
    %dot_general3A_686 = tpu.matmul %mul3A_684, %broadcast_in_dim3A_28, %dot_general3A_685 {dimension_numbers = #tpu.dot_dimension_numbers<[1], [0], [0], [1], [0, 0, 1, 1], [], []>, precision = #tpu.contract_precision<fp32>, transpose_lhs_hint = false} : vector<128x128xf32>, vector<128x1xf32>, vector<128x1xf32> -> vector<128x1xf32>
    %sub3A_687 = arith.constant 2.560000e+02 : f32
    %sub3A_688 = vector.broadcast %sub3A_687 : f32 to vector<128x1xf32>
    %sub3A_689 = arith.subf %dot_general3A_686, %sub3A_688 : vector<128x1xf32>
    %eq3A_690 = vector.broadcast %sub3A_689 : vector<128x1xf32> to vector<128x128xf32>
    %eq3A_691 = vector.broadcast %convert_element_type3A_30 : vector<1x128xf32> to vector<128x128xf32>
    %eq3A_692 = arith.cmpf oeq, %eq3A_690, %eq3A_691 : vector<128x128xf32>
    %convert_element_type3A_693 = arith.extui %eq3A_692 : vector<128x128xi1> to vector<128x128xi32>
    %convert_element_type3A_694 = arith.sitofp %convert_element_type3A_693 : vector<128x128xi32> to vector<128x128xf32>
    %add3A_695 = arith.constant 2.560000e+02 : f32
    %add3A_696 = vector.broadcast %add3A_695 : f32 to vector<1x128xf32>
    %add3A_697 = arith.addf %add3A_696, %convert_element_type3A_30 : vector<1x128xf32>
    %dot_general3A_698 = arith.constant dense<0.000000e+00> : vector<1x128xf32>
    %dot_general3A_699 = tpu.matmul %add3A_697, %convert_element_type3A_694, %dot_general3A_698 {dimension_numbers = #tpu.dot_dimension_numbers<[1], [0], [0], [1], [0, 0, 1, 1], [], []>, precision = #tpu.contract_precision<fp32>, transpose_lhs_hint = false} : vector<1x128xf32>, vector<128x128xf32>, vector<1x128xf32> -> vector<1x128xf32>
    %add3A_700 = arith.addf %add3A_681, %dot_general3A_699 : vector<1x128xf32>
    %slice3A_701 = vector.extract_strided_slice %select_n3A {offsets = [3, 0], sizes = [1, 128], strides = [1, 1]} : vector<16x128xf32> to vector<1x128xf32>
    %mul3A_702 = vector.broadcast %slice3A_701 : vector<1x128xf32> to vector<128x128xf32>
    %mul3A_703 = arith.mulf %convert_element_type3A_26, %mul3A_702 : vector<128x128xf32>
    %dot_general3A_704 = arith.constant dense<0.000000e+00> : vector<128x1xf32>
    %dot_general3A_705 = tpu.matmul %mul3A_703, %broadcast_in_dim3A_28, %dot_general3A_704 {dimension_numbers = #tpu.dot_dimension_numbers<[1], [0], [0], [1], [0, 0, 1, 1], [], []>, precision = #tpu.contract_precision<fp32>, transpose_lhs_hint = false} : vector<128x128xf32>, vector<128x1xf32>, vector<128x1xf32> -> vector<128x1xf32>
    %sub3A_706 = arith.constant 2.560000e+02 : f32
    %sub3A_707 = vector.broadcast %sub3A_706 : f32 to vector<128x1xf32>
    %sub3A_708 = arith.subf %dot_general3A_705, %sub3A_707 : vector<128x1xf32>
    %eq3A_709 = vector.broadcast %sub3A_708 : vector<128x1xf32> to vector<128x128xf32>
    %eq3A_710 = vector.broadcast %convert_element_type3A_30 : vector<1x128xf32> to vector<128x128xf32>
    %eq3A_711 = arith.cmpf oeq, %eq3A_709, %eq3A_710 : vector<128x128xf32>
    %convert_element_type3A_712 = arith.extui %eq3A_711 : vector<128x128xi1> to vector<128x128xi32>
    %convert_element_type3A_713 = arith.sitofp %convert_element_type3A_712 : vector<128x128xi32> to vector<128x128xf32>
    %add3A_714 = arith.constant 3.840000e+02 : f32
    %add3A_715 = vector.broadcast %add3A_714 : f32 to vector<1x128xf32>
    %add3A_716 = arith.addf %add3A_715, %convert_element_type3A_30 : vector<1x128xf32>
    %dot_general3A_717 = arith.constant dense<0.000000e+00> : vector<1x128xf32>
    %dot_general3A_718 = tpu.matmul %add3A_716, %convert_element_type3A_713, %dot_general3A_717 {dimension_numbers = #tpu.dot_dimension_numbers<[1], [0], [0], [1], [0, 0, 1, 1], [], []>, precision = #tpu.contract_precision<fp32>, transpose_lhs_hint = false} : vector<1x128xf32>, vector<128x128xf32>, vector<1x128xf32> -> vector<1x128xf32>
    %add3A_719 = arith.addf %add3A_700, %dot_general3A_718 : vector<1x128xf32>
    %slice3A_720 = vector.extract_strided_slice %select_n3A {offsets = [4, 0], sizes = [1, 128], strides = [1, 1]} : vector<16x128xf32> to vector<1x128xf32>
    %mul3A_721 = vector.broadcast %slice3A_720 : vector<1x128xf32> to vector<128x128xf32>
    %mul3A_722 = arith.mulf %convert_element_type3A_26, %mul3A_721 : vector<128x128xf32>
    %dot_general3A_723 = arith.constant dense<0.000000e+00> : vector<128x1xf32>
    %dot_general3A_724 = tpu.matmul %mul3A_722, %broadcast_in_dim3A_28, %dot_general3A_723 {dimension_numbers = #tpu.dot_dimension_numbers<[1], [0], [0], [1], [0, 0, 1, 1], [], []>, precision = #tpu.contract_precision<fp32>, transpose_lhs_hint = false} : vector<128x128xf32>, vector<128x1xf32>, vector<128x1xf32> -> vector<128x1xf32>
    %sub3A_725 = arith.constant 2.560000e+02 : f32
    %sub3A_726 = vector.broadcast %sub3A_725 : f32 to vector<128x1xf32>
    %sub3A_727 = arith.subf %dot_general3A_724, %sub3A_726 : vector<128x1xf32>
    %eq3A_728 = vector.broadcast %sub3A_727 : vector<128x1xf32> to vector<128x128xf32>
    %eq3A_729 = vector.broadcast %convert_element_type3A_30 : vector<1x128xf32> to vector<128x128xf32>
    %eq3A_730 = arith.cmpf oeq, %eq3A_728, %eq3A_729 : vector<128x128xf32>
    %convert_element_type3A_731 = arith.extui %eq3A_730 : vector<128x128xi1> to vector<128x128xi32>
    %convert_element_type3A_732 = arith.sitofp %convert_element_type3A_731 : vector<128x128xi32> to vector<128x128xf32>
    %add3A_733 = arith.constant 5.120000e+02 : f32
    %add3A_734 = vector.broadcast %add3A_733 : f32 to vector<1x128xf32>
    %add3A_735 = arith.addf %add3A_734, %convert_element_type3A_30 : vector<1x128xf32>
    %dot_general3A_736 = arith.constant dense<0.000000e+00> : vector<1x128xf32>
    %dot_general3A_737 = tpu.matmul %add3A_735, %convert_element_type3A_732, %dot_general3A_736 {dimension_numbers = #tpu.dot_dimension_numbers<[1], [0], [0], [1], [0, 0, 1, 1], [], []>, precision = #tpu.contract_precision<fp32>, transpose_lhs_hint = false} : vector<1x128xf32>, vector<128x128xf32>, vector<1x128xf32> -> vector<1x128xf32>
    %add3A_738 = arith.addf %add3A_719, %dot_general3A_737 : vector<1x128xf32>
    %slice3A_739 = vector.extract_strided_slice %select_n3A {offsets = [5, 0], sizes = [1, 128], strides = [1, 1]} : vector<16x128xf32> to vector<1x128xf32>
    %mul3A_740 = vector.broadcast %slice3A_739 : vector<1x128xf32> to vector<128x128xf32>
    %mul3A_741 = arith.mulf %convert_element_type3A_26, %mul3A_740 : vector<128x128xf32>
    %dot_general3A_742 = arith.constant dense<0.000000e+00> : vector<128x1xf32>
    %dot_general3A_743 = tpu.matmul %mul3A_741, %broadcast_in_dim3A_28, %dot_general3A_742 {dimension_numbers = #tpu.dot_dimension_numbers<[1], [0], [0], [1], [0, 0, 1, 1], [], []>, precision = #tpu.contract_precision<fp32>, transpose_lhs_hint = false} : vector<128x128xf32>, vector<128x1xf32>, vector<128x1xf32> -> vector<128x1xf32>
    %sub3A_744 = arith.constant 2.560000e+02 : f32
    %sub3A_745 = vector.broadcast %sub3A_744 : f32 to vector<128x1xf32>
    %sub3A_746 = arith.subf %dot_general3A_743, %sub3A_745 : vector<128x1xf32>
    %eq3A_747 = vector.broadcast %sub3A_746 : vector<128x1xf32> to vector<128x128xf32>
    %eq3A_748 = vector.broadcast %convert_element_type3A_30 : vector<1x128xf32> to vector<128x128xf32>
    %eq3A_749 = arith.cmpf oeq, %eq3A_747, %eq3A_748 : vector<128x128xf32>
    %convert_element_type3A_750 = arith.extui %eq3A_749 : vector<128x128xi1> to vector<128x128xi32>
    %convert_element_type3A_751 = arith.sitofp %convert_element_type3A_750 : vector<128x128xi32> to vector<128x128xf32>
    %add3A_752 = arith.constant 6.400000e+02 : f32
    %add3A_753 = vector.broadcast %add3A_752 : f32 to vector<1x128xf32>
    %add3A_754 = arith.addf %add3A_753, %convert_element_type3A_30 : vector<1x128xf32>
    %dot_general3A_755 = arith.constant dense<0.000000e+00> : vector<1x128xf32>
    %dot_general3A_756 = tpu.matmul %add3A_754, %convert_element_type3A_751, %dot_general3A_755 {dimension_numbers = #tpu.dot_dimension_numbers<[1], [0], [0], [1], [0, 0, 1, 1], [], []>, precision = #tpu.contract_precision<fp32>, transpose_lhs_hint = false} : vector<1x128xf32>, vector<128x128xf32>, vector<1x128xf32> -> vector<1x128xf32>
    %add3A_757 = arith.addf %add3A_738, %dot_general3A_756 : vector<1x128xf32>
    %slice3A_758 = vector.extract_strided_slice %select_n3A {offsets = [6, 0], sizes = [1, 128], strides = [1, 1]} : vector<16x128xf32> to vector<1x128xf32>
    %mul3A_759 = vector.broadcast %slice3A_758 : vector<1x128xf32> to vector<128x128xf32>
    %mul3A_760 = arith.mulf %convert_element_type3A_26, %mul3A_759 : vector<128x128xf32>
    %dot_general3A_761 = arith.constant dense<0.000000e+00> : vector<128x1xf32>
    %dot_general3A_762 = tpu.matmul %mul3A_760, %broadcast_in_dim3A_28, %dot_general3A_761 {dimension_numbers = #tpu.dot_dimension_numbers<[1], [0], [0], [1], [0, 0, 1, 1], [], []>, precision = #tpu.contract_precision<fp32>, transpose_lhs_hint = false} : vector<128x128xf32>, vector<128x1xf32>, vector<128x1xf32> -> vector<128x1xf32>
    %sub3A_763 = arith.constant 2.560000e+02 : f32
    %sub3A_764 = vector.broadcast %sub3A_763 : f32 to vector<128x1xf32>
    %sub3A_765 = arith.subf %dot_general3A_762, %sub3A_764 : vector<128x1xf32>
    %eq3A_766 = vector.broadcast %sub3A_765 : vector<128x1xf32> to vector<128x128xf32>
    %eq3A_767 = vector.broadcast %convert_element_type3A_30 : vector<1x128xf32> to vector<128x128xf32>
    %eq3A_768 = arith.cmpf oeq, %eq3A_766, %eq3A_767 : vector<128x128xf32>
    %convert_element_type3A_769 = arith.extui %eq3A_768 : vector<128x128xi1> to vector<128x128xi32>
    %convert_element_type3A_770 = arith.sitofp %convert_element_type3A_769 : vector<128x128xi32> to vector<128x128xf32>
    %add3A_771 = arith.constant 7.680000e+02 : f32
    %add3A_772 = vector.broadcast %add3A_771 : f32 to vector<1x128xf32>
    %add3A_773 = arith.addf %add3A_772, %convert_element_type3A_30 : vector<1x128xf32>
    %dot_general3A_774 = arith.constant dense<0.000000e+00> : vector<1x128xf32>
    %dot_general3A_775 = tpu.matmul %add3A_773, %convert_element_type3A_770, %dot_general3A_774 {dimension_numbers = #tpu.dot_dimension_numbers<[1], [0], [0], [1], [0, 0, 1, 1], [], []>, precision = #tpu.contract_precision<fp32>, transpose_lhs_hint = false} : vector<1x128xf32>, vector<128x128xf32>, vector<1x128xf32> -> vector<1x128xf32>
    %add3A_776 = arith.addf %add3A_757, %dot_general3A_775 : vector<1x128xf32>
    %slice3A_777 = vector.extract_strided_slice %select_n3A {offsets = [7, 0], sizes = [1, 128], strides = [1, 1]} : vector<16x128xf32> to vector<1x128xf32>
    %mul3A_778 = vector.broadcast %slice3A_777 : vector<1x128xf32> to vector<128x128xf32>
    %mul3A_779 = arith.mulf %convert_element_type3A_26, %mul3A_778 : vector<128x128xf32>
    %dot_general3A_780 = arith.constant dense<0.000000e+00> : vector<128x1xf32>
    %dot_general3A_781 = tpu.matmul %mul3A_779, %broadcast_in_dim3A_28, %dot_general3A_780 {dimension_numbers = #tpu.dot_dimension_numbers<[1], [0], [0], [1], [0, 0, 1, 1], [], []>, precision = #tpu.contract_precision<fp32>, transpose_lhs_hint = false} : vector<128x128xf32>, vector<128x1xf32>, vector<128x1xf32> -> vector<128x1xf32>
    %sub3A_782 = arith.constant 2.560000e+02 : f32
    %sub3A_783 = vector.broadcast %sub3A_782 : f32 to vector<128x1xf32>
    %sub3A_784 = arith.subf %dot_general3A_781, %sub3A_783 : vector<128x1xf32>
    %eq3A_785 = vector.broadcast %sub3A_784 : vector<128x1xf32> to vector<128x128xf32>
    %eq3A_786 = vector.broadcast %convert_element_type3A_30 : vector<1x128xf32> to vector<128x128xf32>
    %eq3A_787 = arith.cmpf oeq, %eq3A_785, %eq3A_786 : vector<128x128xf32>
    %convert_element_type3A_788 = arith.extui %eq3A_787 : vector<128x128xi1> to vector<128x128xi32>
    %convert_element_type3A_789 = arith.sitofp %convert_element_type3A_788 : vector<128x128xi32> to vector<128x128xf32>
    %add3A_790 = arith.constant 8.960000e+02 : f32
    %add3A_791 = vector.broadcast %add3A_790 : f32 to vector<1x128xf32>
    %add3A_792 = arith.addf %add3A_791, %convert_element_type3A_30 : vector<1x128xf32>
    %dot_general3A_793 = arith.constant dense<0.000000e+00> : vector<1x128xf32>
    %dot_general3A_794 = tpu.matmul %add3A_792, %convert_element_type3A_789, %dot_general3A_793 {dimension_numbers = #tpu.dot_dimension_numbers<[1], [0], [0], [1], [0, 0, 1, 1], [], []>, precision = #tpu.contract_precision<fp32>, transpose_lhs_hint = false} : vector<1x128xf32>, vector<128x128xf32>, vector<1x128xf32> -> vector<1x128xf32>
    %add3A_795 = arith.addf %add3A_776, %dot_general3A_794 : vector<1x128xf32>
    %slice3A_796 = vector.extract_strided_slice %select_n3A {offsets = [8, 0], sizes = [1, 128], strides = [1, 1]} : vector<16x128xf32> to vector<1x128xf32>
    %mul3A_797 = vector.broadcast %slice3A_796 : vector<1x128xf32> to vector<128x128xf32>
    %mul3A_798 = arith.mulf %convert_element_type3A_26, %mul3A_797 : vector<128x128xf32>
    %dot_general3A_799 = arith.constant dense<0.000000e+00> : vector<128x1xf32>
    %dot_general3A_800 = tpu.matmul %mul3A_798, %broadcast_in_dim3A_28, %dot_general3A_799 {dimension_numbers = #tpu.dot_dimension_numbers<[1], [0], [0], [1], [0, 0, 1, 1], [], []>, precision = #tpu.contract_precision<fp32>, transpose_lhs_hint = false} : vector<128x128xf32>, vector<128x1xf32>, vector<128x1xf32> -> vector<128x1xf32>
    %sub3A_801 = arith.constant 2.560000e+02 : f32
    %sub3A_802 = vector.broadcast %sub3A_801 : f32 to vector<128x1xf32>
    %sub3A_803 = arith.subf %dot_general3A_800, %sub3A_802 : vector<128x1xf32>
    %eq3A_804 = vector.broadcast %sub3A_803 : vector<128x1xf32> to vector<128x128xf32>
    %eq3A_805 = vector.broadcast %convert_element_type3A_30 : vector<1x128xf32> to vector<128x128xf32>
    %eq3A_806 = arith.cmpf oeq, %eq3A_804, %eq3A_805 : vector<128x128xf32>
    %convert_element_type3A_807 = arith.extui %eq3A_806 : vector<128x128xi1> to vector<128x128xi32>
    %convert_element_type3A_808 = arith.sitofp %convert_element_type3A_807 : vector<128x128xi32> to vector<128x128xf32>
    %add3A_809 = arith.constant 1.024000e+03 : f32
    %add3A_810 = vector.broadcast %add3A_809 : f32 to vector<1x128xf32>
    %add3A_811 = arith.addf %add3A_810, %convert_element_type3A_30 : vector<1x128xf32>
    %dot_general3A_812 = arith.constant dense<0.000000e+00> : vector<1x128xf32>
    %dot_general3A_813 = tpu.matmul %add3A_811, %convert_element_type3A_808, %dot_general3A_812 {dimension_numbers = #tpu.dot_dimension_numbers<[1], [0], [0], [1], [0, 0, 1, 1], [], []>, precision = #tpu.contract_precision<fp32>, transpose_lhs_hint = false} : vector<1x128xf32>, vector<128x128xf32>, vector<1x128xf32> -> vector<1x128xf32>
    %add3A_814 = arith.addf %add3A_795, %dot_general3A_813 : vector<1x128xf32>
    %slice3A_815 = vector.extract_strided_slice %select_n3A {offsets = [9, 0], sizes = [1, 128], strides = [1, 1]} : vector<16x128xf32> to vector<1x128xf32>
    %mul3A_816 = vector.broadcast %slice3A_815 : vector<1x128xf32> to vector<128x128xf32>
    %mul3A_817 = arith.mulf %convert_element_type3A_26, %mul3A_816 : vector<128x128xf32>
    %dot_general3A_818 = arith.constant dense<0.000000e+00> : vector<128x1xf32>
    %dot_general3A_819 = tpu.matmul %mul3A_817, %broadcast_in_dim3A_28, %dot_general3A_818 {dimension_numbers = #tpu.dot_dimension_numbers<[1], [0], [0], [1], [0, 0, 1, 1], [], []>, precision = #tpu.contract_precision<fp32>, transpose_lhs_hint = false} : vector<128x128xf32>, vector<128x1xf32>, vector<128x1xf32> -> vector<128x1xf32>
    %sub3A_820 = arith.constant 2.560000e+02 : f32
    %sub3A_821 = vector.broadcast %sub3A_820 : f32 to vector<128x1xf32>
    %sub3A_822 = arith.subf %dot_general3A_819, %sub3A_821 : vector<128x1xf32>
    %eq3A_823 = vector.broadcast %sub3A_822 : vector<128x1xf32> to vector<128x128xf32>
    %eq3A_824 = vector.broadcast %convert_element_type3A_30 : vector<1x128xf32> to vector<128x128xf32>
    %eq3A_825 = arith.cmpf oeq, %eq3A_823, %eq3A_824 : vector<128x128xf32>
    %convert_element_type3A_826 = arith.extui %eq3A_825 : vector<128x128xi1> to vector<128x128xi32>
    %convert_element_type3A_827 = arith.sitofp %convert_element_type3A_826 : vector<128x128xi32> to vector<128x128xf32>
    %add3A_828 = arith.constant 1.152000e+03 : f32
    %add3A_829 = vector.broadcast %add3A_828 : f32 to vector<1x128xf32>
    %add3A_830 = arith.addf %add3A_829, %convert_element_type3A_30 : vector<1x128xf32>
    %dot_general3A_831 = arith.constant dense<0.000000e+00> : vector<1x128xf32>
    %dot_general3A_832 = tpu.matmul %add3A_830, %convert_element_type3A_827, %dot_general3A_831 {dimension_numbers = #tpu.dot_dimension_numbers<[1], [0], [0], [1], [0, 0, 1, 1], [], []>, precision = #tpu.contract_precision<fp32>, transpose_lhs_hint = false} : vector<1x128xf32>, vector<128x128xf32>, vector<1x128xf32> -> vector<1x128xf32>
    %add3A_833 = arith.addf %add3A_814, %dot_general3A_832 : vector<1x128xf32>
    %slice3A_834 = vector.extract_strided_slice %select_n3A {offsets = [10, 0], sizes = [1, 128], strides = [1, 1]} : vector<16x128xf32> to vector<1x128xf32>
    %mul3A_835 = vector.broadcast %slice3A_834 : vector<1x128xf32> to vector<128x128xf32>
    %mul3A_836 = arith.mulf %convert_element_type3A_26, %mul3A_835 : vector<128x128xf32>
    %dot_general3A_837 = arith.constant dense<0.000000e+00> : vector<128x1xf32>
    %dot_general3A_838 = tpu.matmul %mul3A_836, %broadcast_in_dim3A_28, %dot_general3A_837 {dimension_numbers = #tpu.dot_dimension_numbers<[1], [0], [0], [1], [0, 0, 1, 1], [], []>, precision = #tpu.contract_precision<fp32>, transpose_lhs_hint = false} : vector<128x128xf32>, vector<128x1xf32>, vector<128x1xf32> -> vector<128x1xf32>
    %sub3A_839 = arith.constant 2.560000e+02 : f32
    %sub3A_840 = vector.broadcast %sub3A_839 : f32 to vector<128x1xf32>
    %sub3A_841 = arith.subf %dot_general3A_838, %sub3A_840 : vector<128x1xf32>
    %eq3A_842 = vector.broadcast %sub3A_841 : vector<128x1xf32> to vector<128x128xf32>
    %eq3A_843 = vector.broadcast %convert_element_type3A_30 : vector<1x128xf32> to vector<128x128xf32>
    %eq3A_844 = arith.cmpf oeq, %eq3A_842, %eq3A_843 : vector<128x128xf32>
    %convert_element_type3A_845 = arith.extui %eq3A_844 : vector<128x128xi1> to vector<128x128xi32>
    %convert_element_type3A_846 = arith.sitofp %convert_element_type3A_845 : vector<128x128xi32> to vector<128x128xf32>
    %add3A_847 = arith.constant 1.280000e+03 : f32
    %add3A_848 = vector.broadcast %add3A_847 : f32 to vector<1x128xf32>
    %add3A_849 = arith.addf %add3A_848, %convert_element_type3A_30 : vector<1x128xf32>
    %dot_general3A_850 = arith.constant dense<0.000000e+00> : vector<1x128xf32>
    %dot_general3A_851 = tpu.matmul %add3A_849, %convert_element_type3A_846, %dot_general3A_850 {dimension_numbers = #tpu.dot_dimension_numbers<[1], [0], [0], [1], [0, 0, 1, 1], [], []>, precision = #tpu.contract_precision<fp32>, transpose_lhs_hint = false} : vector<1x128xf32>, vector<128x128xf32>, vector<1x128xf32> -> vector<1x128xf32>
    %add3A_852 = arith.addf %add3A_833, %dot_general3A_851 : vector<1x128xf32>
    %slice3A_853 = vector.extract_strided_slice %select_n3A {offsets = [11, 0], sizes = [1, 128], strides = [1, 1]} : vector<16x128xf32> to vector<1x128xf32>
    %mul3A_854 = vector.broadcast %slice3A_853 : vector<1x128xf32> to vector<128x128xf32>
    %mul3A_855 = arith.mulf %convert_element_type3A_26, %mul3A_854 : vector<128x128xf32>
    %dot_general3A_856 = arith.constant dense<0.000000e+00> : vector<128x1xf32>
    %dot_general3A_857 = tpu.matmul %mul3A_855, %broadcast_in_dim3A_28, %dot_general3A_856 {dimension_numbers = #tpu.dot_dimension_numbers<[1], [0], [0], [1], [0, 0, 1, 1], [], []>, precision = #tpu.contract_precision<fp32>, transpose_lhs_hint = false} : vector<128x128xf32>, vector<128x1xf32>, vector<128x1xf32> -> vector<128x1xf32>
    %sub3A_858 = arith.constant 2.560000e+02 : f32
    %sub3A_859 = vector.broadcast %sub3A_858 : f32 to vector<128x1xf32>
    %sub3A_860 = arith.subf %dot_general3A_857, %sub3A_859 : vector<128x1xf32>
    %eq3A_861 = vector.broadcast %sub3A_860 : vector<128x1xf32> to vector<128x128xf32>
    %eq3A_862 = vector.broadcast %convert_element_type3A_30 : vector<1x128xf32> to vector<128x128xf32>
    %eq3A_863 = arith.cmpf oeq, %eq3A_861, %eq3A_862 : vector<128x128xf32>
    %convert_element_type3A_864 = arith.extui %eq3A_863 : vector<128x128xi1> to vector<128x128xi32>
    %convert_element_type3A_865 = arith.sitofp %convert_element_type3A_864 : vector<128x128xi32> to vector<128x128xf32>
    %add3A_866 = arith.constant 1.408000e+03 : f32
    %add3A_867 = vector.broadcast %add3A_866 : f32 to vector<1x128xf32>
    %add3A_868 = arith.addf %add3A_867, %convert_element_type3A_30 : vector<1x128xf32>
    %dot_general3A_869 = arith.constant dense<0.000000e+00> : vector<1x128xf32>
    %dot_general3A_870 = tpu.matmul %add3A_868, %convert_element_type3A_865, %dot_general3A_869 {dimension_numbers = #tpu.dot_dimension_numbers<[1], [0], [0], [1], [0, 0, 1, 1], [], []>, precision = #tpu.contract_precision<fp32>, transpose_lhs_hint = false} : vector<1x128xf32>, vector<128x128xf32>, vector<1x128xf32> -> vector<1x128xf32>
    %add3A_871 = arith.addf %add3A_852, %dot_general3A_870 : vector<1x128xf32>
    %slice3A_872 = vector.extract_strided_slice %select_n3A {offsets = [12, 0], sizes = [1, 128], strides = [1, 1]} : vector<16x128xf32> to vector<1x128xf32>
    %mul3A_873 = vector.broadcast %slice3A_872 : vector<1x128xf32> to vector<128x128xf32>
    %mul3A_874 = arith.mulf %convert_element_type3A_26, %mul3A_873 : vector<128x128xf32>
    %dot_general3A_875 = arith.constant dense<0.000000e+00> : vector<128x1xf32>
    %dot_general3A_876 = tpu.matmul %mul3A_874, %broadcast_in_dim3A_28, %dot_general3A_875 {dimension_numbers = #tpu.dot_dimension_numbers<[1], [0], [0], [1], [0, 0, 1, 1], [], []>, precision = #tpu.contract_precision<fp32>, transpose_lhs_hint = false} : vector<128x128xf32>, vector<128x1xf32>, vector<128x1xf32> -> vector<128x1xf32>
    %sub3A_877 = arith.constant 2.560000e+02 : f32
    %sub3A_878 = vector.broadcast %sub3A_877 : f32 to vector<128x1xf32>
    %sub3A_879 = arith.subf %dot_general3A_876, %sub3A_878 : vector<128x1xf32>
    %eq3A_880 = vector.broadcast %sub3A_879 : vector<128x1xf32> to vector<128x128xf32>
    %eq3A_881 = vector.broadcast %convert_element_type3A_30 : vector<1x128xf32> to vector<128x128xf32>
    %eq3A_882 = arith.cmpf oeq, %eq3A_880, %eq3A_881 : vector<128x128xf32>
    %convert_element_type3A_883 = arith.extui %eq3A_882 : vector<128x128xi1> to vector<128x128xi32>
    %convert_element_type3A_884 = arith.sitofp %convert_element_type3A_883 : vector<128x128xi32> to vector<128x128xf32>
    %add3A_885 = arith.constant 1.536000e+03 : f32
    %add3A_886 = vector.broadcast %add3A_885 : f32 to vector<1x128xf32>
    %add3A_887 = arith.addf %add3A_886, %convert_element_type3A_30 : vector<1x128xf32>
    %dot_general3A_888 = arith.constant dense<0.000000e+00> : vector<1x128xf32>
    %dot_general3A_889 = tpu.matmul %add3A_887, %convert_element_type3A_884, %dot_general3A_888 {dimension_numbers = #tpu.dot_dimension_numbers<[1], [0], [0], [1], [0, 0, 1, 1], [], []>, precision = #tpu.contract_precision<fp32>, transpose_lhs_hint = false} : vector<1x128xf32>, vector<128x128xf32>, vector<1x128xf32> -> vector<1x128xf32>
    %add3A_890 = arith.addf %add3A_871, %dot_general3A_889 : vector<1x128xf32>
    %slice3A_891 = vector.extract_strided_slice %select_n3A {offsets = [13, 0], sizes = [1, 128], strides = [1, 1]} : vector<16x128xf32> to vector<1x128xf32>
    %mul3A_892 = vector.broadcast %slice3A_891 : vector<1x128xf32> to vector<128x128xf32>
    %mul3A_893 = arith.mulf %convert_element_type3A_26, %mul3A_892 : vector<128x128xf32>
    %dot_general3A_894 = arith.constant dense<0.000000e+00> : vector<128x1xf32>
    %dot_general3A_895 = tpu.matmul %mul3A_893, %broadcast_in_dim3A_28, %dot_general3A_894 {dimension_numbers = #tpu.dot_dimension_numbers<[1], [0], [0], [1], [0, 0, 1, 1], [], []>, precision = #tpu.contract_precision<fp32>, transpose_lhs_hint = false} : vector<128x128xf32>, vector<128x1xf32>, vector<128x1xf32> -> vector<128x1xf32>
    %sub3A_896 = arith.constant 2.560000e+02 : f32
    %sub3A_897 = vector.broadcast %sub3A_896 : f32 to vector<128x1xf32>
    %sub3A_898 = arith.subf %dot_general3A_895, %sub3A_897 : vector<128x1xf32>
    %eq3A_899 = vector.broadcast %sub3A_898 : vector<128x1xf32> to vector<128x128xf32>
    %eq3A_900 = vector.broadcast %convert_element_type3A_30 : vector<1x128xf32> to vector<128x128xf32>
    %eq3A_901 = arith.cmpf oeq, %eq3A_899, %eq3A_900 : vector<128x128xf32>
    %convert_element_type3A_902 = arith.extui %eq3A_901 : vector<128x128xi1> to vector<128x128xi32>
    %convert_element_type3A_903 = arith.sitofp %convert_element_type3A_902 : vector<128x128xi32> to vector<128x128xf32>
    %add3A_904 = arith.constant 1.664000e+03 : f32
    %add3A_905 = vector.broadcast %add3A_904 : f32 to vector<1x128xf32>
    %add3A_906 = arith.addf %add3A_905, %convert_element_type3A_30 : vector<1x128xf32>
    %dot_general3A_907 = arith.constant dense<0.000000e+00> : vector<1x128xf32>
    %dot_general3A_908 = tpu.matmul %add3A_906, %convert_element_type3A_903, %dot_general3A_907 {dimension_numbers = #tpu.dot_dimension_numbers<[1], [0], [0], [1], [0, 0, 1, 1], [], []>, precision = #tpu.contract_precision<fp32>, transpose_lhs_hint = false} : vector<1x128xf32>, vector<128x128xf32>, vector<1x128xf32> -> vector<1x128xf32>
    %add3A_909 = arith.addf %add3A_890, %dot_general3A_908 : vector<1x128xf32>
    %slice3A_910 = vector.extract_strided_slice %select_n3A {offsets = [14, 0], sizes = [1, 128], strides = [1, 1]} : vector<16x128xf32> to vector<1x128xf32>
    %mul3A_911 = vector.broadcast %slice3A_910 : vector<1x128xf32> to vector<128x128xf32>
    %mul3A_912 = arith.mulf %convert_element_type3A_26, %mul3A_911 : vector<128x128xf32>
    %dot_general3A_913 = arith.constant dense<0.000000e+00> : vector<128x1xf32>
    %dot_general3A_914 = tpu.matmul %mul3A_912, %broadcast_in_dim3A_28, %dot_general3A_913 {dimension_numbers = #tpu.dot_dimension_numbers<[1], [0], [0], [1], [0, 0, 1, 1], [], []>, precision = #tpu.contract_precision<fp32>, transpose_lhs_hint = false} : vector<128x128xf32>, vector<128x1xf32>, vector<128x1xf32> -> vector<128x1xf32>
    %sub3A_915 = arith.constant 2.560000e+02 : f32
    %sub3A_916 = vector.broadcast %sub3A_915 : f32 to vector<128x1xf32>
    %sub3A_917 = arith.subf %dot_general3A_914, %sub3A_916 : vector<128x1xf32>
    %eq3A_918 = vector.broadcast %sub3A_917 : vector<128x1xf32> to vector<128x128xf32>
    %eq3A_919 = vector.broadcast %convert_element_type3A_30 : vector<1x128xf32> to vector<128x128xf32>
    %eq3A_920 = arith.cmpf oeq, %eq3A_918, %eq3A_919 : vector<128x128xf32>
    %convert_element_type3A_921 = arith.extui %eq3A_920 : vector<128x128xi1> to vector<128x128xi32>
    %convert_element_type3A_922 = arith.sitofp %convert_element_type3A_921 : vector<128x128xi32> to vector<128x128xf32>
    %add3A_923 = arith.constant 1.792000e+03 : f32
    %add3A_924 = vector.broadcast %add3A_923 : f32 to vector<1x128xf32>
    %add3A_925 = arith.addf %add3A_924, %convert_element_type3A_30 : vector<1x128xf32>
    %dot_general3A_926 = arith.constant dense<0.000000e+00> : vector<1x128xf32>
    %dot_general3A_927 = tpu.matmul %add3A_925, %convert_element_type3A_922, %dot_general3A_926 {dimension_numbers = #tpu.dot_dimension_numbers<[1], [0], [0], [1], [0, 0, 1, 1], [], []>, precision = #tpu.contract_precision<fp32>, transpose_lhs_hint = false} : vector<1x128xf32>, vector<128x128xf32>, vector<1x128xf32> -> vector<1x128xf32>
    %add3A_928 = arith.addf %add3A_909, %dot_general3A_927 : vector<1x128xf32>
    %slice3A_929 = vector.extract_strided_slice %select_n3A {offsets = [15, 0], sizes = [1, 128], strides = [1, 1]} : vector<16x128xf32> to vector<1x128xf32>
    %mul3A_930 = vector.broadcast %slice3A_929 : vector<1x128xf32> to vector<128x128xf32>
    %mul3A_931 = arith.mulf %convert_element_type3A_26, %mul3A_930 : vector<128x128xf32>
    %dot_general3A_932 = arith.constant dense<0.000000e+00> : vector<128x1xf32>
    %dot_general3A_933 = tpu.matmul %mul3A_931, %broadcast_in_dim3A_28, %dot_general3A_932 {dimension_numbers = #tpu.dot_dimension_numbers<[1], [0], [0], [1], [0, 0, 1, 1], [], []>, precision = #tpu.contract_precision<fp32>, transpose_lhs_hint = false} : vector<128x128xf32>, vector<128x1xf32>, vector<128x1xf32> -> vector<128x1xf32>
    %sub3A_934 = arith.constant 2.560000e+02 : f32
    %sub3A_935 = vector.broadcast %sub3A_934 : f32 to vector<128x1xf32>
    %sub3A_936 = arith.subf %dot_general3A_933, %sub3A_935 : vector<128x1xf32>
    %eq3A_937 = vector.broadcast %sub3A_936 : vector<128x1xf32> to vector<128x128xf32>
    %eq3A_938 = vector.broadcast %convert_element_type3A_30 : vector<1x128xf32> to vector<128x128xf32>
    %eq3A_939 = arith.cmpf oeq, %eq3A_937, %eq3A_938 : vector<128x128xf32>
    %convert_element_type3A_940 = arith.extui %eq3A_939 : vector<128x128xi1> to vector<128x128xi32>
    %convert_element_type3A_941 = arith.sitofp %convert_element_type3A_940 : vector<128x128xi32> to vector<128x128xf32>
    %add3A_942 = arith.constant 1.920000e+03 : f32
    %add3A_943 = vector.broadcast %add3A_942 : f32 to vector<1x128xf32>
    %add3A_944 = arith.addf %add3A_943, %convert_element_type3A_30 : vector<1x128xf32>
    %dot_general3A_945 = arith.constant dense<0.000000e+00> : vector<1x128xf32>
    %dot_general3A_946 = tpu.matmul %add3A_944, %convert_element_type3A_941, %dot_general3A_945 {dimension_numbers = #tpu.dot_dimension_numbers<[1], [0], [0], [1], [0, 0, 1, 1], [], []>, precision = #tpu.contract_precision<fp32>, transpose_lhs_hint = false} : vector<1x128xf32>, vector<128x128xf32>, vector<1x128xf32> -> vector<1x128xf32>
    %add3A_947 = arith.addf %add3A_928, %dot_general3A_946 : vector<1x128xf32>
    %broadcast_in_dim3A_948 = arith.constant 0.000000e+00 : f32
    %broadcast_in_dim3A_949 = vector.broadcast %broadcast_in_dim3A_948 : f32 to vector<1x128xf32>
    %slice3A_950 = vector.extract_strided_slice %select_n3A {offsets = [0, 0], sizes = [1, 128], strides = [1, 1]} : vector<16x128xf32> to vector<1x128xf32>
    %mul3A_951 = vector.broadcast %slice3A_950 : vector<1x128xf32> to vector<128x128xf32>
    %mul3A_952 = arith.mulf %convert_element_type3A_26, %mul3A_951 : vector<128x128xf32>
    %dot_general3A_953 = arith.constant dense<0.000000e+00> : vector<128x1xf32>
    %dot_general3A_954 = tpu.matmul %mul3A_952, %broadcast_in_dim3A_28, %dot_general3A_953 {dimension_numbers = #tpu.dot_dimension_numbers<[1], [0], [0], [1], [0, 0, 1, 1], [], []>, precision = #tpu.contract_precision<fp32>, transpose_lhs_hint = false} : vector<128x128xf32>, vector<128x1xf32>, vector<128x1xf32> -> vector<128x1xf32>
    %sub3A_955 = arith.constant 3.840000e+02 : f32
    %sub3A_956 = vector.broadcast %sub3A_955 : f32 to vector<128x1xf32>
    %sub3A_957 = arith.subf %dot_general3A_954, %sub3A_956 : vector<128x1xf32>
    %eq3A_958 = vector.broadcast %sub3A_957 : vector<128x1xf32> to vector<128x128xf32>
    %eq3A_959 = vector.broadcast %convert_element_type3A_30 : vector<1x128xf32> to vector<128x128xf32>
    %eq3A_960 = arith.cmpf oeq, %eq3A_958, %eq3A_959 : vector<128x128xf32>
    %convert_element_type3A_961 = arith.extui %eq3A_960 : vector<128x128xi1> to vector<128x128xi32>
    %convert_element_type3A_962 = arith.sitofp %convert_element_type3A_961 : vector<128x128xi32> to vector<128x128xf32>
    %add3A_963 = arith.constant 0.000000e+00 : f32
    %add3A_964 = vector.broadcast %add3A_963 : f32 to vector<1x128xf32>
    %add3A_965 = arith.addf %add3A_964, %convert_element_type3A_30 : vector<1x128xf32>
    %dot_general3A_966 = arith.constant dense<0.000000e+00> : vector<1x128xf32>
    %dot_general3A_967 = tpu.matmul %add3A_965, %convert_element_type3A_962, %dot_general3A_966 {dimension_numbers = #tpu.dot_dimension_numbers<[1], [0], [0], [1], [0, 0, 1, 1], [], []>, precision = #tpu.contract_precision<fp32>, transpose_lhs_hint = false} : vector<1x128xf32>, vector<128x128xf32>, vector<1x128xf32> -> vector<1x128xf32>
    %add3A_968 = arith.addf %broadcast_in_dim3A_949, %dot_general3A_967 : vector<1x128xf32>
    %slice3A_969 = vector.extract_strided_slice %select_n3A {offsets = [1, 0], sizes = [1, 128], strides = [1, 1]} : vector<16x128xf32> to vector<1x128xf32>
    %mul3A_970 = vector.broadcast %slice3A_969 : vector<1x128xf32> to vector<128x128xf32>
    %mul3A_971 = arith.mulf %convert_element_type3A_26, %mul3A_970 : vector<128x128xf32>
    %dot_general3A_972 = arith.constant dense<0.000000e+00> : vector<128x1xf32>
    %dot_general3A_973 = tpu.matmul %mul3A_971, %broadcast_in_dim3A_28, %dot_general3A_972 {dimension_numbers = #tpu.dot_dimension_numbers<[1], [0], [0], [1], [0, 0, 1, 1], [], []>, precision = #tpu.contract_precision<fp32>, transpose_lhs_hint = false} : vector<128x128xf32>, vector<128x1xf32>, vector<128x1xf32> -> vector<128x1xf32>
    %sub3A_974 = arith.constant 3.840000e+02 : f32
    %sub3A_975 = vector.broadcast %sub3A_974 : f32 to vector<128x1xf32>
    %sub3A_976 = arith.subf %dot_general3A_973, %sub3A_975 : vector<128x1xf32>
    %eq3A_977 = vector.broadcast %sub3A_976 : vector<128x1xf32> to vector<128x128xf32>
    %eq3A_978 = vector.broadcast %convert_element_type3A_30 : vector<1x128xf32> to vector<128x128xf32>
    %eq3A_979 = arith.cmpf oeq, %eq3A_977, %eq3A_978 : vector<128x128xf32>
    %convert_element_type3A_980 = arith.extui %eq3A_979 : vector<128x128xi1> to vector<128x128xi32>
    %convert_element_type3A_981 = arith.sitofp %convert_element_type3A_980 : vector<128x128xi32> to vector<128x128xf32>
    %add3A_982 = arith.constant 1.280000e+02 : f32
    %add3A_983 = vector.broadcast %add3A_982 : f32 to vector<1x128xf32>
    %add3A_984 = arith.addf %add3A_983, %convert_element_type3A_30 : vector<1x128xf32>
    %dot_general3A_985 = arith.constant dense<0.000000e+00> : vector<1x128xf32>
    %dot_general3A_986 = tpu.matmul %add3A_984, %convert_element_type3A_981, %dot_general3A_985 {dimension_numbers = #tpu.dot_dimension_numbers<[1], [0], [0], [1], [0, 0, 1, 1], [], []>, precision = #tpu.contract_precision<fp32>, transpose_lhs_hint = false} : vector<1x128xf32>, vector<128x128xf32>, vector<1x128xf32> -> vector<1x128xf32>
    %add3A_987 = arith.addf %add3A_968, %dot_general3A_986 : vector<1x128xf32>
    %slice3A_988 = vector.extract_strided_slice %select_n3A {offsets = [2, 0], sizes = [1, 128], strides = [1, 1]} : vector<16x128xf32> to vector<1x128xf32>
    %mul3A_989 = vector.broadcast %slice3A_988 : vector<1x128xf32> to vector<128x128xf32>
    %mul3A_990 = arith.mulf %convert_element_type3A_26, %mul3A_989 : vector<128x128xf32>
    %dot_general3A_991 = arith.constant dense<0.000000e+00> : vector<128x1xf32>
    %dot_general3A_992 = tpu.matmul %mul3A_990, %broadcast_in_dim3A_28, %dot_general3A_991 {dimension_numbers = #tpu.dot_dimension_numbers<[1], [0], [0], [1], [0, 0, 1, 1], [], []>, precision = #tpu.contract_precision<fp32>, transpose_lhs_hint = false} : vector<128x128xf32>, vector<128x1xf32>, vector<128x1xf32> -> vector<128x1xf32>
    %sub3A_993 = arith.constant 3.840000e+02 : f32
    %sub3A_994 = vector.broadcast %sub3A_993 : f32 to vector<128x1xf32>
    %sub3A_995 = arith.subf %dot_general3A_992, %sub3A_994 : vector<128x1xf32>
    %eq3A_996 = vector.broadcast %sub3A_995 : vector<128x1xf32> to vector<128x128xf32>
    %eq3A_997 = vector.broadcast %convert_element_type3A_30 : vector<1x128xf32> to vector<128x128xf32>
    %eq3A_998 = arith.cmpf oeq, %eq3A_996, %eq3A_997 : vector<128x128xf32>
    %convert_element_type3A_999 = arith.extui %eq3A_998 : vector<128x128xi1> to vector<128x128xi32>
    %convert_element_type3A_1000 = arith.sitofp %convert_element_type3A_999 : vector<128x128xi32> to vector<128x128xf32>
    %add3A_1001 = arith.constant 2.560000e+02 : f32
    %add3A_1002 = vector.broadcast %add3A_1001 : f32 to vector<1x128xf32>
    %add3A_1003 = arith.addf %add3A_1002, %convert_element_type3A_30 : vector<1x128xf32>
    %dot_general3A_1004 = arith.constant dense<0.000000e+00> : vector<1x128xf32>
    %dot_general3A_1005 = tpu.matmul %add3A_1003, %convert_element_type3A_1000, %dot_general3A_1004 {dimension_numbers = #tpu.dot_dimension_numbers<[1], [0], [0], [1], [0, 0, 1, 1], [], []>, precision = #tpu.contract_precision<fp32>, transpose_lhs_hint = false} : vector<1x128xf32>, vector<128x128xf32>, vector<1x128xf32> -> vector<1x128xf32>
    %add3A_1006 = arith.addf %add3A_987, %dot_general3A_1005 : vector<1x128xf32>
    %slice3A_1007 = vector.extract_strided_slice %select_n3A {offsets = [3, 0], sizes = [1, 128], strides = [1, 1]} : vector<16x128xf32> to vector<1x128xf32>
    %mul3A_1008 = vector.broadcast %slice3A_1007 : vector<1x128xf32> to vector<128x128xf32>
    %mul3A_1009 = arith.mulf %convert_element_type3A_26, %mul3A_1008 : vector<128x128xf32>
    %dot_general3A_1010 = arith.constant dense<0.000000e+00> : vector<128x1xf32>
    %dot_general3A_1011 = tpu.matmul %mul3A_1009, %broadcast_in_dim3A_28, %dot_general3A_1010 {dimension_numbers = #tpu.dot_dimension_numbers<[1], [0], [0], [1], [0, 0, 1, 1], [], []>, precision = #tpu.contract_precision<fp32>, transpose_lhs_hint = false} : vector<128x128xf32>, vector<128x1xf32>, vector<128x1xf32> -> vector<128x1xf32>
    %sub3A_1012 = arith.constant 3.840000e+02 : f32
    %sub3A_1013 = vector.broadcast %sub3A_1012 : f32 to vector<128x1xf32>
    %sub3A_1014 = arith.subf %dot_general3A_1011, %sub3A_1013 : vector<128x1xf32>
    %eq3A_1015 = vector.broadcast %sub3A_1014 : vector<128x1xf32> to vector<128x128xf32>
    %eq3A_1016 = vector.broadcast %convert_element_type3A_30 : vector<1x128xf32> to vector<128x128xf32>
    %eq3A_1017 = arith.cmpf oeq, %eq3A_1015, %eq3A_1016 : vector<128x128xf32>
    %convert_element_type3A_1018 = arith.extui %eq3A_1017 : vector<128x128xi1> to vector<128x128xi32>
    %convert_element_type3A_1019 = arith.sitofp %convert_element_type3A_1018 : vector<128x128xi32> to vector<128x128xf32>
    %add3A_1020 = arith.constant 3.840000e+02 : f32
    %add3A_1021 = vector.broadcast %add3A_1020 : f32 to vector<1x128xf32>
    %add3A_1022 = arith.addf %add3A_1021, %convert_element_type3A_30 : vector<1x128xf32>
    %dot_general3A_1023 = arith.constant dense<0.000000e+00> : vector<1x128xf32>
    %dot_general3A_1024 = tpu.matmul %add3A_1022, %convert_element_type3A_1019, %dot_general3A_1023 {dimension_numbers = #tpu.dot_dimension_numbers<[1], [0], [0], [1], [0, 0, 1, 1], [], []>, precision = #tpu.contract_precision<fp32>, transpose_lhs_hint = false} : vector<1x128xf32>, vector<128x128xf32>, vector<1x128xf32> -> vector<1x128xf32>
    %add3A_1025 = arith.addf %add3A_1006, %dot_general3A_1024 : vector<1x128xf32>
    %slice3A_1026 = vector.extract_strided_slice %select_n3A {offsets = [4, 0], sizes = [1, 128], strides = [1, 1]} : vector<16x128xf32> to vector<1x128xf32>
    %mul3A_1027 = vector.broadcast %slice3A_1026 : vector<1x128xf32> to vector<128x128xf32>
    %mul3A_1028 = arith.mulf %convert_element_type3A_26, %mul3A_1027 : vector<128x128xf32>
    %dot_general3A_1029 = arith.constant dense<0.000000e+00> : vector<128x1xf32>
    %dot_general3A_1030 = tpu.matmul %mul3A_1028, %broadcast_in_dim3A_28, %dot_general3A_1029 {dimension_numbers = #tpu.dot_dimension_numbers<[1], [0], [0], [1], [0, 0, 1, 1], [], []>, precision = #tpu.contract_precision<fp32>, transpose_lhs_hint = false} : vector<128x128xf32>, vector<128x1xf32>, vector<128x1xf32> -> vector<128x1xf32>
    %sub3A_1031 = arith.constant 3.840000e+02 : f32
    %sub3A_1032 = vector.broadcast %sub3A_1031 : f32 to vector<128x1xf32>
    %sub3A_1033 = arith.subf %dot_general3A_1030, %sub3A_1032 : vector<128x1xf32>
    %eq3A_1034 = vector.broadcast %sub3A_1033 : vector<128x1xf32> to vector<128x128xf32>
    %eq3A_1035 = vector.broadcast %convert_element_type3A_30 : vector<1x128xf32> to vector<128x128xf32>
    %eq3A_1036 = arith.cmpf oeq, %eq3A_1034, %eq3A_1035 : vector<128x128xf32>
    %convert_element_type3A_1037 = arith.extui %eq3A_1036 : vector<128x128xi1> to vector<128x128xi32>
    %convert_element_type3A_1038 = arith.sitofp %convert_element_type3A_1037 : vector<128x128xi32> to vector<128x128xf32>
    %add3A_1039 = arith.constant 5.120000e+02 : f32
    %add3A_1040 = vector.broadcast %add3A_1039 : f32 to vector<1x128xf32>
    %add3A_1041 = arith.addf %add3A_1040, %convert_element_type3A_30 : vector<1x128xf32>
    %dot_general3A_1042 = arith.constant dense<0.000000e+00> : vector<1x128xf32>
    %dot_general3A_1043 = tpu.matmul %add3A_1041, %convert_element_type3A_1038, %dot_general3A_1042 {dimension_numbers = #tpu.dot_dimension_numbers<[1], [0], [0], [1], [0, 0, 1, 1], [], []>, precision = #tpu.contract_precision<fp32>, transpose_lhs_hint = false} : vector<1x128xf32>, vector<128x128xf32>, vector<1x128xf32> -> vector<1x128xf32>
    %add3A_1044 = arith.addf %add3A_1025, %dot_general3A_1043 : vector<1x128xf32>
    %slice3A_1045 = vector.extract_strided_slice %select_n3A {offsets = [5, 0], sizes = [1, 128], strides = [1, 1]} : vector<16x128xf32> to vector<1x128xf32>
    %mul3A_1046 = vector.broadcast %slice3A_1045 : vector<1x128xf32> to vector<128x128xf32>
    %mul3A_1047 = arith.mulf %convert_element_type3A_26, %mul3A_1046 : vector<128x128xf32>
    %dot_general3A_1048 = arith.constant dense<0.000000e+00> : vector<128x1xf32>
    %dot_general3A_1049 = tpu.matmul %mul3A_1047, %broadcast_in_dim3A_28, %dot_general3A_1048 {dimension_numbers = #tpu.dot_dimension_numbers<[1], [0], [0], [1], [0, 0, 1, 1], [], []>, precision = #tpu.contract_precision<fp32>, transpose_lhs_hint = false} : vector<128x128xf32>, vector<128x1xf32>, vector<128x1xf32> -> vector<128x1xf32>
    %sub3A_1050 = arith.constant 3.840000e+02 : f32
    %sub3A_1051 = vector.broadcast %sub3A_1050 : f32 to vector<128x1xf32>
    %sub3A_1052 = arith.subf %dot_general3A_1049, %sub3A_1051 : vector<128x1xf32>
    %eq3A_1053 = vector.broadcast %sub3A_1052 : vector<128x1xf32> to vector<128x128xf32>
    %eq3A_1054 = vector.broadcast %convert_element_type3A_30 : vector<1x128xf32> to vector<128x128xf32>
    %eq3A_1055 = arith.cmpf oeq, %eq3A_1053, %eq3A_1054 : vector<128x128xf32>
    %convert_element_type3A_1056 = arith.extui %eq3A_1055 : vector<128x128xi1> to vector<128x128xi32>
    %convert_element_type3A_1057 = arith.sitofp %convert_element_type3A_1056 : vector<128x128xi32> to vector<128x128xf32>
    %add3A_1058 = arith.constant 6.400000e+02 : f32
    %add3A_1059 = vector.broadcast %add3A_1058 : f32 to vector<1x128xf32>
    %add3A_1060 = arith.addf %add3A_1059, %convert_element_type3A_30 : vector<1x128xf32>
    %dot_general3A_1061 = arith.constant dense<0.000000e+00> : vector<1x128xf32>
    %dot_general3A_1062 = tpu.matmul %add3A_1060, %convert_element_type3A_1057, %dot_general3A_1061 {dimension_numbers = #tpu.dot_dimension_numbers<[1], [0], [0], [1], [0, 0, 1, 1], [], []>, precision = #tpu.contract_precision<fp32>, transpose_lhs_hint = false} : vector<1x128xf32>, vector<128x128xf32>, vector<1x128xf32> -> vector<1x128xf32>
    %add3A_1063 = arith.addf %add3A_1044, %dot_general3A_1062 : vector<1x128xf32>
    %slice3A_1064 = vector.extract_strided_slice %select_n3A {offsets = [6, 0], sizes = [1, 128], strides = [1, 1]} : vector<16x128xf32> to vector<1x128xf32>
    %mul3A_1065 = vector.broadcast %slice3A_1064 : vector<1x128xf32> to vector<128x128xf32>
    %mul3A_1066 = arith.mulf %convert_element_type3A_26, %mul3A_1065 : vector<128x128xf32>
    %dot_general3A_1067 = arith.constant dense<0.000000e+00> : vector<128x1xf32>
    %dot_general3A_1068 = tpu.matmul %mul3A_1066, %broadcast_in_dim3A_28, %dot_general3A_1067 {dimension_numbers = #tpu.dot_dimension_numbers<[1], [0], [0], [1], [0, 0, 1, 1], [], []>, precision = #tpu.contract_precision<fp32>, transpose_lhs_hint = false} : vector<128x128xf32>, vector<128x1xf32>, vector<128x1xf32> -> vector<128x1xf32>
    %sub3A_1069 = arith.constant 3.840000e+02 : f32
    %sub3A_1070 = vector.broadcast %sub3A_1069 : f32 to vector<128x1xf32>
    %sub3A_1071 = arith.subf %dot_general3A_1068, %sub3A_1070 : vector<128x1xf32>
    %eq3A_1072 = vector.broadcast %sub3A_1071 : vector<128x1xf32> to vector<128x128xf32>
    %eq3A_1073 = vector.broadcast %convert_element_type3A_30 : vector<1x128xf32> to vector<128x128xf32>
    %eq3A_1074 = arith.cmpf oeq, %eq3A_1072, %eq3A_1073 : vector<128x128xf32>
    %convert_element_type3A_1075 = arith.extui %eq3A_1074 : vector<128x128xi1> to vector<128x128xi32>
    %convert_element_type3A_1076 = arith.sitofp %convert_element_type3A_1075 : vector<128x128xi32> to vector<128x128xf32>
    %add3A_1077 = arith.constant 7.680000e+02 : f32
    %add3A_1078 = vector.broadcast %add3A_1077 : f32 to vector<1x128xf32>
    %add3A_1079 = arith.addf %add3A_1078, %convert_element_type3A_30 : vector<1x128xf32>
    %dot_general3A_1080 = arith.constant dense<0.000000e+00> : vector<1x128xf32>
    %dot_general3A_1081 = tpu.matmul %add3A_1079, %convert_element_type3A_1076, %dot_general3A_1080 {dimension_numbers = #tpu.dot_dimension_numbers<[1], [0], [0], [1], [0, 0, 1, 1], [], []>, precision = #tpu.contract_precision<fp32>, transpose_lhs_hint = false} : vector<1x128xf32>, vector<128x128xf32>, vector<1x128xf32> -> vector<1x128xf32>
    %add3A_1082 = arith.addf %add3A_1063, %dot_general3A_1081 : vector<1x128xf32>
    %slice3A_1083 = vector.extract_strided_slice %select_n3A {offsets = [7, 0], sizes = [1, 128], strides = [1, 1]} : vector<16x128xf32> to vector<1x128xf32>
    %mul3A_1084 = vector.broadcast %slice3A_1083 : vector<1x128xf32> to vector<128x128xf32>
    %mul3A_1085 = arith.mulf %convert_element_type3A_26, %mul3A_1084 : vector<128x128xf32>
    %dot_general3A_1086 = arith.constant dense<0.000000e+00> : vector<128x1xf32>
    %dot_general3A_1087 = tpu.matmul %mul3A_1085, %broadcast_in_dim3A_28, %dot_general3A_1086 {dimension_numbers = #tpu.dot_dimension_numbers<[1], [0], [0], [1], [0, 0, 1, 1], [], []>, precision = #tpu.contract_precision<fp32>, transpose_lhs_hint = false} : vector<128x128xf32>, vector<128x1xf32>, vector<128x1xf32> -> vector<128x1xf32>
    %sub3A_1088 = arith.constant 3.840000e+02 : f32
    %sub3A_1089 = vector.broadcast %sub3A_1088 : f32 to vector<128x1xf32>
    %sub3A_1090 = arith.subf %dot_general3A_1087, %sub3A_1089 : vector<128x1xf32>
    %eq3A_1091 = vector.broadcast %sub3A_1090 : vector<128x1xf32> to vector<128x128xf32>
    %eq3A_1092 = vector.broadcast %convert_element_type3A_30 : vector<1x128xf32> to vector<128x128xf32>
    %eq3A_1093 = arith.cmpf oeq, %eq3A_1091, %eq3A_1092 : vector<128x128xf32>
    %convert_element_type3A_1094 = arith.extui %eq3A_1093 : vector<128x128xi1> to vector<128x128xi32>
    %convert_element_type3A_1095 = arith.sitofp %convert_element_type3A_1094 : vector<128x128xi32> to vector<128x128xf32>
    %add3A_1096 = arith.constant 8.960000e+02 : f32
    %add3A_1097 = vector.broadcast %add3A_1096 : f32 to vector<1x128xf32>
    %add3A_1098 = arith.addf %add3A_1097, %convert_element_type3A_30 : vector<1x128xf32>
    %dot_general3A_1099 = arith.constant dense<0.000000e+00> : vector<1x128xf32>
    %dot_general3A_1100 = tpu.matmul %add3A_1098, %convert_element_type3A_1095, %dot_general3A_1099 {dimension_numbers = #tpu.dot_dimension_numbers<[1], [0], [0], [1], [0, 0, 1, 1], [], []>, precision = #tpu.contract_precision<fp32>, transpose_lhs_hint = false} : vector<1x128xf32>, vector<128x128xf32>, vector<1x128xf32> -> vector<1x128xf32>
    %add3A_1101 = arith.addf %add3A_1082, %dot_general3A_1100 : vector<1x128xf32>
    %slice3A_1102 = vector.extract_strided_slice %select_n3A {offsets = [8, 0], sizes = [1, 128], strides = [1, 1]} : vector<16x128xf32> to vector<1x128xf32>
    %mul3A_1103 = vector.broadcast %slice3A_1102 : vector<1x128xf32> to vector<128x128xf32>
    %mul3A_1104 = arith.mulf %convert_element_type3A_26, %mul3A_1103 : vector<128x128xf32>
    %dot_general3A_1105 = arith.constant dense<0.000000e+00> : vector<128x1xf32>
    %dot_general3A_1106 = tpu.matmul %mul3A_1104, %broadcast_in_dim3A_28, %dot_general3A_1105 {dimension_numbers = #tpu.dot_dimension_numbers<[1], [0], [0], [1], [0, 0, 1, 1], [], []>, precision = #tpu.contract_precision<fp32>, transpose_lhs_hint = false} : vector<128x128xf32>, vector<128x1xf32>, vector<128x1xf32> -> vector<128x1xf32>
    %sub3A_1107 = arith.constant 3.840000e+02 : f32
    %sub3A_1108 = vector.broadcast %sub3A_1107 : f32 to vector<128x1xf32>
    %sub3A_1109 = arith.subf %dot_general3A_1106, %sub3A_1108 : vector<128x1xf32>
    %eq3A_1110 = vector.broadcast %sub3A_1109 : vector<128x1xf32> to vector<128x128xf32>
    %eq3A_1111 = vector.broadcast %convert_element_type3A_30 : vector<1x128xf32> to vector<128x128xf32>
    %eq3A_1112 = arith.cmpf oeq, %eq3A_1110, %eq3A_1111 : vector<128x128xf32>
    %convert_element_type3A_1113 = arith.extui %eq3A_1112 : vector<128x128xi1> to vector<128x128xi32>
    %convert_element_type3A_1114 = arith.sitofp %convert_element_type3A_1113 : vector<128x128xi32> to vector<128x128xf32>
    %add3A_1115 = arith.constant 1.024000e+03 : f32
    %add3A_1116 = vector.broadcast %add3A_1115 : f32 to vector<1x128xf32>
    %add3A_1117 = arith.addf %add3A_1116, %convert_element_type3A_30 : vector<1x128xf32>
    %dot_general3A_1118 = arith.constant dense<0.000000e+00> : vector<1x128xf32>
    %dot_general3A_1119 = tpu.matmul %add3A_1117, %convert_element_type3A_1114, %dot_general3A_1118 {dimension_numbers = #tpu.dot_dimension_numbers<[1], [0], [0], [1], [0, 0, 1, 1], [], []>, precision = #tpu.contract_precision<fp32>, transpose_lhs_hint = false} : vector<1x128xf32>, vector<128x128xf32>, vector<1x128xf32> -> vector<1x128xf32>
    %add3A_1120 = arith.addf %add3A_1101, %dot_general3A_1119 : vector<1x128xf32>
    %slice3A_1121 = vector.extract_strided_slice %select_n3A {offsets = [9, 0], sizes = [1, 128], strides = [1, 1]} : vector<16x128xf32> to vector<1x128xf32>
    %mul3A_1122 = vector.broadcast %slice3A_1121 : vector<1x128xf32> to vector<128x128xf32>
    %mul3A_1123 = arith.mulf %convert_element_type3A_26, %mul3A_1122 : vector<128x128xf32>
    %dot_general3A_1124 = arith.constant dense<0.000000e+00> : vector<128x1xf32>
    %dot_general3A_1125 = tpu.matmul %mul3A_1123, %broadcast_in_dim3A_28, %dot_general3A_1124 {dimension_numbers = #tpu.dot_dimension_numbers<[1], [0], [0], [1], [0, 0, 1, 1], [], []>, precision = #tpu.contract_precision<fp32>, transpose_lhs_hint = false} : vector<128x128xf32>, vector<128x1xf32>, vector<128x1xf32> -> vector<128x1xf32>
    %sub3A_1126 = arith.constant 3.840000e+02 : f32
    %sub3A_1127 = vector.broadcast %sub3A_1126 : f32 to vector<128x1xf32>
    %sub3A_1128 = arith.subf %dot_general3A_1125, %sub3A_1127 : vector<128x1xf32>
    %eq3A_1129 = vector.broadcast %sub3A_1128 : vector<128x1xf32> to vector<128x128xf32>
    %eq3A_1130 = vector.broadcast %convert_element_type3A_30 : vector<1x128xf32> to vector<128x128xf32>
    %eq3A_1131 = arith.cmpf oeq, %eq3A_1129, %eq3A_1130 : vector<128x128xf32>
    %convert_element_type3A_1132 = arith.extui %eq3A_1131 : vector<128x128xi1> to vector<128x128xi32>
    %convert_element_type3A_1133 = arith.sitofp %convert_element_type3A_1132 : vector<128x128xi32> to vector<128x128xf32>
    %add3A_1134 = arith.constant 1.152000e+03 : f32
    %add3A_1135 = vector.broadcast %add3A_1134 : f32 to vector<1x128xf32>
    %add3A_1136 = arith.addf %add3A_1135, %convert_element_type3A_30 : vector<1x128xf32>
    %dot_general3A_1137 = arith.constant dense<0.000000e+00> : vector<1x128xf32>
    %dot_general3A_1138 = tpu.matmul %add3A_1136, %convert_element_type3A_1133, %dot_general3A_1137 {dimension_numbers = #tpu.dot_dimension_numbers<[1], [0], [0], [1], [0, 0, 1, 1], [], []>, precision = #tpu.contract_precision<fp32>, transpose_lhs_hint = false} : vector<1x128xf32>, vector<128x128xf32>, vector<1x128xf32> -> vector<1x128xf32>
    %add3A_1139 = arith.addf %add3A_1120, %dot_general3A_1138 : vector<1x128xf32>
    %slice3A_1140 = vector.extract_strided_slice %select_n3A {offsets = [10, 0], sizes = [1, 128], strides = [1, 1]} : vector<16x128xf32> to vector<1x128xf32>
    %mul3A_1141 = vector.broadcast %slice3A_1140 : vector<1x128xf32> to vector<128x128xf32>
    %mul3A_1142 = arith.mulf %convert_element_type3A_26, %mul3A_1141 : vector<128x128xf32>
    %dot_general3A_1143 = arith.constant dense<0.000000e+00> : vector<128x1xf32>
    %dot_general3A_1144 = tpu.matmul %mul3A_1142, %broadcast_in_dim3A_28, %dot_general3A_1143 {dimension_numbers = #tpu.dot_dimension_numbers<[1], [0], [0], [1], [0, 0, 1, 1], [], []>, precision = #tpu.contract_precision<fp32>, transpose_lhs_hint = false} : vector<128x128xf32>, vector<128x1xf32>, vector<128x1xf32> -> vector<128x1xf32>
    %sub3A_1145 = arith.constant 3.840000e+02 : f32
    %sub3A_1146 = vector.broadcast %sub3A_1145 : f32 to vector<128x1xf32>
    %sub3A_1147 = arith.subf %dot_general3A_1144, %sub3A_1146 : vector<128x1xf32>
    %eq3A_1148 = vector.broadcast %sub3A_1147 : vector<128x1xf32> to vector<128x128xf32>
    %eq3A_1149 = vector.broadcast %convert_element_type3A_30 : vector<1x128xf32> to vector<128x128xf32>
    %eq3A_1150 = arith.cmpf oeq, %eq3A_1148, %eq3A_1149 : vector<128x128xf32>
    %convert_element_type3A_1151 = arith.extui %eq3A_1150 : vector<128x128xi1> to vector<128x128xi32>
    %convert_element_type3A_1152 = arith.sitofp %convert_element_type3A_1151 : vector<128x128xi32> to vector<128x128xf32>
    %add3A_1153 = arith.constant 1.280000e+03 : f32
    %add3A_1154 = vector.broadcast %add3A_1153 : f32 to vector<1x128xf32>
    %add3A_1155 = arith.addf %add3A_1154, %convert_element_type3A_30 : vector<1x128xf32>
    %dot_general3A_1156 = arith.constant dense<0.000000e+00> : vector<1x128xf32>
    %dot_general3A_1157 = tpu.matmul %add3A_1155, %convert_element_type3A_1152, %dot_general3A_1156 {dimension_numbers = #tpu.dot_dimension_numbers<[1], [0], [0], [1], [0, 0, 1, 1], [], []>, precision = #tpu.contract_precision<fp32>, transpose_lhs_hint = false} : vector<1x128xf32>, vector<128x128xf32>, vector<1x128xf32> -> vector<1x128xf32>
    %add3A_1158 = arith.addf %add3A_1139, %dot_general3A_1157 : vector<1x128xf32>
    %slice3A_1159 = vector.extract_strided_slice %select_n3A {offsets = [11, 0], sizes = [1, 128], strides = [1, 1]} : vector<16x128xf32> to vector<1x128xf32>
    %mul3A_1160 = vector.broadcast %slice3A_1159 : vector<1x128xf32> to vector<128x128xf32>
    %mul3A_1161 = arith.mulf %convert_element_type3A_26, %mul3A_1160 : vector<128x128xf32>
    %dot_general3A_1162 = arith.constant dense<0.000000e+00> : vector<128x1xf32>
    %dot_general3A_1163 = tpu.matmul %mul3A_1161, %broadcast_in_dim3A_28, %dot_general3A_1162 {dimension_numbers = #tpu.dot_dimension_numbers<[1], [0], [0], [1], [0, 0, 1, 1], [], []>, precision = #tpu.contract_precision<fp32>, transpose_lhs_hint = false} : vector<128x128xf32>, vector<128x1xf32>, vector<128x1xf32> -> vector<128x1xf32>
    %sub3A_1164 = arith.constant 3.840000e+02 : f32
    %sub3A_1165 = vector.broadcast %sub3A_1164 : f32 to vector<128x1xf32>
    %sub3A_1166 = arith.subf %dot_general3A_1163, %sub3A_1165 : vector<128x1xf32>
    %eq3A_1167 = vector.broadcast %sub3A_1166 : vector<128x1xf32> to vector<128x128xf32>
    %eq3A_1168 = vector.broadcast %convert_element_type3A_30 : vector<1x128xf32> to vector<128x128xf32>
    %eq3A_1169 = arith.cmpf oeq, %eq3A_1167, %eq3A_1168 : vector<128x128xf32>
    %convert_element_type3A_1170 = arith.extui %eq3A_1169 : vector<128x128xi1> to vector<128x128xi32>
    %convert_element_type3A_1171 = arith.sitofp %convert_element_type3A_1170 : vector<128x128xi32> to vector<128x128xf32>
    %add3A_1172 = arith.constant 1.408000e+03 : f32
    %add3A_1173 = vector.broadcast %add3A_1172 : f32 to vector<1x128xf32>
    %add3A_1174 = arith.addf %add3A_1173, %convert_element_type3A_30 : vector<1x128xf32>
    %dot_general3A_1175 = arith.constant dense<0.000000e+00> : vector<1x128xf32>
    %dot_general3A_1176 = tpu.matmul %add3A_1174, %convert_element_type3A_1171, %dot_general3A_1175 {dimension_numbers = #tpu.dot_dimension_numbers<[1], [0], [0], [1], [0, 0, 1, 1], [], []>, precision = #tpu.contract_precision<fp32>, transpose_lhs_hint = false} : vector<1x128xf32>, vector<128x128xf32>, vector<1x128xf32> -> vector<1x128xf32>
    %add3A_1177 = arith.addf %add3A_1158, %dot_general3A_1176 : vector<1x128xf32>
    %slice3A_1178 = vector.extract_strided_slice %select_n3A {offsets = [12, 0], sizes = [1, 128], strides = [1, 1]} : vector<16x128xf32> to vector<1x128xf32>
    %mul3A_1179 = vector.broadcast %slice3A_1178 : vector<1x128xf32> to vector<128x128xf32>
    %mul3A_1180 = arith.mulf %convert_element_type3A_26, %mul3A_1179 : vector<128x128xf32>
    %dot_general3A_1181 = arith.constant dense<0.000000e+00> : vector<128x1xf32>
    %dot_general3A_1182 = tpu.matmul %mul3A_1180, %broadcast_in_dim3A_28, %dot_general3A_1181 {dimension_numbers = #tpu.dot_dimension_numbers<[1], [0], [0], [1], [0, 0, 1, 1], [], []>, precision = #tpu.contract_precision<fp32>, transpose_lhs_hint = false} : vector<128x128xf32>, vector<128x1xf32>, vector<128x1xf32> -> vector<128x1xf32>
    %sub3A_1183 = arith.constant 3.840000e+02 : f32
    %sub3A_1184 = vector.broadcast %sub3A_1183 : f32 to vector<128x1xf32>
    %sub3A_1185 = arith.subf %dot_general3A_1182, %sub3A_1184 : vector<128x1xf32>
    %eq3A_1186 = vector.broadcast %sub3A_1185 : vector<128x1xf32> to vector<128x128xf32>
    %eq3A_1187 = vector.broadcast %convert_element_type3A_30 : vector<1x128xf32> to vector<128x128xf32>
    %eq3A_1188 = arith.cmpf oeq, %eq3A_1186, %eq3A_1187 : vector<128x128xf32>
    %convert_element_type3A_1189 = arith.extui %eq3A_1188 : vector<128x128xi1> to vector<128x128xi32>
    %convert_element_type3A_1190 = arith.sitofp %convert_element_type3A_1189 : vector<128x128xi32> to vector<128x128xf32>
    %add3A_1191 = arith.constant 1.536000e+03 : f32
    %add3A_1192 = vector.broadcast %add3A_1191 : f32 to vector<1x128xf32>
    %add3A_1193 = arith.addf %add3A_1192, %convert_element_type3A_30 : vector<1x128xf32>
    %dot_general3A_1194 = arith.constant dense<0.000000e+00> : vector<1x128xf32>
    %dot_general3A_1195 = tpu.matmul %add3A_1193, %convert_element_type3A_1190, %dot_general3A_1194 {dimension_numbers = #tpu.dot_dimension_numbers<[1], [0], [0], [1], [0, 0, 1, 1], [], []>, precision = #tpu.contract_precision<fp32>, transpose_lhs_hint = false} : vector<1x128xf32>, vector<128x128xf32>, vector<1x128xf32> -> vector<1x128xf32>
    %add3A_1196 = arith.addf %add3A_1177, %dot_general3A_1195 : vector<1x128xf32>
    %slice3A_1197 = vector.extract_strided_slice %select_n3A {offsets = [13, 0], sizes = [1, 128], strides = [1, 1]} : vector<16x128xf32> to vector<1x128xf32>
    %mul3A_1198 = vector.broadcast %slice3A_1197 : vector<1x128xf32> to vector<128x128xf32>
    %mul3A_1199 = arith.mulf %convert_element_type3A_26, %mul3A_1198 : vector<128x128xf32>
    %dot_general3A_1200 = arith.constant dense<0.000000e+00> : vector<128x1xf32>
    %dot_general3A_1201 = tpu.matmul %mul3A_1199, %broadcast_in_dim3A_28, %dot_general3A_1200 {dimension_numbers = #tpu.dot_dimension_numbers<[1], [0], [0], [1], [0, 0, 1, 1], [], []>, precision = #tpu.contract_precision<fp32>, transpose_lhs_hint = false} : vector<128x128xf32>, vector<128x1xf32>, vector<128x1xf32> -> vector<128x1xf32>
    %sub3A_1202 = arith.constant 3.840000e+02 : f32
    %sub3A_1203 = vector.broadcast %sub3A_1202 : f32 to vector<128x1xf32>
    %sub3A_1204 = arith.subf %dot_general3A_1201, %sub3A_1203 : vector<128x1xf32>
    %eq3A_1205 = vector.broadcast %sub3A_1204 : vector<128x1xf32> to vector<128x128xf32>
    %eq3A_1206 = vector.broadcast %convert_element_type3A_30 : vector<1x128xf32> to vector<128x128xf32>
    %eq3A_1207 = arith.cmpf oeq, %eq3A_1205, %eq3A_1206 : vector<128x128xf32>
    %convert_element_type3A_1208 = arith.extui %eq3A_1207 : vector<128x128xi1> to vector<128x128xi32>
    %convert_element_type3A_1209 = arith.sitofp %convert_element_type3A_1208 : vector<128x128xi32> to vector<128x128xf32>
    %add3A_1210 = arith.constant 1.664000e+03 : f32
    %add3A_1211 = vector.broadcast %add3A_1210 : f32 to vector<1x128xf32>
    %add3A_1212 = arith.addf %add3A_1211, %convert_element_type3A_30 : vector<1x128xf32>
    %dot_general3A_1213 = arith.constant dense<0.000000e+00> : vector<1x128xf32>
    %dot_general3A_1214 = tpu.matmul %add3A_1212, %convert_element_type3A_1209, %dot_general3A_1213 {dimension_numbers = #tpu.dot_dimension_numbers<[1], [0], [0], [1], [0, 0, 1, 1], [], []>, precision = #tpu.contract_precision<fp32>, transpose_lhs_hint = false} : vector<1x128xf32>, vector<128x128xf32>, vector<1x128xf32> -> vector<1x128xf32>
    %add3A_1215 = arith.addf %add3A_1196, %dot_general3A_1214 : vector<1x128xf32>
    %slice3A_1216 = vector.extract_strided_slice %select_n3A {offsets = [14, 0], sizes = [1, 128], strides = [1, 1]} : vector<16x128xf32> to vector<1x128xf32>
    %mul3A_1217 = vector.broadcast %slice3A_1216 : vector<1x128xf32> to vector<128x128xf32>
    %mul3A_1218 = arith.mulf %convert_element_type3A_26, %mul3A_1217 : vector<128x128xf32>
    %dot_general3A_1219 = arith.constant dense<0.000000e+00> : vector<128x1xf32>
    %dot_general3A_1220 = tpu.matmul %mul3A_1218, %broadcast_in_dim3A_28, %dot_general3A_1219 {dimension_numbers = #tpu.dot_dimension_numbers<[1], [0], [0], [1], [0, 0, 1, 1], [], []>, precision = #tpu.contract_precision<fp32>, transpose_lhs_hint = false} : vector<128x128xf32>, vector<128x1xf32>, vector<128x1xf32> -> vector<128x1xf32>
    %sub3A_1221 = arith.constant 3.840000e+02 : f32
    %sub3A_1222 = vector.broadcast %sub3A_1221 : f32 to vector<128x1xf32>
    %sub3A_1223 = arith.subf %dot_general3A_1220, %sub3A_1222 : vector<128x1xf32>
    %eq3A_1224 = vector.broadcast %sub3A_1223 : vector<128x1xf32> to vector<128x128xf32>
    %eq3A_1225 = vector.broadcast %convert_element_type3A_30 : vector<1x128xf32> to vector<128x128xf32>
    %eq3A_1226 = arith.cmpf oeq, %eq3A_1224, %eq3A_1225 : vector<128x128xf32>
    %convert_element_type3A_1227 = arith.extui %eq3A_1226 : vector<128x128xi1> to vector<128x128xi32>
    %convert_element_type3A_1228 = arith.sitofp %convert_element_type3A_1227 : vector<128x128xi32> to vector<128x128xf32>
    %add3A_1229 = arith.constant 1.792000e+03 : f32
    %add3A_1230 = vector.broadcast %add3A_1229 : f32 to vector<1x128xf32>
    %add3A_1231 = arith.addf %add3A_1230, %convert_element_type3A_30 : vector<1x128xf32>
    %dot_general3A_1232 = arith.constant dense<0.000000e+00> : vector<1x128xf32>
    %dot_general3A_1233 = tpu.matmul %add3A_1231, %convert_element_type3A_1228, %dot_general3A_1232 {dimension_numbers = #tpu.dot_dimension_numbers<[1], [0], [0], [1], [0, 0, 1, 1], [], []>, precision = #tpu.contract_precision<fp32>, transpose_lhs_hint = false} : vector<1x128xf32>, vector<128x128xf32>, vector<1x128xf32> -> vector<1x128xf32>
    %add3A_1234 = arith.addf %add3A_1215, %dot_general3A_1233 : vector<1x128xf32>
    %slice3A_1235 = vector.extract_strided_slice %select_n3A {offsets = [15, 0], sizes = [1, 128], strides = [1, 1]} : vector<16x128xf32> to vector<1x128xf32>
    %mul3A_1236 = vector.broadcast %slice3A_1235 : vector<1x128xf32> to vector<128x128xf32>
    %mul3A_1237 = arith.mulf %convert_element_type3A_26, %mul3A_1236 : vector<128x128xf32>
    %dot_general3A_1238 = arith.constant dense<0.000000e+00> : vector<128x1xf32>
    %dot_general3A_1239 = tpu.matmul %mul3A_1237, %broadcast_in_dim3A_28, %dot_general3A_1238 {dimension_numbers = #tpu.dot_dimension_numbers<[1], [0], [0], [1], [0, 0, 1, 1], [], []>, precision = #tpu.contract_precision<fp32>, transpose_lhs_hint = false} : vector<128x128xf32>, vector<128x1xf32>, vector<128x1xf32> -> vector<128x1xf32>
    %sub3A_1240 = arith.constant 3.840000e+02 : f32
    %sub3A_1241 = vector.broadcast %sub3A_1240 : f32 to vector<128x1xf32>
    %sub3A_1242 = arith.subf %dot_general3A_1239, %sub3A_1241 : vector<128x1xf32>
    %eq3A_1243 = vector.broadcast %sub3A_1242 : vector<128x1xf32> to vector<128x128xf32>
    %eq3A_1244 = vector.broadcast %convert_element_type3A_30 : vector<1x128xf32> to vector<128x128xf32>
    %eq3A_1245 = arith.cmpf oeq, %eq3A_1243, %eq3A_1244 : vector<128x128xf32>
    %convert_element_type3A_1246 = arith.extui %eq3A_1245 : vector<128x128xi1> to vector<128x128xi32>
    %convert_element_type3A_1247 = arith.sitofp %convert_element_type3A_1246 : vector<128x128xi32> to vector<128x128xf32>
    %add3A_1248 = arith.constant 1.920000e+03 : f32
    %add3A_1249 = vector.broadcast %add3A_1248 : f32 to vector<1x128xf32>
    %add3A_1250 = arith.addf %add3A_1249, %convert_element_type3A_30 : vector<1x128xf32>
    %dot_general3A_1251 = arith.constant dense<0.000000e+00> : vector<1x128xf32>
    %dot_general3A_1252 = tpu.matmul %add3A_1250, %convert_element_type3A_1247, %dot_general3A_1251 {dimension_numbers = #tpu.dot_dimension_numbers<[1], [0], [0], [1], [0, 0, 1, 1], [], []>, precision = #tpu.contract_precision<fp32>, transpose_lhs_hint = false} : vector<1x128xf32>, vector<128x128xf32>, vector<1x128xf32> -> vector<1x128xf32>
    %add3A_1253 = arith.addf %add3A_1234, %dot_general3A_1252 : vector<1x128xf32>
    %concatenate3A = tpu.concatenate %add3A_335, %add3A_641, %add3A_947, %add3A_1253 in 0 : vector<1x128xf32>, vector<1x128xf32>, vector<1x128xf32>, vector<1x128xf32> -> vector<4x128xf32>
    %convert_element_type3A_1254 = arith.fptosi %concatenate3A : vector<4x128xf32> to vector<4x128xi32>
    %swap3A = arith.constant 0 : index
    %swap3A_1255 = arith.constant 0 : index
    %swap3A_1256 = vector.load %arg1[%swap3A, %swap3A_1255] : memref<4x128xi32, #tpu.memory_space<vmem>>, vector<4x128xi32>
    tpu.vector_store %arg1[%swap3A, %swap3A_1255], %convert_element_type3A_1254 {strides = array<i32>} : memref<4x128xi32, #tpu.memory_space<vmem>>, vector<4x128xi32>,
    return
  }
}

module attributes {stable_mosaic.version = 14 : i64} {
  func.func @body(%arg0: i32, %arg1: memref<256x768xf32, #tpu.memory_space<vmem>>, %arg2: memref<512x768xf32, #tpu.memory_space<vmem>>, %arg3: memref<512x768xf32, #tpu.memory_space<vmem>>, %arg4: memref<256x768xf32, #tpu.memory_space<vmem>>) attributes {dimension_semantics = [#tpu.dimension_semantics<arbitrary>], iteration_bounds = array<i64: 8>, scalar_prefetch = 0 : i64, scratch_operands = 0 : i64, tpu.core_type = #tpu.core_type<tc>, window_params = [{transform_indices = @transform_0, window_bounds = array<i64: 256, 768>}, {pipeline_mode = #tpu.pipeline_mode<synchronous>, transform_indices = @transform_1, window_bounds = array<i64: 512, 768>}, {pipeline_mode = #tpu.pipeline_mode<synchronous>, transform_indices = @transform_2, window_bounds = array<i64: 512, 768>}, {transform_indices = @transform_3, window_bounds = array<i64: 256, 768>}]} {
    %iota3A = tpu.iota {dimensions = array<i32: 1>} : vector<1x512xi32>
    %lt3A = arith.constant 409 : i32
    %lt3A_0 = vector.broadcast %lt3A : i32 to vector<1x512xi32>
    %lt3A_1 = arith.cmpi slt, %iota3A, %lt3A_0 : vector<1x512xi32>
    %iota3A_2 = tpu.iota {dimensions = array<i32: 0>} : vector<512x1xi32>
    %lt3A_3 = arith.constant 409 : i32
    %lt3A_4 = vector.broadcast %lt3A_3 : i32 to vector<512x1xi32>
    %lt3A_5 = arith.cmpi slt, %iota3A_2, %lt3A_4 : vector<512x1xi32>
    %get3A = arith.constant 0 : index
    %get3A_6 = arith.constant 0 : index
    %get3A_7 = vector.load %arg3[%get3A, %get3A_6] : memref<512x768xf32, #tpu.memory_space<vmem>>, vector<512x64xf32>
    %jit3A = arith.constant 0.000000e+00 : f32
    %broadcast_in_dim3A = vector.shape_cast %lt3A_5 : vector<512x1xi1> to vector<512x1xi1>
    %broadcast_in_dim3A_8 = vector.broadcast %broadcast_in_dim3A : vector<512x1xi1> to vector<512x64xi1>
    %broadcast_in_dim3A_9 = vector.broadcast %jit3A : f32 to vector<512x64xf32>
    %select_n3A = arith.select %broadcast_in_dim3A_8, %get3A_7, %broadcast_in_dim3A_9 : vector<512x64xi1>, vector<512x64xf32>
    %get3A_10 = arith.constant 0 : index
    %get3A_11 = arith.constant 0 : index
    %get3A_12 = vector.load %arg1[%get3A_10, %get3A_11] : memref<256x768xf32, #tpu.memory_space<vmem>>, vector<256x64xf32>
    %get3A_13 = arith.constant 0 : index
    %get3A_14 = arith.constant 0 : index
    %get3A_15 = vector.load %arg2[%get3A_13, %get3A_14] : memref<512x768xf32, #tpu.memory_space<vmem>>, vector<512x64xf32>
    %dot_general3A = arith.constant dense<0.000000e+00> : vector<256x512xf32>
    %dot_general3A_16 = tpu.matmul %get3A_12, %get3A_15, %dot_general3A {dimension_numbers = #tpu.dot_dimension_numbers<[1], [1], [0], [0], [0, 0, 1, 0], [], []>, transpose_lhs_hint = false} : vector<256x64xf32>, vector<512x64xf32>, vector<256x512xf32> -> vector<256x512xf32>
    %jit3A_17 = arith.constant -1.000000e+30 : f32
    %broadcast_in_dim3A_18 = vector.shape_cast %lt3A_1 : vector<1x512xi1> to vector<1x512xi1>
    %broadcast_in_dim3A_19 = vector.broadcast %broadcast_in_dim3A_18 : vector<1x512xi1> to vector<256x512xi1>
    %broadcast_in_dim3A_20 = vector.broadcast %jit3A_17 : f32 to vector<256x512xf32>
    %select_n3A_21 = arith.select %broadcast_in_dim3A_19, %dot_general3A_16, %broadcast_in_dim3A_20 : vector<256x512xi1>, vector<256x512xf32>
    %reduce_max3A = arith.constant dense<0xFF800000> : vector<256xf32>
    %reduce_max3A_22 = vector.multi_reduction <maximumf>, %select_n3A_21, %reduce_max3A [1] : vector<256x512xf32> to vector<256xf32>
    %broadcast_in_dim3A_23 = vector.shape_cast %reduce_max3A_22 : vector<256xf32> to vector<256x1xf32>
    %sub3A = vector.broadcast %broadcast_in_dim3A_23 : vector<256x1xf32> to vector<256x512xf32>
    %sub3A_24 = arith.subf %select_n3A_21, %sub3A : vector<256x512xf32>
    %exp3A = math.exp %sub3A_24 : vector<256x512xf32>
    %reduce_sum3A = arith.constant dense<0.000000e+00> : vector<256xf32>
    %reduce_sum3A_25 = vector.multi_reduction <add>, %exp3A, %reduce_sum3A [1] : vector<256x512xf32> to vector<256xf32>
    %broadcast_in_dim3A_26 = vector.shape_cast %reduce_sum3A_25 : vector<256xf32> to vector<256x1xf32>
    %div3A = arith.constant 1.000000e+00 : f32
    %div3A_27 = vector.broadcast %div3A : f32 to vector<256x1xf32>
    %div3A_28 = arith.divf %div3A_27, %broadcast_in_dim3A_26 : vector<256x1xf32>
    %mul3A = vector.broadcast %div3A_28 : vector<256x1xf32> to vector<256x512xf32>
    %mul3A_29 = arith.mulf %exp3A, %mul3A : vector<256x512xf32>
    %dot_general3A_30 = arith.constant dense<0.000000e+00> : vector<256x64xf32>
    %dot_general3A_31 = tpu.matmul %mul3A_29, %select_n3A, %dot_general3A_30 {dimension_numbers = #tpu.dot_dimension_numbers<[1], [0], [0], [1], [0, 0, 1, 1], [], []>, transpose_lhs_hint = false} : vector<256x512xf32>, vector<512x64xf32>, vector<256x64xf32> -> vector<256x64xf32>
    %get3A_32 = arith.constant 0 : index
    %get3A_33 = arith.constant 64 : index
    %get3A_34 = vector.load %arg3[%get3A_32, %get3A_33] : memref<512x768xf32, #tpu.memory_space<vmem>>, vector<512x64xf32>
    %jit3A_35 = arith.constant 0.000000e+00 : f32
    %broadcast_in_dim3A_36 = vector.shape_cast %lt3A_5 : vector<512x1xi1> to vector<512x1xi1>
    %broadcast_in_dim3A_37 = vector.broadcast %broadcast_in_dim3A_36 : vector<512x1xi1> to vector<512x64xi1>
    %broadcast_in_dim3A_38 = vector.broadcast %jit3A_35 : f32 to vector<512x64xf32>
    %select_n3A_39 = arith.select %broadcast_in_dim3A_37, %get3A_34, %broadcast_in_dim3A_38 : vector<512x64xi1>, vector<512x64xf32>
    %get3A_40 = arith.constant 0 : index
    %get3A_41 = arith.constant 64 : index
    %get3A_42 = vector.load %arg1[%get3A_40, %get3A_41] : memref<256x768xf32, #tpu.memory_space<vmem>>, vector<256x64xf32>
    %get3A_43 = arith.constant 0 : index
    %get3A_44 = arith.constant 64 : index
    %get3A_45 = vector.load %arg2[%get3A_43, %get3A_44] : memref<512x768xf32, #tpu.memory_space<vmem>>, vector<512x64xf32>
    %dot_general3A_46 = arith.constant dense<0.000000e+00> : vector<256x512xf32>
    %dot_general3A_47 = tpu.matmul %get3A_42, %get3A_45, %dot_general3A_46 {dimension_numbers = #tpu.dot_dimension_numbers<[1], [1], [0], [0], [0, 0, 1, 0], [], []>, transpose_lhs_hint = false} : vector<256x64xf32>, vector<512x64xf32>, vector<256x512xf32> -> vector<256x512xf32>
    %jit3A_48 = arith.constant -1.000000e+30 : f32
    %broadcast_in_dim3A_49 = vector.shape_cast %lt3A_1 : vector<1x512xi1> to vector<1x512xi1>
    %broadcast_in_dim3A_50 = vector.broadcast %broadcast_in_dim3A_49 : vector<1x512xi1> to vector<256x512xi1>
    %broadcast_in_dim3A_51 = vector.broadcast %jit3A_48 : f32 to vector<256x512xf32>
    %select_n3A_52 = arith.select %broadcast_in_dim3A_50, %dot_general3A_47, %broadcast_in_dim3A_51 : vector<256x512xi1>, vector<256x512xf32>
    %reduce_max3A_53 = arith.constant dense<0xFF800000> : vector<256xf32>
    %reduce_max3A_54 = vector.multi_reduction <maximumf>, %select_n3A_52, %reduce_max3A_53 [1] : vector<256x512xf32> to vector<256xf32>
    %broadcast_in_dim3A_55 = vector.shape_cast %reduce_max3A_54 : vector<256xf32> to vector<256x1xf32>
    %sub3A_56 = vector.broadcast %broadcast_in_dim3A_55 : vector<256x1xf32> to vector<256x512xf32>
    %sub3A_57 = arith.subf %select_n3A_52, %sub3A_56 : vector<256x512xf32>
    %exp3A_58 = math.exp %sub3A_57 : vector<256x512xf32>
    %reduce_sum3A_59 = arith.constant dense<0.000000e+00> : vector<256xf32>
    %reduce_sum3A_60 = vector.multi_reduction <add>, %exp3A_58, %reduce_sum3A_59 [1] : vector<256x512xf32> to vector<256xf32>
    %broadcast_in_dim3A_61 = vector.shape_cast %reduce_sum3A_60 : vector<256xf32> to vector<256x1xf32>
    %div3A_62 = arith.constant 1.000000e+00 : f32
    %div3A_63 = vector.broadcast %div3A_62 : f32 to vector<256x1xf32>
    %div3A_64 = arith.divf %div3A_63, %broadcast_in_dim3A_61 : vector<256x1xf32>
    %mul3A_65 = vector.broadcast %div3A_64 : vector<256x1xf32> to vector<256x512xf32>
    %mul3A_66 = arith.mulf %exp3A_58, %mul3A_65 : vector<256x512xf32>
    %dot_general3A_67 = arith.constant dense<0.000000e+00> : vector<256x64xf32>
    %dot_general3A_68 = tpu.matmul %mul3A_66, %select_n3A_39, %dot_general3A_67 {dimension_numbers = #tpu.dot_dimension_numbers<[1], [0], [0], [1], [0, 0, 1, 1], [], []>, transpose_lhs_hint = false} : vector<256x512xf32>, vector<512x64xf32>, vector<256x64xf32> -> vector<256x64xf32>
    %get3A_69 = arith.constant 0 : index
    %get3A_70 = arith.constant 128 : index
    %get3A_71 = vector.load %arg3[%get3A_69, %get3A_70] : memref<512x768xf32, #tpu.memory_space<vmem>>, vector<512x64xf32>
    %jit3A_72 = arith.constant 0.000000e+00 : f32
    %broadcast_in_dim3A_73 = vector.shape_cast %lt3A_5 : vector<512x1xi1> to vector<512x1xi1>
    %broadcast_in_dim3A_74 = vector.broadcast %broadcast_in_dim3A_73 : vector<512x1xi1> to vector<512x64xi1>
    %broadcast_in_dim3A_75 = vector.broadcast %jit3A_72 : f32 to vector<512x64xf32>
    %select_n3A_76 = arith.select %broadcast_in_dim3A_74, %get3A_71, %broadcast_in_dim3A_75 : vector<512x64xi1>, vector<512x64xf32>
    %get3A_77 = arith.constant 0 : index
    %get3A_78 = arith.constant 128 : index
    %get3A_79 = vector.load %arg1[%get3A_77, %get3A_78] : memref<256x768xf32, #tpu.memory_space<vmem>>, vector<256x64xf32>
    %get3A_80 = arith.constant 0 : index
    %get3A_81 = arith.constant 128 : index
    %get3A_82 = vector.load %arg2[%get3A_80, %get3A_81] : memref<512x768xf32, #tpu.memory_space<vmem>>, vector<512x64xf32>
    %dot_general3A_83 = arith.constant dense<0.000000e+00> : vector<256x512xf32>
    %dot_general3A_84 = tpu.matmul %get3A_79, %get3A_82, %dot_general3A_83 {dimension_numbers = #tpu.dot_dimension_numbers<[1], [1], [0], [0], [0, 0, 1, 0], [], []>, transpose_lhs_hint = false} : vector<256x64xf32>, vector<512x64xf32>, vector<256x512xf32> -> vector<256x512xf32>
    %jit3A_85 = arith.constant -1.000000e+30 : f32
    %broadcast_in_dim3A_86 = vector.shape_cast %lt3A_1 : vector<1x512xi1> to vector<1x512xi1>
    %broadcast_in_dim3A_87 = vector.broadcast %broadcast_in_dim3A_86 : vector<1x512xi1> to vector<256x512xi1>
    %broadcast_in_dim3A_88 = vector.broadcast %jit3A_85 : f32 to vector<256x512xf32>
    %select_n3A_89 = arith.select %broadcast_in_dim3A_87, %dot_general3A_84, %broadcast_in_dim3A_88 : vector<256x512xi1>, vector<256x512xf32>
    %reduce_max3A_90 = arith.constant dense<0xFF800000> : vector<256xf32>
    %reduce_max3A_91 = vector.multi_reduction <maximumf>, %select_n3A_89, %reduce_max3A_90 [1] : vector<256x512xf32> to vector<256xf32>
    %broadcast_in_dim3A_92 = vector.shape_cast %reduce_max3A_91 : vector<256xf32> to vector<256x1xf32>
    %sub3A_93 = vector.broadcast %broadcast_in_dim3A_92 : vector<256x1xf32> to vector<256x512xf32>
    %sub3A_94 = arith.subf %select_n3A_89, %sub3A_93 : vector<256x512xf32>
    %exp3A_95 = math.exp %sub3A_94 : vector<256x512xf32>
    %reduce_sum3A_96 = arith.constant dense<0.000000e+00> : vector<256xf32>
    %reduce_sum3A_97 = vector.multi_reduction <add>, %exp3A_95, %reduce_sum3A_96 [1] : vector<256x512xf32> to vector<256xf32>
    %broadcast_in_dim3A_98 = vector.shape_cast %reduce_sum3A_97 : vector<256xf32> to vector<256x1xf32>
    %div3A_99 = arith.constant 1.000000e+00 : f32
    %div3A_100 = vector.broadcast %div3A_99 : f32 to vector<256x1xf32>
    %div3A_101 = arith.divf %div3A_100, %broadcast_in_dim3A_98 : vector<256x1xf32>
    %mul3A_102 = vector.broadcast %div3A_101 : vector<256x1xf32> to vector<256x512xf32>
    %mul3A_103 = arith.mulf %exp3A_95, %mul3A_102 : vector<256x512xf32>
    %dot_general3A_104 = arith.constant dense<0.000000e+00> : vector<256x64xf32>
    %dot_general3A_105 = tpu.matmul %mul3A_103, %select_n3A_76, %dot_general3A_104 {dimension_numbers = #tpu.dot_dimension_numbers<[1], [0], [0], [1], [0, 0, 1, 1], [], []>, transpose_lhs_hint = false} : vector<256x512xf32>, vector<512x64xf32>, vector<256x64xf32> -> vector<256x64xf32>
    %get3A_106 = arith.constant 0 : index
    %get3A_107 = arith.constant 192 : index
    %get3A_108 = vector.load %arg3[%get3A_106, %get3A_107] : memref<512x768xf32, #tpu.memory_space<vmem>>, vector<512x64xf32>
    %jit3A_109 = arith.constant 0.000000e+00 : f32
    %broadcast_in_dim3A_110 = vector.shape_cast %lt3A_5 : vector<512x1xi1> to vector<512x1xi1>
    %broadcast_in_dim3A_111 = vector.broadcast %broadcast_in_dim3A_110 : vector<512x1xi1> to vector<512x64xi1>
    %broadcast_in_dim3A_112 = vector.broadcast %jit3A_109 : f32 to vector<512x64xf32>
    %select_n3A_113 = arith.select %broadcast_in_dim3A_111, %get3A_108, %broadcast_in_dim3A_112 : vector<512x64xi1>, vector<512x64xf32>
    %get3A_114 = arith.constant 0 : index
    %get3A_115 = arith.constant 192 : index
    %get3A_116 = vector.load %arg1[%get3A_114, %get3A_115] : memref<256x768xf32, #tpu.memory_space<vmem>>, vector<256x64xf32>
    %get3A_117 = arith.constant 0 : index
    %get3A_118 = arith.constant 192 : index
    %get3A_119 = vector.load %arg2[%get3A_117, %get3A_118] : memref<512x768xf32, #tpu.memory_space<vmem>>, vector<512x64xf32>
    %dot_general3A_120 = arith.constant dense<0.000000e+00> : vector<256x512xf32>
    %dot_general3A_121 = tpu.matmul %get3A_116, %get3A_119, %dot_general3A_120 {dimension_numbers = #tpu.dot_dimension_numbers<[1], [1], [0], [0], [0, 0, 1, 0], [], []>, transpose_lhs_hint = false} : vector<256x64xf32>, vector<512x64xf32>, vector<256x512xf32> -> vector<256x512xf32>
    %jit3A_122 = arith.constant -1.000000e+30 : f32
    %broadcast_in_dim3A_123 = vector.shape_cast %lt3A_1 : vector<1x512xi1> to vector<1x512xi1>
    %broadcast_in_dim3A_124 = vector.broadcast %broadcast_in_dim3A_123 : vector<1x512xi1> to vector<256x512xi1>
    %broadcast_in_dim3A_125 = vector.broadcast %jit3A_122 : f32 to vector<256x512xf32>
    %select_n3A_126 = arith.select %broadcast_in_dim3A_124, %dot_general3A_121, %broadcast_in_dim3A_125 : vector<256x512xi1>, vector<256x512xf32>
    %reduce_max3A_127 = arith.constant dense<0xFF800000> : vector<256xf32>
    %reduce_max3A_128 = vector.multi_reduction <maximumf>, %select_n3A_126, %reduce_max3A_127 [1] : vector<256x512xf32> to vector<256xf32>
    %broadcast_in_dim3A_129 = vector.shape_cast %reduce_max3A_128 : vector<256xf32> to vector<256x1xf32>
    %sub3A_130 = vector.broadcast %broadcast_in_dim3A_129 : vector<256x1xf32> to vector<256x512xf32>
    %sub3A_131 = arith.subf %select_n3A_126, %sub3A_130 : vector<256x512xf32>
    %exp3A_132 = math.exp %sub3A_131 : vector<256x512xf32>
    %reduce_sum3A_133 = arith.constant dense<0.000000e+00> : vector<256xf32>
    %reduce_sum3A_134 = vector.multi_reduction <add>, %exp3A_132, %reduce_sum3A_133 [1] : vector<256x512xf32> to vector<256xf32>
    %broadcast_in_dim3A_135 = vector.shape_cast %reduce_sum3A_134 : vector<256xf32> to vector<256x1xf32>
    %div3A_136 = arith.constant 1.000000e+00 : f32
    %div3A_137 = vector.broadcast %div3A_136 : f32 to vector<256x1xf32>
    %div3A_138 = arith.divf %div3A_137, %broadcast_in_dim3A_135 : vector<256x1xf32>
    %mul3A_139 = vector.broadcast %div3A_138 : vector<256x1xf32> to vector<256x512xf32>
    %mul3A_140 = arith.mulf %exp3A_132, %mul3A_139 : vector<256x512xf32>
    %dot_general3A_141 = arith.constant dense<0.000000e+00> : vector<256x64xf32>
    %dot_general3A_142 = tpu.matmul %mul3A_140, %select_n3A_113, %dot_general3A_141 {dimension_numbers = #tpu.dot_dimension_numbers<[1], [0], [0], [1], [0, 0, 1, 1], [], []>, transpose_lhs_hint = false} : vector<256x512xf32>, vector<512x64xf32>, vector<256x64xf32> -> vector<256x64xf32>
    %get3A_143 = arith.constant 0 : index
    %get3A_144 = arith.constant 256 : index
    %get3A_145 = vector.load %arg3[%get3A_143, %get3A_144] : memref<512x768xf32, #tpu.memory_space<vmem>>, vector<512x64xf32>
    %jit3A_146 = arith.constant 0.000000e+00 : f32
    %broadcast_in_dim3A_147 = vector.shape_cast %lt3A_5 : vector<512x1xi1> to vector<512x1xi1>
    %broadcast_in_dim3A_148 = vector.broadcast %broadcast_in_dim3A_147 : vector<512x1xi1> to vector<512x64xi1>
    %broadcast_in_dim3A_149 = vector.broadcast %jit3A_146 : f32 to vector<512x64xf32>
    %select_n3A_150 = arith.select %broadcast_in_dim3A_148, %get3A_145, %broadcast_in_dim3A_149 : vector<512x64xi1>, vector<512x64xf32>
    %get3A_151 = arith.constant 0 : index
    %get3A_152 = arith.constant 256 : index
    %get3A_153 = vector.load %arg1[%get3A_151, %get3A_152] : memref<256x768xf32, #tpu.memory_space<vmem>>, vector<256x64xf32>
    %get3A_154 = arith.constant 0 : index
    %get3A_155 = arith.constant 256 : index
    %get3A_156 = vector.load %arg2[%get3A_154, %get3A_155] : memref<512x768xf32, #tpu.memory_space<vmem>>, vector<512x64xf32>
    %dot_general3A_157 = arith.constant dense<0.000000e+00> : vector<256x512xf32>
    %dot_general3A_158 = tpu.matmul %get3A_153, %get3A_156, %dot_general3A_157 {dimension_numbers = #tpu.dot_dimension_numbers<[1], [1], [0], [0], [0, 0, 1, 0], [], []>, transpose_lhs_hint = false} : vector<256x64xf32>, vector<512x64xf32>, vector<256x512xf32> -> vector<256x512xf32>
    %jit3A_159 = arith.constant -1.000000e+30 : f32
    %broadcast_in_dim3A_160 = vector.shape_cast %lt3A_1 : vector<1x512xi1> to vector<1x512xi1>
    %broadcast_in_dim3A_161 = vector.broadcast %broadcast_in_dim3A_160 : vector<1x512xi1> to vector<256x512xi1>
    %broadcast_in_dim3A_162 = vector.broadcast %jit3A_159 : f32 to vector<256x512xf32>
    %select_n3A_163 = arith.select %broadcast_in_dim3A_161, %dot_general3A_158, %broadcast_in_dim3A_162 : vector<256x512xi1>, vector<256x512xf32>
    %reduce_max3A_164 = arith.constant dense<0xFF800000> : vector<256xf32>
    %reduce_max3A_165 = vector.multi_reduction <maximumf>, %select_n3A_163, %reduce_max3A_164 [1] : vector<256x512xf32> to vector<256xf32>
    %broadcast_in_dim3A_166 = vector.shape_cast %reduce_max3A_165 : vector<256xf32> to vector<256x1xf32>
    %sub3A_167 = vector.broadcast %broadcast_in_dim3A_166 : vector<256x1xf32> to vector<256x512xf32>
    %sub3A_168 = arith.subf %select_n3A_163, %sub3A_167 : vector<256x512xf32>
    %exp3A_169 = math.exp %sub3A_168 : vector<256x512xf32>
    %reduce_sum3A_170 = arith.constant dense<0.000000e+00> : vector<256xf32>
    %reduce_sum3A_171 = vector.multi_reduction <add>, %exp3A_169, %reduce_sum3A_170 [1] : vector<256x512xf32> to vector<256xf32>
    %broadcast_in_dim3A_172 = vector.shape_cast %reduce_sum3A_171 : vector<256xf32> to vector<256x1xf32>
    %div3A_173 = arith.constant 1.000000e+00 : f32
    %div3A_174 = vector.broadcast %div3A_173 : f32 to vector<256x1xf32>
    %div3A_175 = arith.divf %div3A_174, %broadcast_in_dim3A_172 : vector<256x1xf32>
    %mul3A_176 = vector.broadcast %div3A_175 : vector<256x1xf32> to vector<256x512xf32>
    %mul3A_177 = arith.mulf %exp3A_169, %mul3A_176 : vector<256x512xf32>
    %dot_general3A_178 = arith.constant dense<0.000000e+00> : vector<256x64xf32>
    %dot_general3A_179 = tpu.matmul %mul3A_177, %select_n3A_150, %dot_general3A_178 {dimension_numbers = #tpu.dot_dimension_numbers<[1], [0], [0], [1], [0, 0, 1, 1], [], []>, transpose_lhs_hint = false} : vector<256x512xf32>, vector<512x64xf32>, vector<256x64xf32> -> vector<256x64xf32>
    %get3A_180 = arith.constant 0 : index
    %get3A_181 = arith.constant 320 : index
    %get3A_182 = vector.load %arg3[%get3A_180, %get3A_181] : memref<512x768xf32, #tpu.memory_space<vmem>>, vector<512x64xf32>
    %jit3A_183 = arith.constant 0.000000e+00 : f32
    %broadcast_in_dim3A_184 = vector.shape_cast %lt3A_5 : vector<512x1xi1> to vector<512x1xi1>
    %broadcast_in_dim3A_185 = vector.broadcast %broadcast_in_dim3A_184 : vector<512x1xi1> to vector<512x64xi1>
    %broadcast_in_dim3A_186 = vector.broadcast %jit3A_183 : f32 to vector<512x64xf32>
    %select_n3A_187 = arith.select %broadcast_in_dim3A_185, %get3A_182, %broadcast_in_dim3A_186 : vector<512x64xi1>, vector<512x64xf32>
    %get3A_188 = arith.constant 0 : index
    %get3A_189 = arith.constant 320 : index
    %get3A_190 = vector.load %arg1[%get3A_188, %get3A_189] : memref<256x768xf32, #tpu.memory_space<vmem>>, vector<256x64xf32>
    %get3A_191 = arith.constant 0 : index
    %get3A_192 = arith.constant 320 : index
    %get3A_193 = vector.load %arg2[%get3A_191, %get3A_192] : memref<512x768xf32, #tpu.memory_space<vmem>>, vector<512x64xf32>
    %dot_general3A_194 = arith.constant dense<0.000000e+00> : vector<256x512xf32>
    %dot_general3A_195 = tpu.matmul %get3A_190, %get3A_193, %dot_general3A_194 {dimension_numbers = #tpu.dot_dimension_numbers<[1], [1], [0], [0], [0, 0, 1, 0], [], []>, transpose_lhs_hint = false} : vector<256x64xf32>, vector<512x64xf32>, vector<256x512xf32> -> vector<256x512xf32>
    %jit3A_196 = arith.constant -1.000000e+30 : f32
    %broadcast_in_dim3A_197 = vector.shape_cast %lt3A_1 : vector<1x512xi1> to vector<1x512xi1>
    %broadcast_in_dim3A_198 = vector.broadcast %broadcast_in_dim3A_197 : vector<1x512xi1> to vector<256x512xi1>
    %broadcast_in_dim3A_199 = vector.broadcast %jit3A_196 : f32 to vector<256x512xf32>
    %select_n3A_200 = arith.select %broadcast_in_dim3A_198, %dot_general3A_195, %broadcast_in_dim3A_199 : vector<256x512xi1>, vector<256x512xf32>
    %reduce_max3A_201 = arith.constant dense<0xFF800000> : vector<256xf32>
    %reduce_max3A_202 = vector.multi_reduction <maximumf>, %select_n3A_200, %reduce_max3A_201 [1] : vector<256x512xf32> to vector<256xf32>
    %broadcast_in_dim3A_203 = vector.shape_cast %reduce_max3A_202 : vector<256xf32> to vector<256x1xf32>
    %sub3A_204 = vector.broadcast %broadcast_in_dim3A_203 : vector<256x1xf32> to vector<256x512xf32>
    %sub3A_205 = arith.subf %select_n3A_200, %sub3A_204 : vector<256x512xf32>
    %exp3A_206 = math.exp %sub3A_205 : vector<256x512xf32>
    %reduce_sum3A_207 = arith.constant dense<0.000000e+00> : vector<256xf32>
    %reduce_sum3A_208 = vector.multi_reduction <add>, %exp3A_206, %reduce_sum3A_207 [1] : vector<256x512xf32> to vector<256xf32>
    %broadcast_in_dim3A_209 = vector.shape_cast %reduce_sum3A_208 : vector<256xf32> to vector<256x1xf32>
    %div3A_210 = arith.constant 1.000000e+00 : f32
    %div3A_211 = vector.broadcast %div3A_210 : f32 to vector<256x1xf32>
    %div3A_212 = arith.divf %div3A_211, %broadcast_in_dim3A_209 : vector<256x1xf32>
    %mul3A_213 = vector.broadcast %div3A_212 : vector<256x1xf32> to vector<256x512xf32>
    %mul3A_214 = arith.mulf %exp3A_206, %mul3A_213 : vector<256x512xf32>
    %dot_general3A_215 = arith.constant dense<0.000000e+00> : vector<256x64xf32>
    %dot_general3A_216 = tpu.matmul %mul3A_214, %select_n3A_187, %dot_general3A_215 {dimension_numbers = #tpu.dot_dimension_numbers<[1], [0], [0], [1], [0, 0, 1, 1], [], []>, transpose_lhs_hint = false} : vector<256x512xf32>, vector<512x64xf32>, vector<256x64xf32> -> vector<256x64xf32>
    %get3A_217 = arith.constant 0 : index
    %get3A_218 = arith.constant 384 : index
    %get3A_219 = vector.load %arg3[%get3A_217, %get3A_218] : memref<512x768xf32, #tpu.memory_space<vmem>>, vector<512x64xf32>
    %jit3A_220 = arith.constant 0.000000e+00 : f32
    %broadcast_in_dim3A_221 = vector.shape_cast %lt3A_5 : vector<512x1xi1> to vector<512x1xi1>
    %broadcast_in_dim3A_222 = vector.broadcast %broadcast_in_dim3A_221 : vector<512x1xi1> to vector<512x64xi1>
    %broadcast_in_dim3A_223 = vector.broadcast %jit3A_220 : f32 to vector<512x64xf32>
    %select_n3A_224 = arith.select %broadcast_in_dim3A_222, %get3A_219, %broadcast_in_dim3A_223 : vector<512x64xi1>, vector<512x64xf32>
    %get3A_225 = arith.constant 0 : index
    %get3A_226 = arith.constant 384 : index
    %get3A_227 = vector.load %arg1[%get3A_225, %get3A_226] : memref<256x768xf32, #tpu.memory_space<vmem>>, vector<256x64xf32>
    %get3A_228 = arith.constant 0 : index
    %get3A_229 = arith.constant 384 : index
    %get3A_230 = vector.load %arg2[%get3A_228, %get3A_229] : memref<512x768xf32, #tpu.memory_space<vmem>>, vector<512x64xf32>
    %dot_general3A_231 = arith.constant dense<0.000000e+00> : vector<256x512xf32>
    %dot_general3A_232 = tpu.matmul %get3A_227, %get3A_230, %dot_general3A_231 {dimension_numbers = #tpu.dot_dimension_numbers<[1], [1], [0], [0], [0, 0, 1, 0], [], []>, transpose_lhs_hint = false} : vector<256x64xf32>, vector<512x64xf32>, vector<256x512xf32> -> vector<256x512xf32>
    %jit3A_233 = arith.constant -1.000000e+30 : f32
    %broadcast_in_dim3A_234 = vector.shape_cast %lt3A_1 : vector<1x512xi1> to vector<1x512xi1>
    %broadcast_in_dim3A_235 = vector.broadcast %broadcast_in_dim3A_234 : vector<1x512xi1> to vector<256x512xi1>
    %broadcast_in_dim3A_236 = vector.broadcast %jit3A_233 : f32 to vector<256x512xf32>
    %select_n3A_237 = arith.select %broadcast_in_dim3A_235, %dot_general3A_232, %broadcast_in_dim3A_236 : vector<256x512xi1>, vector<256x512xf32>
    %reduce_max3A_238 = arith.constant dense<0xFF800000> : vector<256xf32>
    %reduce_max3A_239 = vector.multi_reduction <maximumf>, %select_n3A_237, %reduce_max3A_238 [1] : vector<256x512xf32> to vector<256xf32>
    %broadcast_in_dim3A_240 = vector.shape_cast %reduce_max3A_239 : vector<256xf32> to vector<256x1xf32>
    %sub3A_241 = vector.broadcast %broadcast_in_dim3A_240 : vector<256x1xf32> to vector<256x512xf32>
    %sub3A_242 = arith.subf %select_n3A_237, %sub3A_241 : vector<256x512xf32>
    %exp3A_243 = math.exp %sub3A_242 : vector<256x512xf32>
    %reduce_sum3A_244 = arith.constant dense<0.000000e+00> : vector<256xf32>
    %reduce_sum3A_245 = vector.multi_reduction <add>, %exp3A_243, %reduce_sum3A_244 [1] : vector<256x512xf32> to vector<256xf32>
    %broadcast_in_dim3A_246 = vector.shape_cast %reduce_sum3A_245 : vector<256xf32> to vector<256x1xf32>
    %div3A_247 = arith.constant 1.000000e+00 : f32
    %div3A_248 = vector.broadcast %div3A_247 : f32 to vector<256x1xf32>
    %div3A_249 = arith.divf %div3A_248, %broadcast_in_dim3A_246 : vector<256x1xf32>
    %mul3A_250 = vector.broadcast %div3A_249 : vector<256x1xf32> to vector<256x512xf32>
    %mul3A_251 = arith.mulf %exp3A_243, %mul3A_250 : vector<256x512xf32>
    %dot_general3A_252 = arith.constant dense<0.000000e+00> : vector<256x64xf32>
    %dot_general3A_253 = tpu.matmul %mul3A_251, %select_n3A_224, %dot_general3A_252 {dimension_numbers = #tpu.dot_dimension_numbers<[1], [0], [0], [1], [0, 0, 1, 1], [], []>, transpose_lhs_hint = false} : vector<256x512xf32>, vector<512x64xf32>, vector<256x64xf32> -> vector<256x64xf32>
    %get3A_254 = arith.constant 0 : index
    %get3A_255 = arith.constant 448 : index
    %get3A_256 = vector.load %arg3[%get3A_254, %get3A_255] : memref<512x768xf32, #tpu.memory_space<vmem>>, vector<512x64xf32>
    %jit3A_257 = arith.constant 0.000000e+00 : f32
    %broadcast_in_dim3A_258 = vector.shape_cast %lt3A_5 : vector<512x1xi1> to vector<512x1xi1>
    %broadcast_in_dim3A_259 = vector.broadcast %broadcast_in_dim3A_258 : vector<512x1xi1> to vector<512x64xi1>
    %broadcast_in_dim3A_260 = vector.broadcast %jit3A_257 : f32 to vector<512x64xf32>
    %select_n3A_261 = arith.select %broadcast_in_dim3A_259, %get3A_256, %broadcast_in_dim3A_260 : vector<512x64xi1>, vector<512x64xf32>
    %get3A_262 = arith.constant 0 : index
    %get3A_263 = arith.constant 448 : index
    %get3A_264 = vector.load %arg1[%get3A_262, %get3A_263] : memref<256x768xf32, #tpu.memory_space<vmem>>, vector<256x64xf32>
    %get3A_265 = arith.constant 0 : index
    %get3A_266 = arith.constant 448 : index
    %get3A_267 = vector.load %arg2[%get3A_265, %get3A_266] : memref<512x768xf32, #tpu.memory_space<vmem>>, vector<512x64xf32>
    %dot_general3A_268 = arith.constant dense<0.000000e+00> : vector<256x512xf32>
    %dot_general3A_269 = tpu.matmul %get3A_264, %get3A_267, %dot_general3A_268 {dimension_numbers = #tpu.dot_dimension_numbers<[1], [1], [0], [0], [0, 0, 1, 0], [], []>, transpose_lhs_hint = false} : vector<256x64xf32>, vector<512x64xf32>, vector<256x512xf32> -> vector<256x512xf32>
    %jit3A_270 = arith.constant -1.000000e+30 : f32
    %broadcast_in_dim3A_271 = vector.shape_cast %lt3A_1 : vector<1x512xi1> to vector<1x512xi1>
    %broadcast_in_dim3A_272 = vector.broadcast %broadcast_in_dim3A_271 : vector<1x512xi1> to vector<256x512xi1>
    %broadcast_in_dim3A_273 = vector.broadcast %jit3A_270 : f32 to vector<256x512xf32>
    %select_n3A_274 = arith.select %broadcast_in_dim3A_272, %dot_general3A_269, %broadcast_in_dim3A_273 : vector<256x512xi1>, vector<256x512xf32>
    %reduce_max3A_275 = arith.constant dense<0xFF800000> : vector<256xf32>
    %reduce_max3A_276 = vector.multi_reduction <maximumf>, %select_n3A_274, %reduce_max3A_275 [1] : vector<256x512xf32> to vector<256xf32>
    %broadcast_in_dim3A_277 = vector.shape_cast %reduce_max3A_276 : vector<256xf32> to vector<256x1xf32>
    %sub3A_278 = vector.broadcast %broadcast_in_dim3A_277 : vector<256x1xf32> to vector<256x512xf32>
    %sub3A_279 = arith.subf %select_n3A_274, %sub3A_278 : vector<256x512xf32>
    %exp3A_280 = math.exp %sub3A_279 : vector<256x512xf32>
    %reduce_sum3A_281 = arith.constant dense<0.000000e+00> : vector<256xf32>
    %reduce_sum3A_282 = vector.multi_reduction <add>, %exp3A_280, %reduce_sum3A_281 [1] : vector<256x512xf32> to vector<256xf32>
    %broadcast_in_dim3A_283 = vector.shape_cast %reduce_sum3A_282 : vector<256xf32> to vector<256x1xf32>
    %div3A_284 = arith.constant 1.000000e+00 : f32
    %div3A_285 = vector.broadcast %div3A_284 : f32 to vector<256x1xf32>
    %div3A_286 = arith.divf %div3A_285, %broadcast_in_dim3A_283 : vector<256x1xf32>
    %mul3A_287 = vector.broadcast %div3A_286 : vector<256x1xf32> to vector<256x512xf32>
    %mul3A_288 = arith.mulf %exp3A_280, %mul3A_287 : vector<256x512xf32>
    %dot_general3A_289 = arith.constant dense<0.000000e+00> : vector<256x64xf32>
    %dot_general3A_290 = tpu.matmul %mul3A_288, %select_n3A_261, %dot_general3A_289 {dimension_numbers = #tpu.dot_dimension_numbers<[1], [0], [0], [1], [0, 0, 1, 1], [], []>, transpose_lhs_hint = false} : vector<256x512xf32>, vector<512x64xf32>, vector<256x64xf32> -> vector<256x64xf32>
    %get3A_291 = arith.constant 0 : index
    %get3A_292 = arith.constant 512 : index
    %get3A_293 = vector.load %arg3[%get3A_291, %get3A_292] : memref<512x768xf32, #tpu.memory_space<vmem>>, vector<512x64xf32>
    %jit3A_294 = arith.constant 0.000000e+00 : f32
    %broadcast_in_dim3A_295 = vector.shape_cast %lt3A_5 : vector<512x1xi1> to vector<512x1xi1>
    %broadcast_in_dim3A_296 = vector.broadcast %broadcast_in_dim3A_295 : vector<512x1xi1> to vector<512x64xi1>
    %broadcast_in_dim3A_297 = vector.broadcast %jit3A_294 : f32 to vector<512x64xf32>
    %select_n3A_298 = arith.select %broadcast_in_dim3A_296, %get3A_293, %broadcast_in_dim3A_297 : vector<512x64xi1>, vector<512x64xf32>
    %get3A_299 = arith.constant 0 : index
    %get3A_300 = arith.constant 512 : index
    %get3A_301 = vector.load %arg1[%get3A_299, %get3A_300] : memref<256x768xf32, #tpu.memory_space<vmem>>, vector<256x64xf32>
    %get3A_302 = arith.constant 0 : index
    %get3A_303 = arith.constant 512 : index
    %get3A_304 = vector.load %arg2[%get3A_302, %get3A_303] : memref<512x768xf32, #tpu.memory_space<vmem>>, vector<512x64xf32>
    %dot_general3A_305 = arith.constant dense<0.000000e+00> : vector<256x512xf32>
    %dot_general3A_306 = tpu.matmul %get3A_301, %get3A_304, %dot_general3A_305 {dimension_numbers = #tpu.dot_dimension_numbers<[1], [1], [0], [0], [0, 0, 1, 0], [], []>, transpose_lhs_hint = false} : vector<256x64xf32>, vector<512x64xf32>, vector<256x512xf32> -> vector<256x512xf32>
    %jit3A_307 = arith.constant -1.000000e+30 : f32
    %broadcast_in_dim3A_308 = vector.shape_cast %lt3A_1 : vector<1x512xi1> to vector<1x512xi1>
    %broadcast_in_dim3A_309 = vector.broadcast %broadcast_in_dim3A_308 : vector<1x512xi1> to vector<256x512xi1>
    %broadcast_in_dim3A_310 = vector.broadcast %jit3A_307 : f32 to vector<256x512xf32>
    %select_n3A_311 = arith.select %broadcast_in_dim3A_309, %dot_general3A_306, %broadcast_in_dim3A_310 : vector<256x512xi1>, vector<256x512xf32>
    %reduce_max3A_312 = arith.constant dense<0xFF800000> : vector<256xf32>
    %reduce_max3A_313 = vector.multi_reduction <maximumf>, %select_n3A_311, %reduce_max3A_312 [1] : vector<256x512xf32> to vector<256xf32>
    %broadcast_in_dim3A_314 = vector.shape_cast %reduce_max3A_313 : vector<256xf32> to vector<256x1xf32>
    %sub3A_315 = vector.broadcast %broadcast_in_dim3A_314 : vector<256x1xf32> to vector<256x512xf32>
    %sub3A_316 = arith.subf %select_n3A_311, %sub3A_315 : vector<256x512xf32>
    %exp3A_317 = math.exp %sub3A_316 : vector<256x512xf32>
    %reduce_sum3A_318 = arith.constant dense<0.000000e+00> : vector<256xf32>
    %reduce_sum3A_319 = vector.multi_reduction <add>, %exp3A_317, %reduce_sum3A_318 [1] : vector<256x512xf32> to vector<256xf32>
    %broadcast_in_dim3A_320 = vector.shape_cast %reduce_sum3A_319 : vector<256xf32> to vector<256x1xf32>
    %div3A_321 = arith.constant 1.000000e+00 : f32
    %div3A_322 = vector.broadcast %div3A_321 : f32 to vector<256x1xf32>
    %div3A_323 = arith.divf %div3A_322, %broadcast_in_dim3A_320 : vector<256x1xf32>
    %mul3A_324 = vector.broadcast %div3A_323 : vector<256x1xf32> to vector<256x512xf32>
    %mul3A_325 = arith.mulf %exp3A_317, %mul3A_324 : vector<256x512xf32>
    %dot_general3A_326 = arith.constant dense<0.000000e+00> : vector<256x64xf32>
    %dot_general3A_327 = tpu.matmul %mul3A_325, %select_n3A_298, %dot_general3A_326 {dimension_numbers = #tpu.dot_dimension_numbers<[1], [0], [0], [1], [0, 0, 1, 1], [], []>, transpose_lhs_hint = false} : vector<256x512xf32>, vector<512x64xf32>, vector<256x64xf32> -> vector<256x64xf32>
    %get3A_328 = arith.constant 0 : index
    %get3A_329 = arith.constant 576 : index
    %get3A_330 = vector.load %arg3[%get3A_328, %get3A_329] : memref<512x768xf32, #tpu.memory_space<vmem>>, vector<512x64xf32>
    %jit3A_331 = arith.constant 0.000000e+00 : f32
    %broadcast_in_dim3A_332 = vector.shape_cast %lt3A_5 : vector<512x1xi1> to vector<512x1xi1>
    %broadcast_in_dim3A_333 = vector.broadcast %broadcast_in_dim3A_332 : vector<512x1xi1> to vector<512x64xi1>
    %broadcast_in_dim3A_334 = vector.broadcast %jit3A_331 : f32 to vector<512x64xf32>
    %select_n3A_335 = arith.select %broadcast_in_dim3A_333, %get3A_330, %broadcast_in_dim3A_334 : vector<512x64xi1>, vector<512x64xf32>
    %get3A_336 = arith.constant 0 : index
    %get3A_337 = arith.constant 576 : index
    %get3A_338 = vector.load %arg1[%get3A_336, %get3A_337] : memref<256x768xf32, #tpu.memory_space<vmem>>, vector<256x64xf32>
    %get3A_339 = arith.constant 0 : index
    %get3A_340 = arith.constant 576 : index
    %get3A_341 = vector.load %arg2[%get3A_339, %get3A_340] : memref<512x768xf32, #tpu.memory_space<vmem>>, vector<512x64xf32>
    %dot_general3A_342 = arith.constant dense<0.000000e+00> : vector<256x512xf32>
    %dot_general3A_343 = tpu.matmul %get3A_338, %get3A_341, %dot_general3A_342 {dimension_numbers = #tpu.dot_dimension_numbers<[1], [1], [0], [0], [0, 0, 1, 0], [], []>, transpose_lhs_hint = false} : vector<256x64xf32>, vector<512x64xf32>, vector<256x512xf32> -> vector<256x512xf32>
    %jit3A_344 = arith.constant -1.000000e+30 : f32
    %broadcast_in_dim3A_345 = vector.shape_cast %lt3A_1 : vector<1x512xi1> to vector<1x512xi1>
    %broadcast_in_dim3A_346 = vector.broadcast %broadcast_in_dim3A_345 : vector<1x512xi1> to vector<256x512xi1>
    %broadcast_in_dim3A_347 = vector.broadcast %jit3A_344 : f32 to vector<256x512xf32>
    %select_n3A_348 = arith.select %broadcast_in_dim3A_346, %dot_general3A_343, %broadcast_in_dim3A_347 : vector<256x512xi1>, vector<256x512xf32>
    %reduce_max3A_349 = arith.constant dense<0xFF800000> : vector<256xf32>
    %reduce_max3A_350 = vector.multi_reduction <maximumf>, %select_n3A_348, %reduce_max3A_349 [1] : vector<256x512xf32> to vector<256xf32>
    %broadcast_in_dim3A_351 = vector.shape_cast %reduce_max3A_350 : vector<256xf32> to vector<256x1xf32>
    %sub3A_352 = vector.broadcast %broadcast_in_dim3A_351 : vector<256x1xf32> to vector<256x512xf32>
    %sub3A_353 = arith.subf %select_n3A_348, %sub3A_352 : vector<256x512xf32>
    %exp3A_354 = math.exp %sub3A_353 : vector<256x512xf32>
    %reduce_sum3A_355 = arith.constant dense<0.000000e+00> : vector<256xf32>
    %reduce_sum3A_356 = vector.multi_reduction <add>, %exp3A_354, %reduce_sum3A_355 [1] : vector<256x512xf32> to vector<256xf32>
    %broadcast_in_dim3A_357 = vector.shape_cast %reduce_sum3A_356 : vector<256xf32> to vector<256x1xf32>
    %div3A_358 = arith.constant 1.000000e+00 : f32
    %div3A_359 = vector.broadcast %div3A_358 : f32 to vector<256x1xf32>
    %div3A_360 = arith.divf %div3A_359, %broadcast_in_dim3A_357 : vector<256x1xf32>
    %mul3A_361 = vector.broadcast %div3A_360 : vector<256x1xf32> to vector<256x512xf32>
    %mul3A_362 = arith.mulf %exp3A_354, %mul3A_361 : vector<256x512xf32>
    %dot_general3A_363 = arith.constant dense<0.000000e+00> : vector<256x64xf32>
    %dot_general3A_364 = tpu.matmul %mul3A_362, %select_n3A_335, %dot_general3A_363 {dimension_numbers = #tpu.dot_dimension_numbers<[1], [0], [0], [1], [0, 0, 1, 1], [], []>, transpose_lhs_hint = false} : vector<256x512xf32>, vector<512x64xf32>, vector<256x64xf32> -> vector<256x64xf32>
    %get3A_365 = arith.constant 0 : index
    %get3A_366 = arith.constant 640 : index
    %get3A_367 = vector.load %arg3[%get3A_365, %get3A_366] : memref<512x768xf32, #tpu.memory_space<vmem>>, vector<512x64xf32>
    %jit3A_368 = arith.constant 0.000000e+00 : f32
    %broadcast_in_dim3A_369 = vector.shape_cast %lt3A_5 : vector<512x1xi1> to vector<512x1xi1>
    %broadcast_in_dim3A_370 = vector.broadcast %broadcast_in_dim3A_369 : vector<512x1xi1> to vector<512x64xi1>
    %broadcast_in_dim3A_371 = vector.broadcast %jit3A_368 : f32 to vector<512x64xf32>
    %select_n3A_372 = arith.select %broadcast_in_dim3A_370, %get3A_367, %broadcast_in_dim3A_371 : vector<512x64xi1>, vector<512x64xf32>
    %get3A_373 = arith.constant 0 : index
    %get3A_374 = arith.constant 640 : index
    %get3A_375 = vector.load %arg1[%get3A_373, %get3A_374] : memref<256x768xf32, #tpu.memory_space<vmem>>, vector<256x64xf32>
    %get3A_376 = arith.constant 0 : index
    %get3A_377 = arith.constant 640 : index
    %get3A_378 = vector.load %arg2[%get3A_376, %get3A_377] : memref<512x768xf32, #tpu.memory_space<vmem>>, vector<512x64xf32>
    %dot_general3A_379 = arith.constant dense<0.000000e+00> : vector<256x512xf32>
    %dot_general3A_380 = tpu.matmul %get3A_375, %get3A_378, %dot_general3A_379 {dimension_numbers = #tpu.dot_dimension_numbers<[1], [1], [0], [0], [0, 0, 1, 0], [], []>, transpose_lhs_hint = false} : vector<256x64xf32>, vector<512x64xf32>, vector<256x512xf32> -> vector<256x512xf32>
    %jit3A_381 = arith.constant -1.000000e+30 : f32
    %broadcast_in_dim3A_382 = vector.shape_cast %lt3A_1 : vector<1x512xi1> to vector<1x512xi1>
    %broadcast_in_dim3A_383 = vector.broadcast %broadcast_in_dim3A_382 : vector<1x512xi1> to vector<256x512xi1>
    %broadcast_in_dim3A_384 = vector.broadcast %jit3A_381 : f32 to vector<256x512xf32>
    %select_n3A_385 = arith.select %broadcast_in_dim3A_383, %dot_general3A_380, %broadcast_in_dim3A_384 : vector<256x512xi1>, vector<256x512xf32>
    %reduce_max3A_386 = arith.constant dense<0xFF800000> : vector<256xf32>
    %reduce_max3A_387 = vector.multi_reduction <maximumf>, %select_n3A_385, %reduce_max3A_386 [1] : vector<256x512xf32> to vector<256xf32>
    %broadcast_in_dim3A_388 = vector.shape_cast %reduce_max3A_387 : vector<256xf32> to vector<256x1xf32>
    %sub3A_389 = vector.broadcast %broadcast_in_dim3A_388 : vector<256x1xf32> to vector<256x512xf32>
    %sub3A_390 = arith.subf %select_n3A_385, %sub3A_389 : vector<256x512xf32>
    %exp3A_391 = math.exp %sub3A_390 : vector<256x512xf32>
    %reduce_sum3A_392 = arith.constant dense<0.000000e+00> : vector<256xf32>
    %reduce_sum3A_393 = vector.multi_reduction <add>, %exp3A_391, %reduce_sum3A_392 [1] : vector<256x512xf32> to vector<256xf32>
    %broadcast_in_dim3A_394 = vector.shape_cast %reduce_sum3A_393 : vector<256xf32> to vector<256x1xf32>
    %div3A_395 = arith.constant 1.000000e+00 : f32
    %div3A_396 = vector.broadcast %div3A_395 : f32 to vector<256x1xf32>
    %div3A_397 = arith.divf %div3A_396, %broadcast_in_dim3A_394 : vector<256x1xf32>
    %mul3A_398 = vector.broadcast %div3A_397 : vector<256x1xf32> to vector<256x512xf32>
    %mul3A_399 = arith.mulf %exp3A_391, %mul3A_398 : vector<256x512xf32>
    %dot_general3A_400 = arith.constant dense<0.000000e+00> : vector<256x64xf32>
    %dot_general3A_401 = tpu.matmul %mul3A_399, %select_n3A_372, %dot_general3A_400 {dimension_numbers = #tpu.dot_dimension_numbers<[1], [0], [0], [1], [0, 0, 1, 1], [], []>, transpose_lhs_hint = false} : vector<256x512xf32>, vector<512x64xf32>, vector<256x64xf32> -> vector<256x64xf32>
    %get3A_402 = arith.constant 0 : index
    %get3A_403 = arith.constant 704 : index
    %get3A_404 = vector.load %arg3[%get3A_402, %get3A_403] : memref<512x768xf32, #tpu.memory_space<vmem>>, vector<512x64xf32>
    %jit3A_405 = arith.constant 0.000000e+00 : f32
    %broadcast_in_dim3A_406 = vector.shape_cast %lt3A_5 : vector<512x1xi1> to vector<512x1xi1>
    %broadcast_in_dim3A_407 = vector.broadcast %broadcast_in_dim3A_406 : vector<512x1xi1> to vector<512x64xi1>
    %broadcast_in_dim3A_408 = vector.broadcast %jit3A_405 : f32 to vector<512x64xf32>
    %select_n3A_409 = arith.select %broadcast_in_dim3A_407, %get3A_404, %broadcast_in_dim3A_408 : vector<512x64xi1>, vector<512x64xf32>
    %get3A_410 = arith.constant 0 : index
    %get3A_411 = arith.constant 704 : index
    %get3A_412 = vector.load %arg1[%get3A_410, %get3A_411] : memref<256x768xf32, #tpu.memory_space<vmem>>, vector<256x64xf32>
    %get3A_413 = arith.constant 0 : index
    %get3A_414 = arith.constant 704 : index
    %get3A_415 = vector.load %arg2[%get3A_413, %get3A_414] : memref<512x768xf32, #tpu.memory_space<vmem>>, vector<512x64xf32>
    %dot_general3A_416 = arith.constant dense<0.000000e+00> : vector<256x512xf32>
    %dot_general3A_417 = tpu.matmul %get3A_412, %get3A_415, %dot_general3A_416 {dimension_numbers = #tpu.dot_dimension_numbers<[1], [1], [0], [0], [0, 0, 1, 0], [], []>, transpose_lhs_hint = false} : vector<256x64xf32>, vector<512x64xf32>, vector<256x512xf32> -> vector<256x512xf32>
    %jit3A_418 = arith.constant -1.000000e+30 : f32
    %broadcast_in_dim3A_419 = vector.shape_cast %lt3A_1 : vector<1x512xi1> to vector<1x512xi1>
    %broadcast_in_dim3A_420 = vector.broadcast %broadcast_in_dim3A_419 : vector<1x512xi1> to vector<256x512xi1>
    %broadcast_in_dim3A_421 = vector.broadcast %jit3A_418 : f32 to vector<256x512xf32>
    %select_n3A_422 = arith.select %broadcast_in_dim3A_420, %dot_general3A_417, %broadcast_in_dim3A_421 : vector<256x512xi1>, vector<256x512xf32>
    %reduce_max3A_423 = arith.constant dense<0xFF800000> : vector<256xf32>
    %reduce_max3A_424 = vector.multi_reduction <maximumf>, %select_n3A_422, %reduce_max3A_423 [1] : vector<256x512xf32> to vector<256xf32>
    %broadcast_in_dim3A_425 = vector.shape_cast %reduce_max3A_424 : vector<256xf32> to vector<256x1xf32>
    %sub3A_426 = vector.broadcast %broadcast_in_dim3A_425 : vector<256x1xf32> to vector<256x512xf32>
    %sub3A_427 = arith.subf %select_n3A_422, %sub3A_426 : vector<256x512xf32>
    %exp3A_428 = math.exp %sub3A_427 : vector<256x512xf32>
    %reduce_sum3A_429 = arith.constant dense<0.000000e+00> : vector<256xf32>
    %reduce_sum3A_430 = vector.multi_reduction <add>, %exp3A_428, %reduce_sum3A_429 [1] : vector<256x512xf32> to vector<256xf32>
    %broadcast_in_dim3A_431 = vector.shape_cast %reduce_sum3A_430 : vector<256xf32> to vector<256x1xf32>
    %div3A_432 = arith.constant 1.000000e+00 : f32
    %div3A_433 = vector.broadcast %div3A_432 : f32 to vector<256x1xf32>
    %div3A_434 = arith.divf %div3A_433, %broadcast_in_dim3A_431 : vector<256x1xf32>
    %mul3A_435 = vector.broadcast %div3A_434 : vector<256x1xf32> to vector<256x512xf32>
    %mul3A_436 = arith.mulf %exp3A_428, %mul3A_435 : vector<256x512xf32>
    %dot_general3A_437 = arith.constant dense<0.000000e+00> : vector<256x64xf32>
    %dot_general3A_438 = tpu.matmul %mul3A_436, %select_n3A_409, %dot_general3A_437 {dimension_numbers = #tpu.dot_dimension_numbers<[1], [0], [0], [1], [0, 0, 1, 1], [], []>, transpose_lhs_hint = false} : vector<256x512xf32>, vector<512x64xf32>, vector<256x64xf32> -> vector<256x64xf32>
    %concatenate3A = tpu.concatenate %dot_general3A_31, %dot_general3A_68, %dot_general3A_105, %dot_general3A_142, %dot_general3A_179, %dot_general3A_216, %dot_general3A_253, %dot_general3A_290, %dot_general3A_327, %dot_general3A_364, %dot_general3A_401, %dot_general3A_438 in 1 : vector<256x64xf32>, vector<256x64xf32>, vector<256x64xf32>, vector<256x64xf32>, vector<256x64xf32>, vector<256x64xf32>, vector<256x64xf32>, vector<256x64xf32>, vector<256x64xf32>, vector<256x64xf32>, vector<256x64xf32>, vector<256x64xf32> -> vector<256x768xf32>
    %swap3A = arith.constant 0 : index
    %swap3A_439 = arith.constant 0 : index
    %swap3A_440 = vector.load %arg4[%swap3A, %swap3A_439] : memref<256x768xf32, #tpu.memory_space<vmem>>, vector<256x768xf32>
    tpu.vector_store %arg4[%swap3A, %swap3A_439], %concatenate3A {strides = array<i32>} : memref<256x768xf32, #tpu.memory_space<vmem>>, vector<256x768xf32>,
    return
  }
  func.func @transform_0(%arg0: i32) -> (i32, i32) {
    %c0_i32 = arith.constant 0 : i32
    %c0_i32_0 = arith.constant 0 : i32
    return %arg0, %c0_i32 : i32, i32
  }
  func.func @transform_1(%arg0: i32) -> (i32, i32) {
    %c0_i32 = arith.constant 0 : i32
    %c0_i32_0 = arith.constant 0 : i32
    %c0_i32_1 = arith.constant 0 : i32
    return %c0_i32, %c0_i32_0 : i32, i32
  }
  func.func @transform_2(%arg0: i32) -> (i32, i32) {
    %c0_i32 = arith.constant 0 : i32
    %c0_i32_0 = arith.constant 0 : i32
    %c0_i32_1 = arith.constant 0 : i32
    return %c0_i32, %c0_i32_0 : i32, i32
  }
  func.func @transform_3(%arg0: i32) -> (i32, i32) {
    %c0_i32 = arith.constant 0 : i32
    %c0_i32_0 = arith.constant 0 : i32
    return %arg0, %c0_i32 : i32, i32
  }
}

module attributes {stable_mosaic.version = 14 : i64} {
  func.func @body(%arg0: i32, %arg1: memref<256x768xf32, #tpu.memory_space<vmem>>, %arg2: memref<256x768xf32, #tpu.memory_space<vmem>>, %arg3: memref<768x768xf32, #tpu.memory_space<vmem>>, %arg4: memref<1x768xf32, #tpu.memory_space<vmem>>, %arg5: memref<1x768xf32, #tpu.memory_space<vmem>>, %arg6: memref<1x768xf32, #tpu.memory_space<vmem>>, %arg7: memref<768x3072xf32, #tpu.memory_space<vmem>>, %arg8: memref<1x3072xf32, #tpu.memory_space<vmem>>, %arg9: memref<3072x768xf32, #tpu.memory_space<vmem>>, %arg10: memref<1x768xf32, #tpu.memory_space<vmem>>, %arg11: memref<256x768xf32, #tpu.memory_space<vmem>>) attributes {dimension_semantics = [#tpu.dimension_semantics<arbitrary>], iteration_bounds = array<i64: 8>, scalar_prefetch = 0 : i64, scratch_operands = 0 : i64, tpu.core_type = #tpu.core_type<tc>, window_params = [{transform_indices = @transform_0, window_bounds = array<i64: 256, 768>}, {transform_indices = @transform_1, window_bounds = array<i64: 256, 768>}, {pipeline_mode = #tpu.pipeline_mode<synchronous>, transform_indices = @transform_2, window_bounds = array<i64: 768, 768>}, {pipeline_mode = #tpu.pipeline_mode<synchronous>, transform_indices = @transform_3, window_bounds = array<i64: 1, 768>}, {pipeline_mode = #tpu.pipeline_mode<synchronous>, transform_indices = @transform_4, window_bounds = array<i64: 1, 768>}, {pipeline_mode = #tpu.pipeline_mode<synchronous>, transform_indices = @transform_5, window_bounds = array<i64: 1, 768>}, {pipeline_mode = #tpu.pipeline_mode<synchronous>, transform_indices = @transform_6, window_bounds = array<i64: 768, 3072>}, {pipeline_mode = #tpu.pipeline_mode<synchronous>, transform_indices = @transform_7, window_bounds = array<i64: 1, 3072>}, {pipeline_mode = #tpu.pipeline_mode<synchronous>, transform_indices = @transform_8, window_bounds = array<i64: 3072, 768>}, {pipeline_mode = #tpu.pipeline_mode<synchronous>, transform_indices = @transform_9, window_bounds = array<i64: 1, 768>}, {transform_indices = @transform_10, window_bounds = array<i64: 256, 768>}]} {
    %get3A = arith.constant 0 : index
    %get3A_0 = arith.constant 0 : index
    %get3A_1 = vector.load %arg1[%get3A, %get3A_0] : memref<256x768xf32, #tpu.memory_space<vmem>>, vector<256x768xf32>
    %get3A_2 = arith.constant 0 : index
    %get3A_3 = arith.constant 0 : index
    %get3A_4 = vector.load %arg2[%get3A_2, %get3A_3] : memref<256x768xf32, #tpu.memory_space<vmem>>, vector<256x768xf32>
    %get3A_5 = arith.constant 0 : index
    %get3A_6 = arith.constant 0 : index
    %get3A_7 = vector.load %arg3[%get3A_5, %get3A_6] : memref<768x768xf32, #tpu.memory_space<vmem>>, vector<768x768xf32>
    %dot_general3A = arith.constant dense<0.000000e+00> : vector<256x768xf32>
    %dot_general3A_8 = tpu.matmul %get3A_4, %get3A_7, %dot_general3A {dimension_numbers = #tpu.dot_dimension_numbers<[1], [0], [0], [1], [0, 0, 1, 1], [], []>, transpose_lhs_hint = false} : vector<256x768xf32>, vector<768x768xf32>, vector<256x768xf32> -> vector<256x768xf32>
    %add3A = arith.addf %get3A_1, %dot_general3A_8 : vector<256x768xf32>
    %get3A_9 = arith.constant 0 : index
    %get3A_10 = arith.constant 0 : index
    %get3A_11 = vector.load %arg4[%get3A_9, %get3A_10] : memref<1x768xf32, #tpu.memory_space<vmem>>, vector<1x768xf32>
    %add3A_12 = vector.broadcast %get3A_11 : vector<1x768xf32> to vector<256x768xf32>
    %add3A_13 = arith.addf %add3A, %add3A_12 : vector<256x768xf32>
    %get3A_14 = arith.constant 0 : index
    %get3A_15 = arith.constant 0 : index
    %get3A_16 = vector.load %arg5[%get3A_14, %get3A_15] : memref<1x768xf32, #tpu.memory_space<vmem>>, vector<1x768xf32>
    %get3A_17 = arith.constant 0 : index
    %get3A_18 = arith.constant 0 : index
    %get3A_19 = vector.load %arg6[%get3A_17, %get3A_18] : memref<1x768xf32, #tpu.memory_space<vmem>>, vector<1x768xf32>
    %reduce_sum3A = arith.constant dense<0.000000e+00> : vector<256xf32>
    %reduce_sum3A_20 = vector.multi_reduction <add>, %add3A_13, %reduce_sum3A [1] : vector<256x768xf32> to vector<256xf32>
    %broadcast_in_dim3A = vector.shape_cast %reduce_sum3A_20 : vector<256xf32> to vector<256x1xf32>
    %div3A = arith.constant 7.680000e+02 : f32
    %div3A_21 = vector.broadcast %div3A : f32 to vector<256x1xf32>
    %div3A_22 = arith.divf %broadcast_in_dim3A, %div3A_21 : vector<256x1xf32>
    %sub3A = vector.broadcast %div3A_22 : vector<256x1xf32> to vector<256x768xf32>
    %sub3A_23 = arith.subf %add3A_13, %sub3A : vector<256x768xf32>
    %sub3A_24 = vector.broadcast %div3A_22 : vector<256x1xf32> to vector<256x768xf32>
    %sub3A_25 = arith.subf %add3A_13, %sub3A_24 : vector<256x768xf32>
    %mul3A = arith.mulf %sub3A_23, %sub3A_25 : vector<256x768xf32>
    %reduce_sum3A_26 = arith.constant dense<0.000000e+00> : vector<256xf32>
    %reduce_sum3A_27 = vector.multi_reduction <add>, %mul3A, %reduce_sum3A_26 [1] : vector<256x768xf32> to vector<256xf32>
    %broadcast_in_dim3A_28 = vector.shape_cast %reduce_sum3A_27 : vector<256xf32> to vector<256x1xf32>
    %div3A_29 = arith.constant 7.680000e+02 : f32
    %div3A_30 = vector.broadcast %div3A_29 : f32 to vector<256x1xf32>
    %div3A_31 = arith.divf %broadcast_in_dim3A_28, %div3A_30 : vector<256x1xf32>
    %sub3A_32 = vector.broadcast %div3A_22 : vector<256x1xf32> to vector<256x768xf32>
    %sub3A_33 = arith.subf %add3A_13, %sub3A_32 : vector<256x768xf32>
    %add3A_34 = arith.constant 9.99999974E-6 : f32
    %add3A_35 = vector.broadcast %add3A_34 : f32 to vector<256x1xf32>
    %add3A_36 = arith.addf %div3A_31, %add3A_35 : vector<256x1xf32>
    %rsqrt3A = math.rsqrt %add3A_36 : vector<256x1xf32>
    %mul3A_37 = vector.broadcast %rsqrt3A : vector<256x1xf32> to vector<256x768xf32>
    %mul3A_38 = arith.mulf %sub3A_33, %mul3A_37 : vector<256x768xf32>
    %mul3A_39 = vector.broadcast %get3A_16 : vector<1x768xf32> to vector<256x768xf32>
    %mul3A_40 = arith.mulf %mul3A_38, %mul3A_39 : vector<256x768xf32>
    %add3A_41 = vector.broadcast %get3A_19 : vector<1x768xf32> to vector<256x768xf32>
    %add3A_42 = arith.addf %mul3A_40, %add3A_41 : vector<256x768xf32>
    %get3A_43 = arith.constant 0 : index
    %get3A_44 = arith.constant 0 : index
    %get3A_45 = vector.load %arg7[%get3A_43, %get3A_44] : memref<768x3072xf32, #tpu.memory_space<vmem>>, vector<768x3072xf32>
    %dot_general3A_46 = arith.constant dense<0.000000e+00> : vector<256x3072xf32>
    %dot_general3A_47 = tpu.matmul %add3A_42, %get3A_45, %dot_general3A_46 {dimension_numbers = #tpu.dot_dimension_numbers<[1], [0], [0], [1], [0, 0, 1, 1], [], []>, transpose_lhs_hint = false} : vector<256x768xf32>, vector<768x3072xf32>, vector<256x3072xf32> -> vector<256x3072xf32>
    %get3A_48 = arith.constant 0 : index
    %get3A_49 = arith.constant 0 : index
    %get3A_50 = vector.load %arg8[%get3A_48, %get3A_49] : memref<1x3072xf32, #tpu.memory_space<vmem>>, vector<1x3072xf32>
    %add3A_51 = vector.broadcast %get3A_50 : vector<1x3072xf32> to vector<256x3072xf32>
    %add3A_52 = arith.addf %dot_general3A_47, %add3A_51 : vector<256x3072xf32>
    %mul3A_53 = arith.constant 5.000000e-01 : f32
    %mul3A_54 = vector.broadcast %mul3A_53 : f32 to vector<256x3072xf32>
    %mul3A_55 = arith.mulf %mul3A_54, %add3A_52 : vector<256x3072xf32>
    %mul3A_56 = arith.constant 0.707106769 : f32
    %mul3A_57 = vector.broadcast %mul3A_56 : f32 to vector<256x3072xf32>
    %mul3A_58 = arith.mulf %add3A_52, %mul3A_57 : vector<256x3072xf32>
    %erf3A = math.erf %mul3A_58 : vector<256x3072xf32>
    %add3A_59 = arith.constant 1.000000e+00 : f32
    %add3A_60 = vector.broadcast %add3A_59 : f32 to vector<256x3072xf32>
    %add3A_61 = arith.addf %add3A_60, %erf3A : vector<256x3072xf32>
    %mul3A_62 = arith.mulf %mul3A_55, %add3A_61 : vector<256x3072xf32>
    %get3A_63 = arith.constant 0 : index
    %get3A_64 = arith.constant 0 : index
    %get3A_65 = vector.load %arg9[%get3A_63, %get3A_64] : memref<3072x768xf32, #tpu.memory_space<vmem>>, vector<3072x768xf32>
    %dot_general3A_66 = arith.constant dense<0.000000e+00> : vector<256x768xf32>
    %dot_general3A_67 = tpu.matmul %mul3A_62, %get3A_65, %dot_general3A_66 {dimension_numbers = #tpu.dot_dimension_numbers<[1], [0], [0], [1], [0, 0, 1, 1], [], []>, transpose_lhs_hint = false} : vector<256x3072xf32>, vector<3072x768xf32>, vector<256x768xf32> -> vector<256x768xf32>
    %add3A_68 = arith.addf %add3A_13, %dot_general3A_67 : vector<256x768xf32>
    %get3A_69 = arith.constant 0 : index
    %get3A_70 = arith.constant 0 : index
    %get3A_71 = vector.load %arg10[%get3A_69, %get3A_70] : memref<1x768xf32, #tpu.memory_space<vmem>>, vector<1x768xf32>
    %add3A_72 = vector.broadcast %get3A_71 : vector<1x768xf32> to vector<256x768xf32>
    %add3A_73 = arith.addf %add3A_68, %add3A_72 : vector<256x768xf32>
    %swap3A = arith.constant 0 : index
    %swap3A_74 = arith.constant 0 : index
    %swap3A_75 = vector.load %arg11[%swap3A, %swap3A_74] : memref<256x768xf32, #tpu.memory_space<vmem>>, vector<256x768xf32>
    tpu.vector_store %arg11[%swap3A, %swap3A_74], %add3A_73 {strides = array<i32>} : memref<256x768xf32, #tpu.memory_space<vmem>>, vector<256x768xf32>,
    return
  }
  func.func @transform_0(%arg0: i32) -> (i32, i32) {
    %c0_i32 = arith.constant 0 : i32
    %c0_i32_0 = arith.constant 0 : i32
    return %arg0, %c0_i32 : i32, i32
  }
  func.func @transform_1(%arg0: i32) -> (i32, i32) {
    %c0_i32 = arith.constant 0 : i32
    %c0_i32_0 = arith.constant 0 : i32
    return %arg0, %c0_i32 : i32, i32
  }
  func.func @transform_2(%arg0: i32) -> (i32, i32) {
    %c0_i32 = arith.constant 0 : i32
    %c0_i32_0 = arith.constant 0 : i32
    %c0_i32_1 = arith.constant 0 : i32
    return %c0_i32, %c0_i32_0 : i32, i32
  }
  func.func @transform_3(%arg0: i32) -> (i32, i32) {
    %c0_i32 = arith.constant 0 : i32
    %c0_i32_0 = arith.constant 0 : i32
    %c0_i32_1 = arith.constant 0 : i32
    return %c0_i32, %c0_i32_0 : i32, i32
  }
  func.func @transform_4(%arg0: i32) -> (i32, i32) {
    %c0_i32 = arith.constant 0 : i32
    %c0_i32_0 = arith.constant 0 : i32
    %c0_i32_1 = arith.constant 0 : i32
    return %c0_i32, %c0_i32_0 : i32, i32
  }
  func.func @transform_5(%arg0: i32) -> (i32, i32) {
    %c0_i32 = arith.constant 0 : i32
    %c0_i32_0 = arith.constant 0 : i32
    %c0_i32_1 = arith.constant 0 : i32
    return %c0_i32, %c0_i32_0 : i32, i32
  }
  func.func @transform_6(%arg0: i32) -> (i32, i32) {
    %c0_i32 = arith.constant 0 : i32
    %c0_i32_0 = arith.constant 0 : i32
    %c0_i32_1 = arith.constant 0 : i32
    return %c0_i32, %c0_i32_0 : i32, i32
  }
  func.func @transform_7(%arg0: i32) -> (i32, i32) {
    %c0_i32 = arith.constant 0 : i32
    %c0_i32_0 = arith.constant 0 : i32
    %c0_i32_1 = arith.constant 0 : i32
    return %c0_i32, %c0_i32_0 : i32, i32
  }
  func.func @transform_8(%arg0: i32) -> (i32, i32) {
    %c0_i32 = arith.constant 0 : i32
    %c0_i32_0 = arith.constant 0 : i32
    %c0_i32_1 = arith.constant 0 : i32
    return %c0_i32, %c0_i32_0 : i32, i32
  }
  func.func @transform_9(%arg0: i32) -> (i32, i32) {
    %c0_i32 = arith.constant 0 : i32
    %c0_i32_0 = arith.constant 0 : i32
    %c0_i32_1 = arith.constant 0 : i32
    return %c0_i32, %c0_i32_0 : i32, i32
  }
  func.func @transform_10(%arg0: i32) -> (i32, i32) {
    %c0_i32 = arith.constant 0 : i32
    %c0_i32_0 = arith.constant 0 : i32
    return %arg0, %c0_i32 : i32, i32
  }
}

</mosaic_0001>

<sc_bundles>
// kernel: kernel.11.cloned.1.call-start
scs
__scs_entry_jumppad:
0x0: {  	(pc) =	sbr.rel $0x88, $3  }
0x1: {  	(tag) =	ssettag $0x0;
	lr =	simm.s32 $0x1  }
0x2: {  	[smem:$0x3F7C] =	sst lr;
	_ =	strace $0xD0000000  }
0x3: {  	_ = 	snop  }
0x4: {  	_ = 	snop  }
0x5: {  	_ = 	snop  }
0x6: {  	_ = 	snop  }
0x7: {  	_ = 	snop  }
__scs_overlays_trampoline_lowered:
0x8: {  	[smem:$0x3F8B] =	sst s0  }
0x9: {  	[smem:$0x3F8C] =	sst s1  }
0xa: {  	[smem:$0x3F8D] =	sst s2  }
0xb: {  	[smem:$0x3F8E] =	sst s3  }
0xc: {  	[smem:$0x3F8F] =	sst s4  }
0xd: {  	[smem:$0x3F90] =	sst s5  }
0xe: {  	[smem:$0x3F91] =	sst s6  }
0xf: {  	[smem:$0x3F92] =	sst s7  }
0x10: {  	[smem:$0x3F93] =	sst s8  }
0x11: {  	[smem:$0x3F94] =	sst s9;
	s0 =	simm.s32 @!p0 $0x0  }
0x12: {  	s1 =	sld [smem:$0x3F7A];
	s0 =	simm.s32 @p0 $0x1  }
0x13: {  	[smem:$0x3F95] =	sst s0;
	s0 =	simm.s32 @!p1 $0x0  }
0x14: {  	s2 =	sld [smem:$0x3F79];
	s0 =	simm.s32 @p1 $0x1  }
0x15: {  	[smem:$0x3F96] =	sst s0;
	s0 =	simm.s32 @!p2 $0x0  }
0x16: {  	s3 =	sld [smem:$0x3FDB];
	s0 =	simm.s32 @p2 $0x1  }
0x17: {  	s4 =	simm.s32 $0x1BF5;
	[smem:$0x3F98] =	sst s0  }
0x18: {  	s0 =	sld [smem:$0x3F7B];
	_ =	swait.ge [sflag:s4], $0x0  }
0x19: {  	s7 =	sld [smem:$0x3F7C]  }
0x1a: {  	s8 =	sadd.s32 $0xFFFFE003, lr  }
0x1b: {  	s9 =	sadd.s32 $0xFFFFFEF7, lr;
	s5 =	simm.s32 $0xFFFFFFFF;
	p2 =	slt.u32 s8, $0xFFFFF086  }
0x1c: {  	p1 =	slt.u32 s9, $0xF7A;
	s5 =	simm.s32 @!p2 $0x0  }
0x1d: {  	s5 =	simm.s32 @p1 $0x1;
	p0 =	seq.s32 s7, s2  }
0x1e: {  	s7 =	smul.u32 @!p0 $0xF7A, s2;
	p2 =	seq.s32 @!p0 s5, $0x0  }
0x1f: {  	s9 =	smul.u32 $0xF7A, s1;
	s8 =	simm.s32 @!p0 $0x1BF5;
	p2 =	por !p2, p0  }
0x20: {  	[sflag:s8] =	ssyncset.s32 @!p0 $0xFFFFF086;
	s6 =	sadd.s32 @!p0 s3, s7;
	s7 =	simm.s32 @!p0 $0x108  }
0x21: {  	s3 =	sadd.s32 s3, s9;
	s6 =	sadd.s32 @!p0 $0x88, s6;
	s7 =	simm.s32 @p2 $0x1082  }
0x22: {  	[simem:s7], [sflag:s8] =	dma.local @!p0 [hbm:s6], $0xF7A  }
0x23: {  	s9 =	sor.u32 $0xD0000000, s2;
	s6 =	simm.s32 $0x108;
	_ =	swait.ge @!p0 [sflag:s8], $0x0  }
0x24: {  	s3 =	sadd.s32 $0x88, s3;
	s6 =	simm.s32 @!p1 $0x1082;
	[sflag:s4] =	ssyncset.s32 $0xFFFFF086  }
0x25: {  	[simem:s6], [sflag:s4] =	dma.local [hbm:s3], $0xF7A  }
0x26: {  	[smem:$0x3F7C] =	sst s1;
	(tag) =	ssettag s2;
	_ =	strace s9  }
0x27: {  	s1 =	sld [smem:$0x3F8C]  }
0x28: {  	s2 =	sld [smem:$0x3F8D]  }
0x29: {  	s4 =	sld [smem:$0x3F8F]  }
0x2a: {  	p0 =	seq.s32 s5, $0x0;
	s5 =	sld [smem:$0x3F90]  }
0x2b: {  	s6 =	sld [smem:$0x3F91]  }
0x2c: {  	s7 =	sld [smem:$0x3F92]  }
0x2d: {  	s3 =	simm.s32 $0x108;
	s8 =	sld [smem:$0x3F93]  }
0x2e: {  	s3 =	simm.s32 @!p0 $0x1082;
	s9 =	sld [smem:$0x3F94]  }
0x2f: {  	lr =	sadd.s32 s0, s3;
	s0 =	sld [smem:$0x3F8B]  }
0x30: {  	s3 =	sld [smem:$0x3F8E]  }
0x31: {  	[smem:$0x3F97] =	sst s10  }
0x32: {  	s10 =	sld [smem:$0x3F95];
	_ =	sdelay $0x3  }
0x33: {  	p0 =	seq.s32 s10, $0x1;
	s10 =	sld [smem:$0x3F97];
	_ =	sdelay $0x3  }
0x34: {  	[smem:$0x3F97] =	sst s10  }
0x35: {  	s10 =	sld [smem:$0x3F96];
	_ =	sdelay $0x3  }
0x36: {  	p1 =	seq.s32 s10, $0x1;
	s10 =	sld [smem:$0x3F97];
	_ =	sdelay $0x3  }
0x37: {  	[smem:$0x3F97] =	sst s10  }
0x38: {  	s10 =	sld [smem:$0x3F98]  }
0x39: {  	_ = 	snop;
	(pc) =	sbr.ind lr, $3  }
0x3a: {  	_ = 	snop  }
0x3b: {  	_ = 	snop  }
0x3c: {  	p2 =	seq.s32 s10, $0x1;
	s10 =	sld [smem:$0x3F97]  }
0x3d: {  	_ =	shalt  }
0x3e: {  	_ =	shalt  }
0x3f: {  	_ =	shalt  }
0x40: {  	_ =	shalt  }
0x41: {  	_ =	shalt  }
0x42: {  	_ =	shalt  }
0x43: {  	_ =	shalt  }
0x44: {  	_ =	shalt  }
0x45: {  	_ =	shalt  }
0x46: {  	_ =	shalt  }
0x47: {  	_ =	shalt  }
0x48: {  	_ =	shalt  }
0x49: {  	_ =	shalt  }
0x4a: {  	_ =	shalt  }
0x4b: {  	_ =	shalt  }
0x4c: {  	_ =	shalt  }
0x4d: {  	_ =	shalt  }
0x4e: {  	_ =	shalt  }
0x4f: {  	_ =	shalt  }
0x50: {  	_ =	shalt  }
0x51: {  	_ =	shalt  }
0x52: {  	_ =	shalt  }
0x53: {  	_ =	shalt  }
0x54: {  	_ =	shalt  }
0x55: {  	_ =	shalt  }
0x56: {  	_ =	shalt  }
0x57: {  	_ =	shalt  }
0x58: {  	_ =	shalt  }
0x59: {  	_ =	shalt  }
0x5a: {  	_ =	shalt  }
0x5b: {  	_ =	shalt  }
0x5c: {  	_ =	shalt  }
0x5d: {  	_ =	shalt  }
0x5e: {  	_ =	shalt  }
0x5f: {  	_ =	shalt  }
0x60: {  	_ =	shalt  }
0x61: {  	_ =	shalt  }
0x62: {  	_ =	shalt  }
0x63: {  	_ =	shalt  }
0x64: {  	_ =	shalt  }
0x65: {  	_ =	shalt  }
0x66: {  	_ =	shalt  }
0x67: {  	_ =	shalt  }
0x68: {  	_ =	shalt  }
0x69: {  	_ =	shalt  }
0x6a: {  	_ =	shalt  }
0x6b: {  	_ =	shalt  }
0x6c: {  	_ =	shalt  }
0x6d: {  	_ =	shalt  }
0x6e: {  	_ =	shalt  }
0x6f: {  	_ =	shalt  }
0x70: {  	_ =	shalt  }
0x71: {  	_ =	shalt  }
0x72: {  	_ =	shalt  }
0x73: {  	_ =	shalt  }
0x74: {  	_ =	shalt  }
0x75: {  	_ =	shalt  }
0x76: {  	_ =	shalt  }
0x77: {  	_ =	shalt  }
0x78: {  	_ =	shalt  }
0x79: {  	_ =	shalt  }
0x7a: {  	_ =	shalt  }
0x7b: {  	_ =	shalt  }
0x7c: {  	_ =	shalt  }
0x7d: {  	_ =	shalt  }
0x7e: {  	_ =	shalt  }
0x7f: {  	_ =	shalt  }
0x80: {  	_ =	shalt  }
0x81: {  	_ =	shalt  }
0x82: {  	_ =	shalt  }
0x83: {  	_ =	shalt  }
0x84: {  	_ =	shalt  }
0x85: {  	_ =	shalt  }
0x86: {  	_ =	shalt  }
0x87: {  	_ =	shalt  }
.Lfunc_end0:
.L_simem_size_0:
called_computation_lowered:
.L_overlay_start_0:
0x88: {  	s2 =	sld [smem:$0x3FD9]  }
0x89: {  	s3 =	sld [smem:$0x3FFE];
	_ =	sdelay $0x1  }
0x8a: {  	s1 =	srdreg.scid  }
0x8b: {  	s0 =	sand.u32 $0x1, s1  }
0x8c: {  	s17 =	sshll.u32 s0, $0xA;
	s2 =	sadd.s32 s3, s2  }
0x8d: {  	s2 =	sadd.s32 s2, s17  }
0x8e: {  	[smem:$0x3FA3] =	sst s2  }
0x8f: {  	_ = 	snop  }
0x90: {  	s2 =	sld [smem:$0x3FA6]  }
0x91: {  	s18 =	sld [smem:$0x3FA5];
	(tm) =	ssettm $0x1  }
0x92: {  	s4 =	sld [smem:$0x3FFB];
	_ =	sdelay $0x3  }
0x93: {  	_ =	strace s4  }
0x94: {  	s4 =	sld [smem:$0x3FFC];
	_ =	sdelay $0x3  }
0x95: {  	_ =	strace s4  }
0x96: {  	s4 =	sld [smem:$0x3FFD];
	_ =	sdelay $0x3  }
0x97: {  	_ =	strace s4  }
0x98: {  	_ =	strace $0x8FFFFFFF  }
0x99: {  	s19 =	sld [smem:$0x3FDB];
	_ =	sdelay $0x1  }
0x9a: {  	s5 =	simm.s32 $_scs_section_size  }
0x9b: {  	s6 =	simm.s32 $_size__tile_overlayer_lowered;
	s7 =	simm.s32 $_tile_overlayer_lowered  }
0x9c: {  	s22 =	simm.s32 $0x1BFF;
	s21 =	sshll.u32 s7, $0x1;
	s4 =	sadd.s32 s5, s19  }
0x9d: {  	s8 =	simm.s32 $0x0;
	s20 =	sshll.u32 s6, $0x1;
	s6 =	sadd.s32 s21, s4  }
0x9e: {  	[timem:s8], [sflag:s22] =	dma.local [hbm:s6], s20  }
0x9f: {  	_ =	swait.ge [sflag:s22], s20  }
0xa0: {  	s5 =	ssub.s32 $0x0, s20;
	[sflag:s22] =	ssyncset.done $0x0  }
0xa1: {  	[sflag:s22] =	ssyncadd.s32 s5;
	_ =	sdelay $0x1  }
0xa2: {  	s23 =	simm.s32 $0x1B8B  }
0xa3: {  	_ =	swait.ge [sflag:s23], $0x1  }
0xa4: {  	[sflag:s23] =	ssyncset.done $0x0  }
0xa5: {  	s25 =	simm.s32 $0x1B8E;
	s24 =	sld [smem:$0x3FFE];
	[sflag:s23] =	ssyncadd.s32 $0xFFFFFFFF  }
0xa6: {  	s26 =	simm.s32 $execute0_lowered;
	[smem:$0x3FD2] =	sst s25  }
0xa7: {  	s6 =	sshll.u32 s26, $0x1;
	_ =	strace $0x80000046;
	[dreg:$0x1] =	wrdreg $0xFFFFFFFF  }
0xa8: {  	s28 =	simm.s32 $_size_execute0_lowered;
	s4 =	sadd.s32 s4, s6;
	[dreg:$0x0] =	wrdreg $0x0  }
0xa9: {  	s6 =	sshll.u32 s28, $0x1;
	[dreg:$0x2] =	wrdreg s4  }
0xaa: {  	[dreg:$0x3] =	wrdreg s6  }
0xab: {  	[dreg:$0x4] =	wrdreg $0xC0  }
0xac: {  	_ =	task [dreg:s8], $0x5FFFF  }
0xad: {  	[dreg:$0x1] =	wrdreg $0xFFFFFFFF  }
0xae: {  	[dreg:$0x0] =	wrdreg $0x60  }
0xaf: {  	[dreg:$0x2] =	wrdreg s2  }
0xb0: {  	[dreg:$0x3] =	wrdreg s18  }
0xb1: {  	[dreg:$0x4] =	wrdreg s24  }
0xb2: {  	[dreg:$0x5] =	wrdreg $0x9  }
0xb3: {  	_ =	task.clear_ibuf [dreg:s8], $0x6FFFF;
	_ =	strace $0x90000046  }
0xb4: {  	s29 =	simm.s32 $0x9;
	_ =	strace $0x80000048  }
0xb5: {  	_ =	swait.ge [sflag:s29], $0x1  }
0xb6: {  	[sflag:s29] =	ssyncadd.s32 $0xFFFFFFFF  }
0xb7: {  	_ =	strace $0x90000048  }
0xb8: {  	_ =	sfence  }
0xb9: {  	s30 =	sld [smem:$0x0];
	_ =	sdelay $0x2  }
0xba: {  	s31 =	sshll.u32 s1, $0xD;
	s1 =	sshrl.u32 s1, $0x2  }
0xbb: {  	s3 =	sand.u32 $0x4000, s31;
	s1 =	sadd.s32 s1, s30  }
0xbc: {  	s0 =	sor.u32 s3, s0;
	s1 =	sshll.u32 s1, $0x11  }
0xbd: {  	s0 =	sor.u32 s1, s0  }
0xbe: {  	s0 =	sadd.s32 $0x8F2B, s0  }
0xbf: {  	[sflag:s0] =	ssyncadd.remote.s32 $0x1  }
0xc0: {  	_ =	sfence.sel $0xFFFF  }
0xc1: {  	[dreg:$0x0] =	wrdreg $0xFFFFFFFF;
	(pc) =	sbr.abs _section_cstart, $3  }
0xc2: {  	[dreg:$0x1] =	wrdreg $0xFFFFFFFF  }
0xc3: {  	_ =	task.clear_ibuf [dreg:s8], $0x2FFFF;
	_ =	strace $0x9FFFFFFF  }
0xc4: {  	(tm) =	ssettm $0x7FFFFFFF  }
0xc5: {  	_ =	shalt  }
tec
execute0_lowered:
.L_overlay_start_1:
0x0: {  	(tag) =	ssettag $0x1  }
0x1: {  	s1 =	rddreg [dreg:$0x0]  }
0x2: {  	s2 =	srdreg.scid;
	s4 =	rddreg [dreg:$0x1]  }
0x3: {  	s0 =	stileid.u32;
	s5 =	rddreg [dreg:$0x2];
	s3 =	simm.s32 $0x0  }
0x4: {  	s26 =	simm.s32 $0x880;
	s9 =	simm.s32 $0x1080;
	s10 =	simm.s32 $0x1880  }
0x5: {  	s11 =	simm.s32 $0x2080;
	s12 =	simm.s32 $0x2880;
	s13 =	simm.s32 $0x3080  }
0x6: {  	s14 =	simm.s32 $0x3880;
	s15 =	simm.s32 $0x4080;
	s16 =	simm.s32 $0x4880  }
0x7: {  	s17 =	simm.s32 $0x5080;
	s18 =	simm.s32 $0x5880;
	s19 =	simm.s32 $0x6080  }
0x8: {  	s20 =	simm.s32 $0x6880;
	s21 =	simm.s32 $0x7080;
	s22 =	simm.s32 $0x7880  }
0x9: {  	s23 =	simm.s32 $0x8080;
	s24 =	simm.s32 $0x8880;
	s28 =	simm.s32 $0xA080  }
0xa: {  	s29 =	simm.s32 $0xA880;
	s30 =	simm.s32 $0xB080;
	s31 =	simm.s32 $0xB880  }
0xb: {  	s2 =	sand.u32 $0x1, s2;
	s6 =	sshll.u32 s0, $0x4;
	[smem:$0x7FF] =	sst s3  }
0xc: {  	s7 =	sshll.u32 s2, $0x3;
	s2 =	ssub.s32 $0x2, s2;
	_ =	strace $0x80000047  }
0xd: {  	[dreg:$0x6] =	wrdreg s26;
	s26 =	simm.s32 $0x9880;
	s6 =	sor.u32 s7, s6  }
0xe: {  	s8 =	sshrl.u32 s2, $0x1;
	s7 =	smul.u32 $0x300, s6;
	s4 =	sadd.s32 s4, s6  }
0xf: {  	s2 =	ssub.s32 s2, s8;
	s8 =	simm.s32 $0x80;
	[dreg:$0x4] =	wrdreg s4  }
0x10: {  	v2 =	vlaneseq.u32;
	s4 =	sadd.s32 $0x100, s1;
	s6 =	smax.u32 s2, $0x1;
	s5 =	sadd.s32 s7, s5  }
0x11: {  	vm0 =	vmmov $0xffff;
	v1 =	vshrl.u32 v2, $0x3;
	s2 =	simm.s32 $0x1;
	s7 =	simm.s32 $0x2;
	s25 =	sadd.s32 $0x6600, s5  }
0x12: {  	v0 =	vand.u32 $0x7, v2;
	v2 =	vor.u32 $0x8, v2;
	v1 =	vmul.u32 $0x8, v1;
	s5 =	sadd.s32 $0x200, s1;
	[dreg:$0x5] =	wrdreg s25;
	s25 =	simm.s32 $0x9080  }
.LBB2_1:
0x13: {  	s0 =	rddreg [dreg:$0x4]  }
0x14: {  	[tilespmem:s3], [sflag:$0x2] =	stream.linear.gather [hbm4b:s0+s3], $0x40, $0x38;
	[tilespmem:$0xC080] =	vst v63  }
0x15: {  	_ =	swait.ge [sflag:s7], $0x40  }
0x16: {  	[sflag:s7] =	ssyncset.done $0x0  }
0x17: {  	[sflag:s7] =	ssyncadd.s32 $0xFFFFFFC0  }
0x18: {  	v3 =	vld [tilespmem:$0x0];
	_ =	sdelay $0x4  }
0x19: {  	v4 =	vshrl.u32 v3, $0x3  }
0x1a: {  	v4 =	vmul.u32 $0x30, v4  }
0x1b: {  	v3 =	vand.u32 $0x7, v3  }
0x1c: {  	v3 =	vor.u32 v3, v4  }
0x1d: {  	v4 =	vperm.xlane v3, v0;
	_ =	sdelay $0x1  }
0x1e: {  	v4 =	vadd.s32 v1, v4;
	_ =	sdelay $0x3  }
0x1f: {  	v3 =	vperm.xlane v3, v2  }
0x20: {  	[tilespmem:s8], [sflag:$0x1] =	stream.indirect_vreg.gather [hbm4b:s1+s3], $0x80, v4, vm0, $0xb8;
	[tilespmem:$0xC080] =	vst v63  }
0x21: {  	s0 =	rddreg [dreg:$0x6];
	v3 =	vadd.s32 v1, v3  }
0x22: {  	[tilespmem:s0], [sflag:$0x1] =	stream.indirect_vreg.gather [hbm4b:s4+s3], $0x80, v4, vm0, $0xb8;
	[tilespmem:$0xC080] =	vst v63  }
0x23: {  	_ = 	snop  }
0x24: {  	[tilespmem:s9], [sflag:$0x1] =	stream.indirect_vreg.gather [hbm4b:s5+s3], $0x80, v4, vm0, $0xb8;
	[tilespmem:$0xC080] =	vst v63  }
0x25: {  	_ = 	snop  }
0x26: {  	[tilespmem:s10], [sflag:$0x1] =	stream.indirect_vreg.gather [hbm4b:s1+s3], $0x80, v3, vm0, $0xb8;
	[tilespmem:$0xC080] =	vst v63  }
0x27: {  	_ = 	snop  }
0x28: {  	[tilespmem:s11], [sflag:$0x1] =	stream.indirect_vreg.gather [hbm4b:s4+s3], $0x80, v3, vm0, $0xb8;
	[tilespmem:$0xC080] =	vst v63  }
0x29: {  	_ = 	snop  }
0x2a: {  	[tilespmem:s12], [sflag:$0x1] =	stream.indirect_vreg.gather [hbm4b:s5+s3], $0x80, v3, vm0, $0xb8;
	[tilespmem:$0xC080] =	vst v63  }
0x2b: {  	v3 =	vld [tilespmem:$0x10];
	_ =	sdelay $0x4  }
0x2c: {  	v61 =	vshrl.u32 v3, $0x3  }
0x2d: {  	v4 =	vmul.u32 $0x30, v61  }
0x2e: {  	v3 =	vand.u32 $0x7, v3  }
0x2f: {  	v3 =	vor.u32 v3, v4  }
0x30: {  	v4 =	vperm.xlane v3, v0;
	_ =	sdelay $0x1  }
0x31: {  	v4 =	vadd.s32 v1, v4;
	_ =	sdelay $0x3  }
0x32: {  	v3 =	vperm.xlane v3, v2  }
0x33: {  	[tilespmem:s13], [sflag:$0x1] =	stream.indirect_vreg.gather [hbm4b:s1+s3], $0x80, v4, vm0, $0xb8;
	[tilespmem:$0xC080] =	vst v63  }
0x34: {  	v3 =	vadd.s32 v1, v3  }
0x35: {  	[tilespmem:s14], [sflag:$0x1] =	stream.indirect_vreg.gather [hbm4b:s4+s3], $0x80, v4, vm0, $0xb8;
	[tilespmem:$0xC080] =	vst v63  }
0x36: {  	_ = 	snop  }
0x37: {  	[tilespmem:s15], [sflag:$0x1] =	stream.indirect_vreg.gather [hbm4b:s5+s3], $0x80, v4, vm0, $0xb8;
	[tilespmem:$0xC080] =	vst v63  }
0x38: {  	_ = 	snop  }
0x39: {  	[tilespmem:s16], [sflag:$0x1] =	stream.indirect_vreg.gather [hbm4b:s1+s3], $0x80, v3, vm0, $0xb8;
	[tilespmem:$0xC080] =	vst v63  }
0x3a: {  	_ = 	snop  }
0x3b: {  	[tilespmem:s17], [sflag:$0x1] =	stream.indirect_vreg.gather [hbm4b:s4+s3], $0x80, v3, vm0, $0xb8;
	[tilespmem:$0xC080] =	vst v63  }
0x3c: {  	_ = 	snop  }
0x3d: {  	[tilespmem:s18], [sflag:$0x1] =	stream.indirect_vreg.gather [hbm4b:s5+s3], $0x80, v3, vm0, $0xb8;
	[tilespmem:$0xC080] =	vst v63  }
0x3e: {  	v3 =	vld [tilespmem:$0x20];
	_ =	sdelay $0x4  }
0x3f: {  	v62 =	vshrl.u32 v3, $0x3  }
0x40: {  	v4 =	vmul.u32 $0x30, v62  }
0x41: {  	v3 =	vand.u32 $0x7, v3  }
0x42: {  	v3 =	vor.u32 v3, v4  }
0x43: {  	v4 =	vperm.xlane v3, v0;
	_ =	sdelay $0x1  }
0x44: {  	v4 =	vadd.s32 v1, v4;
	_ =	sdelay $0x3  }
0x45: {  	v3 =	vperm.xlane v3, v2  }
0x46: {  	[tilespmem:s19], [sflag:$0x1] =	stream.indirect_vreg.gather [hbm4b:s1+s3], $0x80, v4, vm0, $0xb8;
	[tilespmem:$0xC080] =	vst v63  }
0x47: {  	v3 =	vadd.s32 v1, v3  }
0x48: {  	[tilespmem:s20], [sflag:$0x1] =	stream.indirect_vreg.gather [hbm4b:s4+s3], $0x80, v4, vm0, $0xb8;
	[tilespmem:$0xC080] =	vst v63  }
0x49: {  	_ = 	snop  }
0x4a: {  	[tilespmem:s21], [sflag:$0x1] =	stream.indirect_vreg.gather [hbm4b:s5+s3], $0x80, v4, vm0, $0xb8;
	[tilespmem:$0xC080] =	vst v63  }
0x4b: {  	_ = 	snop  }
0x4c: {  	[tilespmem:s22], [sflag:$0x1] =	stream.indirect_vreg.gather [hbm4b:s1+s3], $0x80, v3, vm0, $0xb8;
	[tilespmem:$0xC080] =	vst v63  }
0x4d: {  	_ = 	snop  }
0x4e: {  	[tilespmem:s23], [sflag:$0x1] =	stream.indirect_vreg.gather [hbm4b:s4+s3], $0x80, v3, vm0, $0xb8;
	[tilespmem:$0xC080] =	vst v63  }
0x4f: {  	_ = 	snop  }
0x50: {  	[tilespmem:s24], [sflag:$0x1] =	stream.indirect_vreg.gather [hbm4b:s5+s3], $0x80, v3, vm0, $0xb8;
	[tilespmem:$0xC080] =	vst v63  }
0x51: {  	v3 =	vld [tilespmem:$0x30];
	_ =	sdelay $0x4  }
0x52: {  	v63 =	vshrl.u32 v3, $0x3  }
0x53: {  	v4 =	vmul.u32 $0x30, v63  }
0x54: {  	v3 =	vand.u32 $0x7, v3  }
0x55: {  	v3 =	vor.u32 v3, v4  }
0x56: {  	v4 =	vperm.xlane v3, v0;
	_ =	sdelay $0x1  }
0x57: {  	v4 =	vadd.s32 v1, v4;
	_ =	sdelay $0x3  }
0x58: {  	v3 =	vperm.xlane v3, v2  }
0x59: {  	[tilespmem:s25], [sflag:$0x1] =	stream.indirect_vreg.gather [hbm4b:s1+s3], $0x80, v4, vm0, $0xb8;
	[tilespmem:$0xC080] =	vst v63  }
0x5a: {  	v3 =	vadd.s32 v1, v3  }
0x5b: {  	[tilespmem:s26], [sflag:$0x1] =	stream.indirect_vreg.gather [hbm4b:s4+s3], $0x80, v4, vm0, $0xb8;
	[tilespmem:$0xC080] =	vst v63  }
0x5c: {  	_ = 	snop  }
0x5d: {  	[tilespmem:s28], [sflag:$0x1] =	stream.indirect_vreg.gather [hbm4b:s5+s3], $0x80, v4, vm0, $0xb8;
	[tilespmem:$0xC080] =	vst v63  }
0x5e: {  	_ = 	snop  }
0x5f: {  	[tilespmem:s29], [sflag:$0x1] =	stream.indirect_vreg.gather [hbm4b:s1+s3], $0x80, v3, vm0, $0xb8;
	[tilespmem:$0xC080] =	vst v63  }
0x60: {  	_ = 	snop  }
0x61: {  	[tilespmem:s30], [sflag:$0x1] =	stream.indirect_vreg.gather [hbm4b:s4+s3], $0x80, v3, vm0, $0xb8;
	[tilespmem:$0xC080] =	vst v63  }
0x62: {  	_ = 	snop  }
0x63: {  	[tilespmem:s31], [sflag:$0x1] =	stream.indirect_vreg.gather [hbm4b:s5+s3], $0x80, v3, vm0, $0xb8;
	[tilespmem:$0xC080] =	vst v63  }
0x64: {  	_ =	swait.ge [sflag:s2], $0xC000  }
0x65: {  	p0 =	sne.s32 s6, $0x1;
	[sflag:s2] =	ssyncset.done $0x0  }
.Ltmp0:
0x66: {  	s0 =	rddreg [dreg:$0x5];
	[sflag:s2] =	ssyncadd.s32 $0xFFFF4000;
	(pc) =	sbr.rel @p0 .LBB2_1-.Ltmp0, $4  }
0x67: {  	[hbm4b:s0+s3] =	stream.linear.scatter [tilespmem:s8], [sflag:$0x2], $0xC000, $0x38;
	[tilespmem:$0xC080] =	vst v63  }
0x68: {  	_ =	swait.ge [sflag:s7], $0xC000  }
0x69: {  	[sflag:s7] =	ssyncset.done $0x0  }
0x6a: {  	s6 =	sadd.s32 $0xFFFFFFFF, s6;
	[sflag:s7] =	ssyncadd.s32 $0xFFFF4000  }
0x6b: {  	_ =	sfence.sel $0x180000  }
0x6c: {  	[bflag:$0x0] =	sbarrier.arrive $0xFFFF  }
0x6d: {  	_ =	strace $0x90000047  }
0x6e: {  	s0 =	stileid.u32;
	[bflag:$0x2] =	sbarrier.arrive $0xFFFF  }
0x6f: {  	p0 =	sne.s32 s0, $0x0;
	s0 =	rddreg [dreg:$0x3]  }
0x70: {  	s0 =	sadd.s32 @!p0 $0x100000, s0  }
0x71: {  	[sflag:s0] =	ssyncadd.tile.s32 @!p0 $0x1;
	_ =	shalt  }
.Lfunc_end2:
_tile_overlayer_lowered:
.L_overlay_start_2:
0x72: {  	(tag) =	ssettag $0x2  }
0x73: {  	s0 =	rddreg [dreg:$0x0];
	s2 =	stileid.u32  }
0x74: {  	s1 =	rddreg [dreg:$0x1];
	p0 =	sne.s32 s2, $0x0  }
0x75: {  	s3 =	rddreg [dreg:$0x2];
	[bflag:$0x3] =	sbarrier.arrive $0xFFFF;
	s2 =	simm.s32 @!p0 $0x1C02  }
0x76: {  	[timem:s3], [sflag:s2] =	dma.local @!p0 [hbm:s0], s1  }
0x77: {  	s0 =	simm.s32 @!p0 $0x2  }
0x78: {  	_ =	swait.ge @!p0 [sflag:s0], s1  }
0x79: {  	s1 =	ssub.s32 @!p0 $0x0, s1;
	[sflag:s0] =	ssyncset.done @!p0 $0x0  }
0x7a: {  	[sflag:s0] =	ssyncadd.s32 @!p0 s1  }
0x7b: {  	[bflag:$0x3] =	sbarrier.arrive $0xFFFF  }
0x7c: {  	_ =	shalt  }

// kernel: kernel.14.cloned.1.call-start
scs
__scs_entry_jumppad:
0x0: {  	(pc) =	sbr.rel $0x88, $3  }
0x1: {  	(tag) =	ssettag $0x0;
	lr =	simm.s32 $0x1  }
0x2: {  	[smem:$0x3F7C] =	sst lr;
	_ =	strace $0xD0000000  }
0x3: {  	_ = 	snop  }
0x4: {  	_ = 	snop  }
0x5: {  	_ = 	snop  }
0x6: {  	_ = 	snop  }
0x7: {  	_ = 	snop  }
__scs_overlays_trampoline_lowered:
0x8: {  	[smem:$0x3F8B] =	sst s0  }
0x9: {  	[smem:$0x3F8C] =	sst s1  }
0xa: {  	[smem:$0x3F8D] =	sst s2  }
0xb: {  	[smem:$0x3F8E] =	sst s3  }
0xc: {  	[smem:$0x3F8F] =	sst s4  }
0xd: {  	[smem:$0x3F90] =	sst s5  }
0xe: {  	[smem:$0x3F91] =	sst s6  }
0xf: {  	[smem:$0x3F92] =	sst s7  }
0x10: {  	[smem:$0x3F93] =	sst s8  }
0x11: {  	[smem:$0x3F94] =	sst s9;
	s0 =	simm.s32 @!p0 $0x0  }
0x12: {  	s1 =	sld [smem:$0x3F7A];
	s0 =	simm.s32 @p0 $0x1  }
0x13: {  	[smem:$0x3F95] =	sst s0;
	s0 =	simm.s32 @!p1 $0x0  }
0x14: {  	s2 =	sld [smem:$0x3F79];
	s0 =	simm.s32 @p1 $0x1  }
0x15: {  	[smem:$0x3F96] =	sst s0;
	s0 =	simm.s32 @!p2 $0x0  }
0x16: {  	s3 =	sld [smem:$0x3FDB];
	s0 =	simm.s32 @p2 $0x1  }
0x17: {  	s4 =	simm.s32 $0x1BF5;
	[smem:$0x3F98] =	sst s0  }
0x18: {  	s0 =	sld [smem:$0x3F7B];
	_ =	swait.ge [sflag:s4], $0x0  }
0x19: {  	s7 =	sld [smem:$0x3F7C]  }
0x1a: {  	s8 =	sadd.s32 $0xFFFFE003, lr  }
0x1b: {  	s9 =	sadd.s32 $0xFFFFFEF7, lr;
	s5 =	simm.s32 $0xFFFFFFFF;
	p2 =	slt.u32 s8, $0xFFFFF086  }
0x1c: {  	p1 =	slt.u32 s9, $0xF7A;
	s5 =	simm.s32 @!p2 $0x0  }
0x1d: {  	s5 =	simm.s32 @p1 $0x1;
	p0 =	seq.s32 s7, s2  }
0x1e: {  	s7 =	smul.u32 @!p0 $0xF7A, s2;
	p2 =	seq.s32 @!p0 s5, $0x0  }
0x1f: {  	s9 =	smul.u32 $0xF7A, s1;
	s8 =	simm.s32 @!p0 $0x1BF5;
	p2 =	por !p2, p0  }
0x20: {  	[sflag:s8] =	ssyncset.s32 @!p0 $0xFFFFF086;
	s6 =	sadd.s32 @!p0 s3, s7;
	s7 =	simm.s32 @!p0 $0x108  }
0x21: {  	s3 =	sadd.s32 s3, s9;
	s6 =	sadd.s32 @!p0 $0x88, s6;
	s7 =	simm.s32 @p2 $0x1082  }
0x22: {  	[simem:s7], [sflag:s8] =	dma.local @!p0 [hbm:s6], $0xF7A  }
0x23: {  	s9 =	sor.u32 $0xD0000000, s2;
	s6 =	simm.s32 $0x108;
	_ =	swait.ge @!p0 [sflag:s8], $0x0  }
0x24: {  	s3 =	sadd.s32 $0x88, s3;
	s6 =	simm.s32 @!p1 $0x1082;
	[sflag:s4] =	ssyncset.s32 $0xFFFFF086  }
0x25: {  	[simem:s6], [sflag:s4] =	dma.local [hbm:s3], $0xF7A  }
0x26: {  	[smem:$0x3F7C] =	sst s1;
	(tag) =	ssettag s2;
	_ =	strace s9  }
0x27: {  	s1 =	sld [smem:$0x3F8C]  }
0x28: {  	s2 =	sld [smem:$0x3F8D]  }
0x29: {  	s4 =	sld [smem:$0x3F8F]  }
0x2a: {  	p0 =	seq.s32 s5, $0x0;
	s5 =	sld [smem:$0x3F90]  }
0x2b: {  	s6 =	sld [smem:$0x3F91]  }
0x2c: {  	s7 =	sld [smem:$0x3F92]  }
0x2d: {  	s3 =	simm.s32 $0x108;
	s8 =	sld [smem:$0x3F93]  }
0x2e: {  	s3 =	simm.s32 @!p0 $0x1082;
	s9 =	sld [smem:$0x3F94]  }
0x2f: {  	lr =	sadd.s32 s0, s3;
	s0 =	sld [smem:$0x3F8B]  }
0x30: {  	s3 =	sld [smem:$0x3F8E]  }
0x31: {  	[smem:$0x3F97] =	sst s10  }
0x32: {  	s10 =	sld [smem:$0x3F95];
	_ =	sdelay $0x3  }
0x33: {  	p0 =	seq.s32 s10, $0x1;
	s10 =	sld [smem:$0x3F97];
	_ =	sdelay $0x3  }
0x34: {  	[smem:$0x3F97] =	sst s10  }
0x35: {  	s10 =	sld [smem:$0x3F96];
	_ =	sdelay $0x3  }
0x36: {  	p1 =	seq.s32 s10, $0x1;
	s10 =	sld [smem:$0x3F97];
	_ =	sdelay $0x3  }
0x37: {  	[smem:$0x3F97] =	sst s10  }
0x38: {  	s10 =	sld [smem:$0x3F98]  }
0x39: {  	_ = 	snop;
	(pc) =	sbr.ind lr, $3  }
0x3a: {  	_ = 	snop  }
0x3b: {  	_ = 	snop  }
0x3c: {  	p2 =	seq.s32 s10, $0x1;
	s10 =	sld [smem:$0x3F97]  }
0x3d: {  	_ =	shalt  }
0x3e: {  	_ =	shalt  }
0x3f: {  	_ =	shalt  }
0x40: {  	_ =	shalt  }
0x41: {  	_ =	shalt  }
0x42: {  	_ =	shalt  }
0x43: {  	_ =	shalt  }
0x44: {  	_ =	shalt  }
0x45: {  	_ =	shalt  }
0x46: {  	_ =	shalt  }
0x47: {  	_ =	shalt  }
0x48: {  	_ =	shalt  }
0x49: {  	_ =	shalt  }
0x4a: {  	_ =	shalt  }
0x4b: {  	_ =	shalt  }
0x4c: {  	_ =	shalt  }
0x4d: {  	_ =	shalt  }
0x4e: {  	_ =	shalt  }
0x4f: {  	_ =	shalt  }
0x50: {  	_ =	shalt  }
0x51: {  	_ =	shalt  }
0x52: {  	_ =	shalt  }
0x53: {  	_ =	shalt  }
0x54: {  	_ =	shalt  }
0x55: {  	_ =	shalt  }
0x56: {  	_ =	shalt  }
0x57: {  	_ =	shalt  }
0x58: {  	_ =	shalt  }
0x59: {  	_ =	shalt  }
0x5a: {  	_ =	shalt  }
0x5b: {  	_ =	shalt  }
0x5c: {  	_ =	shalt  }
0x5d: {  	_ =	shalt  }
0x5e: {  	_ =	shalt  }
0x5f: {  	_ =	shalt  }
0x60: {  	_ =	shalt  }
0x61: {  	_ =	shalt  }
0x62: {  	_ =	shalt  }
0x63: {  	_ =	shalt  }
0x64: {  	_ =	shalt  }
0x65: {  	_ =	shalt  }
0x66: {  	_ =	shalt  }
0x67: {  	_ =	shalt  }
0x68: {  	_ =	shalt  }
0x69: {  	_ =	shalt  }
0x6a: {  	_ =	shalt  }
0x6b: {  	_ =	shalt  }
0x6c: {  	_ =	shalt  }
0x6d: {  	_ =	shalt  }
0x6e: {  	_ =	shalt  }
0x6f: {  	_ =	shalt  }
0x70: {  	_ =	shalt  }
0x71: {  	_ =	shalt  }
0x72: {  	_ =	shalt  }
0x73: {  	_ =	shalt  }
0x74: {  	_ =	shalt  }
0x75: {  	_ =	shalt  }
0x76: {  	_ =	shalt  }
0x77: {  	_ =	shalt  }
0x78: {  	_ =	shalt  }
0x79: {  	_ =	shalt  }
0x7a: {  	_ =	shalt  }
0x7b: {  	_ =	shalt  }
0x7c: {  	_ =	shalt  }
0x7d: {  	_ =	shalt  }
0x7e: {  	_ =	shalt  }
0x7f: {  	_ =	shalt  }
0x80: {  	_ =	shalt  }
0x81: {  	_ =	shalt  }
0x82: {  	_ =	shalt  }
0x83: {  	_ =	shalt  }
0x84: {  	_ =	shalt  }
0x85: {  	_ =	shalt  }
0x86: {  	_ =	shalt  }
0x87: {  	_ =	shalt  }
.Lfunc_end0:
.L_simem_size_0:
called_computation.1_lowered:
.L_overlay_start_0:
0x88: {  	s2 =	sld [smem:$0x3FD9]  }
0x89: {  	s3 =	sld [smem:$0x3FFE];
	_ =	sdelay $0x1  }
0x8a: {  	s1 =	srdreg.scid  }
0x8b: {  	s0 =	sand.u32 $0x1, s1  }
0x8c: {  	s16 =	sshll.u32 s0, $0xA;
	s2 =	sadd.s32 s3, s2  }
0x8d: {  	s2 =	sadd.s32 s2, s16  }
0x8e: {  	[smem:$0x3FA3] =	sst s2  }
0x8f: {  	_ = 	snop  }
0x90: {  	(tm) =	ssettm $0x1  }
0x91: {  	s17 =	sld [smem:$0x3FFB];
	_ =	sdelay $0x3  }
0x92: {  	_ =	strace s17  }
0x93: {  	s2 =	sld [smem:$0x3FFC];
	_ =	sdelay $0x3  }
0x94: {  	_ =	strace s2  }
0x95: {  	s2 =	sld [smem:$0x3FFD];
	_ =	sdelay $0x3  }
0x96: {  	_ =	strace s2  }
0x97: {  	_ =	strace $0x8FFFFFFF  }
0x98: {  	s18 =	sld [smem:$0x3FDB];
	_ =	sdelay $0x1  }
0x99: {  	s19 =	simm.s32 $_scs_section_size  }
0x9a: {  	s4 =	simm.s32 $_size__tile_overlayer_lowered;
	s5 =	simm.s32 $_tile_overlayer_lowered  }
0x9b: {  	s22 =	simm.s32 $0x1BFF;
	s21 =	sshll.u32 s5, $0x1;
	s2 =	sadd.s32 s19, s18  }
0x9c: {  	s6 =	simm.s32 $0x0;
	s20 =	sshll.u32 s4, $0x1;
	s4 =	sadd.s32 s21, s2  }
0x9d: {  	[timem:s6], [sflag:s22] =	dma.local [hbm:s4], s20  }
0x9e: {  	_ =	swait.ge [sflag:s22], s20  }
0x9f: {  	s3 =	ssub.s32 $0x0, s20;
	[sflag:s22] =	ssyncset.done $0x0  }
0xa0: {  	[sflag:s22] =	ssyncadd.s32 s3;
	_ =	sdelay $0x1  }
0xa1: {  	s23 =	simm.s32 $0x1B8B  }
0xa2: {  	_ =	swait.ge [sflag:s23], $0x1  }
0xa3: {  	[sflag:s23] =	ssyncset.done $0x0  }
0xa4: {  	s25 =	simm.s32 $0x1B8E;
	s24 =	sld [smem:$0x3FFE];
	[sflag:s23] =	ssyncadd.s32 $0xFFFFFFFF  }
0xa5: {  	s26 =	simm.s32 $execute0_lowered;
	[smem:$0x3FD2] =	sst s25  }
0xa6: {  	s4 =	sshll.u32 s26, $0x1;
	_ =	strace $0x80000049;
	[dreg:$0x1] =	wrdreg $0xFFFFFFFF  }
0xa7: {  	s28 =	simm.s32 $_size_execute0_lowered;
	s2 =	sadd.s32 s2, s4;
	[dreg:$0x0] =	wrdreg $0x0  }
0xa8: {  	s4 =	sshll.u32 s28, $0x1;
	[dreg:$0x2] =	wrdreg s2  }
0xa9: {  	[dreg:$0x3] =	wrdreg s4  }
0xaa: {  	[dreg:$0x4] =	wrdreg $0xC0  }
0xab: {  	_ =	task [dreg:s6], $0x5FFFF  }
0xac: {  	[dreg:$0x1] =	wrdreg $0xFFFFFFFF  }
0xad: {  	[dreg:$0x0] =	wrdreg $0x60  }
0xae: {  	[dreg:$0x2] =	wrdreg s24  }
0xaf: {  	[dreg:$0x3] =	wrdreg $0x9  }
0xb0: {  	_ =	task.clear_ibuf [dreg:s6], $0x4FFFF;
	_ =	strace $0x90000049  }
0xb1: {  	s29 =	simm.s32 $0x9;
	_ =	strace $0x8000004B  }
0xb2: {  	_ =	swait.ge [sflag:s29], $0x1  }
0xb3: {  	[sflag:s29] =	ssyncadd.s32 $0xFFFFFFFF  }
0xb4: {  	_ =	strace $0x9000004B  }
0xb5: {  	_ =	sfence  }
0xb6: {  	s30 =	sld [smem:$0x0];
	_ =	sdelay $0x2  }
0xb7: {  	s31 =	sshll.u32 s1, $0xD;
	s1 =	sshrl.u32 s1, $0x2  }
0xb8: {  	s3 =	sand.u32 $0x4000, s31;
	s1 =	sadd.s32 s1, s30  }
0xb9: {  	s0 =	sor.u32 s3, s0;
	s1 =	sshll.u32 s1, $0x11  }
0xba: {  	s0 =	sor.u32 s1, s0  }
0xbb: {  	s0 =	sadd.s32 $0x8F2B, s0  }
0xbc: {  	[sflag:s0] =	ssyncadd.remote.s32 $0x1  }
0xbd: {  	_ =	sfence.sel $0xFFFF  }
0xbe: {  	[dreg:$0x0] =	wrdreg $0xFFFFFFFF;
	(pc) =	sbr.abs _section_cstart, $3  }
0xbf: {  	[dreg:$0x1] =	wrdreg $0xFFFFFFFF  }
0xc0: {  	_ =	task.clear_ibuf [dreg:s6], $0x2FFFF;
	_ =	strace $0x9FFFFFFF  }
0xc1: {  	(tm) =	ssettm $0x7FFFFFFF  }
tec
execute0_lowered:
.L_overlay_start_1:
0x0: {  	(tag) =	ssettag $0x1  }
0x1: {  	s9 =	rddreg [dreg:$0x0]  }
0x2: {  	s2 =	srdreg.scid;
	s0 =	rddreg [dreg:$0x1]  }
0x3: {  	s1 =	stileid.u32;
	s13 =	simm.s32 $0x3;
	s14 =	simm.s32 $0x80  }
0x4: {  	s15 =	simm.s32 $0x880;
	s16 =	simm.s32 $0x1080;
	s17 =	simm.s32 $0x1880  }
0x5: {  	s18 =	simm.s32 $0x2080;
	s19 =	simm.s32 $0x2880;
	s20 =	simm.s32 $0x3080  }
0x6: {  	s21 =	simm.s32 $0x3880;
	s22 =	simm.s32 $0x4080;
	s23 =	simm.s32 $0x4880  }
0x7: {  	s24 =	simm.s32 $0x5080;
	s25 =	simm.s32 $0x5880;
	s26 =	simm.s32 $0x1  }
0x8: {  	s28 =	simm.s32 $0x2;
	s5 =	sand.u32 $0x1, s2;
	s2 =	simm.s32 $0x0  }
0x9: {  	s4 =	sshll.u32 s1, $0x1;
	s8 =	sadd.s32 $0x66700, s9;
	s3 =	sshll.u32 s5, $0x5  }
0xa: {  	[smem:$0x7FF] =	sst s2;
	s5 =	ssub.s32 $0x2, s5;
	s6 =	sor.u32 s4, s3  }
0xb: {  	_ =	strace $0x8000004A;
	s3 =	sadd.s32 $0x36600, s9;
	s4 =	sadd.s32 $0x66600, s9  }
0xc: {  	s31 =	sshrl.u32 s5, $0x1;
	s7 =	smul.u32 $0x300, s6;
	s6 =	sadd.s32 s6, s9  }
0xd: {  	v2 =	vlaneseq.u32;
	s12 =	ssub.s32 s5, s31;
	s5 =	sadd.s32 $0x6600, s6;
	s6 =	sadd.s32 $0x36700, s9  }
0xe: {  	vm0 =	vmmov $0xffff;
	v1 =	vshrl.u32 v2, $0x3;
	s12 =	smax.u32 s12, $0x1;
	s11 =	sadd.s32 s7, s9;
	s7 =	sadd.s32 $0x36800, s9  }
0xf: {  	v0 =	vand.u32 $0x7, v2;
	v2 =	vor.u32 $0x8, v2;
	v1 =	vmul.u32 $0x8, v1;
	s9 =	sadd.s32 $0x66800, s9;
	s10 =	sadd.s32 $0x6800, s11;
	s11 =	sadd.s32 $0x12800, s11  }
.LBB2_1:
0x10: {  	[tilespmem:s2], [sflag:$0x3] =	stream.linear.gather [hbm4b:s5+s2], $0x10, $0x38;
	[tilespmem:$0x6080] =	vst v63  }
0x11: {  	_ =	swait.ge [sflag:s13], $0x10  }
0x12: {  	[sflag:s13] =	ssyncset.done $0x0  }
0x13: {  	[sflag:s13] =	ssyncadd.s32 $0xFFFFFFF0  }
0x14: {  	v3 =	vld [tilespmem:$0x0];
	_ =	sdelay $0x4  }
0x15: {  	v4 =	vshrl.u32 v3, $0x3  }
0x16: {  	v4 =	vmul.u32 $0x30, v4  }
0x17: {  	v3 =	vand.u32 $0x7, v3  }
0x18: {  	v3 =	vor.u32 v3, v4  }
0x19: {  	v4 =	vperm.xlane v3, v0;
	_ =	sdelay $0x1  }
0x1a: {  	v4 =	vadd.s32 v1, v4;
	_ =	sdelay $0x3  }
0x1b: {  	v3 =	vperm.xlane v3, v2  }
0x1c: {  	[tilespmem:s14], [sflag:$0x1] =	stream.indirect_vreg.gather [hbm4b:s3+s2], $0x80, v4, vm0, $0xb8;
	[tilespmem:$0x6080] =	vst v63  }
0x1d: {  	v3 =	vadd.s32 v1, v3  }
0x1e: {  	[tilespmem:s15], [sflag:$0x1] =	stream.indirect_vreg.gather [hbm4b:s6+s2], $0x80, v4, vm0, $0xb8;
	[tilespmem:$0x6080] =	vst v63  }
0x1f: {  	_ = 	snop  }
0x20: {  	[tilespmem:s16], [sflag:$0x1] =	stream.indirect_vreg.gather [hbm4b:s7+s2], $0x80, v4, vm0, $0xb8;
	[tilespmem:$0x6080] =	vst v63  }
0x21: {  	_ = 	snop  }
0x22: {  	[tilespmem:s17], [sflag:$0x1] =	stream.indirect_vreg.gather [hbm4b:s3+s2], $0x80, v3, vm0, $0xb8;
	[tilespmem:$0x6080] =	vst v63  }
0x23: {  	_ = 	snop  }
0x24: {  	[tilespmem:s18], [sflag:$0x1] =	stream.indirect_vreg.gather [hbm4b:s6+s2], $0x80, v3, vm0, $0xb8;
	[tilespmem:$0x6080] =	vst v63  }
0x25: {  	_ = 	snop  }
0x26: {  	[tilespmem:s19], [sflag:$0x1] =	stream.indirect_vreg.gather [hbm4b:s7+s2], $0x80, v3, vm0, $0xb8;
	[tilespmem:$0x6080] =	vst v63  }
0x27: {  	v3 =	vld [tilespmem:$0x0];
	_ =	sdelay $0x4  }
0x28: {  	v63 =	vshrl.u32 v3, $0x3  }
0x29: {  	v4 =	vmul.u32 $0x30, v63  }
0x2a: {  	v3 =	vand.u32 $0x7, v3  }
0x2b: {  	v3 =	vor.u32 v3, v4  }
0x2c: {  	v4 =	vperm.xlane v3, v0;
	_ =	sdelay $0x1  }
0x2d: {  	v4 =	vadd.s32 v1, v4;
	_ =	sdelay $0x3  }
0x2e: {  	v3 =	vperm.xlane v3, v2  }
0x2f: {  	[tilespmem:s20], [sflag:$0x2] =	stream.indirect_vreg.gather [hbm4b:s4+s2], $0x80, v4, vm0, $0xb8;
	[tilespmem:$0x6080] =	vst v63  }
0x30: {  	v3 =	vadd.s32 v1, v3  }
0x31: {  	[tilespmem:s21], [sflag:$0x2] =	stream.indirect_vreg.gather [hbm4b:s8+s2], $0x80, v4, vm0, $0xb8;
	[tilespmem:$0x6080] =	vst v63  }
0x32: {  	_ = 	snop  }
0x33: {  	[tilespmem:s22], [sflag:$0x2] =	stream.indirect_vreg.gather [hbm4b:s9+s2], $0x80, v4, vm0, $0xb8;
	[tilespmem:$0x6080] =	vst v63  }
0x34: {  	_ = 	snop  }
0x35: {  	[tilespmem:s23], [sflag:$0x2] =	stream.indirect_vreg.gather [hbm4b:s4+s2], $0x80, v3, vm0, $0xb8;
	[tilespmem:$0x6080] =	vst v63  }
0x36: {  	_ = 	snop  }
0x37: {  	[tilespmem:s24], [sflag:$0x2] =	stream.indirect_vreg.gather [hbm4b:s8+s2], $0x80, v3, vm0, $0xb8;
	[tilespmem:$0x6080] =	vst v63  }
0x38: {  	_ = 	snop  }
0x39: {  	[tilespmem:s25], [sflag:$0x2] =	stream.indirect_vreg.gather [hbm4b:s9+s2], $0x80, v3, vm0, $0xb8;
	[tilespmem:$0x6080] =	vst v63  }
0x3a: {  	_ =	swait.ge [sflag:s26], $0x3000  }
0x3b: {  	[sflag:s26] =	ssyncset.done $0x0  }
0x3c: {  	[sflag:s26] =	ssyncadd.s32 $0xFFFFD000  }
0x3d: {  	_ =	swait.ge [sflag:s28], $0x3000  }
0x3e: {  	[sflag:s28] =	ssyncset.done $0x0  }
0x3f: {  	[sflag:s28] =	ssyncadd.s32 $0xFFFFD000  }
0x40: {  	[hbm4b:s10+s2] =	stream.linear.scatter [tilespmem:s14], [sflag:$0x3], $0x3000, $0x38;
	[tilespmem:$0x6080] =	vst v63  }
0x41: {  	_ =	swait.ge [sflag:s13], $0x3000  }
0x42: {  	p0 =	sne.s32 s12, $0x1;
	[sflag:s13] =	ssyncset.done $0x0  }
.Ltmp0:
0x43: {  	[sflag:s13] =	ssyncadd.s32 $0xFFFFD000;
	(pc) =	sbr.rel @p0 .LBB2_1-.Ltmp0, $4  }
0x44: {  	[hbm4b:s11+s2] =	stream.linear.scatter [tilespmem:s20], [sflag:$0x3], $0x3000, $0x38;
	[tilespmem:$0x6080] =	vst v63  }
0x45: {  	_ =	swait.ge [sflag:s13], $0x3000  }
0x46: {  	[sflag:s13] =	ssyncset.done $0x0  }
0x47: {  	s12 =	sadd.s32 $0xFFFFFFFF, s12;
	[sflag:s13] =	ssyncadd.s32 $0xFFFFD000  }
0x48: {  	_ =	sfence.sel $0x180000  }
0x49: {  	[bflag:$0x0] =	sbarrier.arrive $0xFFFF  }
0x4a: {  	p0 =	sne.s32 s1, $0x0;
	_ =	strace $0x9000004A  }
0x4b: {  	s0 =	sadd.s32 @!p0 $0x100000, s0;
	[bflag:$0x2] =	sbarrier.arrive $0xFFFF  }
0x4c: {  	[sflag:s0] =	ssyncadd.tile.s32 @!p0 $0x1;
	_ =	shalt  }
.Lfunc_end2:
_tile_overlayer_lowered:
.L_overlay_start_2:
0x4d: {  	(tag) =	ssettag $0x2  }
0x4e: {  	s0 =	rddreg [dreg:$0x0];
	s2 =	stileid.u32  }
0x4f: {  	s1 =	rddreg [dreg:$0x1];
	p0 =	sne.s32 s2, $0x0  }
0x50: {  	s3 =	rddreg [dreg:$0x2];
	[bflag:$0x3] =	sbarrier.arrive $0xFFFF;
	s2 =	simm.s32 @!p0 $0x1C03  }
0x51: {  	[timem:s3], [sflag:s2] =	dma.local @!p0 [hbm:s0], s1  }
0x52: {  	s0 =	simm.s32 @!p0 $0x3  }
0x53: {  	_ =	swait.ge @!p0 [sflag:s0], s1  }
0x54: {  	s1 =	ssub.s32 @!p0 $0x0, s1;
	[sflag:s0] =	ssyncset.done @!p0 $0x0  }
0x55: {  	[sflag:s0] =	ssyncadd.s32 @!p0 s1  }
0x56: {  	[bflag:$0x3] =	sbarrier.arrive $0xFFFF  }
0x57: {  	_ =	shalt  }

</sc_bundles>
